<compile_context>
chip_gen: v7x
topology: tpu7x:2x2x1
jax: 0.10.2.dev20260603
libtpu: 0.0.44.dev20260713+nightly
codegen_flags: <defaults>
</compile_context>

<pallas_src>
import dataclasses
import functools

import jax
import jax.numpy as jnp
from jax import lax
from jax.experimental import pallas as pl
from jax.experimental.pallas import tpu as pltpu
from jax.experimental.pallas import tpu_sc as plsc

N = 10000
E = 320000
DF = 128
DE = 16
H = 256
T = 128

HALF = 128
CW = 128
NS = 16
CHUNK = 80
FULL = E // CHUNK // NS
NPAD = 10112
STRIPE = NPAD // NS
PIECES = [(o, 80) for o in range(0, 560, 80)] + [(560, 72)]
NROWS = 80

_NBLK = 1000


def _pre_a_body(x_ref, wf_ref, wp_ref, o_ref):
    xb = x_ref[...]
    wf = wf_ref[...]
    wp = wp_ref[...]
    o_ref[0] = xb @ wf[:, :HALF]
    o_ref[1] = xb @ wf[:, HALF:]
    o_ref[2] = xb @ wp[:, :HALF]
    o_ref[3] = xb @ wp[:, HALF:]


def _pre_a(x, W1fx, W1px):
    return pl.pallas_call(
        _pre_a_body,
        grid=(N // _NBLK,),
        in_specs=[
            pl.BlockSpec((_NBLK, DF), lambda i: (i, 0)),
            pl.BlockSpec((DF, H), lambda i: (0, 0)),
            pl.BlockSpec((DF, H), lambda i: (0, 0)),
        ],
        out_specs=pl.BlockSpec((4, _NBLK, HALF), lambda i: (0, i, 0)),
        out_shape=jax.ShapeDtypeStruct((4, N, HALF), jnp.float32),
    )(x, W1fx, W1px)


_EBLK = 4000


def _pre_b_body(ea_ref, wf_ref, bf_ref, wp_ref, bp_ref, o_ref):
    ea = ea_ref[...]
    wf = wf_ref[...]
    wp = wp_ref[...]
    bf = bf_ref[...]
    bp = bp_ref[...]
    o_ref[0] = ea @ wf[:, :HALF] + bf[:HALF]
    o_ref[1] = ea @ wf[:, HALF:] + bf[HALF:]
    o_ref[2] = ea @ wp[:, :HALF] + bp[:HALF]
    o_ref[3] = ea @ wp[:, HALF:] + bp[HALF:]


def _pre_b(edge_attr, W1fe, b1f, W1pe, b1p):
    return pl.pallas_call(
        _pre_b_body,
        grid=(E // _EBLK,),
        in_specs=[
            pl.BlockSpec((_EBLK, DE), lambda i: (i, 0)),
            pl.BlockSpec((DE, H), lambda i: (0, 0)),
            pl.BlockSpec((H,), lambda i: (0,)),
            pl.BlockSpec((DE, H), lambda i: (0, 0)),
            pl.BlockSpec((H,), lambda i: (0,)),
        ],
        out_specs=pl.BlockSpec((4, _EBLK, HALF), lambda i: (0, i, 0)),
        out_shape=jax.ShapeDtypeStruct((4, E, HALF), jnp.float32),
    )(edge_attr, W1fe, b1f, W1pe, b1p)


def _sc_body(a_hbm, b_hbm, idx_hbm, g_hbm, cnt_hbm,
             sidx, didx, arow, brow, acc, cnt_acc,
             sem_si, sem_di, sem_a, sem_b, sem_o):
    c = lax.axis_index("c")
    s = lax.axis_index("s")
    zero16 = jnp.zeros((16,), jnp.float32)
    base_row = s * STRIPE

    def zero_brow0():
        @pl.loop(0, CHUNK)
        def _(r):
            for q in range(HALF // 16):
                brow[0][r, pl.ds(q * 16, 16)] = zero16

    def issue_didx(g, b3):
        pltpu.async_copy(idx_hbm.at[pl.ds(c * E + g * CHUNK, CHUNK)],
                         didx[b3], sem_di[b3])

    def wait_didx(b3):
        pltpu.make_async_copy(idx_hbm.at[pl.ds(0, CHUNK)],
                              didx[b3], sem_di[b3]).wait()

    def issue_idx(g, b, b3):
        pltpu.async_copy(idx_hbm.at[pl.ds((1 - c) * E + g * CHUNK, CHUNK)],
                         sidx[b], sem_si[b])
        issue_didx(g, b3)

    def wait_sidx(b):
        pltpu.make_async_copy(idx_hbm.at[pl.ds(0, CHUNK)],
                              sidx[b], sem_si[b]).wait()

    def issue_gather(j, g, b):
        off = j * N

        @pl.loop(0, CHUNK // 16)
        def _(q):
            sidx[b][pl.ds(q * 16, 16)] = sidx[b][pl.ds(q * 16, 16)] + off

        pltpu.async_copy(a_hbm.at[sidx[b]], arow[b], sem_a[b])
        pltpu.async_copy(b_hbm.at[pl.ds(j * E + g * CHUNK, CHUNK), :],
                         brow[b], sem_b[b])

    def wait_gather(b):
        pltpu.make_async_copy(a_hbm.at[pl.ds(0, CHUNK), :],
                              arow[b], sem_a[b]).wait()
        pltpu.make_async_copy(b_hbm.at[pl.ds(0, CHUNK), :],
                              brow[b], sem_b[b]).wait()

    def wait_scatter(b):
        pltpu.make_async_copy(arow[b], acc.at[didx[0]], sem_o[b]).wait()

    def compute(b):
        @pl.loop(0, CHUNK)
        def _(r):
            for q in range(HALF // 16):
                t = arow[b][r, pl.ds(q * 16, 16)] + brow[b][r, pl.ds(q * 16, 16)]
                arow[b][r, pl.ds(q * 16, 16)] = jnp.maximum(t, 0.01 * t)

    def histogram(b3):
        for q in range(CHUNK // 16):
            v = didx[b3][pl.ds(q * 16, 16)]
            cnts, last = plsc.scan_count(v)
            plsc.addupdate_scatter(
                brow[0],
                [jnp.right_shift(v, 7), jnp.bitwise_and(v, 127)],
                cnts.astype(jnp.float32), mask=last)

    zero_brow0()

    @pl.when(s == 0)
    def _():
        pltpu.sync_copy(brow[0].at[pl.ds(0, NROWS), :], cnt_acc)

    for q in range(NROWS // 16):
        sidx[1][pl.ds(q * 16, 16)] = lax.iota(jnp.int32, 16) + q * 16

    plsc.subcore_barrier()

    issue_didx(s, 0)

    @pl.loop(0, FULL, step=2)
    def _(i):
        for b in range(2):
            cur = i + b

            @pl.when(cur + 1 < FULL)
            def _():
                issue_didx((cur + 1) * NS + s, 1 - b)

            wait_didx(b)
            histogram(b)

    pltpu.sync_copy(brow[0], cnt_acc.at[sidx[1]], add=True)
    plsc.subcore_barrier()

    @pl.when(s == 0)
    def _():
        pltpu.sync_copy(cnt_acc, cnt_hbm.at[c])

    for jj in range(2):
        j = 2 * c + jj

        zero_brow0()
        for off, rows in PIECES:
            pltpu.sync_copy(brow[0].at[pl.ds(0, rows), :],
                            acc.at[pl.ds(base_row + off, rows), :])

        plsc.subcore_barrier()

        def chunk_id(i):
            return i * NS + s

        issue_idx(chunk_id(0), 0, 0)
        issue_idx(chunk_id(1), 1, 1)
        wait_sidx(0)
        issue_gather(j, chunk_id(0), 0)

        @pl.loop(0, FULL, step=2)
        def _(i):
            for b in range(2):
                cur = i + b
                b3a = jnp.mod(cur, 3)

                @pl.when(cur >= 1)
                def _():
                    wait_scatter(1 - b)

                @pl.when(cur + 1 < FULL)
                def _():
                    wait_sidx(1 - b)
                    issue_gather(j, chunk_id(cur + 1), 1 - b)

                @pl.when(cur + 2 < FULL)
                def _():
                    for k in range(3):
                        @pl.when(jnp.mod(cur + 2, 3) == k)
                        def _():
                            issue_idx(chunk_id(cur + 2), b, k)

                wait_gather(b)
                compute(b)
                for k in range(3):
                    @pl.when(b3a == k)
                    def _():
                        wait_didx(k)
                        pltpu.async_copy(arow[b], acc.at[didx[k]], sem_o[b],
                                         add=True)

        wait_scatter((FULL - 1) % 2)
        plsc.subcore_barrier()

        for off, rows in PIECES:
            pltpu.sync_copy(acc.at[pl.ds(base_row + off, rows), :],
                            g_hbm.at[j, pl.ds(base_row + off, rows), :])

        if jj == 0:
            plsc.subcore_barrier()


def _sc_gather_scatter(a, b, idx):
    mesh = plsc.VectorSubcoreMesh(core_axis_name="c", subcore_axis_name="s")
    cp = pltpu.CompilerParams()
    if "needs_layout_passes" in pltpu.CompilerParams.__dataclass_fields__:
        cp = dataclasses.replace(cp, needs_layout_passes=False)
    f = pl.kernel(
        _sc_body,
        compiler_params=cp,
        out_type=(jax.ShapeDtypeStruct((4, NPAD, CW), jnp.float32),
                  jax.ShapeDtypeStruct((2, NROWS, 128), jnp.float32)),
        mesh=mesh,
        scratch_types=[
            [pltpu.VMEM((CHUNK,), jnp.int32) for _ in range(2)],
            [pltpu.VMEM((CHUNK,), jnp.int32) for _ in range(3)],
            [pltpu.VMEM((CHUNK, HALF), jnp.float32) for _ in range(2)],
            [pltpu.VMEM((CHUNK, HALF), jnp.float32) for _ in range(2)],
            pltpu.VMEM_SHARED((NPAD, CW), jnp.float32),
            pltpu.VMEM_SHARED((NROWS, 128), jnp.float32),
            [pltpu.SemaphoreType.DMA for _ in range(2)],
            [pltpu.SemaphoreType.DMA for _ in range(3)],
            [pltpu.SemaphoreType.DMA for _ in range(2)],
            [pltpu.SemaphoreType.DMA for _ in range(2)],
            [pltpu.SemaphoreType.DMA for _ in range(2)],
        ],
    )
    return f(a, b, idx)


def _post_body(g0, g1, g2, g3, cnt1_ref, cnt2_ref,
               x_ref, w2f_ref, b2f_ref, w2p_ref, b2p_ref,
               wc1_ref, bc1_ref, wc2_ref, bc2_ref, o_ref):
    w2f = w2f_ref[...]
    w2p = w2p_ref[...]
    gf0 = g0[0]
    gf1 = g1[0]
    gp0 = g2[0]
    gp1 = g3[0]
    cnt1 = cnt1_ref[...]
    cnt2 = cnt2_ref[...]
    fa = gf0[:, :HALF] @ w2f[:HALF] + gf1[:, :HALF] @ w2f[HALF:] \
        + cnt1 * b2f_ref[...]
    ps = gp0[:, :HALF] @ w2p[:HALF] + gp1[:, :HALF] @ w2p[HALF:] \
        + cnt2 * b2p_ref[...]
    pa = ps / jnp.maximum(cnt2, 1.0)
    wc1 = wc1_ref[...]
    hc = pa @ wc1[:T] + fa @ wc1[T:] + bc1_ref[...]
    hc = jnp.maximum(hc, 0.01 * hc)
    o_ref[...] = hc @ wc2_ref[...] + bc2_ref[...] + x_ref[...]


def _post(g, cnt1, cnt2, x, W2f, b2f, W2p, b2p, Wc1, bc1, Wc2, bc2):
    gspec = lambda J: pl.BlockSpec((1, _NBLK, CW), lambda i, J=J: (J, i, 0))
    return pl.pallas_call(
        _post_body,
        grid=(N // _NBLK,),
        in_specs=[
            gspec(0), gspec(1), gspec(2), gspec(3),
            pl.BlockSpec((_NBLK, 1), lambda i: (i, 0)),
            pl.BlockSpec((_NBLK, 1), lambda i: (i, 0)),
            pl.BlockSpec((_NBLK, DF), lambda i: (i, 0)),
            pl.BlockSpec((H, T), lambda i: (0, 0)),
            pl.BlockSpec((T,), lambda i: (0,)),
            pl.BlockSpec((H, T), lambda i: (0, 0)),
            pl.BlockSpec((T,), lambda i: (0,)),
            pl.BlockSpec((2 * T, H), lambda i: (0, 0)),
            pl.BlockSpec((H,), lambda i: (0,)),
            pl.BlockSpec((H, T), lambda i: (0, 0)),
            pl.BlockSpec((T,), lambda i: (0,)),
        ],
        out_specs=pl.BlockSpec((_NBLK, T), lambda i: (i, 0)),
        out_shape=jax.ShapeDtypeStruct((N, T), jnp.float32),
    )(g, g, g, g, cnt1, cnt2, x, W2f, b2f, W2p, b2p, Wc1, bc1, Wc2, bc2)


def kernel(x, edge_index, edge_attr, u, batch,
           W1f, b1f, W2f, b2f,
           W1p, b1p, W2p, b2p,
           Wc1, bc1, Wc2, bc2):
    a = _pre_a(x, W1f[:DF], W1p[:DF])
    b = _pre_b(edge_attr, W1f[DF:], b1f, W1p[DF:], b1p)
    g, cnt = _sc_gather_scatter(
        a.reshape(4 * N, HALF), b.reshape(4 * E, HALF),
        edge_index.reshape(2 * E))
    cnt = cnt.reshape(2, NROWS * 128)
    cnt1 = cnt[0, :N, None]
    cnt2 = cnt[1, :N, None]
    return _post(g, cnt1, cnt2, x, W2f, b2f, W2p, b2p, Wc1, bc1, Wc2, bc2)

# --- scband reference (transcript-rebuilt; emitter-appended) ---
"""Pipeline reference for scband-time-aware-node-model-52725018526366 (READ-ONLY COPY).

The authoritative reference and input builder live on the scoring server;
editing this copy changes nothing except your own understanding.
"""

import jax, jax.numpy as jnp
import numpy as np

N = 10000
E = 320000
DF = 128
DE = 16
H = 256
T = 128


def _linear_params(key, fan_in, fan_out):
    k1, k2 = jax.random.split(key)
    bound = 1.0 / np.sqrt(fan_in)
    W = jax.random.uniform(k1, (fan_in, fan_out), minval=-bound, maxval=bound, dtype=jnp.float32)
    b = jax.random.uniform(k2, (fan_out,), minval=-bound, maxval=bound, dtype=jnp.float32)
    return W, b


def setup_inputs(seed: int = 0):
    key = jax.random.key(seed)
    ks = jax.random.split(key, 12)
    x = jax.random.normal(ks[0], (N, DF), dtype=jnp.float32)
    edge_index = jax.random.randint(ks[1], (2, E), 0, N)
    edge_attr = jax.random.normal(ks[2], (E, DE), dtype=jnp.float32)
    u = jax.random.normal(ks[3], (1, DE), dtype=jnp.float32)
    batch = jnp.zeros((N,), dtype=jnp.int32)
    W1f, b1f = _linear_params(ks[4], DF + DE, H)
    W2f, b2f = _linear_params(ks[5], H, T)
    W1p, b1p = _linear_params(ks[6], DF + DE, H)
    W2p, b2p = _linear_params(ks[7], H, T)
    Wc1, bc1 = _linear_params(ks[8], 2 * T, H)
    Wc2, bc2 = _linear_params(ks[9], H, T)
    return {
        'x': x, 'edge_index': edge_index, 'edge_attr': edge_attr, 'u': u, 'batch': batch,
        'W1f': W1f, 'b1f': b1f, 'W2f': W2f, 'b2f': b2f,
        'W1p': W1p, 'b1p': b1p, 'W2p': W2p, 'b2p': b2p,
        'Wc1': Wc1, 'bc1': bc1, 'Wc2': Wc2, 'bc2': bc2,
    }


def reference(x, edge_index, edge_attr, u, batch,
              W1f, b1f, W2f, b2f,
              W1p, b1p, W2p, b2p,
              Wc1, bc1, Wc2, bc2):
    n1 = edge_index[0]
    n2 = edge_index[1]
    # future branch: messages from dst-node features, aggregated (sum) onto n1
    future_in = jnp.concatenate([x[n2], edge_attr], axis=1)
    h = jax.nn.leaky_relu(future_in @ W1f + b1f, negative_slope=0.01)
    future_out = h @ W2f + b2f
    future_agg = jax.ops.segment_sum(future_out, n1, num_segments=N)
    # past branch: messages from src-node features, aggregated (mean) onto n2
    past_in = jnp.concatenate([x[n1], edge_attr], axis=1)
    h2 = jax.nn.leaky_relu(past_in @ W1p + b1p, negative_slope=0.01)
    past_out = h2 @ W2p + b2p
    past_sum = jax.ops.segment_sum(past_out, n2, num_segments=N)
    cnt = jax.ops.segment_sum(jnp.ones((E,), dtype=jnp.float32), n2, num_segments=N)
    cnt = jnp.maximum(cnt, 1.0)
    past_agg = past_sum / cnt[:, None]
    # combine
    flow = jnp.concatenate([past_agg, future_agg], axis=1)
    hc = jax.nn.leaky_relu(flow @ Wc1 + bc1, negative_slope=0.01)
    out = hc @ Wc2 + bc2
    # residual (n_targets == n_features, so it applies)
    out = out + x
    return out

if __name__ == "__main__":
    import jax
    _d = setup_inputs()
    print(jax.jit(kernel)(*tuple(_d.values())))

</pallas_src>

<mosaic_0001>
#map = affine_map<(d0, d1) -> (0, 0)>
#map1 = affine_map<(d0, d1) -> (0)>
#map2 = affine_map<(d0, d1) -> (0, 0, 0)>
module attributes {stable_mosaic.version = 14 : i64} {
  func.func @_sc_body(%arg0: i32, %arg1: i32, %arg2: memref<40000x128xf32, #tpu.memory_space<hbm>>, %arg3: memref<1280000x128xf32, #tpu.memory_space<hbm>>, %arg4: memref<640000xi32, #tpu.memory_space<hbm>>, %arg5: memref<4x10112x128xf32, #tpu.memory_space<hbm>>, %arg6: memref<2x80x128xf32, #tpu.memory_space<hbm>>, %arg7: memref<80xi32, #tpu.memory_space<vmem>>, %arg8: memref<80xi32, #tpu.memory_space<vmem>>, %arg9: memref<80xi32, #tpu.memory_space<vmem>>, %arg10: memref<80xi32, #tpu.memory_space<vmem>>, %arg11: memref<80xi32, #tpu.memory_space<vmem>>, %arg12: memref<80x128xf32, #tpu.memory_space<vmem>>, %arg13: memref<80x128xf32, #tpu.memory_space<vmem>>, %arg14: memref<80x128xf32, #tpu.memory_space<vmem>>, %arg15: memref<80x128xf32, #tpu.memory_space<vmem>>, %arg16: memref<10112x128xf32, #tpu.memory_space<vmem_shared>>, %arg17: memref<80x128xf32, #tpu.memory_space<vmem_shared>>, %arg18: memref<!tpu.dma_semaphore, #tpu.memory_space<semaphore_mem>>, %arg19: memref<!tpu.dma_semaphore, #tpu.memory_space<semaphore_mem>>, %arg20: memref<!tpu.dma_semaphore, #tpu.memory_space<semaphore_mem>>, %arg21: memref<!tpu.dma_semaphore, #tpu.memory_space<semaphore_mem>>, %arg22: memref<!tpu.dma_semaphore, #tpu.memory_space<semaphore_mem>>, %arg23: memref<!tpu.dma_semaphore, #tpu.memory_space<semaphore_mem>>, %arg24: memref<!tpu.dma_semaphore, #tpu.memory_space<semaphore_mem>>, %arg25: memref<!tpu.dma_semaphore, #tpu.memory_space<semaphore_mem>>, %arg26: memref<!tpu.dma_semaphore, #tpu.memory_space<semaphore_mem>>, %arg27: memref<!tpu.dma_semaphore, #tpu.memory_space<semaphore_mem>>, %arg28: memref<!tpu.dma_semaphore, #tpu.memory_space<semaphore_mem>>) attributes {dimension_semantics = [#tpu.dimension_semantics<core_parallel>, #tpu.dimension_semantics<subcore_parallel>], iteration_bounds = array<i64: 2, 16>, scalar_prefetch = 0 : i64, scratch_operands = 22 : i64, tpu.core_type = #tpu.core_type<sc_vector_subcore>, window_params = [{transform_indices = #map}, {transform_indices = #map}, {transform_indices = #map1}, {transform_indices = #map2}, {transform_indices = #map2}]} {
    %broadcast_in_dim3A = arith.constant 0.000000e+00 : f32
    %broadcast_in_dim3A_0 = vector.broadcast %broadcast_in_dim3A : f32 to vector<16xf32>
    %mul3A = arith.constant 632 : i32
    %mul3A_1 = arith.muli %arg1, %mul3A : i32
    %scan3A = arith.constant 0 : i32
    %scan3A_2 = arith.constant 80 : i32
    %scan3A_3 = arith.addi %scan3A, %scan3A_2 : i32
    %scan3A_4 = arith.constant 1 : i32
    scf.for %scan3A_307 = %scan3A to %scan3A_3 step %scan3A_4  : i32 {
      %mul3A_308 = arith.constant 1 : i32
      %mul3A_309 = arith.muli %scan3A_307, %mul3A_308 : i32
      %add3A_310 = arith.constant 0 : i32
      %add3A_311 = arith.addi %add3A_310, %mul3A_309 : i32
      %swap3A_312 = arith.index_cast %add3A_311 : i32 to index
      %swap3A_313 = arith.constant 0 : index
      %swap3A_314 = tpu.vector_load %arg14[%swap3A_312, %swap3A_313] {strides = array<i32>} : memref<80x128xf32, #tpu.memory_space<vmem>>, vector<16xf32>,
      tpu.vector_store %arg14[%swap3A_312, %swap3A_313], %broadcast_in_dim3A_0 {strides = array<i32>} : memref<80x128xf32, #tpu.memory_space<vmem>>, vector<16xf32>,
      %swap3A_315 = arith.index_cast %add3A_311 : i32 to index
      %swap3A_316 = arith.constant 16 : index
      %swap3A_317 = tpu.vector_load %arg14[%swap3A_315, %swap3A_316] {strides = array<i32>} : memref<80x128xf32, #tpu.memory_space<vmem>>, vector<16xf32>,
      tpu.vector_store %arg14[%swap3A_315, %swap3A_316], %broadcast_in_dim3A_0 {strides = array<i32>} : memref<80x128xf32, #tpu.memory_space<vmem>>, vector<16xf32>,
      %swap3A_318 = arith.index_cast %add3A_311 : i32 to index
      %swap3A_319 = arith.constant 32 : index
      %swap3A_320 = tpu.vector_load %arg14[%swap3A_318, %swap3A_319] {strides = array<i32>} : memref<80x128xf32, #tpu.memory_space<vmem>>, vector<16xf32>,
      tpu.vector_store %arg14[%swap3A_318, %swap3A_319], %broadcast_in_dim3A_0 {strides = array<i32>} : memref<80x128xf32, #tpu.memory_space<vmem>>, vector<16xf32>,
      %swap3A_321 = arith.index_cast %add3A_311 : i32 to index
      %swap3A_322 = arith.constant 48 : index
      %swap3A_323 = tpu.vector_load %arg14[%swap3A_321, %swap3A_322] {strides = array<i32>} : memref<80x128xf32, #tpu.memory_space<vmem>>, vector<16xf32>,
      tpu.vector_store %arg14[%swap3A_321, %swap3A_322], %broadcast_in_dim3A_0 {strides = array<i32>} : memref<80x128xf32, #tpu.memory_space<vmem>>, vector<16xf32>,
      %swap3A_324 = arith.index_cast %add3A_311 : i32 to index
      %swap3A_325 = arith.constant 64 : index
      %swap3A_326 = tpu.vector_load %arg14[%swap3A_324, %swap3A_325] {strides = array<i32>} : memref<80x128xf32, #tpu.memory_space<vmem>>, vector<16xf32>,
      tpu.vector_store %arg14[%swap3A_324, %swap3A_325], %broadcast_in_dim3A_0 {strides = array<i32>} : memref<80x128xf32, #tpu.memory_space<vmem>>, vector<16xf32>,
      %swap3A_327 = arith.index_cast %add3A_311 : i32 to index
      %swap3A_328 = arith.constant 80 : index
      %swap3A_329 = tpu.vector_load %arg14[%swap3A_327, %swap3A_328] {strides = array<i32>} : memref<80x128xf32, #tpu.memory_space<vmem>>, vector<16xf32>,
      tpu.vector_store %arg14[%swap3A_327, %swap3A_328], %broadcast_in_dim3A_0 {strides = array<i32>} : memref<80x128xf32, #tpu.memory_space<vmem>>, vector<16xf32>,
      %swap3A_330 = arith.index_cast %add3A_311 : i32 to index
      %swap3A_331 = arith.constant 96 : index
      %swap3A_332 = tpu.vector_load %arg14[%swap3A_330, %swap3A_331] {strides = array<i32>} : memref<80x128xf32, #tpu.memory_space<vmem>>, vector<16xf32>,
      tpu.vector_store %arg14[%swap3A_330, %swap3A_331], %broadcast_in_dim3A_0 {strides = array<i32>} : memref<80x128xf32, #tpu.memory_space<vmem>>, vector<16xf32>,
      %swap3A_333 = arith.index_cast %add3A_311 : i32 to index
      %swap3A_334 = arith.constant 112 : index
      %swap3A_335 = tpu.vector_load %arg14[%swap3A_333, %swap3A_334] {strides = array<i32>} : memref<80x128xf32, #tpu.memory_space<vmem>>, vector<16xf32>,
      tpu.vector_store %arg14[%swap3A_333, %swap3A_334], %broadcast_in_dim3A_0 {strides = array<i32>} : memref<80x128xf32, #tpu.memory_space<vmem>>, vector<16xf32>,
    }
    %scan3A_5 = arith.constant 80 : i32
    %eq3A = arith.constant 0 : i32
    %eq3A_6 = arith.cmpi eq, %arg1, %eq3A : i32
    %convert_element_type3A = arith.extui %eq3A_6 : i1 to i32
    %cond3A = arith.constant 0 : i32
    %cond3A_7 = arith.cmpi ne, %convert_element_type3A, %cond3A : i32
    scf.if %cond3A_7 {
      "tpu.region"() ({
        %run_scoped3A = tpu.sem_alloc : memref<!tpu.dma_semaphore, #tpu.memory_space<semaphore_mem>>
        %dma_start3A_307 = arith.constant 0 : i32
        %dma_start3A_308 = arith.constant 0 : i32
        %dma_start3A_309 = tpu.memref_slice %arg14[%dma_start3A_307, %dma_start3A_308] : memref<80x128xf32, #tpu.memory_space<vmem>> -> memref<80x128xf32, #tpu.memory_space<vmem>>
        %dma_start3A_310 = arith.constant 0 : i32
        %dma_start3A_311 = arith.constant 0 : i32
        %dma_start3A_312 = tpu.memref_slice %arg14[%dma_start3A_310, %dma_start3A_311] : memref<80x128xf32, #tpu.memory_space<vmem>> -> memref<80x128xf32, #tpu.memory_space<vmem>>
        tpu.enqueue_dma source(%dma_start3A_312 : memref<80x128xf32, #tpu.memory_space<vmem>>) target(%arg17 : memref<80x128xf32, #tpu.memory_space<vmem_shared>>) target_semaphore(%run_scoped3A : memref<!tpu.dma_semaphore, #tpu.memory_space<semaphore_mem>>)
        %dma_wait3A_313 = arith.constant 0 : i32
        %dma_wait3A_314 = arith.constant 0 : i32
        %dma_wait3A_315 = tpu.memref_slice %arg14[%dma_wait3A_313, %dma_wait3A_314] : memref<80x128xf32, #tpu.memory_space<vmem>> -> memref<80x128xf32, #tpu.memory_space<vmem>>
        %dma_wait3A_316 = arith.constant 0 : i32
        %dma_wait3A_317 = arith.constant 0 : i32
        %dma_wait3A_318 = tpu.memref_slice %arg14[%dma_wait3A_316, %dma_wait3A_317] : memref<80x128xf32, #tpu.memory_space<vmem>> -> memref<80x128xf32, #tpu.memory_space<vmem>>
        tpu.wait_dma2 semaphore(%run_scoped3A : memref<!tpu.dma_semaphore, #tpu.memory_space<semaphore_mem>>) src(%dma_wait3A_318 : memref<80x128xf32, #tpu.memory_space<vmem>>) dst(%arg17 : memref<80x128xf32, #tpu.memory_space<vmem_shared>>)
        tpu.yield
      }) : () -> ()
    } else {
    }
    %iota3A = tpu.iota {dimensions = array<i32: 0>} : vector<16xi32>
    %add3A = arith.constant 0 : i32
    %add3A_8 = vector.broadcast %add3A : i32 to vector<16xi32>
    %add3A_9 = arith.addi %iota3A, %add3A_8 : vector<16xi32>
    %swap3A = arith.constant 0 : index
    %swap3A_10 = tpu.vector_load %arg8[%swap3A] {strides = array<i32>} : memref<80xi32, #tpu.memory_space<vmem>>, vector<16xi32>,
    tpu.vector_store %arg8[%swap3A], %add3A_9 {strides = array<i32>} : memref<80xi32, #tpu.memory_space<vmem>>, vector<16xi32>,
    %iota3A_11 = tpu.iota {dimensions = array<i32: 0>} : vector<16xi32>
    %add3A_12 = arith.constant 16 : i32
    %add3A_13 = vector.broadcast %add3A_12 : i32 to vector<16xi32>
    %add3A_14 = arith.addi %iota3A_11, %add3A_13 : vector<16xi32>
    %swap3A_15 = arith.constant 16 : index
    %swap3A_16 = tpu.vector_load %arg8[%swap3A_15] {strides = array<i32>} : memref<80xi32, #tpu.memory_space<vmem>>, vector<16xi32>,
    tpu.vector_store %arg8[%swap3A_15], %add3A_14 {strides = array<i32>} : memref<80xi32, #tpu.memory_space<vmem>>, vector<16xi32>,
    %iota3A_17 = tpu.iota {dimensions = array<i32: 0>} : vector<16xi32>
    %add3A_18 = arith.constant 32 : i32
    %add3A_19 = vector.broadcast %add3A_18 : i32 to vector<16xi32>
    %add3A_20 = arith.addi %iota3A_17, %add3A_19 : vector<16xi32>
    %swap3A_21 = arith.constant 32 : index
    %swap3A_22 = tpu.vector_load %arg8[%swap3A_21] {strides = array<i32>} : memref<80xi32, #tpu.memory_space<vmem>>, vector<16xi32>,
    tpu.vector_store %arg8[%swap3A_21], %add3A_20 {strides = array<i32>} : memref<80xi32, #tpu.memory_space<vmem>>, vector<16xi32>,
    %iota3A_23 = tpu.iota {dimensions = array<i32: 0>} : vector<16xi32>
    %add3A_24 = arith.constant 48 : i32
    %add3A_25 = vector.broadcast %add3A_24 : i32 to vector<16xi32>
    %add3A_26 = arith.addi %iota3A_23, %add3A_25 : vector<16xi32>
    %swap3A_27 = arith.constant 48 : index
    %swap3A_28 = tpu.vector_load %arg8[%swap3A_27] {strides = array<i32>} : memref<80xi32, #tpu.memory_space<vmem>>, vector<16xi32>,
    tpu.vector_store %arg8[%swap3A_27], %add3A_26 {strides = array<i32>} : memref<80xi32, #tpu.memory_space<vmem>>, vector<16xi32>,
    %iota3A_29 = tpu.iota {dimensions = array<i32: 0>} : vector<16xi32>
    %add3A_30 = arith.constant 64 : i32
    %add3A_31 = vector.broadcast %add3A_30 : i32 to vector<16xi32>
    %add3A_32 = arith.addi %iota3A_29, %add3A_31 : vector<16xi32>
    %swap3A_33 = arith.constant 64 : index
    %swap3A_34 = tpu.vector_load %arg8[%swap3A_33] {strides = array<i32>} : memref<80xi32, #tpu.memory_space<vmem>>, vector<16xi32>,
    tpu.vector_store %arg8[%swap3A_33], %add3A_32 {strides = array<i32>} : memref<80xi32, #tpu.memory_space<vmem>>, vector<16xi32>,
    %barrier3A = arith.constant 0 : index
    tpu.barrier barrier_id(%barrier3A)
    %mul3A_35 = arith.constant 320000 : i32
    %mul3A_36 = arith.muli %arg0, %mul3A_35 : i32
    %mul3A_37 = arith.constant 80 : i32
    %mul3A_38 = arith.muli %arg1, %mul3A_37 : i32
    %add3A_39 = arith.addi %mul3A_36, %mul3A_38 : i32
    %dma_start3A = tpu.memref_slice %arg4[%add3A_39] : memref<640000xi32, #tpu.memory_space<hbm>> -> memref<80xi32, #tpu.memory_space<hbm>>
    %dma_start3A_40 = tpu.memref_slice %arg4[%add3A_39] : memref<640000xi32, #tpu.memory_space<hbm>> -> memref<80xi32, #tpu.memory_space<hbm>>
    tpu.enqueue_dma source(%dma_start3A_40 : memref<80xi32, #tpu.memory_space<hbm>>) target(%arg9 : memref<80xi32, #tpu.memory_space<vmem>>) target_semaphore(%arg20 : memref<!tpu.dma_semaphore, #tpu.memory_space<semaphore_mem>>)
    %scan3A_41 = arith.constant 0 : i32
    %scan3A_42 = arith.constant 125 : i32
    %scan3A_43 = arith.addi %scan3A_41, %scan3A_42 : i32
    %scan3A_44 = arith.constant 1 : i32
    scf.for %scan3A_307 = %scan3A_41 to %scan3A_43 step %scan3A_44  : i32 {
      %mul3A_308 = arith.constant 2 : i32
      %mul3A_309 = arith.muli %scan3A_307, %mul3A_308 : i32
      %add3A_310 = arith.constant 0 : i32
      %add3A_311 = arith.addi %add3A_310, %mul3A_309 : i32
      %add3A_312 = arith.constant 0 : i32
      %add3A_313 = arith.addi %add3A_311, %add3A_312 : i32
      %add3A_314 = arith.constant 1 : i32
      %add3A_315 = arith.addi %add3A_313, %add3A_314 : i32
      %lt3A = arith.constant 250 : i32
      %lt3A_316 = arith.cmpi slt, %add3A_315, %lt3A : i32
      %convert_element_type3A_317 = arith.extui %lt3A_316 : i1 to i32
      %cond3A_318 = arith.constant 0 : i32
      %cond3A_319 = arith.cmpi ne, %convert_element_type3A_317, %cond3A_318 : i32
      scf.if %cond3A_319 {
        %add3A_463 = arith.constant 1 : i32
        %add3A_464 = arith.addi %add3A_313, %add3A_463 : i32
        %mul3A_465 = arith.constant 16 : i32
        %mul3A_466 = arith.muli %add3A_464, %mul3A_465 : i32
        %add3A_467 = arith.addi %mul3A_466, %arg1 : i32
        %mul3A_468 = arith.constant 320000 : i32
        %mul3A_469 = arith.muli %arg0, %mul3A_468 : i32
        %mul3A_470 = arith.constant 80 : i32
        %mul3A_471 = arith.muli %add3A_467, %mul3A_470 : i32
        %add3A_472 = arith.addi %mul3A_469, %mul3A_471 : i32
        %dma_start3A_473 = tpu.memref_slice %arg4[%add3A_472] : memref<640000xi32, #tpu.memory_space<hbm>> -> memref<80xi32, #tpu.memory_space<hbm>>
        %dma_start3A_474 = tpu.memref_slice %arg4[%add3A_472] : memref<640000xi32, #tpu.memory_space<hbm>> -> memref<80xi32, #tpu.memory_space<hbm>>
        tpu.enqueue_dma source(%dma_start3A_474 : memref<80xi32, #tpu.memory_space<hbm>>) target(%arg10 : memref<80xi32, #tpu.memory_space<vmem>>) target_semaphore(%arg21 : memref<!tpu.dma_semaphore, #tpu.memory_space<semaphore_mem>>)
      } else {
      }
      %dma_wait3A_320 = arith.constant 0 : i32
      %dma_wait3A_321 = tpu.memref_slice %arg4[%dma_wait3A_320] : memref<640000xi32, #tpu.memory_space<hbm>> -> memref<80xi32, #tpu.memory_space<hbm>>
      %dma_wait3A_322 = arith.constant 0 : i32
      %dma_wait3A_323 = tpu.memref_slice %arg4[%dma_wait3A_322] : memref<640000xi32, #tpu.memory_space<hbm>> -> memref<80xi32, #tpu.memory_space<hbm>>
      tpu.wait_dma2 semaphore(%arg20 : memref<!tpu.dma_semaphore, #tpu.memory_space<semaphore_mem>>) src(%dma_wait3A_323 : memref<80xi32, #tpu.memory_space<hbm>>) dst(%arg9 : memref<80xi32, #tpu.memory_space<vmem>>)
      %get3A = arith.constant 0 : index
      %get3A_324 = tpu.vector_load %arg9[%get3A] {strides = array<i32>} : memref<80xi32, #tpu.memory_space<vmem>>, vector<16xi32>,
      %broadcast_in_dim3A_325 = arith.constant true
      %broadcast_in_dim3A_326 = vector.broadcast %broadcast_in_dim3A_325 : i1 to vector<16xi1>
      %unique3A, %unique3A_327 = tpu.scan_count mask(%broadcast_in_dim3A_326 : vector<16xi1>) value(%get3A_324 : vector<16xi32>) : vector<16xi1>, vector<16xi32>
      %shift_right_arithmetic3A = arith.constant 7 : i32
      %shift_right_arithmetic3A_328 = vector.broadcast %shift_right_arithmetic3A : i32 to vector<16xi32>
      %shift_right_arithmetic3A_329 = arith.shrsi %get3A_324, %shift_right_arithmetic3A_328 : vector<16xi32>
      %and3A = arith.constant 127 : i32
      %and3A_330 = vector.broadcast %and3A : i32 to vector<16xi32>
      %and3A_331 = arith.andi %get3A_324, %and3A_330 : vector<16xi32>
      %convert_element_type3A_332 = arith.sitofp %unique3A_327 : vector<16xi32> to vector<16xf32>
      tpu.vector_store_idx %arg14[%shift_right_arithmetic3A_329, %and3A_331], %convert_element_type3A_332 masked %unique3A {add = true} : memref<80x128xf32, #tpu.memory_space<vmem>>[vector<16xi32>, vector<16xi32>], vector<16xf32>, vector<16xi1>
      %get3A_333 = arith.constant 16 : index
      %get3A_334 = tpu.vector_load %arg9[%get3A_333] {strides = array<i32>} : memref<80xi32, #tpu.memory_space<vmem>>, vector<16xi32>,
      %broadcast_in_dim3A_335 = arith.constant true
      %broadcast_in_dim3A_336 = vector.broadcast %broadcast_in_dim3A_335 : i1 to vector<16xi1>
      %unique3A_337, %unique3A_338 = tpu.scan_count mask(%broadcast_in_dim3A_336 : vector<16xi1>) value(%get3A_334 : vector<16xi32>) : vector<16xi1>, vector<16xi32>
      %shift_right_arithmetic3A_339 = arith.constant 7 : i32
      %shift_right_arithmetic3A_340 = vector.broadcast %shift_right_arithmetic3A_339 : i32 to vector<16xi32>
      %shift_right_arithmetic3A_341 = arith.shrsi %get3A_334, %shift_right_arithmetic3A_340 : vector<16xi32>
      %and3A_342 = arith.constant 127 : i32
      %and3A_343 = vector.broadcast %and3A_342 : i32 to vector<16xi32>
      %and3A_344 = arith.andi %get3A_334, %and3A_343 : vector<16xi32>
      %convert_element_type3A_345 = arith.sitofp %unique3A_338 : vector<16xi32> to vector<16xf32>
      tpu.vector_store_idx %arg14[%shift_right_arithmetic3A_341, %and3A_344], %convert_element_type3A_345 masked %unique3A_337 {add = true} : memref<80x128xf32, #tpu.memory_space<vmem>>[vector<16xi32>, vector<16xi32>], vector<16xf32>, vector<16xi1>
      %get3A_346 = arith.constant 32 : index
      %get3A_347 = tpu.vector_load %arg9[%get3A_346] {strides = array<i32>} : memref<80xi32, #tpu.memory_space<vmem>>, vector<16xi32>,
      %broadcast_in_dim3A_348 = arith.constant true
      %broadcast_in_dim3A_349 = vector.broadcast %broadcast_in_dim3A_348 : i1 to vector<16xi1>
      %unique3A_350, %unique3A_351 = tpu.scan_count mask(%broadcast_in_dim3A_349 : vector<16xi1>) value(%get3A_347 : vector<16xi32>) : vector<16xi1>, vector<16xi32>
      %shift_right_arithmetic3A_352 = arith.constant 7 : i32
      %shift_right_arithmetic3A_353 = vector.broadcast %shift_right_arithmetic3A_352 : i32 to vector<16xi32>
      %shift_right_arithmetic3A_354 = arith.shrsi %get3A_347, %shift_right_arithmetic3A_353 : vector<16xi32>
      %and3A_355 = arith.constant 127 : i32
      %and3A_356 = vector.broadcast %and3A_355 : i32 to vector<16xi32>
      %and3A_357 = arith.andi %get3A_347, %and3A_356 : vector<16xi32>
      %convert_element_type3A_358 = arith.sitofp %unique3A_351 : vector<16xi32> to vector<16xf32>
      tpu.vector_store_idx %arg14[%shift_right_arithmetic3A_354, %and3A_357], %convert_element_type3A_358 masked %unique3A_350 {add = true} : memref<80x128xf32, #tpu.memory_space<vmem>>[vector<16xi32>, vector<16xi32>], vector<16xf32>, vector<16xi1>
      %get3A_359 = arith.constant 48 : index
      %get3A_360 = tpu.vector_load %arg9[%get3A_359] {strides = array<i32>} : memref<80xi32, #tpu.memory_space<vmem>>, vector<16xi32>,
      %broadcast_in_dim3A_361 = arith.constant true
      %broadcast_in_dim3A_362 = vector.broadcast %broadcast_in_dim3A_361 : i1 to vector<16xi1>
      %unique3A_363, %unique3A_364 = tpu.scan_count mask(%broadcast_in_dim3A_362 : vector<16xi1>) value(%get3A_360 : vector<16xi32>) : vector<16xi1>, vector<16xi32>
      %shift_right_arithmetic3A_365 = arith.constant 7 : i32
      %shift_right_arithmetic3A_366 = vector.broadcast %shift_right_arithmetic3A_365 : i32 to vector<16xi32>
      %shift_right_arithmetic3A_367 = arith.shrsi %get3A_360, %shift_right_arithmetic3A_366 : vector<16xi32>
      %and3A_368 = arith.constant 127 : i32
      %and3A_369 = vector.broadcast %and3A_368 : i32 to vector<16xi32>
      %and3A_370 = arith.andi %get3A_360, %and3A_369 : vector<16xi32>
      %convert_element_type3A_371 = arith.sitofp %unique3A_364 : vector<16xi32> to vector<16xf32>
      tpu.vector_store_idx %arg14[%shift_right_arithmetic3A_367, %and3A_370], %convert_element_type3A_371 masked %unique3A_363 {add = true} : memref<80x128xf32, #tpu.memory_space<vmem>>[vector<16xi32>, vector<16xi32>], vector<16xf32>, vector<16xi1>
      %get3A_372 = arith.constant 64 : index
      %get3A_373 = tpu.vector_load %arg9[%get3A_372] {strides = array<i32>} : memref<80xi32, #tpu.memory_space<vmem>>, vector<16xi32>,
      %broadcast_in_dim3A_374 = arith.constant true
      %broadcast_in_dim3A_375 = vector.broadcast %broadcast_in_dim3A_374 : i1 to vector<16xi1>
      %unique3A_376, %unique3A_377 = tpu.scan_count mask(%broadcast_in_dim3A_375 : vector<16xi1>) value(%get3A_373 : vector<16xi32>) : vector<16xi1>, vector<16xi32>
      %shift_right_arithmetic3A_378 = arith.constant 7 : i32
      %shift_right_arithmetic3A_379 = vector.broadcast %shift_right_arithmetic3A_378 : i32 to vector<16xi32>
      %shift_right_arithmetic3A_380 = arith.shrsi %get3A_373, %shift_right_arithmetic3A_379 : vector<16xi32>
      %and3A_381 = arith.constant 127 : i32
      %and3A_382 = vector.broadcast %and3A_381 : i32 to vector<16xi32>
      %and3A_383 = arith.andi %get3A_373, %and3A_382 : vector<16xi32>
      %convert_element_type3A_384 = arith.sitofp %unique3A_377 : vector<16xi32> to vector<16xf32>
      tpu.vector_store_idx %arg14[%shift_right_arithmetic3A_380, %and3A_383], %convert_element_type3A_384 masked %unique3A_376 {add = true} : memref<80x128xf32, #tpu.memory_space<vmem>>[vector<16xi32>, vector<16xi32>], vector<16xf32>, vector<16xi1>
      %add3A_385 = arith.constant 1 : i32
      %add3A_386 = arith.addi %add3A_311, %add3A_385 : i32
      %add3A_387 = arith.constant 1 : i32
      %add3A_388 = arith.addi %add3A_386, %add3A_387 : i32
      %lt3A_389 = arith.constant 250 : i32
      %lt3A_390 = arith.cmpi slt, %add3A_388, %lt3A_389 : i32
      %convert_element_type3A_391 = arith.extui %lt3A_390 : i1 to i32
      %cond3A_392 = arith.constant 0 : i32
      %cond3A_393 = arith.cmpi ne, %convert_element_type3A_391, %cond3A_392 : i32
      scf.if %cond3A_393 {
        %add3A_463 = arith.constant 1 : i32
        %add3A_464 = arith.addi %add3A_386, %add3A_463 : i32
        %mul3A_465 = arith.constant 16 : i32
        %mul3A_466 = arith.muli %add3A_464, %mul3A_465 : i32
        %add3A_467 = arith.addi %mul3A_466, %arg1 : i32
        %mul3A_468 = arith.constant 320000 : i32
        %mul3A_469 = arith.muli %arg0, %mul3A_468 : i32
        %mul3A_470 = arith.constant 80 : i32
        %mul3A_471 = arith.muli %add3A_467, %mul3A_470 : i32
        %add3A_472 = arith.addi %mul3A_469, %mul3A_471 : i32
        %dma_start3A_473 = tpu.memref_slice %arg4[%add3A_472] : memref<640000xi32, #tpu.memory_space<hbm>> -> memref<80xi32, #tpu.memory_space<hbm>>
        %dma_start3A_474 = tpu.memref_slice %arg4[%add3A_472] : memref<640000xi32, #tpu.memory_space<hbm>> -> memref<80xi32, #tpu.memory_space<hbm>>
        tpu.enqueue_dma source(%dma_start3A_474 : memref<80xi32, #tpu.memory_space<hbm>>) target(%arg9 : memref<80xi32, #tpu.memory_space<vmem>>) target_semaphore(%arg20 : memref<!tpu.dma_semaphore, #tpu.memory_space<semaphore_mem>>)
      } else {
      }
      %dma_wait3A_394 = arith.constant 0 : i32
      %dma_wait3A_395 = tpu.memref_slice %arg4[%dma_wait3A_394] : memref<640000xi32, #tpu.memory_space<hbm>> -> memref<80xi32, #tpu.memory_space<hbm>>
      %dma_wait3A_396 = arith.constant 0 : i32
      %dma_wait3A_397 = tpu.memref_slice %arg4[%dma_wait3A_396] : memref<640000xi32, #tpu.memory_space<hbm>> -> memref<80xi32, #tpu.memory_space<hbm>>
      tpu.wait_dma2 semaphore(%arg21 : memref<!tpu.dma_semaphore, #tpu.memory_space<semaphore_mem>>) src(%dma_wait3A_397 : memref<80xi32, #tpu.memory_space<hbm>>) dst(%arg10 : memref<80xi32, #tpu.memory_space<vmem>>)
      %get3A_398 = arith.constant 0 : index
      %get3A_399 = tpu.vector_load %arg10[%get3A_398] {strides = array<i32>} : memref<80xi32, #tpu.memory_space<vmem>>, vector<16xi32>,
      %broadcast_in_dim3A_400 = arith.constant true
      %broadcast_in_dim3A_401 = vector.broadcast %broadcast_in_dim3A_400 : i1 to vector<16xi1>
      %unique3A_402, %unique3A_403 = tpu.scan_count mask(%broadcast_in_dim3A_401 : vector<16xi1>) value(%get3A_399 : vector<16xi32>) : vector<16xi1>, vector<16xi32>
      %shift_right_arithmetic3A_404 = arith.constant 7 : i32
      %shift_right_arithmetic3A_405 = vector.broadcast %shift_right_arithmetic3A_404 : i32 to vector<16xi32>
      %shift_right_arithmetic3A_406 = arith.shrsi %get3A_399, %shift_right_arithmetic3A_405 : vector<16xi32>
      %and3A_407 = arith.constant 127 : i32
      %and3A_408 = vector.broadcast %and3A_407 : i32 to vector<16xi32>
      %and3A_409 = arith.andi %get3A_399, %and3A_408 : vector<16xi32>
      %convert_element_type3A_410 = arith.sitofp %unique3A_403 : vector<16xi32> to vector<16xf32>
      tpu.vector_store_idx %arg14[%shift_right_arithmetic3A_406, %and3A_409], %convert_element_type3A_410 masked %unique3A_402 {add = true} : memref<80x128xf32, #tpu.memory_space<vmem>>[vector<16xi32>, vector<16xi32>], vector<16xf32>, vector<16xi1>
      %get3A_411 = arith.constant 16 : index
      %get3A_412 = tpu.vector_load %arg10[%get3A_411] {strides = array<i32>} : memref<80xi32, #tpu.memory_space<vmem>>, vector<16xi32>,
      %broadcast_in_dim3A_413 = arith.constant true
      %broadcast_in_dim3A_414 = vector.broadcast %broadcast_in_dim3A_413 : i1 to vector<16xi1>
      %unique3A_415, %unique3A_416 = tpu.scan_count mask(%broadcast_in_dim3A_414 : vector<16xi1>) value(%get3A_412 : vector<16xi32>) : vector<16xi1>, vector<16xi32>
      %shift_right_arithmetic3A_417 = arith.constant 7 : i32
      %shift_right_arithmetic3A_418 = vector.broadcast %shift_right_arithmetic3A_417 : i32 to vector<16xi32>
      %shift_right_arithmetic3A_419 = arith.shrsi %get3A_412, %shift_right_arithmetic3A_418 : vector<16xi32>
      %and3A_420 = arith.constant 127 : i32
      %and3A_421 = vector.broadcast %and3A_420 : i32 to vector<16xi32>
      %and3A_422 = arith.andi %get3A_412, %and3A_421 : vector<16xi32>
      %convert_element_type3A_423 = arith.sitofp %unique3A_416 : vector<16xi32> to vector<16xf32>
      tpu.vector_store_idx %arg14[%shift_right_arithmetic3A_419, %and3A_422], %convert_element_type3A_423 masked %unique3A_415 {add = true} : memref<80x128xf32, #tpu.memory_space<vmem>>[vector<16xi32>, vector<16xi32>], vector<16xf32>, vector<16xi1>
      %get3A_424 = arith.constant 32 : index
      %get3A_425 = tpu.vector_load %arg10[%get3A_424] {strides = array<i32>} : memref<80xi32, #tpu.memory_space<vmem>>, vector<16xi32>,
      %broadcast_in_dim3A_426 = arith.constant true
      %broadcast_in_dim3A_427 = vector.broadcast %broadcast_in_dim3A_426 : i1 to vector<16xi1>
      %unique3A_428, %unique3A_429 = tpu.scan_count mask(%broadcast_in_dim3A_427 : vector<16xi1>) value(%get3A_425 : vector<16xi32>) : vector<16xi1>, vector<16xi32>
      %shift_right_arithmetic3A_430 = arith.constant 7 : i32
      %shift_right_arithmetic3A_431 = vector.broadcast %shift_right_arithmetic3A_430 : i32 to vector<16xi32>
      %shift_right_arithmetic3A_432 = arith.shrsi %get3A_425, %shift_right_arithmetic3A_431 : vector<16xi32>
      %and3A_433 = arith.constant 127 : i32
      %and3A_434 = vector.broadcast %and3A_433 : i32 to vector<16xi32>
      %and3A_435 = arith.andi %get3A_425, %and3A_434 : vector<16xi32>
      %convert_element_type3A_436 = arith.sitofp %unique3A_429 : vector<16xi32> to vector<16xf32>
      tpu.vector_store_idx %arg14[%shift_right_arithmetic3A_432, %and3A_435], %convert_element_type3A_436 masked %unique3A_428 {add = true} : memref<80x128xf32, #tpu.memory_space<vmem>>[vector<16xi32>, vector<16xi32>], vector<16xf32>, vector<16xi1>
      %get3A_437 = arith.constant 48 : index
      %get3A_438 = tpu.vector_load %arg10[%get3A_437] {strides = array<i32>} : memref<80xi32, #tpu.memory_space<vmem>>, vector<16xi32>,
      %broadcast_in_dim3A_439 = arith.constant true
      %broadcast_in_dim3A_440 = vector.broadcast %broadcast_in_dim3A_439 : i1 to vector<16xi1>
      %unique3A_441, %unique3A_442 = tpu.scan_count mask(%broadcast_in_dim3A_440 : vector<16xi1>) value(%get3A_438 : vector<16xi32>) : vector<16xi1>, vector<16xi32>
      %shift_right_arithmetic3A_443 = arith.constant 7 : i32
      %shift_right_arithmetic3A_444 = vector.broadcast %shift_right_arithmetic3A_443 : i32 to vector<16xi32>
      %shift_right_arithmetic3A_445 = arith.shrsi %get3A_438, %shift_right_arithmetic3A_444 : vector<16xi32>
      %and3A_446 = arith.constant 127 : i32
      %and3A_447 = vector.broadcast %and3A_446 : i32 to vector<16xi32>
      %and3A_448 = arith.andi %get3A_438, %and3A_447 : vector<16xi32>
      %convert_element_type3A_449 = arith.sitofp %unique3A_442 : vector<16xi32> to vector<16xf32>
      tpu.vector_store_idx %arg14[%shift_right_arithmetic3A_445, %and3A_448], %convert_element_type3A_449 masked %unique3A_441 {add = true} : memref<80x128xf32, #tpu.memory_space<vmem>>[vector<16xi32>, vector<16xi32>], vector<16xf32>, vector<16xi1>
      %get3A_450 = arith.constant 64 : index
      %get3A_451 = tpu.vector_load %arg10[%get3A_450] {strides = array<i32>} : memref<80xi32, #tpu.memory_space<vmem>>, vector<16xi32>,
      %broadcast_in_dim3A_452 = arith.constant true
      %broadcast_in_dim3A_453 = vector.broadcast %broadcast_in_dim3A_452 : i1 to vector<16xi1>
      %unique3A_454, %unique3A_455 = tpu.scan_count mask(%broadcast_in_dim3A_453 : vector<16xi1>) value(%get3A_451 : vector<16xi32>) : vector<16xi1>, vector<16xi32>
      %shift_right_arithmetic3A_456 = arith.constant 7 : i32
      %shift_right_arithmetic3A_457 = vector.broadcast %shift_right_arithmetic3A_456 : i32 to vector<16xi32>
      %shift_right_arithmetic3A_458 = arith.shrsi %get3A_451, %shift_right_arithmetic3A_457 : vector<16xi32>
      %and3A_459 = arith.constant 127 : i32
      %and3A_460 = vector.broadcast %and3A_459 : i32 to vector<16xi32>
      %and3A_461 = arith.andi %get3A_451, %and3A_460 : vector<16xi32>
      %convert_element_type3A_462 = arith.sitofp %unique3A_455 : vector<16xi32> to vector<16xf32>
      tpu.vector_store_idx %arg14[%shift_right_arithmetic3A_458, %and3A_461], %convert_element_type3A_462 masked %unique3A_454 {add = true} : memref<80x128xf32, #tpu.memory_space<vmem>>[vector<16xi32>, vector<16xi32>], vector<16xf32>, vector<16xi1>
    }
    %scan3A_45 = arith.constant 125 : i32
    "tpu.region"() ({
      %run_scoped3A = tpu.sem_alloc : memref<!tpu.dma_semaphore, #tpu.memory_space<semaphore_mem>>
      %dma_start3A_307 = arith.constant 0 : i32
      %dma_start3A_308 = arith.constant 0 : i32
      %dma_start3A_309 = tpu.memref_slice %arg17[%dma_start3A_307, %dma_start3A_308] : memref<80x128xf32, #tpu.memory_space<vmem_shared>> -> memref<80x128xf32, #tpu.memory_space<vmem_shared>>
      tpu.enqueue_indirect_dma source(%arg14 : memref<80x128xf32, #tpu.memory_space<vmem>>) target(%dma_start3A_309 : memref<80x128xf32, #tpu.memory_space<vmem_shared>>) offsets(%arg8 : memref<80xi32, #tpu.memory_space<vmem>>) semaphore(%run_scoped3A : memref<!tpu.dma_semaphore, #tpu.memory_space<semaphore_mem>>) {add = true}
      %dma_wait3A_310 = arith.constant 0 : i32
      %dma_wait3A_311 = arith.constant 0 : i32
      %dma_wait3A_312 = tpu.memref_slice %arg17[%dma_wait3A_310, %dma_wait3A_311] : memref<80x128xf32, #tpu.memory_space<vmem_shared>> -> memref<80x128xf32, #tpu.memory_space<vmem_shared>>
      tpu.wait_indirect_dma semaphore(%run_scoped3A : memref<!tpu.dma_semaphore, #tpu.memory_space<semaphore_mem>>) src(%arg14 : memref<80x128xf32, #tpu.memory_space<vmem>>) dst(%dma_wait3A_312 : memref<80x128xf32, #tpu.memory_space<vmem_shared>>)
      tpu.yield
    }) : () -> ()
    %barrier3A_46 = arith.constant 0 : index
    tpu.barrier barrier_id(%barrier3A_46)
    %eq3A_47 = arith.constant 0 : i32
    %eq3A_48 = arith.cmpi eq, %arg1, %eq3A_47 : i32
    %convert_element_type3A_49 = arith.extui %eq3A_48 : i1 to i32
    %cond3A_50 = arith.constant 0 : i32
    %cond3A_51 = arith.cmpi ne, %convert_element_type3A_49, %cond3A_50 : i32
    scf.if %cond3A_51 {
      "tpu.region"() ({
        %run_scoped3A = tpu.sem_alloc : memref<!tpu.dma_semaphore, #tpu.memory_space<semaphore_mem>>
        %dma_start3A_307 = arith.constant 0 : i32
        %dma_start3A_308 = arith.constant 0 : i32
        %dma_start3A_309 = tpu.memref_slice %arg6[%arg0, %dma_start3A_307, %dma_start3A_308] : memref<2x80x128xf32, #tpu.memory_space<hbm>> -> memref<1x80x128xf32, #tpu.memory_space<hbm>>
        %dma_start3A_310 = tpu.memref_squeeze %dma_start3A_309 : memref<1x80x128xf32, #tpu.memory_space<hbm>> -> memref<80x128xf32, #tpu.memory_space<hbm>>
        tpu.enqueue_dma source(%arg17 : memref<80x128xf32, #tpu.memory_space<vmem_shared>>) target(%dma_start3A_310 : memref<80x128xf32, #tpu.memory_space<hbm>>) target_semaphore(%run_scoped3A : memref<!tpu.dma_semaphore, #tpu.memory_space<semaphore_mem>>)
        %dma_wait3A_311 = arith.constant 0 : i32
        %dma_wait3A_312 = arith.constant 0 : i32
        %dma_wait3A_313 = tpu.memref_slice %arg6[%arg0, %dma_wait3A_311, %dma_wait3A_312] : memref<2x80x128xf32, #tpu.memory_space<hbm>> -> memref<1x80x128xf32, #tpu.memory_space<hbm>>
        %dma_wait3A_314 = tpu.memref_squeeze %dma_wait3A_313 : memref<1x80x128xf32, #tpu.memory_space<hbm>> -> memref<80x128xf32, #tpu.memory_space<hbm>>
        tpu.wait_dma2 semaphore(%run_scoped3A : memref<!tpu.dma_semaphore, #tpu.memory_space<semaphore_mem>>) src(%arg17 : memref<80x128xf32, #tpu.memory_space<vmem_shared>>) dst(%dma_wait3A_314 : memref<80x128xf32, #tpu.memory_space<hbm>>)
        tpu.yield
      }) : () -> ()
    } else {
    }
    %mul3A_52 = arith.constant 2 : i32
    %mul3A_53 = arith.muli %mul3A_52, %arg0 : i32
    %add3A_54 = arith.constant 0 : i32
    %add3A_55 = arith.addi %mul3A_53, %add3A_54 : i32
    %scan3A_56 = arith.constant 0 : i32
    %scan3A_57 = arith.constant 80 : i32
    %scan3A_58 = arith.addi %scan3A_56, %scan3A_57 : i32
    %scan3A_59 = arith.constant 1 : i32
    scf.for %scan3A_307 = %scan3A_56 to %scan3A_58 step %scan3A_59  : i32 {
      %mul3A_308 = arith.constant 1 : i32
      %mul3A_309 = arith.muli %scan3A_307, %mul3A_308 : i32
      %add3A_310 = arith.constant 0 : i32
      %add3A_311 = arith.addi %add3A_310, %mul3A_309 : i32
      %swap3A_312 = arith.index_cast %add3A_311 : i32 to index
      %swap3A_313 = arith.constant 0 : index
      %swap3A_314 = tpu.vector_load %arg14[%swap3A_312, %swap3A_313] {strides = array<i32>} : memref<80x128xf32, #tpu.memory_space<vmem>>, vector<16xf32>,
      tpu.vector_store %arg14[%swap3A_312, %swap3A_313], %broadcast_in_dim3A_0 {strides = array<i32>} : memref<80x128xf32, #tpu.memory_space<vmem>>, vector<16xf32>,
      %swap3A_315 = arith.index_cast %add3A_311 : i32 to index
      %swap3A_316 = arith.constant 16 : index
      %swap3A_317 = tpu.vector_load %arg14[%swap3A_315, %swap3A_316] {strides = array<i32>} : memref<80x128xf32, #tpu.memory_space<vmem>>, vector<16xf32>,
      tpu.vector_store %arg14[%swap3A_315, %swap3A_316], %broadcast_in_dim3A_0 {strides = array<i32>} : memref<80x128xf32, #tpu.memory_space<vmem>>, vector<16xf32>,
      %swap3A_318 = arith.index_cast %add3A_311 : i32 to index
      %swap3A_319 = arith.constant 32 : index
      %swap3A_320 = tpu.vector_load %arg14[%swap3A_318, %swap3A_319] {strides = array<i32>} : memref<80x128xf32, #tpu.memory_space<vmem>>, vector<16xf32>,
      tpu.vector_store %arg14[%swap3A_318, %swap3A_319], %broadcast_in_dim3A_0 {strides = array<i32>} : memref<80x128xf32, #tpu.memory_space<vmem>>, vector<16xf32>,
      %swap3A_321 = arith.index_cast %add3A_311 : i32 to index
      %swap3A_322 = arith.constant 48 : index
      %swap3A_323 = tpu.vector_load %arg14[%swap3A_321, %swap3A_322] {strides = array<i32>} : memref<80x128xf32, #tpu.memory_space<vmem>>, vector<16xf32>,
      tpu.vector_store %arg14[%swap3A_321, %swap3A_322], %broadcast_in_dim3A_0 {strides = array<i32>} : memref<80x128xf32, #tpu.memory_space<vmem>>, vector<16xf32>,
      %swap3A_324 = arith.index_cast %add3A_311 : i32 to index
      %swap3A_325 = arith.constant 64 : index
      %swap3A_326 = tpu.vector_load %arg14[%swap3A_324, %swap3A_325] {strides = array<i32>} : memref<80x128xf32, #tpu.memory_space<vmem>>, vector<16xf32>,
      tpu.vector_store %arg14[%swap3A_324, %swap3A_325], %broadcast_in_dim3A_0 {strides = array<i32>} : memref<80x128xf32, #tpu.memory_space<vmem>>, vector<16xf32>,
      %swap3A_327 = arith.index_cast %add3A_311 : i32 to index
      %swap3A_328 = arith.constant 80 : index
      %swap3A_329 = tpu.vector_load %arg14[%swap3A_327, %swap3A_328] {strides = array<i32>} : memref<80x128xf32, #tpu.memory_space<vmem>>, vector<16xf32>,
      tpu.vector_store %arg14[%swap3A_327, %swap3A_328], %broadcast_in_dim3A_0 {strides = array<i32>} : memref<80x128xf32, #tpu.memory_space<vmem>>, vector<16xf32>,
      %swap3A_330 = arith.index_cast %add3A_311 : i32 to index
      %swap3A_331 = arith.constant 96 : index
      %swap3A_332 = tpu.vector_load %arg14[%swap3A_330, %swap3A_331] {strides = array<i32>} : memref<80x128xf32, #tpu.memory_space<vmem>>, vector<16xf32>,
      tpu.vector_store %arg14[%swap3A_330, %swap3A_331], %broadcast_in_dim3A_0 {strides = array<i32>} : memref<80x128xf32, #tpu.memory_space<vmem>>, vector<16xf32>,
      %swap3A_333 = arith.index_cast %add3A_311 : i32 to index
      %swap3A_334 = arith.constant 112 : index
      %swap3A_335 = tpu.vector_load %arg14[%swap3A_333, %swap3A_334] {strides = array<i32>} : memref<80x128xf32, #tpu.memory_space<vmem>>, vector<16xf32>,
      tpu.vector_store %arg14[%swap3A_333, %swap3A_334], %broadcast_in_dim3A_0 {strides = array<i32>} : memref<80x128xf32, #tpu.memory_space<vmem>>, vector<16xf32>,
    }
    %scan3A_60 = arith.constant 80 : i32
    %add3A_61 = arith.constant 0 : i32
    %add3A_62 = arith.addi %mul3A_1, %add3A_61 : i32
    "tpu.region"() ({
      %run_scoped3A = tpu.sem_alloc : memref<!tpu.dma_semaphore, #tpu.memory_space<semaphore_mem>>
      %dma_start3A_307 = arith.constant 0 : i32
      %dma_start3A_308 = arith.constant 0 : i32
      %dma_start3A_309 = tpu.memref_slice %arg14[%dma_start3A_307, %dma_start3A_308] : memref<80x128xf32, #tpu.memory_space<vmem>> -> memref<80x128xf32, #tpu.memory_space<vmem>>
      %dma_start3A_310 = arith.constant 0 : i32
      %dma_start3A_311 = tpu.memref_slice %arg16[%add3A_62, %dma_start3A_310] : memref<10112x128xf32, #tpu.memory_space<vmem_shared>> -> memref<80x128xf32, #tpu.memory_space<vmem_shared>>
      %dma_start3A_312 = arith.constant 0 : i32
      %dma_start3A_313 = tpu.memref_slice %arg16[%add3A_62, %dma_start3A_312] : memref<10112x128xf32, #tpu.memory_space<vmem_shared>> -> memref<80x128xf32, #tpu.memory_space<vmem_shared>>
      %dma_start3A_314 = arith.constant 0 : i32
      %dma_start3A_315 = arith.constant 0 : i32
      %dma_start3A_316 = tpu.memref_slice %arg14[%dma_start3A_314, %dma_start3A_315] : memref<80x128xf32, #tpu.memory_space<vmem>> -> memref<80x128xf32, #tpu.memory_space<vmem>>
      tpu.enqueue_dma source(%dma_start3A_316 : memref<80x128xf32, #tpu.memory_space<vmem>>) target(%dma_start3A_313 : memref<80x128xf32, #tpu.memory_space<vmem_shared>>) target_semaphore(%run_scoped3A : memref<!tpu.dma_semaphore, #tpu.memory_space<semaphore_mem>>)
      %dma_wait3A_317 = arith.constant 0 : i32
      %dma_wait3A_318 = arith.constant 0 : i32
      %dma_wait3A_319 = tpu.memref_slice %arg14[%dma_wait3A_317, %dma_wait3A_318] : memref<80x128xf32, #tpu.memory_space<vmem>> -> memref<80x128xf32, #tpu.memory_space<vmem>>
      %dma_wait3A_320 = arith.constant 0 : i32
      %dma_wait3A_321 = tpu.memref_slice %arg16[%add3A_62, %dma_wait3A_320] : memref<10112x128xf32, #tpu.memory_space<vmem_shared>> -> memref<80x128xf32, #tpu.memory_space<vmem_shared>>
      %dma_wait3A_322 = arith.constant 0 : i32
      %dma_wait3A_323 = tpu.memref_slice %arg16[%add3A_62, %dma_wait3A_322] : memref<10112x128xf32, #tpu.memory_space<vmem_shared>> -> memref<80x128xf32, #tpu.memory_space<vmem_shared>>
      %dma_wait3A_324 = arith.constant 0 : i32
      %dma_wait3A_325 = arith.constant 0 : i32
      %dma_wait3A_326 = tpu.memref_slice %arg14[%dma_wait3A_324, %dma_wait3A_325] : memref<80x128xf32, #tpu.memory_space<vmem>> -> memref<80x128xf32, #tpu.memory_space<vmem>>
      tpu.wait_dma2 semaphore(%run_scoped3A : memref<!tpu.dma_semaphore, #tpu.memory_space<semaphore_mem>>) src(%dma_wait3A_326 : memref<80x128xf32, #tpu.memory_space<vmem>>) dst(%dma_wait3A_323 : memref<80x128xf32, #tpu.memory_space<vmem_shared>>)
      tpu.yield
    }) : () -> ()
    %add3A_63 = arith.constant 80 : i32
    %add3A_64 = arith.addi %mul3A_1, %add3A_63 : i32
    "tpu.region"() ({
      %run_scoped3A = tpu.sem_alloc : memref<!tpu.dma_semaphore, #tpu.memory_space<semaphore_mem>>
      %dma_start3A_307 = arith.constant 0 : i32
      %dma_start3A_308 = arith.constant 0 : i32
      %dma_start3A_309 = tpu.memref_slice %arg14[%dma_start3A_307, %dma_start3A_308] : memref<80x128xf32, #tpu.memory_space<vmem>> -> memref<80x128xf32, #tpu.memory_space<vmem>>
      %dma_start3A_310 = arith.constant 0 : i32
      %dma_start3A_311 = tpu.memref_slice %arg16[%add3A_64, %dma_start3A_310] : memref<10112x128xf32, #tpu.memory_space<vmem_shared>> -> memref<80x128xf32, #tpu.memory_space<vmem_shared>>
      %dma_start3A_312 = arith.constant 0 : i32
      %dma_start3A_313 = tpu.memref_slice %arg16[%add3A_64, %dma_start3A_312] : memref<10112x128xf32, #tpu.memory_space<vmem_shared>> -> memref<80x128xf32, #tpu.memory_space<vmem_shared>>
      %dma_start3A_314 = arith.constant 0 : i32
      %dma_start3A_315 = arith.constant 0 : i32
      %dma_start3A_316 = tpu.memref_slice %arg14[%dma_start3A_314, %dma_start3A_315] : memref<80x128xf32, #tpu.memory_space<vmem>> -> memref<80x128xf32, #tpu.memory_space<vmem>>
      tpu.enqueue_dma source(%dma_start3A_316 : memref<80x128xf32, #tpu.memory_space<vmem>>) target(%dma_start3A_313 : memref<80x128xf32, #tpu.memory_space<vmem_shared>>) target_semaphore(%run_scoped3A : memref<!tpu.dma_semaphore, #tpu.memory_space<semaphore_mem>>)
      %dma_wait3A_317 = arith.constant 0 : i32
      %dma_wait3A_318 = arith.constant 0 : i32
      %dma_wait3A_319 = tpu.memref_slice %arg14[%dma_wait3A_317, %dma_wait3A_318] : memref<80x128xf32, #tpu.memory_space<vmem>> -> memref<80x128xf32, #tpu.memory_space<vmem>>
      %dma_wait3A_320 = arith.constant 0 : i32
      %dma_wait3A_321 = tpu.memref_slice %arg16[%add3A_64, %dma_wait3A_320] : memref<10112x128xf32, #tpu.memory_space<vmem_shared>> -> memref<80x128xf32, #tpu.memory_space<vmem_shared>>
      %dma_wait3A_322 = arith.constant 0 : i32
      %dma_wait3A_323 = tpu.memref_slice %arg16[%add3A_64, %dma_wait3A_322] : memref<10112x128xf32, #tpu.memory_space<vmem_shared>> -> memref<80x128xf32, #tpu.memory_space<vmem_shared>>
      %dma_wait3A_324 = arith.constant 0 : i32
      %dma_wait3A_325 = arith.constant 0 : i32
      %dma_wait3A_326 = tpu.memref_slice %arg14[%dma_wait3A_324, %dma_wait3A_325] : memref<80x128xf32, #tpu.memory_space<vmem>> -> memref<80x128xf32, #tpu.memory_space<vmem>>
      tpu.wait_dma2 semaphore(%run_scoped3A : memref<!tpu.dma_semaphore, #tpu.memory_space<semaphore_mem>>) src(%dma_wait3A_326 : memref<80x128xf32, #tpu.memory_space<vmem>>) dst(%dma_wait3A_323 : memref<80x128xf32, #tpu.memory_space<vmem_shared>>)
      tpu.yield
    }) : () -> ()
    %add3A_65 = arith.constant 160 : i32
    %add3A_66 = arith.addi %mul3A_1, %add3A_65 : i32
    "tpu.region"() ({
      %run_scoped3A = tpu.sem_alloc : memref<!tpu.dma_semaphore, #tpu.memory_space<semaphore_mem>>
      %dma_start3A_307 = arith.constant 0 : i32
      %dma_start3A_308 = arith.constant 0 : i32
      %dma_start3A_309 = tpu.memref_slice %arg14[%dma_start3A_307, %dma_start3A_308] : memref<80x128xf32, #tpu.memory_space<vmem>> -> memref<80x128xf32, #tpu.memory_space<vmem>>
      %dma_start3A_310 = arith.constant 0 : i32
      %dma_start3A_311 = tpu.memref_slice %arg16[%add3A_66, %dma_start3A_310] : memref<10112x128xf32, #tpu.memory_space<vmem_shared>> -> memref<80x128xf32, #tpu.memory_space<vmem_shared>>
      %dma_start3A_312 = arith.constant 0 : i32
      %dma_start3A_313 = tpu.memref_slice %arg16[%add3A_66, %dma_start3A_312] : memref<10112x128xf32, #tpu.memory_space<vmem_shared>> -> memref<80x128xf32, #tpu.memory_space<vmem_shared>>
      %dma_start3A_314 = arith.constant 0 : i32
      %dma_start3A_315 = arith.constant 0 : i32
      %dma_start3A_316 = tpu.memref_slice %arg14[%dma_start3A_314, %dma_start3A_315] : memref<80x128xf32, #tpu.memory_space<vmem>> -> memref<80x128xf32, #tpu.memory_space<vmem>>
      tpu.enqueue_dma source(%dma_start3A_316 : memref<80x128xf32, #tpu.memory_space<vmem>>) target(%dma_start3A_313 : memref<80x128xf32, #tpu.memory_space<vmem_shared>>) target_semaphore(%run_scoped3A : memref<!tpu.dma_semaphore, #tpu.memory_space<semaphore_mem>>)
      %dma_wait3A_317 = arith.constant 0 : i32
      %dma_wait3A_318 = arith.constant 0 : i32
      %dma_wait3A_319 = tpu.memref_slice %arg14[%dma_wait3A_317, %dma_wait3A_318] : memref<80x128xf32, #tpu.memory_space<vmem>> -> memref<80x128xf32, #tpu.memory_space<vmem>>
      %dma_wait3A_320 = arith.constant 0 : i32
      %dma_wait3A_321 = tpu.memref_slice %arg16[%add3A_66, %dma_wait3A_320] : memref<10112x128xf32, #tpu.memory_space<vmem_shared>> -> memref<80x128xf32, #tpu.memory_space<vmem_shared>>
      %dma_wait3A_322 = arith.constant 0 : i32
      %dma_wait3A_323 = tpu.memref_slice %arg16[%add3A_66, %dma_wait3A_322] : memref<10112x128xf32, #tpu.memory_space<vmem_shared>> -> memref<80x128xf32, #tpu.memory_space<vmem_shared>>
      %dma_wait3A_324 = arith.constant 0 : i32
      %dma_wait3A_325 = arith.constant 0 : i32
      %dma_wait3A_326 = tpu.memref_slice %arg14[%dma_wait3A_324, %dma_wait3A_325] : memref<80x128xf32, #tpu.memory_space<vmem>> -> memref<80x128xf32, #tpu.memory_space<vmem>>
      tpu.wait_dma2 semaphore(%run_scoped3A : memref<!tpu.dma_semaphore, #tpu.memory_space<semaphore_mem>>) src(%dma_wait3A_326 : memref<80x128xf32, #tpu.memory_space<vmem>>) dst(%dma_wait3A_323 : memref<80x128xf32, #tpu.memory_space<vmem_shared>>)
      tpu.yield
    }) : () -> ()
    %add3A_67 = arith.constant 240 : i32
    %add3A_68 = arith.addi %mul3A_1, %add3A_67 : i32
    "tpu.region"() ({
      %run_scoped3A = tpu.sem_alloc : memref<!tpu.dma_semaphore, #tpu.memory_space<semaphore_mem>>
      %dma_start3A_307 = arith.constant 0 : i32
      %dma_start3A_308 = arith.constant 0 : i32
      %dma_start3A_309 = tpu.memref_slice %arg14[%dma_start3A_307, %dma_start3A_308] : memref<80x128xf32, #tpu.memory_space<vmem>> -> memref<80x128xf32, #tpu.memory_space<vmem>>
      %dma_start3A_310 = arith.constant 0 : i32
      %dma_start3A_311 = tpu.memref_slice %arg16[%add3A_68, %dma_start3A_310] : memref<10112x128xf32, #tpu.memory_space<vmem_shared>> -> memref<80x128xf32, #tpu.memory_space<vmem_shared>>
      %dma_start3A_312 = arith.constant 0 : i32
      %dma_start3A_313 = tpu.memref_slice %arg16[%add3A_68, %dma_start3A_312] : memref<10112x128xf32, #tpu.memory_space<vmem_shared>> -> memref<80x128xf32, #tpu.memory_space<vmem_shared>>
      %dma_start3A_314 = arith.constant 0 : i32
      %dma_start3A_315 = arith.constant 0 : i32
      %dma_start3A_316 = tpu.memref_slice %arg14[%dma_start3A_314, %dma_start3A_315] : memref<80x128xf32, #tpu.memory_space<vmem>> -> memref<80x128xf32, #tpu.memory_space<vmem>>
      tpu.enqueue_dma source(%dma_start3A_316 : memref<80x128xf32, #tpu.memory_space<vmem>>) target(%dma_start3A_313 : memref<80x128xf32, #tpu.memory_space<vmem_shared>>) target_semaphore(%run_scoped3A : memref<!tpu.dma_semaphore, #tpu.memory_space<semaphore_mem>>)
      %dma_wait3A_317 = arith.constant 0 : i32
      %dma_wait3A_318 = arith.constant 0 : i32
      %dma_wait3A_319 = tpu.memref_slice %arg14[%dma_wait3A_317, %dma_wait3A_318] : memref<80x128xf32, #tpu.memory_space<vmem>> -> memref<80x128xf32, #tpu.memory_space<vmem>>
      %dma_wait3A_320 = arith.constant 0 : i32
      %dma_wait3A_321 = tpu.memref_slice %arg16[%add3A_68, %dma_wait3A_320] : memref<10112x128xf32, #tpu.memory_space<vmem_shared>> -> memref<80x128xf32, #tpu.memory_space<vmem_shared>>
      %dma_wait3A_322 = arith.constant 0 : i32
      %dma_wait3A_323 = tpu.memref_slice %arg16[%add3A_68, %dma_wait3A_322] : memref<10112x128xf32, #tpu.memory_space<vmem_shared>> -> memref<80x128xf32, #tpu.memory_space<vmem_shared>>
      %dma_wait3A_324 = arith.constant 0 : i32
      %dma_wait3A_325 = arith.constant 0 : i32
      %dma_wait3A_326 = tpu.memref_slice %arg14[%dma_wait3A_324, %dma_wait3A_325] : memref<80x128xf32, #tpu.memory_space<vmem>> -> memref<80x128xf32, #tpu.memory_space<vmem>>
      tpu.wait_dma2 semaphore(%run_scoped3A : memref<!tpu.dma_semaphore, #tpu.memory_space<semaphore_mem>>) src(%dma_wait3A_326 : memref<80x128xf32, #tpu.memory_space<vmem>>) dst(%dma_wait3A_323 : memref<80x128xf32, #tpu.memory_space<vmem_shared>>)
      tpu.yield
    }) : () -> ()
    %add3A_69 = arith.constant 320 : i32
    %add3A_70 = arith.addi %mul3A_1, %add3A_69 : i32
    "tpu.region"() ({
      %run_scoped3A = tpu.sem_alloc : memref<!tpu.dma_semaphore, #tpu.memory_space<semaphore_mem>>
      %dma_start3A_307 = arith.constant 0 : i32
      %dma_start3A_308 = arith.constant 0 : i32
      %dma_start3A_309 = tpu.memref_slice %arg14[%dma_start3A_307, %dma_start3A_308] : memref<80x128xf32, #tpu.memory_space<vmem>> -> memref<80x128xf32, #tpu.memory_space<vmem>>
      %dma_start3A_310 = arith.constant 0 : i32
      %dma_start3A_311 = tpu.memref_slice %arg16[%add3A_70, %dma_start3A_310] : memref<10112x128xf32, #tpu.memory_space<vmem_shared>> -> memref<80x128xf32, #tpu.memory_space<vmem_shared>>
      %dma_start3A_312 = arith.constant 0 : i32
      %dma_start3A_313 = tpu.memref_slice %arg16[%add3A_70, %dma_start3A_312] : memref<10112x128xf32, #tpu.memory_space<vmem_shared>> -> memref<80x128xf32, #tpu.memory_space<vmem_shared>>
      %dma_start3A_314 = arith.constant 0 : i32
      %dma_start3A_315 = arith.constant 0 : i32
      %dma_start3A_316 = tpu.memref_slice %arg14[%dma_start3A_314, %dma_start3A_315] : memref<80x128xf32, #tpu.memory_space<vmem>> -> memref<80x128xf32, #tpu.memory_space<vmem>>
      tpu.enqueue_dma source(%dma_start3A_316 : memref<80x128xf32, #tpu.memory_space<vmem>>) target(%dma_start3A_313 : memref<80x128xf32, #tpu.memory_space<vmem_shared>>) target_semaphore(%run_scoped3A : memref<!tpu.dma_semaphore, #tpu.memory_space<semaphore_mem>>)
      %dma_wait3A_317 = arith.constant 0 : i32
      %dma_wait3A_318 = arith.constant 0 : i32
      %dma_wait3A_319 = tpu.memref_slice %arg14[%dma_wait3A_317, %dma_wait3A_318] : memref<80x128xf32, #tpu.memory_space<vmem>> -> memref<80x128xf32, #tpu.memory_space<vmem>>
      %dma_wait3A_320 = arith.constant 0 : i32
      %dma_wait3A_321 = tpu.memref_slice %arg16[%add3A_70, %dma_wait3A_320] : memref<10112x128xf32, #tpu.memory_space<vmem_shared>> -> memref<80x128xf32, #tpu.memory_space<vmem_shared>>
      %dma_wait3A_322 = arith.constant 0 : i32
      %dma_wait3A_323 = tpu.memref_slice %arg16[%add3A_70, %dma_wait3A_322] : memref<10112x128xf32, #tpu.memory_space<vmem_shared>> -> memref<80x128xf32, #tpu.memory_space<vmem_shared>>
      %dma_wait3A_324 = arith.constant 0 : i32
      %dma_wait3A_325 = arith.constant 0 : i32
      %dma_wait3A_326 = tpu.memref_slice %arg14[%dma_wait3A_324, %dma_wait3A_325] : memref<80x128xf32, #tpu.memory_space<vmem>> -> memref<80x128xf32, #tpu.memory_space<vmem>>
      tpu.wait_dma2 semaphore(%run_scoped3A : memref<!tpu.dma_semaphore, #tpu.memory_space<semaphore_mem>>) src(%dma_wait3A_326 : memref<80x128xf32, #tpu.memory_space<vmem>>) dst(%dma_wait3A_323 : memref<80x128xf32, #tpu.memory_space<vmem_shared>>)
      tpu.yield
    }) : () -> ()
    %add3A_71 = arith.constant 400 : i32
    %add3A_72 = arith.addi %mul3A_1, %add3A_71 : i32
    "tpu.region"() ({
      %run_scoped3A = tpu.sem_alloc : memref<!tpu.dma_semaphore, #tpu.memory_space<semaphore_mem>>
      %dma_start3A_307 = arith.constant 0 : i32
      %dma_start3A_308 = arith.constant 0 : i32
      %dma_start3A_309 = tpu.memref_slice %arg14[%dma_start3A_307, %dma_start3A_308] : memref<80x128xf32, #tpu.memory_space<vmem>> -> memref<80x128xf32, #tpu.memory_space<vmem>>
      %dma_start3A_310 = arith.constant 0 : i32
      %dma_start3A_311 = tpu.memref_slice %arg16[%add3A_72, %dma_start3A_310] : memref<10112x128xf32, #tpu.memory_space<vmem_shared>> -> memref<80x128xf32, #tpu.memory_space<vmem_shared>>
      %dma_start3A_312 = arith.constant 0 : i32
      %dma_start3A_313 = tpu.memref_slice %arg16[%add3A_72, %dma_start3A_312] : memref<10112x128xf32, #tpu.memory_space<vmem_shared>> -> memref<80x128xf32, #tpu.memory_space<vmem_shared>>
      %dma_start3A_314 = arith.constant 0 : i32
      %dma_start3A_315 = arith.constant 0 : i32
      %dma_start3A_316 = tpu.memref_slice %arg14[%dma_start3A_314, %dma_start3A_315] : memref<80x128xf32, #tpu.memory_space<vmem>> -> memref<80x128xf32, #tpu.memory_space<vmem>>
      tpu.enqueue_dma source(%dma_start3A_316 : memref<80x128xf32, #tpu.memory_space<vmem>>) target(%dma_start3A_313 : memref<80x128xf32, #tpu.memory_space<vmem_shared>>) target_semaphore(%run_scoped3A : memref<!tpu.dma_semaphore, #tpu.memory_space<semaphore_mem>>)
      %dma_wait3A_317 = arith.constant 0 : i32
      %dma_wait3A_318 = arith.constant 0 : i32
      %dma_wait3A_319 = tpu.memref_slice %arg14[%dma_wait3A_317, %dma_wait3A_318] : memref<80x128xf32, #tpu.memory_space<vmem>> -> memref<80x128xf32, #tpu.memory_space<vmem>>
      %dma_wait3A_320 = arith.constant 0 : i32
      %dma_wait3A_321 = tpu.memref_slice %arg16[%add3A_72, %dma_wait3A_320] : memref<10112x128xf32, #tpu.memory_space<vmem_shared>> -> memref<80x128xf32, #tpu.memory_space<vmem_shared>>
      %dma_wait3A_322 = arith.constant 0 : i32
      %dma_wait3A_323 = tpu.memref_slice %arg16[%add3A_72, %dma_wait3A_322] : memref<10112x128xf32, #tpu.memory_space<vmem_shared>> -> memref<80x128xf32, #tpu.memory_space<vmem_shared>>
      %dma_wait3A_324 = arith.constant 0 : i32
      %dma_wait3A_325 = arith.constant 0 : i32
      %dma_wait3A_326 = tpu.memref_slice %arg14[%dma_wait3A_324, %dma_wait3A_325] : memref<80x128xf32, #tpu.memory_space<vmem>> -> memref<80x128xf32, #tpu.memory_space<vmem>>
      tpu.wait_dma2 semaphore(%run_scoped3A : memref<!tpu.dma_semaphore, #tpu.memory_space<semaphore_mem>>) src(%dma_wait3A_326 : memref<80x128xf32, #tpu.memory_space<vmem>>) dst(%dma_wait3A_323 : memref<80x128xf32, #tpu.memory_space<vmem_shared>>)
      tpu.yield
    }) : () -> ()
    %add3A_73 = arith.constant 480 : i32
    %add3A_74 = arith.addi %mul3A_1, %add3A_73 : i32
    "tpu.region"() ({
      %run_scoped3A = tpu.sem_alloc : memref<!tpu.dma_semaphore, #tpu.memory_space<semaphore_mem>>
      %dma_start3A_307 = arith.constant 0 : i32
      %dma_start3A_308 = arith.constant 0 : i32
      %dma_start3A_309 = tpu.memref_slice %arg14[%dma_start3A_307, %dma_start3A_308] : memref<80x128xf32, #tpu.memory_space<vmem>> -> memref<80x128xf32, #tpu.memory_space<vmem>>
      %dma_start3A_310 = arith.constant 0 : i32
      %dma_start3A_311 = tpu.memref_slice %arg16[%add3A_74, %dma_start3A_310] : memref<10112x128xf32, #tpu.memory_space<vmem_shared>> -> memref<80x128xf32, #tpu.memory_space<vmem_shared>>
      %dma_start3A_312 = arith.constant 0 : i32
      %dma_start3A_313 = tpu.memref_slice %arg16[%add3A_74, %dma_start3A_312] : memref<10112x128xf32, #tpu.memory_space<vmem_shared>> -> memref<80x128xf32, #tpu.memory_space<vmem_shared>>
      %dma_start3A_314 = arith.constant 0 : i32
      %dma_start3A_315 = arith.constant 0 : i32
      %dma_start3A_316 = tpu.memref_slice %arg14[%dma_start3A_314, %dma_start3A_315] : memref<80x128xf32, #tpu.memory_space<vmem>> -> memref<80x128xf32, #tpu.memory_space<vmem>>
      tpu.enqueue_dma source(%dma_start3A_316 : memref<80x128xf32, #tpu.memory_space<vmem>>) target(%dma_start3A_313 : memref<80x128xf32, #tpu.memory_space<vmem_shared>>) target_semaphore(%run_scoped3A : memref<!tpu.dma_semaphore, #tpu.memory_space<semaphore_mem>>)
      %dma_wait3A_317 = arith.constant 0 : i32
      %dma_wait3A_318 = arith.constant 0 : i32
      %dma_wait3A_319 = tpu.memref_slice %arg14[%dma_wait3A_317, %dma_wait3A_318] : memref<80x128xf32, #tpu.memory_space<vmem>> -> memref<80x128xf32, #tpu.memory_space<vmem>>
      %dma_wait3A_320 = arith.constant 0 : i32
      %dma_wait3A_321 = tpu.memref_slice %arg16[%add3A_74, %dma_wait3A_320] : memref<10112x128xf32, #tpu.memory_space<vmem_shared>> -> memref<80x128xf32, #tpu.memory_space<vmem_shared>>
      %dma_wait3A_322 = arith.constant 0 : i32
      %dma_wait3A_323 = tpu.memref_slice %arg16[%add3A_74, %dma_wait3A_322] : memref<10112x128xf32, #tpu.memory_space<vmem_shared>> -> memref<80x128xf32, #tpu.memory_space<vmem_shared>>
      %dma_wait3A_324 = arith.constant 0 : i32
      %dma_wait3A_325 = arith.constant 0 : i32
      %dma_wait3A_326 = tpu.memref_slice %arg14[%dma_wait3A_324, %dma_wait3A_325] : memref<80x128xf32, #tpu.memory_space<vmem>> -> memref<80x128xf32, #tpu.memory_space<vmem>>
      tpu.wait_dma2 semaphore(%run_scoped3A : memref<!tpu.dma_semaphore, #tpu.memory_space<semaphore_mem>>) src(%dma_wait3A_326 : memref<80x128xf32, #tpu.memory_space<vmem>>) dst(%dma_wait3A_323 : memref<80x128xf32, #tpu.memory_space<vmem_shared>>)
      tpu.yield
    }) : () -> ()
    %add3A_75 = arith.constant 560 : i32
    %add3A_76 = arith.addi %mul3A_1, %add3A_75 : i32
    "tpu.region"() ({
      %run_scoped3A = tpu.sem_alloc : memref<!tpu.dma_semaphore, #tpu.memory_space<semaphore_mem>>
      %dma_start3A_307 = arith.constant 0 : i32
      %dma_start3A_308 = arith.constant 0 : i32
      %dma_start3A_309 = tpu.memref_slice %arg14[%dma_start3A_307, %dma_start3A_308] : memref<80x128xf32, #tpu.memory_space<vmem>> -> memref<72x128xf32, #tpu.memory_space<vmem>>
      %dma_start3A_310 = arith.constant 0 : i32
      %dma_start3A_311 = tpu.memref_slice %arg16[%add3A_76, %dma_start3A_310] : memref<10112x128xf32, #tpu.memory_space<vmem_shared>> -> memref<72x128xf32, #tpu.memory_space<vmem_shared>>
      %dma_start3A_312 = arith.constant 0 : i32
      %dma_start3A_313 = tpu.memref_slice %arg16[%add3A_76, %dma_start3A_312] : memref<10112x128xf32, #tpu.memory_space<vmem_shared>> -> memref<72x128xf32, #tpu.memory_space<vmem_shared>>
      %dma_start3A_314 = arith.constant 0 : i32
      %dma_start3A_315 = arith.constant 0 : i32
      %dma_start3A_316 = tpu.memref_slice %arg14[%dma_start3A_314, %dma_start3A_315] : memref<80x128xf32, #tpu.memory_space<vmem>> -> memref<72x128xf32, #tpu.memory_space<vmem>>
      tpu.enqueue_dma source(%dma_start3A_316 : memref<72x128xf32, #tpu.memory_space<vmem>>) target(%dma_start3A_313 : memref<72x128xf32, #tpu.memory_space<vmem_shared>>) target_semaphore(%run_scoped3A : memref<!tpu.dma_semaphore, #tpu.memory_space<semaphore_mem>>)
      %dma_wait3A_317 = arith.constant 0 : i32
      %dma_wait3A_318 = arith.constant 0 : i32
      %dma_wait3A_319 = tpu.memref_slice %arg14[%dma_wait3A_317, %dma_wait3A_318] : memref<80x128xf32, #tpu.memory_space<vmem>> -> memref<72x128xf32, #tpu.memory_space<vmem>>
      %dma_wait3A_320 = arith.constant 0 : i32
      %dma_wait3A_321 = tpu.memref_slice %arg16[%add3A_76, %dma_wait3A_320] : memref<10112x128xf32, #tpu.memory_space<vmem_shared>> -> memref<72x128xf32, #tpu.memory_space<vmem_shared>>
      %dma_wait3A_322 = arith.constant 0 : i32
      %dma_wait3A_323 = tpu.memref_slice %arg16[%add3A_76, %dma_wait3A_322] : memref<10112x128xf32, #tpu.memory_space<vmem_shared>> -> memref<72x128xf32, #tpu.memory_space<vmem_shared>>
      %dma_wait3A_324 = arith.constant 0 : i32
      %dma_wait3A_325 = arith.constant 0 : i32
      %dma_wait3A_326 = tpu.memref_slice %arg14[%dma_wait3A_324, %dma_wait3A_325] : memref<80x128xf32, #tpu.memory_space<vmem>> -> memref<72x128xf32, #tpu.memory_space<vmem>>
      tpu.wait_dma2 semaphore(%run_scoped3A : memref<!tpu.dma_semaphore, #tpu.memory_space<semaphore_mem>>) src(%dma_wait3A_326 : memref<72x128xf32, #tpu.memory_space<vmem>>) dst(%dma_wait3A_323 : memref<72x128xf32, #tpu.memory_space<vmem_shared>>)
      tpu.yield
    }) : () -> ()
    %barrier3A_77 = arith.constant 0 : index
    tpu.barrier barrier_id(%barrier3A_77)
    %add3A_78 = arith.constant 0 : i32
    %add3A_79 = arith.addi %add3A_78, %arg1 : i32
    %sub3A = arith.constant 1 : i32
    %sub3A_80 = arith.subi %sub3A, %arg0 : i32
    %mul3A_81 = arith.constant 320000 : i32
    %mul3A_82 = arith.muli %sub3A_80, %mul3A_81 : i32
    %mul3A_83 = arith.constant 80 : i32
    %mul3A_84 = arith.muli %add3A_79, %mul3A_83 : i32
    %add3A_85 = arith.addi %mul3A_82, %mul3A_84 : i32
    %dma_start3A_86 = tpu.memref_slice %arg4[%add3A_85] : memref<640000xi32, #tpu.memory_space<hbm>> -> memref<80xi32, #tpu.memory_space<hbm>>
    %dma_start3A_87 = tpu.memref_slice %arg4[%add3A_85] : memref<640000xi32, #tpu.memory_space<hbm>> -> memref<80xi32, #tpu.memory_space<hbm>>
    tpu.enqueue_dma source(%dma_start3A_87 : memref<80xi32, #tpu.memory_space<hbm>>) target(%arg7 : memref<80xi32, #tpu.memory_space<vmem>>) target_semaphore(%arg18 : memref<!tpu.dma_semaphore, #tpu.memory_space<semaphore_mem>>)
    %mul3A_88 = arith.constant 320000 : i32
    %mul3A_89 = arith.muli %arg0, %mul3A_88 : i32
    %mul3A_90 = arith.constant 80 : i32
    %mul3A_91 = arith.muli %add3A_79, %mul3A_90 : i32
    %add3A_92 = arith.addi %mul3A_89, %mul3A_91 : i32
    %dma_start3A_93 = tpu.memref_slice %arg4[%add3A_92] : memref<640000xi32, #tpu.memory_space<hbm>> -> memref<80xi32, #tpu.memory_space<hbm>>
    %dma_start3A_94 = tpu.memref_slice %arg4[%add3A_92] : memref<640000xi32, #tpu.memory_space<hbm>> -> memref<80xi32, #tpu.memory_space<hbm>>
    tpu.enqueue_dma source(%dma_start3A_94 : memref<80xi32, #tpu.memory_space<hbm>>) target(%arg9 : memref<80xi32, #tpu.memory_space<vmem>>) target_semaphore(%arg20 : memref<!tpu.dma_semaphore, #tpu.memory_space<semaphore_mem>>)
    %add3A_95 = arith.constant 16 : i32
    %add3A_96 = arith.addi %add3A_95, %arg1 : i32
    %sub3A_97 = arith.constant 1 : i32
    %sub3A_98 = arith.subi %sub3A_97, %arg0 : i32
    %mul3A_99 = arith.constant 320000 : i32
    %mul3A_100 = arith.muli %sub3A_98, %mul3A_99 : i32
    %mul3A_101 = arith.constant 80 : i32
    %mul3A_102 = arith.muli %add3A_96, %mul3A_101 : i32
    %add3A_103 = arith.addi %mul3A_100, %mul3A_102 : i32
    %dma_start3A_104 = tpu.memref_slice %arg4[%add3A_103] : memref<640000xi32, #tpu.memory_space<hbm>> -> memref<80xi32, #tpu.memory_space<hbm>>
    %dma_start3A_105 = tpu.memref_slice %arg4[%add3A_103] : memref<640000xi32, #tpu.memory_space<hbm>> -> memref<80xi32, #tpu.memory_space<hbm>>
    tpu.enqueue_dma source(%dma_start3A_105 : memref<80xi32, #tpu.memory_space<hbm>>) target(%arg8 : memref<80xi32, #tpu.memory_space<vmem>>) target_semaphore(%arg19 : memref<!tpu.dma_semaphore, #tpu.memory_space<semaphore_mem>>)
    %mul3A_106 = arith.constant 320000 : i32
    %mul3A_107 = arith.muli %arg0, %mul3A_106 : i32
    %mul3A_108 = arith.constant 80 : i32
    %mul3A_109 = arith.muli %add3A_96, %mul3A_108 : i32
    %add3A_110 = arith.addi %mul3A_107, %mul3A_109 : i32
    %dma_start3A_111 = tpu.memref_slice %arg4[%add3A_110] : memref<640000xi32, #tpu.memory_space<hbm>> -> memref<80xi32, #tpu.memory_space<hbm>>
    %dma_start3A_112 = tpu.memref_slice %arg4[%add3A_110] : memref<640000xi32, #tpu.memory_space<hbm>> -> memref<80xi32, #tpu.memory_space<hbm>>
    tpu.enqueue_dma source(%dma_start3A_112 : memref<80xi32, #tpu.memory_space<hbm>>) target(%arg10 : memref<80xi32, #tpu.memory_space<vmem>>) target_semaphore(%arg21 : memref<!tpu.dma_semaphore, #tpu.memory_space<semaphore_mem>>)
    %dma_wait3A = arith.constant 0 : i32
    %dma_wait3A_113 = tpu.memref_slice %arg4[%dma_wait3A] : memref<640000xi32, #tpu.memory_space<hbm>> -> memref<80xi32, #tpu.memory_space<hbm>>
    %dma_wait3A_114 = arith.constant 0 : i32
    %dma_wait3A_115 = tpu.memref_slice %arg4[%dma_wait3A_114] : memref<640000xi32, #tpu.memory_space<hbm>> -> memref<80xi32, #tpu.memory_space<hbm>>
    tpu.wait_dma2 semaphore(%arg18 : memref<!tpu.dma_semaphore, #tpu.memory_space<semaphore_mem>>) src(%dma_wait3A_115 : memref<80xi32, #tpu.memory_space<hbm>>) dst(%arg7 : memref<80xi32, #tpu.memory_space<vmem>>)
    %add3A_116 = arith.constant 0 : i32
    %add3A_117 = arith.addi %add3A_116, %arg1 : i32
    %mul3A_118 = arith.constant 10000 : i32
    %mul3A_119 = arith.muli %add3A_55, %mul3A_118 : i32
    %scan3A_120 = arith.constant 0 : i32
    %scan3A_121 = arith.constant 5 : i32
    %scan3A_122 = arith.addi %scan3A_120, %scan3A_121 : i32
    %scan3A_123 = arith.constant 1 : i32
    scf.for %scan3A_307 = %scan3A_120 to %scan3A_122 step %scan3A_123  : i32 {
      %mul3A_308 = arith.constant 1 : i32
      %mul3A_309 = arith.muli %scan3A_307, %mul3A_308 : i32
      %add3A_310 = arith.constant 0 : i32
      %add3A_311 = arith.addi %add3A_310, %mul3A_309 : i32
      %mul3A_312 = arith.constant 16 : i32
      %mul3A_313 = arith.muli %add3A_311, %mul3A_312 : i32
      %get3A = arith.index_cast %mul3A_313 : i32 to index
      %get3A_314 = tpu.vector_load %arg7[%get3A] {strides = array<i32>} : memref<80xi32, #tpu.memory_space<vmem>>, vector<16xi32>,
      %add3A_315 = vector.broadcast %mul3A_119 : i32 to vector<16xi32>
      %add3A_316 = arith.addi %get3A_314, %add3A_315 : vector<16xi32>
      %mul3A_317 = arith.constant 16 : i32
      %mul3A_318 = arith.muli %add3A_311, %mul3A_317 : i32
      %swap3A_319 = arith.index_cast %mul3A_318 : i32 to index
      %swap3A_320 = tpu.vector_load %arg7[%swap3A_319] {strides = array<i32>} : memref<80xi32, #tpu.memory_space<vmem>>, vector<16xi32>,
      tpu.vector_store %arg7[%swap3A_319], %add3A_316 {strides = array<i32>} : memref<80xi32, #tpu.memory_space<vmem>>, vector<16xi32>,
    }
    %scan3A_124 = arith.constant 5 : i32
    %dma_start3A_125 = arith.constant 0 : i32
    %dma_start3A_126 = arith.constant 0 : i32
    %dma_start3A_127 = tpu.memref_slice %arg2[%dma_start3A_125, %dma_start3A_126] : memref<40000x128xf32, #tpu.memory_space<hbm>> -> memref<40000x128xf32, #tpu.memory_space<hbm>>
    tpu.enqueue_indirect_dma source(%dma_start3A_127 : memref<40000x128xf32, #tpu.memory_space<hbm>>) target(%arg12 : memref<80x128xf32, #tpu.memory_space<vmem>>) offsets(%arg7 : memref<80xi32, #tpu.memory_space<vmem>>) semaphore(%arg23 : memref<!tpu.dma_semaphore, #tpu.memory_space<semaphore_mem>>)
    %mul3A_128 = arith.constant 320000 : i32
    %mul3A_129 = arith.muli %add3A_55, %mul3A_128 : i32
    %mul3A_130 = arith.constant 80 : i32
    %mul3A_131 = arith.muli %add3A_117, %mul3A_130 : i32
    %add3A_132 = arith.addi %mul3A_129, %mul3A_131 : i32
    %dma_start3A_133 = arith.constant 0 : i32
    %dma_start3A_134 = tpu.memref_slice %arg3[%add3A_132, %dma_start3A_133] : memref<1280000x128xf32, #tpu.memory_space<hbm>> -> memref<80x128xf32, #tpu.memory_space<hbm>>
    %dma_start3A_135 = arith.constant 0 : i32
    %dma_start3A_136 = tpu.memref_slice %arg3[%add3A_132, %dma_start3A_135] : memref<1280000x128xf32, #tpu.memory_space<hbm>> -> memref<80x128xf32, #tpu.memory_space<hbm>>
    tpu.enqueue_dma source(%dma_start3A_136 : memref<80x128xf32, #tpu.memory_space<hbm>>) target(%arg14 : memref<80x128xf32, #tpu.memory_space<vmem>>) target_semaphore(%arg25 : memref<!tpu.dma_semaphore, #tpu.memory_space<semaphore_mem>>)
    %scan3A_137 = arith.constant 0 : i32
    %scan3A_138 = arith.constant 125 : i32
    %scan3A_139 = arith.addi %scan3A_137, %scan3A_138 : i32
    %scan3A_140 = arith.constant 1 : i32
    scf.for %scan3A_307 = %scan3A_137 to %scan3A_139 step %scan3A_140  : i32 {
      %mul3A_308 = arith.constant 2 : i32
      %mul3A_309 = arith.muli %scan3A_307, %mul3A_308 : i32
      %add3A_310 = arith.constant 0 : i32
      %add3A_311 = arith.addi %add3A_310, %mul3A_309 : i32
      %add3A_312 = arith.constant 0 : i32
      %add3A_313 = arith.addi %add3A_311, %add3A_312 : i32
      %jit3A = arith.constant 3 : i32
      %eq3A_314 = arith.constant 0 : i32
      %eq3A_315 = arith.cmpi eq, %jit3A, %eq3A_314 : i32
      %jit3A_316 = arith.constant 1 : i32
      %select_n3A = arith.select %eq3A_315, %jit3A_316, %jit3A : i32
      %rem3A = arith.remsi %add3A_313, %select_n3A : i32
      %ne3A = arith.constant 0 : i32
      %ne3A_317 = arith.cmpi ne, %rem3A, %ne3A : i32
      %lt3A = arith.constant 0 : i32
      %lt3A_318 = arith.cmpi slt, %rem3A, %lt3A : i32
      %lt3A_319 = arith.constant 0 : i32
      %lt3A_320 = arith.cmpi slt, %select_n3A, %lt3A_319 : i32
      %ne3A_321 = arith.xori %lt3A_318, %lt3A_320 : i1
      %and3A = arith.andi %ne3A_321, %ne3A_317 : i1
      %add3A_322 = arith.addi %rem3A, %select_n3A : i32
      %select_n3A_323 = arith.select %and3A, %add3A_322, %rem3A : i32
      %ge3A = arith.constant 1 : i32
      %ge3A_324 = arith.cmpi sge, %add3A_313, %ge3A : i32
      %convert_element_type3A_325 = arith.extui %ge3A_324 : i1 to i32
      %cond3A_326 = arith.constant 0 : i32
      %cond3A_327 = arith.cmpi ne, %convert_element_type3A_325, %cond3A_326 : i32
      scf.if %cond3A_327 {
        %dma_wait3A_443 = arith.constant 0 : i32
        %dma_wait3A_444 = arith.constant 0 : i32
        %dma_wait3A_445 = tpu.memref_slice %arg16[%dma_wait3A_443, %dma_wait3A_444] : memref<10112x128xf32, #tpu.memory_space<vmem_shared>> -> memref<10112x128xf32, #tpu.memory_space<vmem_shared>>
        tpu.wait_indirect_dma semaphore(%arg28 : memref<!tpu.dma_semaphore, #tpu.memory_space<semaphore_mem>>) src(%arg13 : memref<80x128xf32, #tpu.memory_space<vmem>>) dst(%dma_wait3A_445 : memref<10112x128xf32, #tpu.memory_space<vmem_shared>>)
      } else {
      }
      %add3A_328 = arith.constant 1 : i32
      %add3A_329 = arith.addi %add3A_313, %add3A_328 : i32
      %lt3A_330 = arith.constant 250 : i32
      %lt3A_331 = arith.cmpi slt, %add3A_329, %lt3A_330 : i32
      %convert_element_type3A_332 = arith.extui %lt3A_331 : i1 to i32
      %cond3A_333 = arith.constant 0 : i32
      %cond3A_334 = arith.cmpi ne, %convert_element_type3A_332, %cond3A_333 : i32
      scf.if %cond3A_334 {
        %dma_wait3A_443 = arith.constant 0 : i32
        %dma_wait3A_444 = tpu.memref_slice %arg4[%dma_wait3A_443] : memref<640000xi32, #tpu.memory_space<hbm>> -> memref<80xi32, #tpu.memory_space<hbm>>
        %dma_wait3A_445 = arith.constant 0 : i32
        %dma_wait3A_446 = tpu.memref_slice %arg4[%dma_wait3A_445] : memref<640000xi32, #tpu.memory_space<hbm>> -> memref<80xi32, #tpu.memory_space<hbm>>
        tpu.wait_dma2 semaphore(%arg19 : memref<!tpu.dma_semaphore, #tpu.memory_space<semaphore_mem>>) src(%dma_wait3A_446 : memref<80xi32, #tpu.memory_space<hbm>>) dst(%arg8 : memref<80xi32, #tpu.memory_space<vmem>>)
        %add3A_447 = arith.constant 1 : i32
        %add3A_448 = arith.addi %add3A_313, %add3A_447 : i32
        %mul3A_449 = arith.constant 16 : i32
        %mul3A_450 = arith.muli %add3A_448, %mul3A_449 : i32
        %add3A_451 = arith.addi %mul3A_450, %arg1 : i32
        %mul3A_452 = arith.constant 10000 : i32
        %mul3A_453 = arith.muli %add3A_55, %mul3A_452 : i32
        %scan3A_454 = arith.constant 0 : i32
        %scan3A_455 = arith.constant 5 : i32
        %scan3A_456 = arith.addi %scan3A_454, %scan3A_455 : i32
        %scan3A_457 = arith.constant 1 : i32
        scf.for %scan3A_471 = %scan3A_454 to %scan3A_456 step %scan3A_457  : i32 {
          %mul3A_472 = arith.constant 1 : i32
          %mul3A_473 = arith.muli %scan3A_471, %mul3A_472 : i32
          %add3A_474 = arith.constant 0 : i32
          %add3A_475 = arith.addi %add3A_474, %mul3A_473 : i32
          %mul3A_476 = arith.constant 16 : i32
          %mul3A_477 = arith.muli %add3A_475, %mul3A_476 : i32
          %get3A = arith.index_cast %mul3A_477 : i32 to index
          %get3A_478 = tpu.vector_load %arg8[%get3A] {strides = array<i32>} : memref<80xi32, #tpu.memory_space<vmem>>, vector<16xi32>,
          %add3A_479 = vector.broadcast %mul3A_453 : i32 to vector<16xi32>
          %add3A_480 = arith.addi %get3A_478, %add3A_479 : vector<16xi32>
          %mul3A_481 = arith.constant 16 : i32
          %mul3A_482 = arith.muli %add3A_475, %mul3A_481 : i32
          %swap3A_483 = arith.index_cast %mul3A_482 : i32 to index
          %swap3A_484 = tpu.vector_load %arg8[%swap3A_483] {strides = array<i32>} : memref<80xi32, #tpu.memory_space<vmem>>, vector<16xi32>,
          tpu.vector_store %arg8[%swap3A_483], %add3A_480 {strides = array<i32>} : memref<80xi32, #tpu.memory_space<vmem>>, vector<16xi32>,
        }
        %scan3A_458 = arith.constant 5 : i32
        %dma_start3A_459 = arith.constant 0 : i32
        %dma_start3A_460 = arith.constant 0 : i32
        %dma_start3A_461 = tpu.memref_slice %arg2[%dma_start3A_459, %dma_start3A_460] : memref<40000x128xf32, #tpu.memory_space<hbm>> -> memref<40000x128xf32, #tpu.memory_space<hbm>>
        tpu.enqueue_indirect_dma source(%dma_start3A_461 : memref<40000x128xf32, #tpu.memory_space<hbm>>) target(%arg13 : memref<80x128xf32, #tpu.memory_space<vmem>>) offsets(%arg8 : memref<80xi32, #tpu.memory_space<vmem>>) semaphore(%arg24 : memref<!tpu.dma_semaphore, #tpu.memory_space<semaphore_mem>>)
        %mul3A_462 = arith.constant 320000 : i32
        %mul3A_463 = arith.muli %add3A_55, %mul3A_462 : i32
        %mul3A_464 = arith.constant 80 : i32
        %mul3A_465 = arith.muli %add3A_451, %mul3A_464 : i32
        %add3A_466 = arith.addi %mul3A_463, %mul3A_465 : i32
        %dma_start3A_467 = arith.constant 0 : i32
        %dma_start3A_468 = tpu.memref_slice %arg3[%add3A_466, %dma_start3A_467] : memref<1280000x128xf32, #tpu.memory_space<hbm>> -> memref<80x128xf32, #tpu.memory_space<hbm>>
        %dma_start3A_469 = arith.constant 0 : i32
        %dma_start3A_470 = tpu.memref_slice %arg3[%add3A_466, %dma_start3A_469] : memref<1280000x128xf32, #tpu.memory_space<hbm>> -> memref<80x128xf32, #tpu.memory_space<hbm>>
        tpu.enqueue_dma source(%dma_start3A_470 : memref<80x128xf32, #tpu.memory_space<hbm>>) target(%arg15 : memref<80x128xf32, #tpu.memory_space<vmem>>) target_semaphore(%arg26 : memref<!tpu.dma_semaphore, #tpu.memory_space<semaphore_mem>>)
      } else {
      }
      %add3A_335 = arith.constant 2 : i32
      %add3A_336 = arith.addi %add3A_313, %add3A_335 : i32
      %lt3A_337 = arith.constant 250 : i32
      %lt3A_338 = arith.cmpi slt, %add3A_336, %lt3A_337 : i32
      %convert_element_type3A_339 = arith.extui %lt3A_338 : i1 to i32
      %cond3A_340 = arith.constant 0 : i32
      %cond3A_341 = arith.cmpi ne, %convert_element_type3A_339, %cond3A_340 : i32
      scf.if %cond3A_341 {
        %add3A_443 = arith.constant 2 : i32
        %add3A_444 = arith.addi %add3A_313, %add3A_443 : i32
        %jit3A_445 = arith.constant 3 : i32
        %eq3A_446 = arith.constant 0 : i32
        %eq3A_447 = arith.cmpi eq, %jit3A_445, %eq3A_446 : i32
        %jit3A_448 = arith.constant 1 : i32
        %select_n3A_449 = arith.select %eq3A_447, %jit3A_448, %jit3A_445 : i32
        %rem3A_450 = arith.remsi %add3A_444, %select_n3A_449 : i32
        %ne3A_451 = arith.constant 0 : i32
        %ne3A_452 = arith.cmpi ne, %rem3A_450, %ne3A_451 : i32
        %lt3A_453 = arith.constant 0 : i32
        %lt3A_454 = arith.cmpi slt, %rem3A_450, %lt3A_453 : i32
        %lt3A_455 = arith.constant 0 : i32
        %lt3A_456 = arith.cmpi slt, %select_n3A_449, %lt3A_455 : i32
        %ne3A_457 = arith.xori %lt3A_454, %lt3A_456 : i1
        %and3A_458 = arith.andi %ne3A_457, %ne3A_452 : i1
        %add3A_459 = arith.addi %rem3A_450, %select_n3A_449 : i32
        %select_n3A_460 = arith.select %and3A_458, %add3A_459, %rem3A_450 : i32
        %eq3A_461 = arith.constant 0 : i32
        %eq3A_462 = arith.cmpi eq, %select_n3A_460, %eq3A_461 : i32
        %convert_element_type3A_463 = arith.extui %eq3A_462 : i1 to i32
        %cond3A_464 = arith.constant 0 : i32
        %cond3A_465 = arith.cmpi ne, %convert_element_type3A_463, %cond3A_464 : i32
        scf.if %cond3A_465 {
          %add3A_512 = arith.constant 2 : i32
          %add3A_513 = arith.addi %add3A_313, %add3A_512 : i32
          %mul3A_514 = arith.constant 16 : i32
          %mul3A_515 = arith.muli %add3A_513, %mul3A_514 : i32
          %add3A_516 = arith.addi %mul3A_515, %arg1 : i32
          %sub3A_517 = arith.constant 1 : i32
          %sub3A_518 = arith.subi %sub3A_517, %arg0 : i32
          %mul3A_519 = arith.constant 320000 : i32
          %mul3A_520 = arith.muli %sub3A_518, %mul3A_519 : i32
          %mul3A_521 = arith.constant 80 : i32
          %mul3A_522 = arith.muli %add3A_516, %mul3A_521 : i32
          %add3A_523 = arith.addi %mul3A_520, %mul3A_522 : i32
          %dma_start3A_524 = tpu.memref_slice %arg4[%add3A_523] : memref<640000xi32, #tpu.memory_space<hbm>> -> memref<80xi32, #tpu.memory_space<hbm>>
          %dma_start3A_525 = tpu.memref_slice %arg4[%add3A_523] : memref<640000xi32, #tpu.memory_space<hbm>> -> memref<80xi32, #tpu.memory_space<hbm>>
          tpu.enqueue_dma source(%dma_start3A_525 : memref<80xi32, #tpu.memory_space<hbm>>) target(%arg7 : memref<80xi32, #tpu.memory_space<vmem>>) target_semaphore(%arg18 : memref<!tpu.dma_semaphore, #tpu.memory_space<semaphore_mem>>)
          %mul3A_526 = arith.constant 320000 : i32
          %mul3A_527 = arith.muli %arg0, %mul3A_526 : i32
          %mul3A_528 = arith.constant 80 : i32
          %mul3A_529 = arith.muli %add3A_516, %mul3A_528 : i32
          %add3A_530 = arith.addi %mul3A_527, %mul3A_529 : i32
          %dma_start3A_531 = tpu.memref_slice %arg4[%add3A_530] : memref<640000xi32, #tpu.memory_space<hbm>> -> memref<80xi32, #tpu.memory_space<hbm>>
          %dma_start3A_532 = tpu.memref_slice %arg4[%add3A_530] : memref<640000xi32, #tpu.memory_space<hbm>> -> memref<80xi32, #tpu.memory_space<hbm>>
          tpu.enqueue_dma source(%dma_start3A_532 : memref<80xi32, #tpu.memory_space<hbm>>) target(%arg9 : memref<80xi32, #tpu.memory_space<vmem>>) target_semaphore(%arg20 : memref<!tpu.dma_semaphore, #tpu.memory_space<semaphore_mem>>)
        } else {
        }
        %add3A_466 = arith.constant 2 : i32
        %add3A_467 = arith.addi %add3A_313, %add3A_466 : i32
        %jit3A_468 = arith.constant 3 : i32
        %eq3A_469 = arith.constant 0 : i32
        %eq3A_470 = arith.cmpi eq, %jit3A_468, %eq3A_469 : i32
        %jit3A_471 = arith.constant 1 : i32
        %select_n3A_472 = arith.select %eq3A_470, %jit3A_471, %jit3A_468 : i32
        %rem3A_473 = arith.remsi %add3A_467, %select_n3A_472 : i32
        %ne3A_474 = arith.constant 0 : i32
        %ne3A_475 = arith.cmpi ne, %rem3A_473, %ne3A_474 : i32
        %lt3A_476 = arith.constant 0 : i32
        %lt3A_477 = arith.cmpi slt, %rem3A_473, %lt3A_476 : i32
        %lt3A_478 = arith.constant 0 : i32
        %lt3A_479 = arith.cmpi slt, %select_n3A_472, %lt3A_478 : i32
        %ne3A_480 = arith.xori %lt3A_477, %lt3A_479 : i1
        %and3A_481 = arith.andi %ne3A_480, %ne3A_475 : i1
        %add3A_482 = arith.addi %rem3A_473, %select_n3A_472 : i32
        %select_n3A_483 = arith.select %and3A_481, %add3A_482, %rem3A_473 : i32
        %eq3A_484 = arith.constant 1 : i32
        %eq3A_485 = arith.cmpi eq, %select_n3A_483, %eq3A_484 : i32
        %convert_element_type3A_486 = arith.extui %eq3A_485 : i1 to i32
        %cond3A_487 = arith.constant 0 : i32
        %cond3A_488 = arith.cmpi ne, %convert_element_type3A_486, %cond3A_487 : i32
        scf.if %cond3A_488 {
          %add3A_512 = arith.constant 2 : i32
          %add3A_513 = arith.addi %add3A_313, %add3A_512 : i32
          %mul3A_514 = arith.constant 16 : i32
          %mul3A_515 = arith.muli %add3A_513, %mul3A_514 : i32
          %add3A_516 = arith.addi %mul3A_515, %arg1 : i32
          %sub3A_517 = arith.constant 1 : i32
          %sub3A_518 = arith.subi %sub3A_517, %arg0 : i32
          %mul3A_519 = arith.constant 320000 : i32
          %mul3A_520 = arith.muli %sub3A_518, %mul3A_519 : i32
          %mul3A_521 = arith.constant 80 : i32
          %mul3A_522 = arith.muli %add3A_516, %mul3A_521 : i32
          %add3A_523 = arith.addi %mul3A_520, %mul3A_522 : i32
          %dma_start3A_524 = tpu.memref_slice %arg4[%add3A_523] : memref<640000xi32, #tpu.memory_space<hbm>> -> memref<80xi32, #tpu.memory_space<hbm>>
          %dma_start3A_525 = tpu.memref_slice %arg4[%add3A_523] : memref<640000xi32, #tpu.memory_space<hbm>> -> memref<80xi32, #tpu.memory_space<hbm>>
          tpu.enqueue_dma source(%dma_start3A_525 : memref<80xi32, #tpu.memory_space<hbm>>) target(%arg7 : memref<80xi32, #tpu.memory_space<vmem>>) target_semaphore(%arg18 : memref<!tpu.dma_semaphore, #tpu.memory_space<semaphore_mem>>)
          %mul3A_526 = arith.constant 320000 : i32
          %mul3A_527 = arith.muli %arg0, %mul3A_526 : i32
          %mul3A_528 = arith.constant 80 : i32
          %mul3A_529 = arith.muli %add3A_516, %mul3A_528 : i32
          %add3A_530 = arith.addi %mul3A_527, %mul3A_529 : i32
          %dma_start3A_531 = tpu.memref_slice %arg4[%add3A_530] : memref<640000xi32, #tpu.memory_space<hbm>> -> memref<80xi32, #tpu.memory_space<hbm>>
          %dma_start3A_532 = tpu.memref_slice %arg4[%add3A_530] : memref<640000xi32, #tpu.memory_space<hbm>> -> memref<80xi32, #tpu.memory_space<hbm>>
          tpu.enqueue_dma source(%dma_start3A_532 : memref<80xi32, #tpu.memory_space<hbm>>) target(%arg10 : memref<80xi32, #tpu.memory_space<vmem>>) target_semaphore(%arg21 : memref<!tpu.dma_semaphore, #tpu.memory_space<semaphore_mem>>)
        } else {
        }
        %add3A_489 = arith.constant 2 : i32
        %add3A_490 = arith.addi %add3A_313, %add3A_489 : i32
        %jit3A_491 = arith.constant 3 : i32
        %eq3A_492 = arith.constant 0 : i32
        %eq3A_493 = arith.cmpi eq, %jit3A_491, %eq3A_492 : i32
        %jit3A_494 = arith.constant 1 : i32
        %select_n3A_495 = arith.select %eq3A_493, %jit3A_494, %jit3A_491 : i32
        %rem3A_496 = arith.remsi %add3A_490, %select_n3A_495 : i32
        %ne3A_497 = arith.constant 0 : i32
        %ne3A_498 = arith.cmpi ne, %rem3A_496, %ne3A_497 : i32
        %lt3A_499 = arith.constant 0 : i32
        %lt3A_500 = arith.cmpi slt, %rem3A_496, %lt3A_499 : i32
        %lt3A_501 = arith.constant 0 : i32
        %lt3A_502 = arith.cmpi slt, %select_n3A_495, %lt3A_501 : i32
        %ne3A_503 = arith.xori %lt3A_500, %lt3A_502 : i1
        %and3A_504 = arith.andi %ne3A_503, %ne3A_498 : i1
        %add3A_505 = arith.addi %rem3A_496, %select_n3A_495 : i32
        %select_n3A_506 = arith.select %and3A_504, %add3A_505, %rem3A_496 : i32
        %eq3A_507 = arith.constant 2 : i32
        %eq3A_508 = arith.cmpi eq, %select_n3A_506, %eq3A_507 : i32
        %convert_element_type3A_509 = arith.extui %eq3A_508 : i1 to i32
        %cond3A_510 = arith.constant 0 : i32
        %cond3A_511 = arith.cmpi ne, %convert_element_type3A_509, %cond3A_510 : i32
        scf.if %cond3A_511 {
          %add3A_512 = arith.constant 2 : i32
          %add3A_513 = arith.addi %add3A_313, %add3A_512 : i32
          %mul3A_514 = arith.constant 16 : i32
          %mul3A_515 = arith.muli %add3A_513, %mul3A_514 : i32
          %add3A_516 = arith.addi %mul3A_515, %arg1 : i32
          %sub3A_517 = arith.constant 1 : i32
          %sub3A_518 = arith.subi %sub3A_517, %arg0 : i32
          %mul3A_519 = arith.constant 320000 : i32
          %mul3A_520 = arith.muli %sub3A_518, %mul3A_519 : i32
          %mul3A_521 = arith.constant 80 : i32
          %mul3A_522 = arith.muli %add3A_516, %mul3A_521 : i32
          %add3A_523 = arith.addi %mul3A_520, %mul3A_522 : i32
          %dma_start3A_524 = tpu.memref_slice %arg4[%add3A_523] : memref<640000xi32, #tpu.memory_space<hbm>> -> memref<80xi32, #tpu.memory_space<hbm>>
          %dma_start3A_525 = tpu.memref_slice %arg4[%add3A_523] : memref<640000xi32, #tpu.memory_space<hbm>> -> memref<80xi32, #tpu.memory_space<hbm>>
          tpu.enqueue_dma source(%dma_start3A_525 : memref<80xi32, #tpu.memory_space<hbm>>) target(%arg7 : memref<80xi32, #tpu.memory_space<vmem>>) target_semaphore(%arg18 : memref<!tpu.dma_semaphore, #tpu.memory_space<semaphore_mem>>)
          %mul3A_526 = arith.constant 320000 : i32
          %mul3A_527 = arith.muli %arg0, %mul3A_526 : i32
          %mul3A_528 = arith.constant 80 : i32
          %mul3A_529 = arith.muli %add3A_516, %mul3A_528 : i32
          %add3A_530 = arith.addi %mul3A_527, %mul3A_529 : i32
          %dma_start3A_531 = tpu.memref_slice %arg4[%add3A_530] : memref<640000xi32, #tpu.memory_space<hbm>> -> memref<80xi32, #tpu.memory_space<hbm>>
          %dma_start3A_532 = tpu.memref_slice %arg4[%add3A_530] : memref<640000xi32, #tpu.memory_space<hbm>> -> memref<80xi32, #tpu.memory_space<hbm>>
          tpu.enqueue_dma source(%dma_start3A_532 : memref<80xi32, #tpu.memory_space<hbm>>) target(%arg11 : memref<80xi32, #tpu.memory_space<vmem>>) target_semaphore(%arg22 : memref<!tpu.dma_semaphore, #tpu.memory_space<semaphore_mem>>)
        } else {
        }
      } else {
      }
      %dma_wait3A_342 = arith.constant 0 : i32
      %dma_wait3A_343 = arith.constant 0 : i32
      %dma_wait3A_344 = tpu.memref_slice %arg2[%dma_wait3A_342, %dma_wait3A_343] : memref<40000x128xf32, #tpu.memory_space<hbm>> -> memref<80x128xf32, #tpu.memory_space<hbm>>
      %dma_wait3A_345 = arith.constant 0 : i32
      %dma_wait3A_346 = arith.constant 0 : i32
      %dma_wait3A_347 = tpu.memref_slice %arg2[%dma_wait3A_345, %dma_wait3A_346] : memref<40000x128xf32, #tpu.memory_space<hbm>> -> memref<80x128xf32, #tpu.memory_space<hbm>>
      tpu.wait_dma2 semaphore(%arg23 : memref<!tpu.dma_semaphore, #tpu.memory_space<semaphore_mem>>) src(%dma_wait3A_347 : memref<80x128xf32, #tpu.memory_space<hbm>>) dst(%arg12 : memref<80x128xf32, #tpu.memory_space<vmem>>)
      %dma_wait3A_348 = arith.constant 0 : i32
      %dma_wait3A_349 = arith.constant 0 : i32
      %dma_wait3A_350 = tpu.memref_slice %arg3[%dma_wait3A_348, %dma_wait3A_349] : memref<1280000x128xf32, #tpu.memory_space<hbm>> -> memref<80x128xf32, #tpu.memory_space<hbm>>
      %dma_wait3A_351 = arith.constant 0 : i32
      %dma_wait3A_352 = arith.constant 0 : i32
      %dma_wait3A_353 = tpu.memref_slice %arg3[%dma_wait3A_351, %dma_wait3A_352] : memref<1280000x128xf32, #tpu.memory_space<hbm>> -> memref<80x128xf32, #tpu.memory_space<hbm>>
      tpu.wait_dma2 semaphore(%arg25 : memref<!tpu.dma_semaphore, #tpu.memory_space<semaphore_mem>>) src(%dma_wait3A_353 : memref<80x128xf32, #tpu.memory_space<hbm>>) dst(%arg14 : memref<80x128xf32, #tpu.memory_space<vmem>>)
      %scan3A_354 = arith.constant 0 : i32
      %scan3A_355 = arith.constant 80 : i32
      %scan3A_356 = arith.addi %scan3A_354, %scan3A_355 : i32
      %scan3A_357 = arith.constant 1 : i32
      scf.for %scan3A_443 = %scan3A_354 to %scan3A_356 step %scan3A_357  : i32 {
        %mul3A_444 = arith.constant 1 : i32
        %mul3A_445 = arith.muli %scan3A_443, %mul3A_444 : i32
        %add3A_446 = arith.constant 0 : i32
        %add3A_447 = arith.addi %add3A_446, %mul3A_445 : i32
        %get3A = arith.index_cast %add3A_447 : i32 to index
        %get3A_448 = arith.constant 0 : index
        %get3A_449 = tpu.vector_load %arg12[%get3A, %get3A_448] {strides = array<i32>} : memref<80x128xf32, #tpu.memory_space<vmem>>, vector<16xf32>,
        %get3A_450 = arith.index_cast %add3A_447 : i32 to index
        %get3A_451 = arith.constant 0 : index
        %get3A_452 = tpu.vector_load %arg14[%get3A_450, %get3A_451] {strides = array<i32>} : memref<80x128xf32, #tpu.memory_space<vmem>>, vector<16xf32>,
        %add3A_453 = arith.addf %get3A_449, %get3A_452 : vector<16xf32>
        %mul3A_454 = arith.constant 0.00999999977 : f32
        %mul3A_455 = vector.broadcast %mul3A_454 : f32 to vector<16xf32>
        %mul3A_456 = arith.mulf %mul3A_455, %add3A_453 : vector<16xf32>
        %max3A = arith.maximumf %add3A_453, %mul3A_456 : vector<16xf32>
        %swap3A_457 = arith.index_cast %add3A_447 : i32 to index
        %swap3A_458 = arith.constant 0 : index
        %swap3A_459 = tpu.vector_load %arg12[%swap3A_457, %swap3A_458] {strides = array<i32>} : memref<80x128xf32, #tpu.memory_space<vmem>>, vector<16xf32>,
        tpu.vector_store %arg12[%swap3A_457, %swap3A_458], %max3A {strides = array<i32>} : memref<80x128xf32, #tpu.memory_space<vmem>>, vector<16xf32>,
        %get3A_460 = arith.index_cast %add3A_447 : i32 to index
        %get3A_461 = arith.constant 16 : index
        %get3A_462 = tpu.vector_load %arg12[%get3A_460, %get3A_461] {strides = array<i32>} : memref<80x128xf32, #tpu.memory_space<vmem>>, vector<16xf32>,
        %get3A_463 = arith.index_cast %add3A_447 : i32 to index
        %get3A_464 = arith.constant 16 : index
        %get3A_465 = tpu.vector_load %arg14[%get3A_463, %get3A_464] {strides = array<i32>} : memref<80x128xf32, #tpu.memory_space<vmem>>, vector<16xf32>,
        %add3A_466 = arith.addf %get3A_462, %get3A_465 : vector<16xf32>
        %mul3A_467 = arith.constant 0.00999999977 : f32
        %mul3A_468 = vector.broadcast %mul3A_467 : f32 to vector<16xf32>
        %mul3A_469 = arith.mulf %mul3A_468, %add3A_466 : vector<16xf32>
        %max3A_470 = arith.maximumf %add3A_466, %mul3A_469 : vector<16xf32>
        %swap3A_471 = arith.index_cast %add3A_447 : i32 to index
        %swap3A_472 = arith.constant 16 : index
        %swap3A_473 = tpu.vector_load %arg12[%swap3A_471, %swap3A_472] {strides = array<i32>} : memref<80x128xf32, #tpu.memory_space<vmem>>, vector<16xf32>,
        tpu.vector_store %arg12[%swap3A_471, %swap3A_472], %max3A_470 {strides = array<i32>} : memref<80x128xf32, #tpu.memory_space<vmem>>, vector<16xf32>,
        %get3A_474 = arith.index_cast %add3A_447 : i32 to index
        %get3A_475 = arith.constant 32 : index
        %get3A_476 = tpu.vector_load %arg12[%get3A_474, %get3A_475] {strides = array<i32>} : memref<80x128xf32, #tpu.memory_space<vmem>>, vector<16xf32>,
        %get3A_477 = arith.index_cast %add3A_447 : i32 to index
        %get3A_478 = arith.constant 32 : index
        %get3A_479 = tpu.vector_load %arg14[%get3A_477, %get3A_478] {strides = array<i32>} : memref<80x128xf32, #tpu.memory_space<vmem>>, vector<16xf32>,
        %add3A_480 = arith.addf %get3A_476, %get3A_479 : vector<16xf32>
        %mul3A_481 = arith.constant 0.00999999977 : f32
        %mul3A_482 = vector.broadcast %mul3A_481 : f32 to vector<16xf32>
        %mul3A_483 = arith.mulf %mul3A_482, %add3A_480 : vector<16xf32>
        %max3A_484 = arith.maximumf %add3A_480, %mul3A_483 : vector<16xf32>
        %swap3A_485 = arith.index_cast %add3A_447 : i32 to index
        %swap3A_486 = arith.constant 32 : index
        %swap3A_487 = tpu.vector_load %arg12[%swap3A_485, %swap3A_486] {strides = array<i32>} : memref<80x128xf32, #tpu.memory_space<vmem>>, vector<16xf32>,
        tpu.vector_store %arg12[%swap3A_485, %swap3A_486], %max3A_484 {strides = array<i32>} : memref<80x128xf32, #tpu.memory_space<vmem>>, vector<16xf32>,
        %get3A_488 = arith.index_cast %add3A_447 : i32 to index
        %get3A_489 = arith.constant 48 : index
        %get3A_490 = tpu.vector_load %arg12[%get3A_488, %get3A_489] {strides = array<i32>} : memref<80x128xf32, #tpu.memory_space<vmem>>, vector<16xf32>,
        %get3A_491 = arith.index_cast %add3A_447 : i32 to index
        %get3A_492 = arith.constant 48 : index
        %get3A_493 = tpu.vector_load %arg14[%get3A_491, %get3A_492] {strides = array<i32>} : memref<80x128xf32, #tpu.memory_space<vmem>>, vector<16xf32>,
        %add3A_494 = arith.addf %get3A_490, %get3A_493 : vector<16xf32>
        %mul3A_495 = arith.constant 0.00999999977 : f32
        %mul3A_496 = vector.broadcast %mul3A_495 : f32 to vector<16xf32>
        %mul3A_497 = arith.mulf %mul3A_496, %add3A_494 : vector<16xf32>
        %max3A_498 = arith.maximumf %add3A_494, %mul3A_497 : vector<16xf32>
        %swap3A_499 = arith.index_cast %add3A_447 : i32 to index
        %swap3A_500 = arith.constant 48 : index
        %swap3A_501 = tpu.vector_load %arg12[%swap3A_499, %swap3A_500] {strides = array<i32>} : memref<80x128xf32, #tpu.memory_space<vmem>>, vector<16xf32>,
        tpu.vector_store %arg12[%swap3A_499, %swap3A_500], %max3A_498 {strides = array<i32>} : memref<80x128xf32, #tpu.memory_space<vmem>>, vector<16xf32>,
        %get3A_502 = arith.index_cast %add3A_447 : i32 to index
        %get3A_503 = arith.constant 64 : index
        %get3A_504 = tpu.vector_load %arg12[%get3A_502, %get3A_503] {strides = array<i32>} : memref<80x128xf32, #tpu.memory_space<vmem>>, vector<16xf32>,
        %get3A_505 = arith.index_cast %add3A_447 : i32 to index
        %get3A_506 = arith.constant 64 : index
        %get3A_507 = tpu.vector_load %arg14[%get3A_505, %get3A_506] {strides = array<i32>} : memref<80x128xf32, #tpu.memory_space<vmem>>, vector<16xf32>,
        %add3A_508 = arith.addf %get3A_504, %get3A_507 : vector<16xf32>
        %mul3A_509 = arith.constant 0.00999999977 : f32
        %mul3A_510 = vector.broadcast %mul3A_509 : f32 to vector<16xf32>
        %mul3A_511 = arith.mulf %mul3A_510, %add3A_508 : vector<16xf32>
        %max3A_512 = arith.maximumf %add3A_508, %mul3A_511 : vector<16xf32>
        %swap3A_513 = arith.index_cast %add3A_447 : i32 to index
        %swap3A_514 = arith.constant 64 : index
        %swap3A_515 = tpu.vector_load %arg12[%swap3A_513, %swap3A_514] {strides = array<i32>} : memref<80x128xf32, #tpu.memory_space<vmem>>, vector<16xf32>,
        tpu.vector_store %arg12[%swap3A_513, %swap3A_514], %max3A_512 {strides = array<i32>} : memref<80x128xf32, #tpu.memory_space<vmem>>, vector<16xf32>,
        %get3A_516 = arith.index_cast %add3A_447 : i32 to index
        %get3A_517 = arith.constant 80 : index
        %get3A_518 = tpu.vector_load %arg12[%get3A_516, %get3A_517] {strides = array<i32>} : memref<80x128xf32, #tpu.memory_space<vmem>>, vector<16xf32>,
        %get3A_519 = arith.index_cast %add3A_447 : i32 to index
        %get3A_520 = arith.constant 80 : index
        %get3A_521 = tpu.vector_load %arg14[%get3A_519, %get3A_520] {strides = array<i32>} : memref<80x128xf32, #tpu.memory_space<vmem>>, vector<16xf32>,
        %add3A_522 = arith.addf %get3A_518, %get3A_521 : vector<16xf32>
        %mul3A_523 = arith.constant 0.00999999977 : f32
        %mul3A_524 = vector.broadcast %mul3A_523 : f32 to vector<16xf32>
        %mul3A_525 = arith.mulf %mul3A_524, %add3A_522 : vector<16xf32>
        %max3A_526 = arith.maximumf %add3A_522, %mul3A_525 : vector<16xf32>
        %swap3A_527 = arith.index_cast %add3A_447 : i32 to index
        %swap3A_528 = arith.constant 80 : index
        %swap3A_529 = tpu.vector_load %arg12[%swap3A_527, %swap3A_528] {strides = array<i32>} : memref<80x128xf32, #tpu.memory_space<vmem>>, vector<16xf32>,
        tpu.vector_store %arg12[%swap3A_527, %swap3A_528], %max3A_526 {strides = array<i32>} : memref<80x128xf32, #tpu.memory_space<vmem>>, vector<16xf32>,
        %get3A_530 = arith.index_cast %add3A_447 : i32 to index
        %get3A_531 = arith.constant 96 : index
        %get3A_532 = tpu.vector_load %arg12[%get3A_530, %get3A_531] {strides = array<i32>} : memref<80x128xf32, #tpu.memory_space<vmem>>, vector<16xf32>,
        %get3A_533 = arith.index_cast %add3A_447 : i32 to index
        %get3A_534 = arith.constant 96 : index
        %get3A_535 = tpu.vector_load %arg14[%get3A_533, %get3A_534] {strides = array<i32>} : memref<80x128xf32, #tpu.memory_space<vmem>>, vector<16xf32>,
        %add3A_536 = arith.addf %get3A_532, %get3A_535 : vector<16xf32>
        %mul3A_537 = arith.constant 0.00999999977 : f32
        %mul3A_538 = vector.broadcast %mul3A_537 : f32 to vector<16xf32>
        %mul3A_539 = arith.mulf %mul3A_538, %add3A_536 : vector<16xf32>
        %max3A_540 = arith.maximumf %add3A_536, %mul3A_539 : vector<16xf32>
        %swap3A_541 = arith.index_cast %add3A_447 : i32 to index
        %swap3A_542 = arith.constant 96 : index
        %swap3A_543 = tpu.vector_load %arg12[%swap3A_541, %swap3A_542] {strides = array<i32>} : memref<80x128xf32, #tpu.memory_space<vmem>>, vector<16xf32>,
        tpu.vector_store %arg12[%swap3A_541, %swap3A_542], %max3A_540 {strides = array<i32>} : memref<80x128xf32, #tpu.memory_space<vmem>>, vector<16xf32>,
        %get3A_544 = arith.index_cast %add3A_447 : i32 to index
        %get3A_545 = arith.constant 112 : index
        %get3A_546 = tpu.vector_load %arg12[%get3A_544, %get3A_545] {strides = array<i32>} : memref<80x128xf32, #tpu.memory_space<vmem>>, vector<16xf32>,
        %get3A_547 = arith.index_cast %add3A_447 : i32 to index
        %get3A_548 = arith.constant 112 : index
        %get3A_549 = tpu.vector_load %arg14[%get3A_547, %get3A_548] {strides = array<i32>} : memref<80x128xf32, #tpu.memory_space<vmem>>, vector<16xf32>,
        %add3A_550 = arith.addf %get3A_546, %get3A_549 : vector<16xf32>
        %mul3A_551 = arith.constant 0.00999999977 : f32
        %mul3A_552 = vector.broadcast %mul3A_551 : f32 to vector<16xf32>
        %mul3A_553 = arith.mulf %mul3A_552, %add3A_550 : vector<16xf32>
        %max3A_554 = arith.maximumf %add3A_550, %mul3A_553 : vector<16xf32>
        %swap3A_555 = arith.index_cast %add3A_447 : i32 to index
        %swap3A_556 = arith.constant 112 : index
        %swap3A_557 = tpu.vector_load %arg12[%swap3A_555, %swap3A_556] {strides = array<i32>} : memref<80x128xf32, #tpu.memory_space<vmem>>, vector<16xf32>,
        tpu.vector_store %arg12[%swap3A_555, %swap3A_556], %max3A_554 {strides = array<i32>} : memref<80x128xf32, #tpu.memory_space<vmem>>, vector<16xf32>,
      }
      %scan3A_358 = arith.constant 80 : i32
      %eq3A_359 = arith.constant 0 : i32
      %eq3A_360 = arith.cmpi eq, %select_n3A_323, %eq3A_359 : i32
      %convert_element_type3A_361 = arith.extui %eq3A_360 : i1 to i32
      %cond3A_362 = arith.constant 0 : i32
      %cond3A_363 = arith.cmpi ne, %convert_element_type3A_361, %cond3A_362 : i32
      scf.if %cond3A_363 {
        %dma_wait3A_443 = arith.constant 0 : i32
        %dma_wait3A_444 = tpu.memref_slice %arg4[%dma_wait3A_443] : memref<640000xi32, #tpu.memory_space<hbm>> -> memref<80xi32, #tpu.memory_space<hbm>>
        %dma_wait3A_445 = arith.constant 0 : i32
        %dma_wait3A_446 = tpu.memref_slice %arg4[%dma_wait3A_445] : memref<640000xi32, #tpu.memory_space<hbm>> -> memref<80xi32, #tpu.memory_space<hbm>>
        tpu.wait_dma2 semaphore(%arg20 : memref<!tpu.dma_semaphore, #tpu.memory_space<semaphore_mem>>) src(%dma_wait3A_446 : memref<80xi32, #tpu.memory_space<hbm>>) dst(%arg9 : memref<80xi32, #tpu.memory_space<vmem>>)
        %dma_start3A_447 = arith.constant 0 : i32
        %dma_start3A_448 = arith.constant 0 : i32
        %dma_start3A_449 = tpu.memref_slice %arg16[%dma_start3A_447, %dma_start3A_448] : memref<10112x128xf32, #tpu.memory_space<vmem_shared>> -> memref<10112x128xf32, #tpu.memory_space<vmem_shared>>
        tpu.enqueue_indirect_dma source(%arg12 : memref<80x128xf32, #tpu.memory_space<vmem>>) target(%dma_start3A_449 : memref<10112x128xf32, #tpu.memory_space<vmem_shared>>) offsets(%arg9 : memref<80xi32, #tpu.memory_space<vmem>>) semaphore(%arg27 : memref<!tpu.dma_semaphore, #tpu.memory_space<semaphore_mem>>) {add = true}
      } else {
      }
      %eq3A_364 = arith.constant 1 : i32
      %eq3A_365 = arith.cmpi eq, %select_n3A_323, %eq3A_364 : i32
      %convert_element_type3A_366 = arith.extui %eq3A_365 : i1 to i32
      %cond3A_367 = arith.constant 0 : i32
      %cond3A_368 = arith.cmpi ne, %convert_element_type3A_366, %cond3A_367 : i32
      scf.if %cond3A_368 {
        %dma_wait3A_443 = arith.constant 0 : i32
        %dma_wait3A_444 = tpu.memref_slice %arg4[%dma_wait3A_443] : memref<640000xi32, #tpu.memory_space<hbm>> -> memref<80xi32, #tpu.memory_space<hbm>>
        %dma_wait3A_445 = arith.constant 0 : i32
        %dma_wait3A_446 = tpu.memref_slice %arg4[%dma_wait3A_445] : memref<640000xi32, #tpu.memory_space<hbm>> -> memref<80xi32, #tpu.memory_space<hbm>>
        tpu.wait_dma2 semaphore(%arg21 : memref<!tpu.dma_semaphore, #tpu.memory_space<semaphore_mem>>) src(%dma_wait3A_446 : memref<80xi32, #tpu.memory_space<hbm>>) dst(%arg10 : memref<80xi32, #tpu.memory_space<vmem>>)
        %dma_start3A_447 = arith.constant 0 : i32
        %dma_start3A_448 = arith.constant 0 : i32
        %dma_start3A_449 = tpu.memref_slice %arg16[%dma_start3A_447, %dma_start3A_448] : memref<10112x128xf32, #tpu.memory_space<vmem_shared>> -> memref<10112x128xf32, #tpu.memory_space<vmem_shared>>
        tpu.enqueue_indirect_dma source(%arg12 : memref<80x128xf32, #tpu.memory_space<vmem>>) target(%dma_start3A_449 : memref<10112x128xf32, #tpu.memory_space<vmem_shared>>) offsets(%arg10 : memref<80xi32, #tpu.memory_space<vmem>>) semaphore(%arg27 : memref<!tpu.dma_semaphore, #tpu.memory_space<semaphore_mem>>) {add = true}
      } else {
      }
      %eq3A_369 = arith.constant 2 : i32
      %eq3A_370 = arith.cmpi eq, %select_n3A_323, %eq3A_369 : i32
      %convert_element_type3A_371 = arith.extui %eq3A_370 : i1 to i32
      %cond3A_372 = arith.constant 0 : i32
      %cond3A_373 = arith.cmpi ne, %convert_element_type3A_371, %cond3A_372 : i32
      scf.if %cond3A_373 {
        %dma_wait3A_443 = arith.constant 0 : i32
        %dma_wait3A_444 = tpu.memref_slice %arg4[%dma_wait3A_443] : memref<640000xi32, #tpu.memory_space<hbm>> -> memref<80xi32, #tpu.memory_space<hbm>>
        %dma_wait3A_445 = arith.constant 0 : i32
        %dma_wait3A_446 = tpu.memref_slice %arg4[%dma_wait3A_445] : memref<640000xi32, #tpu.memory_space<hbm>> -> memref<80xi32, #tpu.memory_space<hbm>>
        tpu.wait_dma2 semaphore(%arg22 : memref<!tpu.dma_semaphore, #tpu.memory_space<semaphore_mem>>) src(%dma_wait3A_446 : memref<80xi32, #tpu.memory_space<hbm>>) dst(%arg11 : memref<80xi32, #tpu.memory_space<vmem>>)
        %dma_start3A_447 = arith.constant 0 : i32
        %dma_start3A_448 = arith.constant 0 : i32
        %dma_start3A_449 = tpu.memref_slice %arg16[%dma_start3A_447, %dma_start3A_448] : memref<10112x128xf32, #tpu.memory_space<vmem_shared>> -> memref<10112x128xf32, #tpu.memory_space<vmem_shared>>
        tpu.enqueue_indirect_dma source(%arg12 : memref<80x128xf32, #tpu.memory_space<vmem>>) target(%dma_start3A_449 : memref<10112x128xf32, #tpu.memory_space<vmem_shared>>) offsets(%arg11 : memref<80xi32, #tpu.memory_space<vmem>>) semaphore(%arg27 : memref<!tpu.dma_semaphore, #tpu.memory_space<semaphore_mem>>) {add = true}
      } else {
      }
      %add3A_374 = arith.constant 1 : i32
      %add3A_375 = arith.addi %add3A_311, %add3A_374 : i32
      %jit3A_376 = arith.constant 3 : i32
      %eq3A_377 = arith.constant 0 : i32
      %eq3A_378 = arith.cmpi eq, %jit3A_376, %eq3A_377 : i32
      %jit3A_379 = arith.constant 1 : i32
      %select_n3A_380 = arith.select %eq3A_378, %jit3A_379, %jit3A_376 : i32
      %rem3A_381 = arith.remsi %add3A_375, %select_n3A_380 : i32
      %ne3A_382 = arith.constant 0 : i32
      %ne3A_383 = arith.cmpi ne, %rem3A_381, %ne3A_382 : i32
      %lt3A_384 = arith.constant 0 : i32
      %lt3A_385 = arith.cmpi slt, %rem3A_381, %lt3A_384 : i32
      %lt3A_386 = arith.constant 0 : i32
      %lt3A_387 = arith.cmpi slt, %select_n3A_380, %lt3A_386 : i32
      %ne3A_388 = arith.xori %lt3A_385, %lt3A_387 : i1
      %and3A_389 = arith.andi %ne3A_388, %ne3A_383 : i1
      %add3A_390 = arith.addi %rem3A_381, %select_n3A_380 : i32
      %select_n3A_391 = arith.select %and3A_389, %add3A_390, %rem3A_381 : i32
      %ge3A_392 = arith.constant 1 : i32
      %ge3A_393 = arith.cmpi sge, %add3A_375, %ge3A_392 : i32
      %convert_element_type3A_394 = arith.extui %ge3A_393 : i1 to i32
      %cond3A_395 = arith.constant 0 : i32
      %cond3A_396 = arith.cmpi ne, %convert_element_type3A_394, %cond3A_395 : i32
      scf.if %cond3A_396 {
        %dma_wait3A_443 = arith.constant 0 : i32
        %dma_wait3A_444 = arith.constant 0 : i32
        %dma_wait3A_445 = tpu.memref_slice %arg16[%dma_wait3A_443, %dma_wait3A_444] : memref<10112x128xf32, #tpu.memory_space<vmem_shared>> -> memref<10112x128xf32, #tpu.memory_space<vmem_shared>>
        tpu.wait_indirect_dma semaphore(%arg27 : memref<!tpu.dma_semaphore, #tpu.memory_space<semaphore_mem>>) src(%arg12 : memref<80x128xf32, #tpu.memory_space<vmem>>) dst(%dma_wait3A_445 : memref<10112x128xf32, #tpu.memory_space<vmem_shared>>)
      } else {
      }
      %add3A_397 = arith.constant 1 : i32
      %add3A_398 = arith.addi %add3A_375, %add3A_397 : i32
      %lt3A_399 = arith.constant 250 : i32
      %lt3A_400 = arith.cmpi slt, %add3A_398, %lt3A_399 : i32
      %convert_element_type3A_401 = arith.extui %lt3A_400 : i1 to i32
      %cond3A_402 = arith.constant 0 : i32
      %cond3A_403 = arith.cmpi ne, %convert_element_type3A_401, %cond3A_402 : i32
      scf.if %cond3A_403 {
        %dma_wait3A_443 = arith.constant 0 : i32
        %dma_wait3A_444 = tpu.memref_slice %arg4[%dma_wait3A_443] : memref<640000xi32, #tpu.memory_space<hbm>> -> memref<80xi32, #tpu.memory_space<hbm>>
        %dma_wait3A_445 = arith.constant 0 : i32
        %dma_wait3A_446 = tpu.memref_slice %arg4[%dma_wait3A_445] : memref<640000xi32, #tpu.memory_space<hbm>> -> memref<80xi32, #tpu.memory_space<hbm>>
        tpu.wait_dma2 semaphore(%arg18 : memref<!tpu.dma_semaphore, #tpu.memory_space<semaphore_mem>>) src(%dma_wait3A_446 : memref<80xi32, #tpu.memory_space<hbm>>) dst(%arg7 : memref<80xi32, #tpu.memory_space<vmem>>)
        %add3A_447 = arith.constant 1 : i32
        %add3A_448 = arith.addi %add3A_375, %add3A_447 : i32
        %mul3A_449 = arith.constant 16 : i32
        %mul3A_450 = arith.muli %add3A_448, %mul3A_449 : i32
        %add3A_451 = arith.addi %mul3A_450, %arg1 : i32
        %mul3A_452 = arith.constant 10000 : i32
        %mul3A_453 = arith.muli %add3A_55, %mul3A_452 : i32
        %scan3A_454 = arith.constant 0 : i32
        %scan3A_455 = arith.constant 5 : i32
        %scan3A_456 = arith.addi %scan3A_454, %scan3A_455 : i32
        %scan3A_457 = arith.constant 1 : i32
        scf.for %scan3A_471 = %scan3A_454 to %scan3A_456 step %scan3A_457  : i32 {
          %mul3A_472 = arith.constant 1 : i32
          %mul3A_473 = arith.muli %scan3A_471, %mul3A_472 : i32
          %add3A_474 = arith.constant 0 : i32
          %add3A_475 = arith.addi %add3A_474, %mul3A_473 : i32
          %mul3A_476 = arith.constant 16 : i32
          %mul3A_477 = arith.muli %add3A_475, %mul3A_476 : i32
          %get3A = arith.index_cast %mul3A_477 : i32 to index
          %get3A_478 = tpu.vector_load %arg7[%get3A] {strides = array<i32>} : memref<80xi32, #tpu.memory_space<vmem>>, vector<16xi32>,
          %add3A_479 = vector.broadcast %mul3A_453 : i32 to vector<16xi32>
          %add3A_480 = arith.addi %get3A_478, %add3A_479 : vector<16xi32>
          %mul3A_481 = arith.constant 16 : i32
          %mul3A_482 = arith.muli %add3A_475, %mul3A_481 : i32
          %swap3A_483 = arith.index_cast %mul3A_482 : i32 to index
          %swap3A_484 = tpu.vector_load %arg7[%swap3A_483] {strides = array<i32>} : memref<80xi32, #tpu.memory_space<vmem>>, vector<16xi32>,
          tpu.vector_store %arg7[%swap3A_483], %add3A_480 {strides = array<i32>} : memref<80xi32, #tpu.memory_space<vmem>>, vector<16xi32>,
        }
        %scan3A_458 = arith.constant 5 : i32
        %dma_start3A_459 = arith.constant 0 : i32
        %dma_start3A_460 = arith.constant 0 : i32
        %dma_start3A_461 = tpu.memref_slice %arg2[%dma_start3A_459, %dma_start3A_460] : memref<40000x128xf32, #tpu.memory_space<hbm>> -> memref<40000x128xf32, #tpu.memory_space<hbm>>
        tpu.enqueue_indirect_dma source(%dma_start3A_461 : memref<40000x128xf32, #tpu.memory_space<hbm>>) target(%arg12 : memref<80x128xf32, #tpu.memory_space<vmem>>) offsets(%arg7 : memref<80xi32, #tpu.memory_space<vmem>>) semaphore(%arg23 : memref<!tpu.dma_semaphore, #tpu.memory_space<semaphore_mem>>)
        %mul3A_462 = arith.constant 320000 : i32
        %mul3A_463 = arith.muli %add3A_55, %mul3A_462 : i32
        %mul3A_464 = arith.constant 80 : i32
        %mul3A_465 = arith.muli %add3A_451, %mul3A_464 : i32
        %add3A_466 = arith.addi %mul3A_463, %mul3A_465 : i32
        %dma_start3A_467 = arith.constant 0 : i32
        %dma_start3A_468 = tpu.memref_slice %arg3[%add3A_466, %dma_start3A_467] : memref<1280000x128xf32, #tpu.memory_space<hbm>> -> memref<80x128xf32, #tpu.memory_space<hbm>>
        %dma_start3A_469 = arith.constant 0 : i32
        %dma_start3A_470 = tpu.memref_slice %arg3[%add3A_466, %dma_start3A_469] : memref<1280000x128xf32, #tpu.memory_space<hbm>> -> memref<80x128xf32, #tpu.memory_space<hbm>>
        tpu.enqueue_dma source(%dma_start3A_470 : memref<80x128xf32, #tpu.memory_space<hbm>>) target(%arg14 : memref<80x128xf32, #tpu.memory_space<vmem>>) target_semaphore(%arg25 : memref<!tpu.dma_semaphore, #tpu.memory_space<semaphore_mem>>)
      } else {
      }
      %add3A_404 = arith.constant 2 : i32
      %add3A_405 = arith.addi %add3A_375, %add3A_404 : i32
      %lt3A_406 = arith.constant 250 : i32
      %lt3A_407 = arith.cmpi slt, %add3A_405, %lt3A_406 : i32
      %convert_element_type3A_408 = arith.extui %lt3A_407 : i1 to i32
      %cond3A_409 = arith.constant 0 : i32
      %cond3A_410 = arith.cmpi ne, %convert_element_type3A_408, %cond3A_409 : i32
      scf.if %cond3A_410 {
        %add3A_443 = arith.constant 2 : i32
        %add3A_444 = arith.addi %add3A_375, %add3A_443 : i32
        %jit3A_445 = arith.constant 3 : i32
        %eq3A_446 = arith.constant 0 : i32
        %eq3A_447 = arith.cmpi eq, %jit3A_445, %eq3A_446 : i32
        %jit3A_448 = arith.constant 1 : i32
        %select_n3A_449 = arith.select %eq3A_447, %jit3A_448, %jit3A_445 : i32
        %rem3A_450 = arith.remsi %add3A_444, %select_n3A_449 : i32
        %ne3A_451 = arith.constant 0 : i32
        %ne3A_452 = arith.cmpi ne, %rem3A_450, %ne3A_451 : i32
        %lt3A_453 = arith.constant 0 : i32
        %lt3A_454 = arith.cmpi slt, %rem3A_450, %lt3A_453 : i32
        %lt3A_455 = arith.constant 0 : i32
        %lt3A_456 = arith.cmpi slt, %select_n3A_449, %lt3A_455 : i32
        %ne3A_457 = arith.xori %lt3A_454, %lt3A_456 : i1
        %and3A_458 = arith.andi %ne3A_457, %ne3A_452 : i1
        %add3A_459 = arith.addi %rem3A_450, %select_n3A_449 : i32
        %select_n3A_460 = arith.select %and3A_458, %add3A_459, %rem3A_450 : i32
        %eq3A_461 = arith.constant 0 : i32
        %eq3A_462 = arith.cmpi eq, %select_n3A_460, %eq3A_461 : i32
        %convert_element_type3A_463 = arith.extui %eq3A_462 : i1 to i32
        %cond3A_464 = arith.constant 0 : i32
        %cond3A_465 = arith.cmpi ne, %convert_element_type3A_463, %cond3A_464 : i32
        scf.if %cond3A_465 {
          %add3A_512 = arith.constant 2 : i32
          %add3A_513 = arith.addi %add3A_375, %add3A_512 : i32
          %mul3A_514 = arith.constant 16 : i32
          %mul3A_515 = arith.muli %add3A_513, %mul3A_514 : i32
          %add3A_516 = arith.addi %mul3A_515, %arg1 : i32
          %sub3A_517 = arith.constant 1 : i32
          %sub3A_518 = arith.subi %sub3A_517, %arg0 : i32
          %mul3A_519 = arith.constant 320000 : i32
          %mul3A_520 = arith.muli %sub3A_518, %mul3A_519 : i32
          %mul3A_521 = arith.constant 80 : i32
          %mul3A_522 = arith.muli %add3A_516, %mul3A_521 : i32
          %add3A_523 = arith.addi %mul3A_520, %mul3A_522 : i32
          %dma_start3A_524 = tpu.memref_slice %arg4[%add3A_523] : memref<640000xi32, #tpu.memory_space<hbm>> -> memref<80xi32, #tpu.memory_space<hbm>>
          %dma_start3A_525 = tpu.memref_slice %arg4[%add3A_523] : memref<640000xi32, #tpu.memory_space<hbm>> -> memref<80xi32, #tpu.memory_space<hbm>>
          tpu.enqueue_dma source(%dma_start3A_525 : memref<80xi32, #tpu.memory_space<hbm>>) target(%arg8 : memref<80xi32, #tpu.memory_space<vmem>>) target_semaphore(%arg19 : memref<!tpu.dma_semaphore, #tpu.memory_space<semaphore_mem>>)
          %mul3A_526 = arith.constant 320000 : i32
          %mul3A_527 = arith.muli %arg0, %mul3A_526 : i32
          %mul3A_528 = arith.constant 80 : i32
          %mul3A_529 = arith.muli %add3A_516, %mul3A_528 : i32
          %add3A_530 = arith.addi %mul3A_527, %mul3A_529 : i32
          %dma_start3A_531 = tpu.memref_slice %arg4[%add3A_530] : memref<640000xi32, #tpu.memory_space<hbm>> -> memref<80xi32, #tpu.memory_space<hbm>>
          %dma_start3A_532 = tpu.memref_slice %arg4[%add3A_530] : memref<640000xi32, #tpu.memory_space<hbm>> -> memref<80xi32, #tpu.memory_space<hbm>>
          tpu.enqueue_dma source(%dma_start3A_532 : memref<80xi32, #tpu.memory_space<hbm>>) target(%arg9 : memref<80xi32, #tpu.memory_space<vmem>>) target_semaphore(%arg20 : memref<!tpu.dma_semaphore, #tpu.memory_space<semaphore_mem>>)
        } else {
        }
        %add3A_466 = arith.constant 2 : i32
        %add3A_467 = arith.addi %add3A_375, %add3A_466 : i32
        %jit3A_468 = arith.constant 3 : i32
        %eq3A_469 = arith.constant 0 : i32
        %eq3A_470 = arith.cmpi eq, %jit3A_468, %eq3A_469 : i32
        %jit3A_471 = arith.constant 1 : i32
        %select_n3A_472 = arith.select %eq3A_470, %jit3A_471, %jit3A_468 : i32
        %rem3A_473 = arith.remsi %add3A_467, %select_n3A_472 : i32
        %ne3A_474 = arith.constant 0 : i32
        %ne3A_475 = arith.cmpi ne, %rem3A_473, %ne3A_474 : i32
        %lt3A_476 = arith.constant 0 : i32
        %lt3A_477 = arith.cmpi slt, %rem3A_473, %lt3A_476 : i32
        %lt3A_478 = arith.constant 0 : i32
        %lt3A_479 = arith.cmpi slt, %select_n3A_472, %lt3A_478 : i32
        %ne3A_480 = arith.xori %lt3A_477, %lt3A_479 : i1
        %and3A_481 = arith.andi %ne3A_480, %ne3A_475 : i1
        %add3A_482 = arith.addi %rem3A_473, %select_n3A_472 : i32
        %select_n3A_483 = arith.select %and3A_481, %add3A_482, %rem3A_473 : i32
        %eq3A_484 = arith.constant 1 : i32
        %eq3A_485 = arith.cmpi eq, %select_n3A_483, %eq3A_484 : i32
        %convert_element_type3A_486 = arith.extui %eq3A_485 : i1 to i32
        %cond3A_487 = arith.constant 0 : i32
        %cond3A_488 = arith.cmpi ne, %convert_element_type3A_486, %cond3A_487 : i32
        scf.if %cond3A_488 {
          %add3A_512 = arith.constant 2 : i32
          %add3A_513 = arith.addi %add3A_375, %add3A_512 : i32
          %mul3A_514 = arith.constant 16 : i32
          %mul3A_515 = arith.muli %add3A_513, %mul3A_514 : i32
          %add3A_516 = arith.addi %mul3A_515, %arg1 : i32
          %sub3A_517 = arith.constant 1 : i32
          %sub3A_518 = arith.subi %sub3A_517, %arg0 : i32
          %mul3A_519 = arith.constant 320000 : i32
          %mul3A_520 = arith.muli %sub3A_518, %mul3A_519 : i32
          %mul3A_521 = arith.constant 80 : i32
          %mul3A_522 = arith.muli %add3A_516, %mul3A_521 : i32
          %add3A_523 = arith.addi %mul3A_520, %mul3A_522 : i32
          %dma_start3A_524 = tpu.memref_slice %arg4[%add3A_523] : memref<640000xi32, #tpu.memory_space<hbm>> -> memref<80xi32, #tpu.memory_space<hbm>>
          %dma_start3A_525 = tpu.memref_slice %arg4[%add3A_523] : memref<640000xi32, #tpu.memory_space<hbm>> -> memref<80xi32, #tpu.memory_space<hbm>>
          tpu.enqueue_dma source(%dma_start3A_525 : memref<80xi32, #tpu.memory_space<hbm>>) target(%arg8 : memref<80xi32, #tpu.memory_space<vmem>>) target_semaphore(%arg19 : memref<!tpu.dma_semaphore, #tpu.memory_space<semaphore_mem>>)
          %mul3A_526 = arith.constant 320000 : i32
          %mul3A_527 = arith.muli %arg0, %mul3A_526 : i32
          %mul3A_528 = arith.constant 80 : i32
          %mul3A_529 = arith.muli %add3A_516, %mul3A_528 : i32
          %add3A_530 = arith.addi %mul3A_527, %mul3A_529 : i32
          %dma_start3A_531 = tpu.memref_slice %arg4[%add3A_530] : memref<640000xi32, #tpu.memory_space<hbm>> -> memref<80xi32, #tpu.memory_space<hbm>>
          %dma_start3A_532 = tpu.memref_slice %arg4[%add3A_530] : memref<640000xi32, #tpu.memory_space<hbm>> -> memref<80xi32, #tpu.memory_space<hbm>>
          tpu.enqueue_dma source(%dma_start3A_532 : memref<80xi32, #tpu.memory_space<hbm>>) target(%arg10 : memref<80xi32, #tpu.memory_space<vmem>>) target_semaphore(%arg21 : memref<!tpu.dma_semaphore, #tpu.memory_space<semaphore_mem>>)
        } else {
        }
        %add3A_489 = arith.constant 2 : i32
        %add3A_490 = arith.addi %add3A_375, %add3A_489 : i32
        %jit3A_491 = arith.constant 3 : i32
        %eq3A_492 = arith.constant 0 : i32
        %eq3A_493 = arith.cmpi eq, %jit3A_491, %eq3A_492 : i32
        %jit3A_494 = arith.constant 1 : i32
        %select_n3A_495 = arith.select %eq3A_493, %jit3A_494, %jit3A_491 : i32
        %rem3A_496 = arith.remsi %add3A_490, %select_n3A_495 : i32
        %ne3A_497 = arith.constant 0 : i32
        %ne3A_498 = arith.cmpi ne, %rem3A_496, %ne3A_497 : i32
        %lt3A_499 = arith.constant 0 : i32
        %lt3A_500 = arith.cmpi slt, %rem3A_496, %lt3A_499 : i32
        %lt3A_501 = arith.constant 0 : i32
        %lt3A_502 = arith.cmpi slt, %select_n3A_495, %lt3A_501 : i32
        %ne3A_503 = arith.xori %lt3A_500, %lt3A_502 : i1
        %and3A_504 = arith.andi %ne3A_503, %ne3A_498 : i1
        %add3A_505 = arith.addi %rem3A_496, %select_n3A_495 : i32
        %select_n3A_506 = arith.select %and3A_504, %add3A_505, %rem3A_496 : i32
        %eq3A_507 = arith.constant 2 : i32
        %eq3A_508 = arith.cmpi eq, %select_n3A_506, %eq3A_507 : i32
        %convert_element_type3A_509 = arith.extui %eq3A_508 : i1 to i32
        %cond3A_510 = arith.constant 0 : i32
        %cond3A_511 = arith.cmpi ne, %convert_element_type3A_509, %cond3A_510 : i32
        scf.if %cond3A_511 {
          %add3A_512 = arith.constant 2 : i32
          %add3A_513 = arith.addi %add3A_375, %add3A_512 : i32
          %mul3A_514 = arith.constant 16 : i32
          %mul3A_515 = arith.muli %add3A_513, %mul3A_514 : i32
          %add3A_516 = arith.addi %mul3A_515, %arg1 : i32
          %sub3A_517 = arith.constant 1 : i32
          %sub3A_518 = arith.subi %sub3A_517, %arg0 : i32
          %mul3A_519 = arith.constant 320000 : i32
          %mul3A_520 = arith.muli %sub3A_518, %mul3A_519 : i32
          %mul3A_521 = arith.constant 80 : i32
          %mul3A_522 = arith.muli %add3A_516, %mul3A_521 : i32
          %add3A_523 = arith.addi %mul3A_520, %mul3A_522 : i32
          %dma_start3A_524 = tpu.memref_slice %arg4[%add3A_523] : memref<640000xi32, #tpu.memory_space<hbm>> -> memref<80xi32, #tpu.memory_space<hbm>>
          %dma_start3A_525 = tpu.memref_slice %arg4[%add3A_523] : memref<640000xi32, #tpu.memory_space<hbm>> -> memref<80xi32, #tpu.memory_space<hbm>>
          tpu.enqueue_dma source(%dma_start3A_525 : memref<80xi32, #tpu.memory_space<hbm>>) target(%arg8 : memref<80xi32, #tpu.memory_space<vmem>>) target_semaphore(%arg19 : memref<!tpu.dma_semaphore, #tpu.memory_space<semaphore_mem>>)
          %mul3A_526 = arith.constant 320000 : i32
          %mul3A_527 = arith.muli %arg0, %mul3A_526 : i32
          %mul3A_528 = arith.constant 80 : i32
          %mul3A_529 = arith.muli %add3A_516, %mul3A_528 : i32
          %add3A_530 = arith.addi %mul3A_527, %mul3A_529 : i32
          %dma_start3A_531 = tpu.memref_slice %arg4[%add3A_530] : memref<640000xi32, #tpu.memory_space<hbm>> -> memref<80xi32, #tpu.memory_space<hbm>>
          %dma_start3A_532 = tpu.memref_slice %arg4[%add3A_530] : memref<640000xi32, #tpu.memory_space<hbm>> -> memref<80xi32, #tpu.memory_space<hbm>>
          tpu.enqueue_dma source(%dma_start3A_532 : memref<80xi32, #tpu.memory_space<hbm>>) target(%arg11 : memref<80xi32, #tpu.memory_space<vmem>>) target_semaphore(%arg22 : memref<!tpu.dma_semaphore, #tpu.memory_space<semaphore_mem>>)
        } else {
        }
      } else {
      }
      %dma_wait3A_411 = arith.constant 0 : i32
      %dma_wait3A_412 = arith.constant 0 : i32
      %dma_wait3A_413 = tpu.memref_slice %arg2[%dma_wait3A_411, %dma_wait3A_412] : memref<40000x128xf32, #tpu.memory_space<hbm>> -> memref<80x128xf32, #tpu.memory_space<hbm>>
      %dma_wait3A_414 = arith.constant 0 : i32
      %dma_wait3A_415 = arith.constant 0 : i32
      %dma_wait3A_416 = tpu.memref_slice %arg2[%dma_wait3A_414, %dma_wait3A_415] : memref<40000x128xf32, #tpu.memory_space<hbm>> -> memref<80x128xf32, #tpu.memory_space<hbm>>
      tpu.wait_dma2 semaphore(%arg24 : memref<!tpu.dma_semaphore, #tpu.memory_space<semaphore_mem>>) src(%dma_wait3A_416 : memref<80x128xf32, #tpu.memory_space<hbm>>) dst(%arg13 : memref<80x128xf32, #tpu.memory_space<vmem>>)
      %dma_wait3A_417 = arith.constant 0 : i32
      %dma_wait3A_418 = arith.constant 0 : i32
      %dma_wait3A_419 = tpu.memref_slice %arg3[%dma_wait3A_417, %dma_wait3A_418] : memref<1280000x128xf32, #tpu.memory_space<hbm>> -> memref<80x128xf32, #tpu.memory_space<hbm>>
      %dma_wait3A_420 = arith.constant 0 : i32
      %dma_wait3A_421 = arith.constant 0 : i32
      %dma_wait3A_422 = tpu.memref_slice %arg3[%dma_wait3A_420, %dma_wait3A_421] : memref<1280000x128xf32, #tpu.memory_space<hbm>> -> memref<80x128xf32, #tpu.memory_space<hbm>>
      tpu.wait_dma2 semaphore(%arg26 : memref<!tpu.dma_semaphore, #tpu.memory_space<semaphore_mem>>) src(%dma_wait3A_422 : memref<80x128xf32, #tpu.memory_space<hbm>>) dst(%arg15 : memref<80x128xf32, #tpu.memory_space<vmem>>)
      %scan3A_423 = arith.constant 0 : i32
      %scan3A_424 = arith.constant 80 : i32
      %scan3A_425 = arith.addi %scan3A_423, %scan3A_424 : i32
      %scan3A_426 = arith.constant 1 : i32
      scf.for %scan3A_443 = %scan3A_423 to %scan3A_425 step %scan3A_426  : i32 {
        %mul3A_444 = arith.constant 1 : i32
        %mul3A_445 = arith.muli %scan3A_443, %mul3A_444 : i32
        %add3A_446 = arith.constant 0 : i32
        %add3A_447 = arith.addi %add3A_446, %mul3A_445 : i32
        %get3A = arith.index_cast %add3A_447 : i32 to index
        %get3A_448 = arith.constant 0 : index
        %get3A_449 = tpu.vector_load %arg13[%get3A, %get3A_448] {strides = array<i32>} : memref<80x128xf32, #tpu.memory_space<vmem>>, vector<16xf32>,
        %get3A_450 = arith.index_cast %add3A_447 : i32 to index
        %get3A_451 = arith.constant 0 : index
        %get3A_452 = tpu.vector_load %arg15[%get3A_450, %get3A_451] {strides = array<i32>} : memref<80x128xf32, #tpu.memory_space<vmem>>, vector<16xf32>,
        %add3A_453 = arith.addf %get3A_449, %get3A_452 : vector<16xf32>
        %mul3A_454 = arith.constant 0.00999999977 : f32
        %mul3A_455 = vector.broadcast %mul3A_454 : f32 to vector<16xf32>
        %mul3A_456 = arith.mulf %mul3A_455, %add3A_453 : vector<16xf32>
        %max3A = arith.maximumf %add3A_453, %mul3A_456 : vector<16xf32>
        %swap3A_457 = arith.index_cast %add3A_447 : i32 to index
        %swap3A_458 = arith.constant 0 : index
        %swap3A_459 = tpu.vector_load %arg13[%swap3A_457, %swap3A_458] {strides = array<i32>} : memref<80x128xf32, #tpu.memory_space<vmem>>, vector<16xf32>,
        tpu.vector_store %arg13[%swap3A_457, %swap3A_458], %max3A {strides = array<i32>} : memref<80x128xf32, #tpu.memory_space<vmem>>, vector<16xf32>,
        %get3A_460 = arith.index_cast %add3A_447 : i32 to index
        %get3A_461 = arith.constant 16 : index
        %get3A_462 = tpu.vector_load %arg13[%get3A_460, %get3A_461] {strides = array<i32>} : memref<80x128xf32, #tpu.memory_space<vmem>>, vector<16xf32>,
        %get3A_463 = arith.index_cast %add3A_447 : i32 to index
        %get3A_464 = arith.constant 16 : index
        %get3A_465 = tpu.vector_load %arg15[%get3A_463, %get3A_464] {strides = array<i32>} : memref<80x128xf32, #tpu.memory_space<vmem>>, vector<16xf32>,
        %add3A_466 = arith.addf %get3A_462, %get3A_465 : vector<16xf32>
        %mul3A_467 = arith.constant 0.00999999977 : f32
        %mul3A_468 = vector.broadcast %mul3A_467 : f32 to vector<16xf32>
        %mul3A_469 = arith.mulf %mul3A_468, %add3A_466 : vector<16xf32>
        %max3A_470 = arith.maximumf %add3A_466, %mul3A_469 : vector<16xf32>
        %swap3A_471 = arith.index_cast %add3A_447 : i32 to index
        %swap3A_472 = arith.constant 16 : index
        %swap3A_473 = tpu.vector_load %arg13[%swap3A_471, %swap3A_472] {strides = array<i32>} : memref<80x128xf32, #tpu.memory_space<vmem>>, vector<16xf32>,
        tpu.vector_store %arg13[%swap3A_471, %swap3A_472], %max3A_470 {strides = array<i32>} : memref<80x128xf32, #tpu.memory_space<vmem>>, vector<16xf32>,
        %get3A_474 = arith.index_cast %add3A_447 : i32 to index
        %get3A_475 = arith.constant 32 : index
        %get3A_476 = tpu.vector_load %arg13[%get3A_474, %get3A_475] {strides = array<i32>} : memref<80x128xf32, #tpu.memory_space<vmem>>, vector<16xf32>,
        %get3A_477 = arith.index_cast %add3A_447 : i32 to index
        %get3A_478 = arith.constant 32 : index
        %get3A_479 = tpu.vector_load %arg15[%get3A_477, %get3A_478] {strides = array<i32>} : memref<80x128xf32, #tpu.memory_space<vmem>>, vector<16xf32>,
        %add3A_480 = arith.addf %get3A_476, %get3A_479 : vector<16xf32>
        %mul3A_481 = arith.constant 0.00999999977 : f32
        %mul3A_482 = vector.broadcast %mul3A_481 : f32 to vector<16xf32>
        %mul3A_483 = arith.mulf %mul3A_482, %add3A_480 : vector<16xf32>
        %max3A_484 = arith.maximumf %add3A_480, %mul3A_483 : vector<16xf32>
        %swap3A_485 = arith.index_cast %add3A_447 : i32 to index
        %swap3A_486 = arith.constant 32 : index
        %swap3A_487 = tpu.vector_load %arg13[%swap3A_485, %swap3A_486] {strides = array<i32>} : memref<80x128xf32, #tpu.memory_space<vmem>>, vector<16xf32>,
        tpu.vector_store %arg13[%swap3A_485, %swap3A_486], %max3A_484 {strides = array<i32>} : memref<80x128xf32, #tpu.memory_space<vmem>>, vector<16xf32>,
        %get3A_488 = arith.index_cast %add3A_447 : i32 to index
        %get3A_489 = arith.constant 48 : index
        %get3A_490 = tpu.vector_load %arg13[%get3A_488, %get3A_489] {strides = array<i32>} : memref<80x128xf32, #tpu.memory_space<vmem>>, vector<16xf32>,
        %get3A_491 = arith.index_cast %add3A_447 : i32 to index
        %get3A_492 = arith.constant 48 : index
        %get3A_493 = tpu.vector_load %arg15[%get3A_491, %get3A_492] {strides = array<i32>} : memref<80x128xf32, #tpu.memory_space<vmem>>, vector<16xf32>,
        %add3A_494 = arith.addf %get3A_490, %get3A_493 : vector<16xf32>
        %mul3A_495 = arith.constant 0.00999999977 : f32
        %mul3A_496 = vector.broadcast %mul3A_495 : f32 to vector<16xf32>
        %mul3A_497 = arith.mulf %mul3A_496, %add3A_494 : vector<16xf32>
        %max3A_498 = arith.maximumf %add3A_494, %mul3A_497 : vector<16xf32>
        %swap3A_499 = arith.index_cast %add3A_447 : i32 to index
        %swap3A_500 = arith.constant 48 : index
        %swap3A_501 = tpu.vector_load %arg13[%swap3A_499, %swap3A_500] {strides = array<i32>} : memref<80x128xf32, #tpu.memory_space<vmem>>, vector<16xf32>,
        tpu.vector_store %arg13[%swap3A_499, %swap3A_500], %max3A_498 {strides = array<i32>} : memref<80x128xf32, #tpu.memory_space<vmem>>, vector<16xf32>,
        %get3A_502 = arith.index_cast %add3A_447 : i32 to index
        %get3A_503 = arith.constant 64 : index
        %get3A_504 = tpu.vector_load %arg13[%get3A_502, %get3A_503] {strides = array<i32>} : memref<80x128xf32, #tpu.memory_space<vmem>>, vector<16xf32>,
        %get3A_505 = arith.index_cast %add3A_447 : i32 to index
        %get3A_506 = arith.constant 64 : index
        %get3A_507 = tpu.vector_load %arg15[%get3A_505, %get3A_506] {strides = array<i32>} : memref<80x128xf32, #tpu.memory_space<vmem>>, vector<16xf32>,
        %add3A_508 = arith.addf %get3A_504, %get3A_507 : vector<16xf32>
        %mul3A_509 = arith.constant 0.00999999977 : f32
        %mul3A_510 = vector.broadcast %mul3A_509 : f32 to vector<16xf32>
        %mul3A_511 = arith.mulf %mul3A_510, %add3A_508 : vector<16xf32>
        %max3A_512 = arith.maximumf %add3A_508, %mul3A_511 : vector<16xf32>
        %swap3A_513 = arith.index_cast %add3A_447 : i32 to index
        %swap3A_514 = arith.constant 64 : index
        %swap3A_515 = tpu.vector_load %arg13[%swap3A_513, %swap3A_514] {strides = array<i32>} : memref<80x128xf32, #tpu.memory_space<vmem>>, vector<16xf32>,
        tpu.vector_store %arg13[%swap3A_513, %swap3A_514], %max3A_512 {strides = array<i32>} : memref<80x128xf32, #tpu.memory_space<vmem>>, vector<16xf32>,
        %get3A_516 = arith.index_cast %add3A_447 : i32 to index
        %get3A_517 = arith.constant 80 : index
        %get3A_518 = tpu.vector_load %arg13[%get3A_516, %get3A_517] {strides = array<i32>} : memref<80x128xf32, #tpu.memory_space<vmem>>, vector<16xf32>,
        %get3A_519 = arith.index_cast %add3A_447 : i32 to index
        %get3A_520 = arith.constant 80 : index
        %get3A_521 = tpu.vector_load %arg15[%get3A_519, %get3A_520] {strides = array<i32>} : memref<80x128xf32, #tpu.memory_space<vmem>>, vector<16xf32>,
        %add3A_522 = arith.addf %get3A_518, %get3A_521 : vector<16xf32>
        %mul3A_523 = arith.constant 0.00999999977 : f32
        %mul3A_524 = vector.broadcast %mul3A_523 : f32 to vector<16xf32>
        %mul3A_525 = arith.mulf %mul3A_524, %add3A_522 : vector<16xf32>
        %max3A_526 = arith.maximumf %add3A_522, %mul3A_525 : vector<16xf32>
        %swap3A_527 = arith.index_cast %add3A_447 : i32 to index
        %swap3A_528 = arith.constant 80 : index
        %swap3A_529 = tpu.vector_load %arg13[%swap3A_527, %swap3A_528] {strides = array<i32>} : memref<80x128xf32, #tpu.memory_space<vmem>>, vector<16xf32>,
        tpu.vector_store %arg13[%swap3A_527, %swap3A_528], %max3A_526 {strides = array<i32>} : memref<80x128xf32, #tpu.memory_space<vmem>>, vector<16xf32>,
        %get3A_530 = arith.index_cast %add3A_447 : i32 to index
        %get3A_531 = arith.constant 96 : index
        %get3A_532 = tpu.vector_load %arg13[%get3A_530, %get3A_531] {strides = array<i32>} : memref<80x128xf32, #tpu.memory_space<vmem>>, vector<16xf32>,
        %get3A_533 = arith.index_cast %add3A_447 : i32 to index
        %get3A_534 = arith.constant 96 : index
        %get3A_535 = tpu.vector_load %arg15[%get3A_533, %get3A_534] {strides = array<i32>} : memref<80x128xf32, #tpu.memory_space<vmem>>, vector<16xf32>,
        %add3A_536 = arith.addf %get3A_532, %get3A_535 : vector<16xf32>
        %mul3A_537 = arith.constant 0.00999999977 : f32
        %mul3A_538 = vector.broadcast %mul3A_537 : f32 to vector<16xf32>
        %mul3A_539 = arith.mulf %mul3A_538, %add3A_536 : vector<16xf32>
        %max3A_540 = arith.maximumf %add3A_536, %mul3A_539 : vector<16xf32>
        %swap3A_541 = arith.index_cast %add3A_447 : i32 to index
        %swap3A_542 = arith.constant 96 : index
        %swap3A_543 = tpu.vector_load %arg13[%swap3A_541, %swap3A_542] {strides = array<i32>} : memref<80x128xf32, #tpu.memory_space<vmem>>, vector<16xf32>,
        tpu.vector_store %arg13[%swap3A_541, %swap3A_542], %max3A_540 {strides = array<i32>} : memref<80x128xf32, #tpu.memory_space<vmem>>, vector<16xf32>,
        %get3A_544 = arith.index_cast %add3A_447 : i32 to index
        %get3A_545 = arith.constant 112 : index
        %get3A_546 = tpu.vector_load %arg13[%get3A_544, %get3A_545] {strides = array<i32>} : memref<80x128xf32, #tpu.memory_space<vmem>>, vector<16xf32>,
        %get3A_547 = arith.index_cast %add3A_447 : i32 to index
        %get3A_548 = arith.constant 112 : index
        %get3A_549 = tpu.vector_load %arg15[%get3A_547, %get3A_548] {strides = array<i32>} : memref<80x128xf32, #tpu.memory_space<vmem>>, vector<16xf32>,
        %add3A_550 = arith.addf %get3A_546, %get3A_549 : vector<16xf32>
        %mul3A_551 = arith.constant 0.00999999977 : f32
        %mul3A_552 = vector.broadcast %mul3A_551 : f32 to vector<16xf32>
        %mul3A_553 = arith.mulf %mul3A_552, %add3A_550 : vector<16xf32>
        %max3A_554 = arith.maximumf %add3A_550, %mul3A_553 : vector<16xf32>
        %swap3A_555 = arith.index_cast %add3A_447 : i32 to index
        %swap3A_556 = arith.constant 112 : index
        %swap3A_557 = tpu.vector_load %arg13[%swap3A_555, %swap3A_556] {strides = array<i32>} : memref<80x128xf32, #tpu.memory_space<vmem>>, vector<16xf32>,
        tpu.vector_store %arg13[%swap3A_555, %swap3A_556], %max3A_554 {strides = array<i32>} : memref<80x128xf32, #tpu.memory_space<vmem>>, vector<16xf32>,
      }
      %scan3A_427 = arith.constant 80 : i32
      %eq3A_428 = arith.constant 0 : i32
      %eq3A_429 = arith.cmpi eq, %select_n3A_391, %eq3A_428 : i32
      %convert_element_type3A_430 = arith.extui %eq3A_429 : i1 to i32
      %cond3A_431 = arith.constant 0 : i32
      %cond3A_432 = arith.cmpi ne, %convert_element_type3A_430, %cond3A_431 : i32
      scf.if %cond3A_432 {
        %dma_wait3A_443 = arith.constant 0 : i32
        %dma_wait3A_444 = tpu.memref_slice %arg4[%dma_wait3A_443] : memref<640000xi32, #tpu.memory_space<hbm>> -> memref<80xi32, #tpu.memory_space<hbm>>
        %dma_wait3A_445 = arith.constant 0 : i32
        %dma_wait3A_446 = tpu.memref_slice %arg4[%dma_wait3A_445] : memref<640000xi32, #tpu.memory_space<hbm>> -> memref<80xi32, #tpu.memory_space<hbm>>
        tpu.wait_dma2 semaphore(%arg20 : memref<!tpu.dma_semaphore, #tpu.memory_space<semaphore_mem>>) src(%dma_wait3A_446 : memref<80xi32, #tpu.memory_space<hbm>>) dst(%arg9 : memref<80xi32, #tpu.memory_space<vmem>>)
        %dma_start3A_447 = arith.constant 0 : i32
        %dma_start3A_448 = arith.constant 0 : i32
        %dma_start3A_449 = tpu.memref_slice %arg16[%dma_start3A_447, %dma_start3A_448] : memref<10112x128xf32, #tpu.memory_space<vmem_shared>> -> memref<10112x128xf32, #tpu.memory_space<vmem_shared>>
        tpu.enqueue_indirect_dma source(%arg13 : memref<80x128xf32, #tpu.memory_space<vmem>>) target(%dma_start3A_449 : memref<10112x128xf32, #tpu.memory_space<vmem_shared>>) offsets(%arg9 : memref<80xi32, #tpu.memory_space<vmem>>) semaphore(%arg28 : memref<!tpu.dma_semaphore, #tpu.memory_space<semaphore_mem>>) {add = true}
      } else {
      }
      %eq3A_433 = arith.constant 1 : i32
      %eq3A_434 = arith.cmpi eq, %select_n3A_391, %eq3A_433 : i32
      %convert_element_type3A_435 = arith.extui %eq3A_434 : i1 to i32
      %cond3A_436 = arith.constant 0 : i32
      %cond3A_437 = arith.cmpi ne, %convert_element_type3A_435, %cond3A_436 : i32
      scf.if %cond3A_437 {
        %dma_wait3A_443 = arith.constant 0 : i32
        %dma_wait3A_444 = tpu.memref_slice %arg4[%dma_wait3A_443] : memref<640000xi32, #tpu.memory_space<hbm>> -> memref<80xi32, #tpu.memory_space<hbm>>
        %dma_wait3A_445 = arith.constant 0 : i32
        %dma_wait3A_446 = tpu.memref_slice %arg4[%dma_wait3A_445] : memref<640000xi32, #tpu.memory_space<hbm>> -> memref<80xi32, #tpu.memory_space<hbm>>
        tpu.wait_dma2 semaphore(%arg21 : memref<!tpu.dma_semaphore, #tpu.memory_space<semaphore_mem>>) src(%dma_wait3A_446 : memref<80xi32, #tpu.memory_space<hbm>>) dst(%arg10 : memref<80xi32, #tpu.memory_space<vmem>>)
        %dma_start3A_447 = arith.constant 0 : i32
        %dma_start3A_448 = arith.constant 0 : i32
        %dma_start3A_449 = tpu.memref_slice %arg16[%dma_start3A_447, %dma_start3A_448] : memref<10112x128xf32, #tpu.memory_space<vmem_shared>> -> memref<10112x128xf32, #tpu.memory_space<vmem_shared>>
        tpu.enqueue_indirect_dma source(%arg13 : memref<80x128xf32, #tpu.memory_space<vmem>>) target(%dma_start3A_449 : memref<10112x128xf32, #tpu.memory_space<vmem_shared>>) offsets(%arg10 : memref<80xi32, #tpu.memory_space<vmem>>) semaphore(%arg28 : memref<!tpu.dma_semaphore, #tpu.memory_space<semaphore_mem>>) {add = true}
      } else {
      }
      %eq3A_438 = arith.constant 2 : i32
      %eq3A_439 = arith.cmpi eq, %select_n3A_391, %eq3A_438 : i32
      %convert_element_type3A_440 = arith.extui %eq3A_439 : i1 to i32
      %cond3A_441 = arith.constant 0 : i32
      %cond3A_442 = arith.cmpi ne, %convert_element_type3A_440, %cond3A_441 : i32
      scf.if %cond3A_442 {
        %dma_wait3A_443 = arith.constant 0 : i32
        %dma_wait3A_444 = tpu.memref_slice %arg4[%dma_wait3A_443] : memref<640000xi32, #tpu.memory_space<hbm>> -> memref<80xi32, #tpu.memory_space<hbm>>
        %dma_wait3A_445 = arith.constant 0 : i32
        %dma_wait3A_446 = tpu.memref_slice %arg4[%dma_wait3A_445] : memref<640000xi32, #tpu.memory_space<hbm>> -> memref<80xi32, #tpu.memory_space<hbm>>
        tpu.wait_dma2 semaphore(%arg22 : memref<!tpu.dma_semaphore, #tpu.memory_space<semaphore_mem>>) src(%dma_wait3A_446 : memref<80xi32, #tpu.memory_space<hbm>>) dst(%arg11 : memref<80xi32, #tpu.memory_space<vmem>>)
        %dma_start3A_447 = arith.constant 0 : i32
        %dma_start3A_448 = arith.constant 0 : i32
        %dma_start3A_449 = tpu.memref_slice %arg16[%dma_start3A_447, %dma_start3A_448] : memref<10112x128xf32, #tpu.memory_space<vmem_shared>> -> memref<10112x128xf32, #tpu.memory_space<vmem_shared>>
        tpu.enqueue_indirect_dma source(%arg13 : memref<80x128xf32, #tpu.memory_space<vmem>>) target(%dma_start3A_449 : memref<10112x128xf32, #tpu.memory_space<vmem_shared>>) offsets(%arg11 : memref<80xi32, #tpu.memory_space<vmem>>) semaphore(%arg28 : memref<!tpu.dma_semaphore, #tpu.memory_space<semaphore_mem>>) {add = true}
      } else {
      }
    }
    %scan3A_141 = arith.constant 125 : i32
    %dma_wait3A_142 = arith.constant 0 : i32
    %dma_wait3A_143 = arith.constant 0 : i32
    %dma_wait3A_144 = tpu.memref_slice %arg16[%dma_wait3A_142, %dma_wait3A_143] : memref<10112x128xf32, #tpu.memory_space<vmem_shared>> -> memref<10112x128xf32, #tpu.memory_space<vmem_shared>>
    tpu.wait_indirect_dma semaphore(%arg28 : memref<!tpu.dma_semaphore, #tpu.memory_space<semaphore_mem>>) src(%arg13 : memref<80x128xf32, #tpu.memory_space<vmem>>) dst(%dma_wait3A_144 : memref<10112x128xf32, #tpu.memory_space<vmem_shared>>)
    %barrier3A_145 = arith.constant 0 : index
    tpu.barrier barrier_id(%barrier3A_145)
    %add3A_146 = arith.constant 0 : i32
    %add3A_147 = arith.addi %mul3A_1, %add3A_146 : i32
    %add3A_148 = arith.constant 0 : i32
    %add3A_149 = arith.addi %mul3A_1, %add3A_148 : i32
    "tpu.region"() ({
      %run_scoped3A = tpu.sem_alloc : memref<!tpu.dma_semaphore, #tpu.memory_space<semaphore_mem>>
      %dma_start3A_307 = arith.constant 0 : i32
      %dma_start3A_308 = tpu.memref_slice %arg5[%add3A_55, %add3A_149, %dma_start3A_307] : memref<4x10112x128xf32, #tpu.memory_space<hbm>> -> memref<1x80x128xf32, #tpu.memory_space<hbm>>
      %dma_start3A_309 = tpu.memref_squeeze %dma_start3A_308 : memref<1x80x128xf32, #tpu.memory_space<hbm>> -> memref<80x128xf32, #tpu.memory_space<hbm>>
      %dma_start3A_310 = arith.constant 0 : i32
      %dma_start3A_311 = tpu.memref_slice %arg16[%add3A_147, %dma_start3A_310] : memref<10112x128xf32, #tpu.memory_space<vmem_shared>> -> memref<80x128xf32, #tpu.memory_space<vmem_shared>>
      tpu.enqueue_dma source(%dma_start3A_311 : memref<80x128xf32, #tpu.memory_space<vmem_shared>>) target(%dma_start3A_309 : memref<80x128xf32, #tpu.memory_space<hbm>>) target_semaphore(%run_scoped3A : memref<!tpu.dma_semaphore, #tpu.memory_space<semaphore_mem>>)
      %dma_wait3A_312 = arith.constant 0 : i32
      %dma_wait3A_313 = tpu.memref_slice %arg5[%add3A_55, %add3A_149, %dma_wait3A_312] : memref<4x10112x128xf32, #tpu.memory_space<hbm>> -> memref<1x80x128xf32, #tpu.memory_space<hbm>>
      %dma_wait3A_314 = tpu.memref_squeeze %dma_wait3A_313 : memref<1x80x128xf32, #tpu.memory_space<hbm>> -> memref<80x128xf32, #tpu.memory_space<hbm>>
      %dma_wait3A_315 = arith.constant 0 : i32
      %dma_wait3A_316 = tpu.memref_slice %arg16[%add3A_147, %dma_wait3A_315] : memref<10112x128xf32, #tpu.memory_space<vmem_shared>> -> memref<80x128xf32, #tpu.memory_space<vmem_shared>>
      tpu.wait_dma2 semaphore(%run_scoped3A : memref<!tpu.dma_semaphore, #tpu.memory_space<semaphore_mem>>) src(%dma_wait3A_316 : memref<80x128xf32, #tpu.memory_space<vmem_shared>>) dst(%dma_wait3A_314 : memref<80x128xf32, #tpu.memory_space<hbm>>)
      tpu.yield
    }) : () -> ()
    %add3A_150 = arith.constant 80 : i32
    %add3A_151 = arith.addi %mul3A_1, %add3A_150 : i32
    %add3A_152 = arith.constant 80 : i32
    %add3A_153 = arith.addi %mul3A_1, %add3A_152 : i32
    "tpu.region"() ({
      %run_scoped3A = tpu.sem_alloc : memref<!tpu.dma_semaphore, #tpu.memory_space<semaphore_mem>>
      %dma_start3A_307 = arith.constant 0 : i32
      %dma_start3A_308 = tpu.memref_slice %arg5[%add3A_55, %add3A_153, %dma_start3A_307] : memref<4x10112x128xf32, #tpu.memory_space<hbm>> -> memref<1x80x128xf32, #tpu.memory_space<hbm>>
      %dma_start3A_309 = tpu.memref_squeeze %dma_start3A_308 : memref<1x80x128xf32, #tpu.memory_space<hbm>> -> memref<80x128xf32, #tpu.memory_space<hbm>>
      %dma_start3A_310 = arith.constant 0 : i32
      %dma_start3A_311 = tpu.memref_slice %arg16[%add3A_151, %dma_start3A_310] : memref<10112x128xf32, #tpu.memory_space<vmem_shared>> -> memref<80x128xf32, #tpu.memory_space<vmem_shared>>
      tpu.enqueue_dma source(%dma_start3A_311 : memref<80x128xf32, #tpu.memory_space<vmem_shared>>) target(%dma_start3A_309 : memref<80x128xf32, #tpu.memory_space<hbm>>) target_semaphore(%run_scoped3A : memref<!tpu.dma_semaphore, #tpu.memory_space<semaphore_mem>>)
      %dma_wait3A_312 = arith.constant 0 : i32
      %dma_wait3A_313 = tpu.memref_slice %arg5[%add3A_55, %add3A_153, %dma_wait3A_312] : memref<4x10112x128xf32, #tpu.memory_space<hbm>> -> memref<1x80x128xf32, #tpu.memory_space<hbm>>
      %dma_wait3A_314 = tpu.memref_squeeze %dma_wait3A_313 : memref<1x80x128xf32, #tpu.memory_space<hbm>> -> memref<80x128xf32, #tpu.memory_space<hbm>>
      %dma_wait3A_315 = arith.constant 0 : i32
      %dma_wait3A_316 = tpu.memref_slice %arg16[%add3A_151, %dma_wait3A_315] : memref<10112x128xf32, #tpu.memory_space<vmem_shared>> -> memref<80x128xf32, #tpu.memory_space<vmem_shared>>
      tpu.wait_dma2 semaphore(%run_scoped3A : memref<!tpu.dma_semaphore, #tpu.memory_space<semaphore_mem>>) src(%dma_wait3A_316 : memref<80x128xf32, #tpu.memory_space<vmem_shared>>) dst(%dma_wait3A_314 : memref<80x128xf32, #tpu.memory_space<hbm>>)
      tpu.yield
    }) : () -> ()
    %add3A_154 = arith.constant 160 : i32
    %add3A_155 = arith.addi %mul3A_1, %add3A_154 : i32
    %add3A_156 = arith.constant 160 : i32
    %add3A_157 = arith.addi %mul3A_1, %add3A_156 : i32
    "tpu.region"() ({
      %run_scoped3A = tpu.sem_alloc : memref<!tpu.dma_semaphore, #tpu.memory_space<semaphore_mem>>
      %dma_start3A_307 = arith.constant 0 : i32
      %dma_start3A_308 = tpu.memref_slice %arg5[%add3A_55, %add3A_157, %dma_start3A_307] : memref<4x10112x128xf32, #tpu.memory_space<hbm>> -> memref<1x80x128xf32, #tpu.memory_space<hbm>>
      %dma_start3A_309 = tpu.memref_squeeze %dma_start3A_308 : memref<1x80x128xf32, #tpu.memory_space<hbm>> -> memref<80x128xf32, #tpu.memory_space<hbm>>
      %dma_start3A_310 = arith.constant 0 : i32
      %dma_start3A_311 = tpu.memref_slice %arg16[%add3A_155, %dma_start3A_310] : memref<10112x128xf32, #tpu.memory_space<vmem_shared>> -> memref<80x128xf32, #tpu.memory_space<vmem_shared>>
      tpu.enqueue_dma source(%dma_start3A_311 : memref<80x128xf32, #tpu.memory_space<vmem_shared>>) target(%dma_start3A_309 : memref<80x128xf32, #tpu.memory_space<hbm>>) target_semaphore(%run_scoped3A : memref<!tpu.dma_semaphore, #tpu.memory_space<semaphore_mem>>)
      %dma_wait3A_312 = arith.constant 0 : i32
      %dma_wait3A_313 = tpu.memref_slice %arg5[%add3A_55, %add3A_157, %dma_wait3A_312] : memref<4x10112x128xf32, #tpu.memory_space<hbm>> -> memref<1x80x128xf32, #tpu.memory_space<hbm>>
      %dma_wait3A_314 = tpu.memref_squeeze %dma_wait3A_313 : memref<1x80x128xf32, #tpu.memory_space<hbm>> -> memref<80x128xf32, #tpu.memory_space<hbm>>
      %dma_wait3A_315 = arith.constant 0 : i32
      %dma_wait3A_316 = tpu.memref_slice %arg16[%add3A_155, %dma_wait3A_315] : memref<10112x128xf32, #tpu.memory_space<vmem_shared>> -> memref<80x128xf32, #tpu.memory_space<vmem_shared>>
      tpu.wait_dma2 semaphore(%run_scoped3A : memref<!tpu.dma_semaphore, #tpu.memory_space<semaphore_mem>>) src(%dma_wait3A_316 : memref<80x128xf32, #tpu.memory_space<vmem_shared>>) dst(%dma_wait3A_314 : memref<80x128xf32, #tpu.memory_space<hbm>>)
      tpu.yield
    }) : () -> ()
    %add3A_158 = arith.constant 240 : i32
    %add3A_159 = arith.addi %mul3A_1, %add3A_158 : i32
    %add3A_160 = arith.constant 240 : i32
    %add3A_161 = arith.addi %mul3A_1, %add3A_160 : i32
    "tpu.region"() ({
      %run_scoped3A = tpu.sem_alloc : memref<!tpu.dma_semaphore, #tpu.memory_space<semaphore_mem>>
      %dma_start3A_307 = arith.constant 0 : i32
      %dma_start3A_308 = tpu.memref_slice %arg5[%add3A_55, %add3A_161, %dma_start3A_307] : memref<4x10112x128xf32, #tpu.memory_space<hbm>> -> memref<1x80x128xf32, #tpu.memory_space<hbm>>
      %dma_start3A_309 = tpu.memref_squeeze %dma_start3A_308 : memref<1x80x128xf32, #tpu.memory_space<hbm>> -> memref<80x128xf32, #tpu.memory_space<hbm>>
      %dma_start3A_310 = arith.constant 0 : i32
      %dma_start3A_311 = tpu.memref_slice %arg16[%add3A_159, %dma_start3A_310] : memref<10112x128xf32, #tpu.memory_space<vmem_shared>> -> memref<80x128xf32, #tpu.memory_space<vmem_shared>>
      tpu.enqueue_dma source(%dma_start3A_311 : memref<80x128xf32, #tpu.memory_space<vmem_shared>>) target(%dma_start3A_309 : memref<80x128xf32, #tpu.memory_space<hbm>>) target_semaphore(%run_scoped3A : memref<!tpu.dma_semaphore, #tpu.memory_space<semaphore_mem>>)
      %dma_wait3A_312 = arith.constant 0 : i32
      %dma_wait3A_313 = tpu.memref_slice %arg5[%add3A_55, %add3A_161, %dma_wait3A_312] : memref<4x10112x128xf32, #tpu.memory_space<hbm>> -> memref<1x80x128xf32, #tpu.memory_space<hbm>>
      %dma_wait3A_314 = tpu.memref_squeeze %dma_wait3A_313 : memref<1x80x128xf32, #tpu.memory_space<hbm>> -> memref<80x128xf32, #tpu.memory_space<hbm>>
      %dma_wait3A_315 = arith.constant 0 : i32
      %dma_wait3A_316 = tpu.memref_slice %arg16[%add3A_159, %dma_wait3A_315] : memref<10112x128xf32, #tpu.memory_space<vmem_shared>> -> memref<80x128xf32, #tpu.memory_space<vmem_shared>>
      tpu.wait_dma2 semaphore(%run_scoped3A : memref<!tpu.dma_semaphore, #tpu.memory_space<semaphore_mem>>) src(%dma_wait3A_316 : memref<80x128xf32, #tpu.memory_space<vmem_shared>>) dst(%dma_wait3A_314 : memref<80x128xf32, #tpu.memory_space<hbm>>)
      tpu.yield
    }) : () -> ()
    %add3A_162 = arith.constant 320 : i32
    %add3A_163 = arith.addi %mul3A_1, %add3A_162 : i32
    %add3A_164 = arith.constant 320 : i32
    %add3A_165 = arith.addi %mul3A_1, %add3A_164 : i32
    "tpu.region"() ({
      %run_scoped3A = tpu.sem_alloc : memref<!tpu.dma_semaphore, #tpu.memory_space<semaphore_mem>>
      %dma_start3A_307 = arith.constant 0 : i32
      %dma_start3A_308 = tpu.memref_slice %arg5[%add3A_55, %add3A_165, %dma_start3A_307] : memref<4x10112x128xf32, #tpu.memory_space<hbm>> -> memref<1x80x128xf32, #tpu.memory_space<hbm>>
      %dma_start3A_309 = tpu.memref_squeeze %dma_start3A_308 : memref<1x80x128xf32, #tpu.memory_space<hbm>> -> memref<80x128xf32, #tpu.memory_space<hbm>>
      %dma_start3A_310 = arith.constant 0 : i32
      %dma_start3A_311 = tpu.memref_slice %arg16[%add3A_163, %dma_start3A_310] : memref<10112x128xf32, #tpu.memory_space<vmem_shared>> -> memref<80x128xf32, #tpu.memory_space<vmem_shared>>
      tpu.enqueue_dma source(%dma_start3A_311 : memref<80x128xf32, #tpu.memory_space<vmem_shared>>) target(%dma_start3A_309 : memref<80x128xf32, #tpu.memory_space<hbm>>) target_semaphore(%run_scoped3A : memref<!tpu.dma_semaphore, #tpu.memory_space<semaphore_mem>>)
      %dma_wait3A_312 = arith.constant 0 : i32
      %dma_wait3A_313 = tpu.memref_slice %arg5[%add3A_55, %add3A_165, %dma_wait3A_312] : memref<4x10112x128xf32, #tpu.memory_space<hbm>> -> memref<1x80x128xf32, #tpu.memory_space<hbm>>
      %dma_wait3A_314 = tpu.memref_squeeze %dma_wait3A_313 : memref<1x80x128xf32, #tpu.memory_space<hbm>> -> memref<80x128xf32, #tpu.memory_space<hbm>>
      %dma_wait3A_315 = arith.constant 0 : i32
      %dma_wait3A_316 = tpu.memref_slice %arg16[%add3A_163, %dma_wait3A_315] : memref<10112x128xf32, #tpu.memory_space<vmem_shared>> -> memref<80x128xf32, #tpu.memory_space<vmem_shared>>
      tpu.wait_dma2 semaphore(%run_scoped3A : memref<!tpu.dma_semaphore, #tpu.memory_space<semaphore_mem>>) src(%dma_wait3A_316 : memref<80x128xf32, #tpu.memory_space<vmem_shared>>) dst(%dma_wait3A_314 : memref<80x128xf32, #tpu.memory_space<hbm>>)
      tpu.yield
    }) : () -> ()
    %add3A_166 = arith.constant 400 : i32
    %add3A_167 = arith.addi %mul3A_1, %add3A_166 : i32
    %add3A_168 = arith.constant 400 : i32
    %add3A_169 = arith.addi %mul3A_1, %add3A_168 : i32
    "tpu.region"() ({
      %run_scoped3A = tpu.sem_alloc : memref<!tpu.dma_semaphore, #tpu.memory_space<semaphore_mem>>
      %dma_start3A_307 = arith.constant 0 : i32
      %dma_start3A_308 = tpu.memref_slice %arg5[%add3A_55, %add3A_169, %dma_start3A_307] : memref<4x10112x128xf32, #tpu.memory_space<hbm>> -> memref<1x80x128xf32, #tpu.memory_space<hbm>>
      %dma_start3A_309 = tpu.memref_squeeze %dma_start3A_308 : memref<1x80x128xf32, #tpu.memory_space<hbm>> -> memref<80x128xf32, #tpu.memory_space<hbm>>
      %dma_start3A_310 = arith.constant 0 : i32
      %dma_start3A_311 = tpu.memref_slice %arg16[%add3A_167, %dma_start3A_310] : memref<10112x128xf32, #tpu.memory_space<vmem_shared>> -> memref<80x128xf32, #tpu.memory_space<vmem_shared>>
      tpu.enqueue_dma source(%dma_start3A_311 : memref<80x128xf32, #tpu.memory_space<vmem_shared>>) target(%dma_start3A_309 : memref<80x128xf32, #tpu.memory_space<hbm>>) target_semaphore(%run_scoped3A : memref<!tpu.dma_semaphore, #tpu.memory_space<semaphore_mem>>)
      %dma_wait3A_312 = arith.constant 0 : i32
      %dma_wait3A_313 = tpu.memref_slice %arg5[%add3A_55, %add3A_169, %dma_wait3A_312] : memref<4x10112x128xf32, #tpu.memory_space<hbm>> -> memref<1x80x128xf32, #tpu.memory_space<hbm>>
      %dma_wait3A_314 = tpu.memref_squeeze %dma_wait3A_313 : memref<1x80x128xf32, #tpu.memory_space<hbm>> -> memref<80x128xf32, #tpu.memory_space<hbm>>
      %dma_wait3A_315 = arith.constant 0 : i32
      %dma_wait3A_316 = tpu.memref_slice %arg16[%add3A_167, %dma_wait3A_315] : memref<10112x128xf32, #tpu.memory_space<vmem_shared>> -> memref<80x128xf32, #tpu.memory_space<vmem_shared>>
      tpu.wait_dma2 semaphore(%run_scoped3A : memref<!tpu.dma_semaphore, #tpu.memory_space<semaphore_mem>>) src(%dma_wait3A_316 : memref<80x128xf32, #tpu.memory_space<vmem_shared>>) dst(%dma_wait3A_314 : memref<80x128xf32, #tpu.memory_space<hbm>>)
      tpu.yield
    }) : () -> ()
    %add3A_170 = arith.constant 480 : i32
    %add3A_171 = arith.addi %mul3A_1, %add3A_170 : i32
    %add3A_172 = arith.constant 480 : i32
    %add3A_173 = arith.addi %mul3A_1, %add3A_172 : i32
    "tpu.region"() ({
      %run_scoped3A = tpu.sem_alloc : memref<!tpu.dma_semaphore, #tpu.memory_space<semaphore_mem>>
      %dma_start3A_307 = arith.constant 0 : i32
      %dma_start3A_308 = tpu.memref_slice %arg5[%add3A_55, %add3A_173, %dma_start3A_307] : memref<4x10112x128xf32, #tpu.memory_space<hbm>> -> memref<1x80x128xf32, #tpu.memory_space<hbm>>
      %dma_start3A_309 = tpu.memref_squeeze %dma_start3A_308 : memref<1x80x128xf32, #tpu.memory_space<hbm>> -> memref<80x128xf32, #tpu.memory_space<hbm>>
      %dma_start3A_310 = arith.constant 0 : i32
      %dma_start3A_311 = tpu.memref_slice %arg16[%add3A_171, %dma_start3A_310] : memref<10112x128xf32, #tpu.memory_space<vmem_shared>> -> memref<80x128xf32, #tpu.memory_space<vmem_shared>>
      tpu.enqueue_dma source(%dma_start3A_311 : memref<80x128xf32, #tpu.memory_space<vmem_shared>>) target(%dma_start3A_309 : memref<80x128xf32, #tpu.memory_space<hbm>>) target_semaphore(%run_scoped3A : memref<!tpu.dma_semaphore, #tpu.memory_space<semaphore_mem>>)
      %dma_wait3A_312 = arith.constant 0 : i32
      %dma_wait3A_313 = tpu.memref_slice %arg5[%add3A_55, %add3A_173, %dma_wait3A_312] : memref<4x10112x128xf32, #tpu.memory_space<hbm>> -> memref<1x80x128xf32, #tpu.memory_space<hbm>>
      %dma_wait3A_314 = tpu.memref_squeeze %dma_wait3A_313 : memref<1x80x128xf32, #tpu.memory_space<hbm>> -> memref<80x128xf32, #tpu.memory_space<hbm>>
      %dma_wait3A_315 = arith.constant 0 : i32
      %dma_wait3A_316 = tpu.memref_slice %arg16[%add3A_171, %dma_wait3A_315] : memref<10112x128xf32, #tpu.memory_space<vmem_shared>> -> memref<80x128xf32, #tpu.memory_space<vmem_shared>>
      tpu.wait_dma2 semaphore(%run_scoped3A : memref<!tpu.dma_semaphore, #tpu.memory_space<semaphore_mem>>) src(%dma_wait3A_316 : memref<80x128xf32, #tpu.memory_space<vmem_shared>>) dst(%dma_wait3A_314 : memref<80x128xf32, #tpu.memory_space<hbm>>)
      tpu.yield
    }) : () -> ()
    %add3A_174 = arith.constant 560 : i32
    %add3A_175 = arith.addi %mul3A_1, %add3A_174 : i32
    %add3A_176 = arith.constant 560 : i32
    %add3A_177 = arith.addi %mul3A_1, %add3A_176 : i32
    "tpu.region"() ({
      %run_scoped3A = tpu.sem_alloc : memref<!tpu.dma_semaphore, #tpu.memory_space<semaphore_mem>>
      %dma_start3A_307 = arith.constant 0 : i32
      %dma_start3A_308 = tpu.memref_slice %arg5[%add3A_55, %add3A_177, %dma_start3A_307] : memref<4x10112x128xf32, #tpu.memory_space<hbm>> -> memref<1x72x128xf32, #tpu.memory_space<hbm>>
      %dma_start3A_309 = tpu.memref_squeeze %dma_start3A_308 : memref<1x72x128xf32, #tpu.memory_space<hbm>> -> memref<72x128xf32, #tpu.memory_space<hbm>>
      %dma_start3A_310 = arith.constant 0 : i32
      %dma_start3A_311 = tpu.memref_slice %arg16[%add3A_175, %dma_start3A_310] : memref<10112x128xf32, #tpu.memory_space<vmem_shared>> -> memref<72x128xf32, #tpu.memory_space<vmem_shared>>
      tpu.enqueue_dma source(%dma_start3A_311 : memref<72x128xf32, #tpu.memory_space<vmem_shared>>) target(%dma_start3A_309 : memref<72x128xf32, #tpu.memory_space<hbm>>) target_semaphore(%run_scoped3A : memref<!tpu.dma_semaphore, #tpu.memory_space<semaphore_mem>>)
      %dma_wait3A_312 = arith.constant 0 : i32
      %dma_wait3A_313 = tpu.memref_slice %arg5[%add3A_55, %add3A_177, %dma_wait3A_312] : memref<4x10112x128xf32, #tpu.memory_space<hbm>> -> memref<1x72x128xf32, #tpu.memory_space<hbm>>
      %dma_wait3A_314 = tpu.memref_squeeze %dma_wait3A_313 : memref<1x72x128xf32, #tpu.memory_space<hbm>> -> memref<72x128xf32, #tpu.memory_space<hbm>>
      %dma_wait3A_315 = arith.constant 0 : i32
      %dma_wait3A_316 = tpu.memref_slice %arg16[%add3A_175, %dma_wait3A_315] : memref<10112x128xf32, #tpu.memory_space<vmem_shared>> -> memref<72x128xf32, #tpu.memory_space<vmem_shared>>
      tpu.wait_dma2 semaphore(%run_scoped3A : memref<!tpu.dma_semaphore, #tpu.memory_space<semaphore_mem>>) src(%dma_wait3A_316 : memref<72x128xf32, #tpu.memory_space<vmem_shared>>) dst(%dma_wait3A_314 : memref<72x128xf32, #tpu.memory_space<hbm>>)
      tpu.yield
    }) : () -> ()
    %barrier3A_178 = arith.constant 0 : index
    tpu.barrier barrier_id(%barrier3A_178)
    %mul3A_179 = arith.constant 2 : i32
    %mul3A_180 = arith.muli %mul3A_179, %arg0 : i32
    %add3A_181 = arith.constant 1 : i32
    %add3A_182 = arith.addi %mul3A_180, %add3A_181 : i32
    %scan3A_183 = arith.constant 0 : i32
    %scan3A_184 = arith.constant 80 : i32
    %scan3A_185 = arith.addi %scan3A_183, %scan3A_184 : i32
    %scan3A_186 = arith.constant 1 : i32
    scf.for %scan3A_307 = %scan3A_183 to %scan3A_185 step %scan3A_186  : i32 {
      %mul3A_308 = arith.constant 1 : i32
      %mul3A_309 = arith.muli %scan3A_307, %mul3A_308 : i32
      %add3A_310 = arith.constant 0 : i32
      %add3A_311 = arith.addi %add3A_310, %mul3A_309 : i32
      %swap3A_312 = arith.index_cast %add3A_311 : i32 to index
      %swap3A_313 = arith.constant 0 : index
      %swap3A_314 = tpu.vector_load %arg14[%swap3A_312, %swap3A_313] {strides = array<i32>} : memref<80x128xf32, #tpu.memory_space<vmem>>, vector<16xf32>,
      tpu.vector_store %arg14[%swap3A_312, %swap3A_313], %broadcast_in_dim3A_0 {strides = array<i32>} : memref<80x128xf32, #tpu.memory_space<vmem>>, vector<16xf32>,
      %swap3A_315 = arith.index_cast %add3A_311 : i32 to index
      %swap3A_316 = arith.constant 16 : index
      %swap3A_317 = tpu.vector_load %arg14[%swap3A_315, %swap3A_316] {strides = array<i32>} : memref<80x128xf32, #tpu.memory_space<vmem>>, vector<16xf32>,
      tpu.vector_store %arg14[%swap3A_315, %swap3A_316], %broadcast_in_dim3A_0 {strides = array<i32>} : memref<80x128xf32, #tpu.memory_space<vmem>>, vector<16xf32>,
      %swap3A_318 = arith.index_cast %add3A_311 : i32 to index
      %swap3A_319 = arith.constant 32 : index
      %swap3A_320 = tpu.vector_load %arg14[%swap3A_318, %swap3A_319] {strides = array<i32>} : memref<80x128xf32, #tpu.memory_space<vmem>>, vector<16xf32>,
      tpu.vector_store %arg14[%swap3A_318, %swap3A_319], %broadcast_in_dim3A_0 {strides = array<i32>} : memref<80x128xf32, #tpu.memory_space<vmem>>, vector<16xf32>,
      %swap3A_321 = arith.index_cast %add3A_311 : i32 to index
      %swap3A_322 = arith.constant 48 : index
      %swap3A_323 = tpu.vector_load %arg14[%swap3A_321, %swap3A_322] {strides = array<i32>} : memref<80x128xf32, #tpu.memory_space<vmem>>, vector<16xf32>,
      tpu.vector_store %arg14[%swap3A_321, %swap3A_322], %broadcast_in_dim3A_0 {strides = array<i32>} : memref<80x128xf32, #tpu.memory_space<vmem>>, vector<16xf32>,
      %swap3A_324 = arith.index_cast %add3A_311 : i32 to index
      %swap3A_325 = arith.constant 64 : index
      %swap3A_326 = tpu.vector_load %arg14[%swap3A_324, %swap3A_325] {strides = array<i32>} : memref<80x128xf32, #tpu.memory_space<vmem>>, vector<16xf32>,
      tpu.vector_store %arg14[%swap3A_324, %swap3A_325], %broadcast_in_dim3A_0 {strides = array<i32>} : memref<80x128xf32, #tpu.memory_space<vmem>>, vector<16xf32>,
      %swap3A_327 = arith.index_cast %add3A_311 : i32 to index
      %swap3A_328 = arith.constant 80 : index
      %swap3A_329 = tpu.vector_load %arg14[%swap3A_327, %swap3A_328] {strides = array<i32>} : memref<80x128xf32, #tpu.memory_space<vmem>>, vector<16xf32>,
      tpu.vector_store %arg14[%swap3A_327, %swap3A_328], %broadcast_in_dim3A_0 {strides = array<i32>} : memref<80x128xf32, #tpu.memory_space<vmem>>, vector<16xf32>,
      %swap3A_330 = arith.index_cast %add3A_311 : i32 to index
      %swap3A_331 = arith.constant 96 : index
      %swap3A_332 = tpu.vector_load %arg14[%swap3A_330, %swap3A_331] {strides = array<i32>} : memref<80x128xf32, #tpu.memory_space<vmem>>, vector<16xf32>,
      tpu.vector_store %arg14[%swap3A_330, %swap3A_331], %broadcast_in_dim3A_0 {strides = array<i32>} : memref<80x128xf32, #tpu.memory_space<vmem>>, vector<16xf32>,
      %swap3A_333 = arith.index_cast %add3A_311 : i32 to index
      %swap3A_334 = arith.constant 112 : index
      %swap3A_335 = tpu.vector_load %arg14[%swap3A_333, %swap3A_334] {strides = array<i32>} : memref<80x128xf32, #tpu.memory_space<vmem>>, vector<16xf32>,
      tpu.vector_store %arg14[%swap3A_333, %swap3A_334], %broadcast_in_dim3A_0 {strides = array<i32>} : memref<80x128xf32, #tpu.memory_space<vmem>>, vector<16xf32>,
    }
    %scan3A_187 = arith.constant 80 : i32
    %add3A_188 = arith.constant 0 : i32
    %add3A_189 = arith.addi %mul3A_1, %add3A_188 : i32
    "tpu.region"() ({
      %run_scoped3A = tpu.sem_alloc : memref<!tpu.dma_semaphore, #tpu.memory_space<semaphore_mem>>
      %dma_start3A_307 = arith.constant 0 : i32
      %dma_start3A_308 = arith.constant 0 : i32
      %dma_start3A_309 = tpu.memref_slice %arg14[%dma_start3A_307, %dma_start3A_308] : memref<80x128xf32, #tpu.memory_space<vmem>> -> memref<80x128xf32, #tpu.memory_space<vmem>>
      %dma_start3A_310 = arith.constant 0 : i32
      %dma_start3A_311 = tpu.memref_slice %arg16[%add3A_189, %dma_start3A_310] : memref<10112x128xf32, #tpu.memory_space<vmem_shared>> -> memref<80x128xf32, #tpu.memory_space<vmem_shared>>
      %dma_start3A_312 = arith.constant 0 : i32
      %dma_start3A_313 = tpu.memref_slice %arg16[%add3A_189, %dma_start3A_312] : memref<10112x128xf32, #tpu.memory_space<vmem_shared>> -> memref<80x128xf32, #tpu.memory_space<vmem_shared>>
      %dma_start3A_314 = arith.constant 0 : i32
      %dma_start3A_315 = arith.constant 0 : i32
      %dma_start3A_316 = tpu.memref_slice %arg14[%dma_start3A_314, %dma_start3A_315] : memref<80x128xf32, #tpu.memory_space<vmem>> -> memref<80x128xf32, #tpu.memory_space<vmem>>
      tpu.enqueue_dma source(%dma_start3A_316 : memref<80x128xf32, #tpu.memory_space<vmem>>) target(%dma_start3A_313 : memref<80x128xf32, #tpu.memory_space<vmem_shared>>) target_semaphore(%run_scoped3A : memref<!tpu.dma_semaphore, #tpu.memory_space<semaphore_mem>>)
      %dma_wait3A_317 = arith.constant 0 : i32
      %dma_wait3A_318 = arith.constant 0 : i32
      %dma_wait3A_319 = tpu.memref_slice %arg14[%dma_wait3A_317, %dma_wait3A_318] : memref<80x128xf32, #tpu.memory_space<vmem>> -> memref<80x128xf32, #tpu.memory_space<vmem>>
      %dma_wait3A_320 = arith.constant 0 : i32
      %dma_wait3A_321 = tpu.memref_slice %arg16[%add3A_189, %dma_wait3A_320] : memref<10112x128xf32, #tpu.memory_space<vmem_shared>> -> memref<80x128xf32, #tpu.memory_space<vmem_shared>>
      %dma_wait3A_322 = arith.constant 0 : i32
      %dma_wait3A_323 = tpu.memref_slice %arg16[%add3A_189, %dma_wait3A_322] : memref<10112x128xf32, #tpu.memory_space<vmem_shared>> -> memref<80x128xf32, #tpu.memory_space<vmem_shared>>
      %dma_wait3A_324 = arith.constant 0 : i32
      %dma_wait3A_325 = arith.constant 0 : i32
      %dma_wait3A_326 = tpu.memref_slice %arg14[%dma_wait3A_324, %dma_wait3A_325] : memref<80x128xf32, #tpu.memory_space<vmem>> -> memref<80x128xf32, #tpu.memory_space<vmem>>
      tpu.wait_dma2 semaphore(%run_scoped3A : memref<!tpu.dma_semaphore, #tpu.memory_space<semaphore_mem>>) src(%dma_wait3A_326 : memref<80x128xf32, #tpu.memory_space<vmem>>) dst(%dma_wait3A_323 : memref<80x128xf32, #tpu.memory_space<vmem_shared>>)
      tpu.yield
    }) : () -> ()
    %add3A_190 = arith.constant 80 : i32
    %add3A_191 = arith.addi %mul3A_1, %add3A_190 : i32
    "tpu.region"() ({
      %run_scoped3A = tpu.sem_alloc : memref<!tpu.dma_semaphore, #tpu.memory_space<semaphore_mem>>
      %dma_start3A_307 = arith.constant 0 : i32
      %dma_start3A_308 = arith.constant 0 : i32
      %dma_start3A_309 = tpu.memref_slice %arg14[%dma_start3A_307, %dma_start3A_308] : memref<80x128xf32, #tpu.memory_space<vmem>> -> memref<80x128xf32, #tpu.memory_space<vmem>>
      %dma_start3A_310 = arith.constant 0 : i32
      %dma_start3A_311 = tpu.memref_slice %arg16[%add3A_191, %dma_start3A_310] : memref<10112x128xf32, #tpu.memory_space<vmem_shared>> -> memref<80x128xf32, #tpu.memory_space<vmem_shared>>
      %dma_start3A_312 = arith.constant 0 : i32
      %dma_start3A_313 = tpu.memref_slice %arg16[%add3A_191, %dma_start3A_312] : memref<10112x128xf32, #tpu.memory_space<vmem_shared>> -> memref<80x128xf32, #tpu.memory_space<vmem_shared>>
      %dma_start3A_314 = arith.constant 0 : i32
      %dma_start3A_315 = arith.constant 0 : i32
      %dma_start3A_316 = tpu.memref_slice %arg14[%dma_start3A_314, %dma_start3A_315] : memref<80x128xf32, #tpu.memory_space<vmem>> -> memref<80x128xf32, #tpu.memory_space<vmem>>
      tpu.enqueue_dma source(%dma_start3A_316 : memref<80x128xf32, #tpu.memory_space<vmem>>) target(%dma_start3A_313 : memref<80x128xf32, #tpu.memory_space<vmem_shared>>) target_semaphore(%run_scoped3A : memref<!tpu.dma_semaphore, #tpu.memory_space<semaphore_mem>>)
      %dma_wait3A_317 = arith.constant 0 : i32
      %dma_wait3A_318 = arith.constant 0 : i32
      %dma_wait3A_319 = tpu.memref_slice %arg14[%dma_wait3A_317, %dma_wait3A_318] : memref<80x128xf32, #tpu.memory_space<vmem>> -> memref<80x128xf32, #tpu.memory_space<vmem>>
      %dma_wait3A_320 = arith.constant 0 : i32
      %dma_wait3A_321 = tpu.memref_slice %arg16[%add3A_191, %dma_wait3A_320] : memref<10112x128xf32, #tpu.memory_space<vmem_shared>> -> memref<80x128xf32, #tpu.memory_space<vmem_shared>>
      %dma_wait3A_322 = arith.constant 0 : i32
      %dma_wait3A_323 = tpu.memref_slice %arg16[%add3A_191, %dma_wait3A_322] : memref<10112x128xf32, #tpu.memory_space<vmem_shared>> -> memref<80x128xf32, #tpu.memory_space<vmem_shared>>
      %dma_wait3A_324 = arith.constant 0 : i32
      %dma_wait3A_325 = arith.constant 0 : i32
      %dma_wait3A_326 = tpu.memref_slice %arg14[%dma_wait3A_324, %dma_wait3A_325] : memref<80x128xf32, #tpu.memory_space<vmem>> -> memref<80x128xf32, #tpu.memory_space<vmem>>
      tpu.wait_dma2 semaphore(%run_scoped3A : memref<!tpu.dma_semaphore, #tpu.memory_space<semaphore_mem>>) src(%dma_wait3A_326 : memref<80x128xf32, #tpu.memory_space<vmem>>) dst(%dma_wait3A_323 : memref<80x128xf32, #tpu.memory_space<vmem_shared>>)
      tpu.yield
    }) : () -> ()
    %add3A_192 = arith.constant 160 : i32
    %add3A_193 = arith.addi %mul3A_1, %add3A_192 : i32
    "tpu.region"() ({
      %run_scoped3A = tpu.sem_alloc : memref<!tpu.dma_semaphore, #tpu.memory_space<semaphore_mem>>
      %dma_start3A_307 = arith.constant 0 : i32
      %dma_start3A_308 = arith.constant 0 : i32
      %dma_start3A_309 = tpu.memref_slice %arg14[%dma_start3A_307, %dma_start3A_308] : memref<80x128xf32, #tpu.memory_space<vmem>> -> memref<80x128xf32, #tpu.memory_space<vmem>>
      %dma_start3A_310 = arith.constant 0 : i32
      %dma_start3A_311 = tpu.memref_slice %arg16[%add3A_193, %dma_start3A_310] : memref<10112x128xf32, #tpu.memory_space<vmem_shared>> -> memref<80x128xf32, #tpu.memory_space<vmem_shared>>
      %dma_start3A_312 = arith.constant 0 : i32
      %dma_start3A_313 = tpu.memref_slice %arg16[%add3A_193, %dma_start3A_312] : memref<10112x128xf32, #tpu.memory_space<vmem_shared>> -> memref<80x128xf32, #tpu.memory_space<vmem_shared>>
      %dma_start3A_314 = arith.constant 0 : i32
      %dma_start3A_315 = arith.constant 0 : i32
      %dma_start3A_316 = tpu.memref_slice %arg14[%dma_start3A_314, %dma_start3A_315] : memref<80x128xf32, #tpu.memory_space<vmem>> -> memref<80x128xf32, #tpu.memory_space<vmem>>
      tpu.enqueue_dma source(%dma_start3A_316 : memref<80x128xf32, #tpu.memory_space<vmem>>) target(%dma_start3A_313 : memref<80x128xf32, #tpu.memory_space<vmem_shared>>) target_semaphore(%run_scoped3A : memref<!tpu.dma_semaphore, #tpu.memory_space<semaphore_mem>>)
      %dma_wait3A_317 = arith.constant 0 : i32
      %dma_wait3A_318 = arith.constant 0 : i32
      %dma_wait3A_319 = tpu.memref_slice %arg14[%dma_wait3A_317, %dma_wait3A_318] : memref<80x128xf32, #tpu.memory_space<vmem>> -> memref<80x128xf32, #tpu.memory_space<vmem>>
      %dma_wait3A_320 = arith.constant 0 : i32
      %dma_wait3A_321 = tpu.memref_slice %arg16[%add3A_193, %dma_wait3A_320] : memref<10112x128xf32, #tpu.memory_space<vmem_shared>> -> memref<80x128xf32, #tpu.memory_space<vmem_shared>>
      %dma_wait3A_322 = arith.constant 0 : i32
      %dma_wait3A_323 = tpu.memref_slice %arg16[%add3A_193, %dma_wait3A_322] : memref<10112x128xf32, #tpu.memory_space<vmem_shared>> -> memref<80x128xf32, #tpu.memory_space<vmem_shared>>
      %dma_wait3A_324 = arith.constant 0 : i32
      %dma_wait3A_325 = arith.constant 0 : i32
      %dma_wait3A_326 = tpu.memref_slice %arg14[%dma_wait3A_324, %dma_wait3A_325] : memref<80x128xf32, #tpu.memory_space<vmem>> -> memref<80x128xf32, #tpu.memory_space<vmem>>
      tpu.wait_dma2 semaphore(%run_scoped3A : memref<!tpu.dma_semaphore, #tpu.memory_space<semaphore_mem>>) src(%dma_wait3A_326 : memref<80x128xf32, #tpu.memory_space<vmem>>) dst(%dma_wait3A_323 : memref<80x128xf32, #tpu.memory_space<vmem_shared>>)
      tpu.yield
    }) : () -> ()
    %add3A_194 = arith.constant 240 : i32
    %add3A_195 = arith.addi %mul3A_1, %add3A_194 : i32
    "tpu.region"() ({
      %run_scoped3A = tpu.sem_alloc : memref<!tpu.dma_semaphore, #tpu.memory_space<semaphore_mem>>
      %dma_start3A_307 = arith.constant 0 : i32
      %dma_start3A_308 = arith.constant 0 : i32
      %dma_start3A_309 = tpu.memref_slice %arg14[%dma_start3A_307, %dma_start3A_308] : memref<80x128xf32, #tpu.memory_space<vmem>> -> memref<80x128xf32, #tpu.memory_space<vmem>>
      %dma_start3A_310 = arith.constant 0 : i32
      %dma_start3A_311 = tpu.memref_slice %arg16[%add3A_195, %dma_start3A_310] : memref<10112x128xf32, #tpu.memory_space<vmem_shared>> -> memref<80x128xf32, #tpu.memory_space<vmem_shared>>
      %dma_start3A_312 = arith.constant 0 : i32
      %dma_start3A_313 = tpu.memref_slice %arg16[%add3A_195, %dma_start3A_312] : memref<10112x128xf32, #tpu.memory_space<vmem_shared>> -> memref<80x128xf32, #tpu.memory_space<vmem_shared>>
      %dma_start3A_314 = arith.constant 0 : i32
      %dma_start3A_315 = arith.constant 0 : i32
      %dma_start3A_316 = tpu.memref_slice %arg14[%dma_start3A_314, %dma_start3A_315] : memref<80x128xf32, #tpu.memory_space<vmem>> -> memref<80x128xf32, #tpu.memory_space<vmem>>
      tpu.enqueue_dma source(%dma_start3A_316 : memref<80x128xf32, #tpu.memory_space<vmem>>) target(%dma_start3A_313 : memref<80x128xf32, #tpu.memory_space<vmem_shared>>) target_semaphore(%run_scoped3A : memref<!tpu.dma_semaphore, #tpu.memory_space<semaphore_mem>>)
      %dma_wait3A_317 = arith.constant 0 : i32
      %dma_wait3A_318 = arith.constant 0 : i32
      %dma_wait3A_319 = tpu.memref_slice %arg14[%dma_wait3A_317, %dma_wait3A_318] : memref<80x128xf32, #tpu.memory_space<vmem>> -> memref<80x128xf32, #tpu.memory_space<vmem>>
      %dma_wait3A_320 = arith.constant 0 : i32
      %dma_wait3A_321 = tpu.memref_slice %arg16[%add3A_195, %dma_wait3A_320] : memref<10112x128xf32, #tpu.memory_space<vmem_shared>> -> memref<80x128xf32, #tpu.memory_space<vmem_shared>>
      %dma_wait3A_322 = arith.constant 0 : i32
      %dma_wait3A_323 = tpu.memref_slice %arg16[%add3A_195, %dma_wait3A_322] : memref<10112x128xf32, #tpu.memory_space<vmem_shared>> -> memref<80x128xf32, #tpu.memory_space<vmem_shared>>
      %dma_wait3A_324 = arith.constant 0 : i32
      %dma_wait3A_325 = arith.constant 0 : i32
      %dma_wait3A_326 = tpu.memref_slice %arg14[%dma_wait3A_324, %dma_wait3A_325] : memref<80x128xf32, #tpu.memory_space<vmem>> -> memref<80x128xf32, #tpu.memory_space<vmem>>
      tpu.wait_dma2 semaphore(%run_scoped3A : memref<!tpu.dma_semaphore, #tpu.memory_space<semaphore_mem>>) src(%dma_wait3A_326 : memref<80x128xf32, #tpu.memory_space<vmem>>) dst(%dma_wait3A_323 : memref<80x128xf32, #tpu.memory_space<vmem_shared>>)
      tpu.yield
    }) : () -> ()
    %add3A_196 = arith.constant 320 : i32
    %add3A_197 = arith.addi %mul3A_1, %add3A_196 : i32
    "tpu.region"() ({
      %run_scoped3A = tpu.sem_alloc : memref<!tpu.dma_semaphore, #tpu.memory_space<semaphore_mem>>
      %dma_start3A_307 = arith.constant 0 : i32
      %dma_start3A_308 = arith.constant 0 : i32
      %dma_start3A_309 = tpu.memref_slice %arg14[%dma_start3A_307, %dma_start3A_308] : memref<80x128xf32, #tpu.memory_space<vmem>> -> memref<80x128xf32, #tpu.memory_space<vmem>>
      %dma_start3A_310 = arith.constant 0 : i32
      %dma_start3A_311 = tpu.memref_slice %arg16[%add3A_197, %dma_start3A_310] : memref<10112x128xf32, #tpu.memory_space<vmem_shared>> -> memref<80x128xf32, #tpu.memory_space<vmem_shared>>
      %dma_start3A_312 = arith.constant 0 : i32
      %dma_start3A_313 = tpu.memref_slice %arg16[%add3A_197, %dma_start3A_312] : memref<10112x128xf32, #tpu.memory_space<vmem_shared>> -> memref<80x128xf32, #tpu.memory_space<vmem_shared>>
      %dma_start3A_314 = arith.constant 0 : i32
      %dma_start3A_315 = arith.constant 0 : i32
      %dma_start3A_316 = tpu.memref_slice %arg14[%dma_start3A_314, %dma_start3A_315] : memref<80x128xf32, #tpu.memory_space<vmem>> -> memref<80x128xf32, #tpu.memory_space<vmem>>
      tpu.enqueue_dma source(%dma_start3A_316 : memref<80x128xf32, #tpu.memory_space<vmem>>) target(%dma_start3A_313 : memref<80x128xf32, #tpu.memory_space<vmem_shared>>) target_semaphore(%run_scoped3A : memref<!tpu.dma_semaphore, #tpu.memory_space<semaphore_mem>>)
      %dma_wait3A_317 = arith.constant 0 : i32
      %dma_wait3A_318 = arith.constant 0 : i32
      %dma_wait3A_319 = tpu.memref_slice %arg14[%dma_wait3A_317, %dma_wait3A_318] : memref<80x128xf32, #tpu.memory_space<vmem>> -> memref<80x128xf32, #tpu.memory_space<vmem>>
      %dma_wait3A_320 = arith.constant 0 : i32
      %dma_wait3A_321 = tpu.memref_slice %arg16[%add3A_197, %dma_wait3A_320] : memref<10112x128xf32, #tpu.memory_space<vmem_shared>> -> memref<80x128xf32, #tpu.memory_space<vmem_shared>>
      %dma_wait3A_322 = arith.constant 0 : i32
      %dma_wait3A_323 = tpu.memref_slice %arg16[%add3A_197, %dma_wait3A_322] : memref<10112x128xf32, #tpu.memory_space<vmem_shared>> -> memref<80x128xf32, #tpu.memory_space<vmem_shared>>
      %dma_wait3A_324 = arith.constant 0 : i32
      %dma_wait3A_325 = arith.constant 0 : i32
      %dma_wait3A_326 = tpu.memref_slice %arg14[%dma_wait3A_324, %dma_wait3A_325] : memref<80x128xf32, #tpu.memory_space<vmem>> -> memref<80x128xf32, #tpu.memory_space<vmem>>
      tpu.wait_dma2 semaphore(%run_scoped3A : memref<!tpu.dma_semaphore, #tpu.memory_space<semaphore_mem>>) src(%dma_wait3A_326 : memref<80x128xf32, #tpu.memory_space<vmem>>) dst(%dma_wait3A_323 : memref<80x128xf32, #tpu.memory_space<vmem_shared>>)
      tpu.yield
    }) : () -> ()
    %add3A_198 = arith.constant 400 : i32
    %add3A_199 = arith.addi %mul3A_1, %add3A_198 : i32
    "tpu.region"() ({
      %run_scoped3A = tpu.sem_alloc : memref<!tpu.dma_semaphore, #tpu.memory_space<semaphore_mem>>
      %dma_start3A_307 = arith.constant 0 : i32
      %dma_start3A_308 = arith.constant 0 : i32
      %dma_start3A_309 = tpu.memref_slice %arg14[%dma_start3A_307, %dma_start3A_308] : memref<80x128xf32, #tpu.memory_space<vmem>> -> memref<80x128xf32, #tpu.memory_space<vmem>>
      %dma_start3A_310 = arith.constant 0 : i32
      %dma_start3A_311 = tpu.memref_slice %arg16[%add3A_199, %dma_start3A_310] : memref<10112x128xf32, #tpu.memory_space<vmem_shared>> -> memref<80x128xf32, #tpu.memory_space<vmem_shared>>
      %dma_start3A_312 = arith.constant 0 : i32
      %dma_start3A_313 = tpu.memref_slice %arg16[%add3A_199, %dma_start3A_312] : memref<10112x128xf32, #tpu.memory_space<vmem_shared>> -> memref<80x128xf32, #tpu.memory_space<vmem_shared>>
      %dma_start3A_314 = arith.constant 0 : i32
      %dma_start3A_315 = arith.constant 0 : i32
      %dma_start3A_316 = tpu.memref_slice %arg14[%dma_start3A_314, %dma_start3A_315] : memref<80x128xf32, #tpu.memory_space<vmem>> -> memref<80x128xf32, #tpu.memory_space<vmem>>
      tpu.enqueue_dma source(%dma_start3A_316 : memref<80x128xf32, #tpu.memory_space<vmem>>) target(%dma_start3A_313 : memref<80x128xf32, #tpu.memory_space<vmem_shared>>) target_semaphore(%run_scoped3A : memref<!tpu.dma_semaphore, #tpu.memory_space<semaphore_mem>>)
      %dma_wait3A_317 = arith.constant 0 : i32
      %dma_wait3A_318 = arith.constant 0 : i32
      %dma_wait3A_319 = tpu.memref_slice %arg14[%dma_wait3A_317, %dma_wait3A_318] : memref<80x128xf32, #tpu.memory_space<vmem>> -> memref<80x128xf32, #tpu.memory_space<vmem>>
      %dma_wait3A_320 = arith.constant 0 : i32
      %dma_wait3A_321 = tpu.memref_slice %arg16[%add3A_199, %dma_wait3A_320] : memref<10112x128xf32, #tpu.memory_space<vmem_shared>> -> memref<80x128xf32, #tpu.memory_space<vmem_shared>>
      %dma_wait3A_322 = arith.constant 0 : i32
      %dma_wait3A_323 = tpu.memref_slice %arg16[%add3A_199, %dma_wait3A_322] : memref<10112x128xf32, #tpu.memory_space<vmem_shared>> -> memref<80x128xf32, #tpu.memory_space<vmem_shared>>
      %dma_wait3A_324 = arith.constant 0 : i32
      %dma_wait3A_325 = arith.constant 0 : i32
      %dma_wait3A_326 = tpu.memref_slice %arg14[%dma_wait3A_324, %dma_wait3A_325] : memref<80x128xf32, #tpu.memory_space<vmem>> -> memref<80x128xf32, #tpu.memory_space<vmem>>
      tpu.wait_dma2 semaphore(%run_scoped3A : memref<!tpu.dma_semaphore, #tpu.memory_space<semaphore_mem>>) src(%dma_wait3A_326 : memref<80x128xf32, #tpu.memory_space<vmem>>) dst(%dma_wait3A_323 : memref<80x128xf32, #tpu.memory_space<vmem_shared>>)
      tpu.yield
    }) : () -> ()
    %add3A_200 = arith.constant 480 : i32
    %add3A_201 = arith.addi %mul3A_1, %add3A_200 : i32
    "tpu.region"() ({
      %run_scoped3A = tpu.sem_alloc : memref<!tpu.dma_semaphore, #tpu.memory_space<semaphore_mem>>
      %dma_start3A_307 = arith.constant 0 : i32
      %dma_start3A_308 = arith.constant 0 : i32
      %dma_start3A_309 = tpu.memref_slice %arg14[%dma_start3A_307, %dma_start3A_308] : memref<80x128xf32, #tpu.memory_space<vmem>> -> memref<80x128xf32, #tpu.memory_space<vmem>>
      %dma_start3A_310 = arith.constant 0 : i32
      %dma_start3A_311 = tpu.memref_slice %arg16[%add3A_201, %dma_start3A_310] : memref<10112x128xf32, #tpu.memory_space<vmem_shared>> -> memref<80x128xf32, #tpu.memory_space<vmem_shared>>
      %dma_start3A_312 = arith.constant 0 : i32
      %dma_start3A_313 = tpu.memref_slice %arg16[%add3A_201, %dma_start3A_312] : memref<10112x128xf32, #tpu.memory_space<vmem_shared>> -> memref<80x128xf32, #tpu.memory_space<vmem_shared>>
      %dma_start3A_314 = arith.constant 0 : i32
      %dma_start3A_315 = arith.constant 0 : i32
      %dma_start3A_316 = tpu.memref_slice %arg14[%dma_start3A_314, %dma_start3A_315] : memref<80x128xf32, #tpu.memory_space<vmem>> -> memref<80x128xf32, #tpu.memory_space<vmem>>
      tpu.enqueue_dma source(%dma_start3A_316 : memref<80x128xf32, #tpu.memory_space<vmem>>) target(%dma_start3A_313 : memref<80x128xf32, #tpu.memory_space<vmem_shared>>) target_semaphore(%run_scoped3A : memref<!tpu.dma_semaphore, #tpu.memory_space<semaphore_mem>>)
      %dma_wait3A_317 = arith.constant 0 : i32
      %dma_wait3A_318 = arith.constant 0 : i32
      %dma_wait3A_319 = tpu.memref_slice %arg14[%dma_wait3A_317, %dma_wait3A_318] : memref<80x128xf32, #tpu.memory_space<vmem>> -> memref<80x128xf32, #tpu.memory_space<vmem>>
      %dma_wait3A_320 = arith.constant 0 : i32
      %dma_wait3A_321 = tpu.memref_slice %arg16[%add3A_201, %dma_wait3A_320] : memref<10112x128xf32, #tpu.memory_space<vmem_shared>> -> memref<80x128xf32, #tpu.memory_space<vmem_shared>>
      %dma_wait3A_322 = arith.constant 0 : i32
      %dma_wait3A_323 = tpu.memref_slice %arg16[%add3A_201, %dma_wait3A_322] : memref<10112x128xf32, #tpu.memory_space<vmem_shared>> -> memref<80x128xf32, #tpu.memory_space<vmem_shared>>
      %dma_wait3A_324 = arith.constant 0 : i32
      %dma_wait3A_325 = arith.constant 0 : i32
      %dma_wait3A_326 = tpu.memref_slice %arg14[%dma_wait3A_324, %dma_wait3A_325] : memref<80x128xf32, #tpu.memory_space<vmem>> -> memref<80x128xf32, #tpu.memory_space<vmem>>
      tpu.wait_dma2 semaphore(%run_scoped3A : memref<!tpu.dma_semaphore, #tpu.memory_space<semaphore_mem>>) src(%dma_wait3A_326 : memref<80x128xf32, #tpu.memory_space<vmem>>) dst(%dma_wait3A_323 : memref<80x128xf32, #tpu.memory_space<vmem_shared>>)
      tpu.yield
    }) : () -> ()
    %add3A_202 = arith.constant 560 : i32
    %add3A_203 = arith.addi %mul3A_1, %add3A_202 : i32
    "tpu.region"() ({
      %run_scoped3A = tpu.sem_alloc : memref<!tpu.dma_semaphore, #tpu.memory_space<semaphore_mem>>
      %dma_start3A_307 = arith.constant 0 : i32
      %dma_start3A_308 = arith.constant 0 : i32
      %dma_start3A_309 = tpu.memref_slice %arg14[%dma_start3A_307, %dma_start3A_308] : memref<80x128xf32, #tpu.memory_space<vmem>> -> memref<72x128xf32, #tpu.memory_space<vmem>>
      %dma_start3A_310 = arith.constant 0 : i32
      %dma_start3A_311 = tpu.memref_slice %arg16[%add3A_203, %dma_start3A_310] : memref<10112x128xf32, #tpu.memory_space<vmem_shared>> -> memref<72x128xf32, #tpu.memory_space<vmem_shared>>
      %dma_start3A_312 = arith.constant 0 : i32
      %dma_start3A_313 = tpu.memref_slice %arg16[%add3A_203, %dma_start3A_312] : memref<10112x128xf32, #tpu.memory_space<vmem_shared>> -> memref<72x128xf32, #tpu.memory_space<vmem_shared>>
      %dma_start3A_314 = arith.constant 0 : i32
      %dma_start3A_315 = arith.constant 0 : i32
      %dma_start3A_316 = tpu.memref_slice %arg14[%dma_start3A_314, %dma_start3A_315] : memref<80x128xf32, #tpu.memory_space<vmem>> -> memref<72x128xf32, #tpu.memory_space<vmem>>
      tpu.enqueue_dma source(%dma_start3A_316 : memref<72x128xf32, #tpu.memory_space<vmem>>) target(%dma_start3A_313 : memref<72x128xf32, #tpu.memory_space<vmem_shared>>) target_semaphore(%run_scoped3A : memref<!tpu.dma_semaphore, #tpu.memory_space<semaphore_mem>>)
      %dma_wait3A_317 = arith.constant 0 : i32
      %dma_wait3A_318 = arith.constant 0 : i32
      %dma_wait3A_319 = tpu.memref_slice %arg14[%dma_wait3A_317, %dma_wait3A_318] : memref<80x128xf32, #tpu.memory_space<vmem>> -> memref<72x128xf32, #tpu.memory_space<vmem>>
      %dma_wait3A_320 = arith.constant 0 : i32
      %dma_wait3A_321 = tpu.memref_slice %arg16[%add3A_203, %dma_wait3A_320] : memref<10112x128xf32, #tpu.memory_space<vmem_shared>> -> memref<72x128xf32, #tpu.memory_space<vmem_shared>>
      %dma_wait3A_322 = arith.constant 0 : i32
      %dma_wait3A_323 = tpu.memref_slice %arg16[%add3A_203, %dma_wait3A_322] : memref<10112x128xf32, #tpu.memory_space<vmem_shared>> -> memref<72x128xf32, #tpu.memory_space<vmem_shared>>
      %dma_wait3A_324 = arith.constant 0 : i32
      %dma_wait3A_325 = arith.constant 0 : i32
      %dma_wait3A_326 = tpu.memref_slice %arg14[%dma_wait3A_324, %dma_wait3A_325] : memref<80x128xf32, #tpu.memory_space<vmem>> -> memref<72x128xf32, #tpu.memory_space<vmem>>
      tpu.wait_dma2 semaphore(%run_scoped3A : memref<!tpu.dma_semaphore, #tpu.memory_space<semaphore_mem>>) src(%dma_wait3A_326 : memref<72x128xf32, #tpu.memory_space<vmem>>) dst(%dma_wait3A_323 : memref<72x128xf32, #tpu.memory_space<vmem_shared>>)
      tpu.yield
    }) : () -> ()
    %barrier3A_204 = arith.constant 0 : index
    tpu.barrier barrier_id(%barrier3A_204)
    %add3A_205 = arith.constant 0 : i32
    %add3A_206 = arith.addi %add3A_205, %arg1 : i32
    %sub3A_207 = arith.constant 1 : i32
    %sub3A_208 = arith.subi %sub3A_207, %arg0 : i32
    %mul3A_209 = arith.constant 320000 : i32
    %mul3A_210 = arith.muli %sub3A_208, %mul3A_209 : i32
    %mul3A_211 = arith.constant 80 : i32
    %mul3A_212 = arith.muli %add3A_206, %mul3A_211 : i32
    %add3A_213 = arith.addi %mul3A_210, %mul3A_212 : i32
    %dma_start3A_214 = tpu.memref_slice %arg4[%add3A_213] : memref<640000xi32, #tpu.memory_space<hbm>> -> memref<80xi32, #tpu.memory_space<hbm>>
    %dma_start3A_215 = tpu.memref_slice %arg4[%add3A_213] : memref<640000xi32, #tpu.memory_space<hbm>> -> memref<80xi32, #tpu.memory_space<hbm>>
    tpu.enqueue_dma source(%dma_start3A_215 : memref<80xi32, #tpu.memory_space<hbm>>) target(%arg7 : memref<80xi32, #tpu.memory_space<vmem>>) target_semaphore(%arg18 : memref<!tpu.dma_semaphore, #tpu.memory_space<semaphore_mem>>)
    %mul3A_216 = arith.constant 320000 : i32
    %mul3A_217 = arith.muli %arg0, %mul3A_216 : i32
    %mul3A_218 = arith.constant 80 : i32
    %mul3A_219 = arith.muli %add3A_206, %mul3A_218 : i32
    %add3A_220 = arith.addi %mul3A_217, %mul3A_219 : i32
    %dma_start3A_221 = tpu.memref_slice %arg4[%add3A_220] : memref<640000xi32, #tpu.memory_space<hbm>> -> memref<80xi32, #tpu.memory_space<hbm>>
    %dma_start3A_222 = tpu.memref_slice %arg4[%add3A_220] : memref<640000xi32, #tpu.memory_space<hbm>> -> memref<80xi32, #tpu.memory_space<hbm>>
    tpu.enqueue_dma source(%dma_start3A_222 : memref<80xi32, #tpu.memory_space<hbm>>) target(%arg9 : memref<80xi32, #tpu.memory_space<vmem>>) target_semaphore(%arg20 : memref<!tpu.dma_semaphore, #tpu.memory_space<semaphore_mem>>)
    %add3A_223 = arith.constant 16 : i32
    %add3A_224 = arith.addi %add3A_223, %arg1 : i32
    %sub3A_225 = arith.constant 1 : i32
    %sub3A_226 = arith.subi %sub3A_225, %arg0 : i32
    %mul3A_227 = arith.constant 320000 : i32
    %mul3A_228 = arith.muli %sub3A_226, %mul3A_227 : i32
    %mul3A_229 = arith.constant 80 : i32
    %mul3A_230 = arith.muli %add3A_224, %mul3A_229 : i32
    %add3A_231 = arith.addi %mul3A_228, %mul3A_230 : i32
    %dma_start3A_232 = tpu.memref_slice %arg4[%add3A_231] : memref<640000xi32, #tpu.memory_space<hbm>> -> memref<80xi32, #tpu.memory_space<hbm>>
    %dma_start3A_233 = tpu.memref_slice %arg4[%add3A_231] : memref<640000xi32, #tpu.memory_space<hbm>> -> memref<80xi32, #tpu.memory_space<hbm>>
    tpu.enqueue_dma source(%dma_start3A_233 : memref<80xi32, #tpu.memory_space<hbm>>) target(%arg8 : memref<80xi32, #tpu.memory_space<vmem>>) target_semaphore(%arg19 : memref<!tpu.dma_semaphore, #tpu.memory_space<semaphore_mem>>)
    %mul3A_234 = arith.constant 320000 : i32
    %mul3A_235 = arith.muli %arg0, %mul3A_234 : i32
    %mul3A_236 = arith.constant 80 : i32
    %mul3A_237 = arith.muli %add3A_224, %mul3A_236 : i32
    %add3A_238 = arith.addi %mul3A_235, %mul3A_237 : i32
    %dma_start3A_239 = tpu.memref_slice %arg4[%add3A_238] : memref<640000xi32, #tpu.memory_space<hbm>> -> memref<80xi32, #tpu.memory_space<hbm>>
    %dma_start3A_240 = tpu.memref_slice %arg4[%add3A_238] : memref<640000xi32, #tpu.memory_space<hbm>> -> memref<80xi32, #tpu.memory_space<hbm>>
    tpu.enqueue_dma source(%dma_start3A_240 : memref<80xi32, #tpu.memory_space<hbm>>) target(%arg10 : memref<80xi32, #tpu.memory_space<vmem>>) target_semaphore(%arg21 : memref<!tpu.dma_semaphore, #tpu.memory_space<semaphore_mem>>)
    %dma_wait3A_241 = arith.constant 0 : i32
    %dma_wait3A_242 = tpu.memref_slice %arg4[%dma_wait3A_241] : memref<640000xi32, #tpu.memory_space<hbm>> -> memref<80xi32, #tpu.memory_space<hbm>>
    %dma_wait3A_243 = arith.constant 0 : i32
    %dma_wait3A_244 = tpu.memref_slice %arg4[%dma_wait3A_243] : memref<640000xi32, #tpu.memory_space<hbm>> -> memref<80xi32, #tpu.memory_space<hbm>>
    tpu.wait_dma2 semaphore(%arg18 : memref<!tpu.dma_semaphore, #tpu.memory_space<semaphore_mem>>) src(%dma_wait3A_244 : memref<80xi32, #tpu.memory_space<hbm>>) dst(%arg7 : memref<80xi32, #tpu.memory_space<vmem>>)
    %add3A_245 = arith.constant 0 : i32
    %add3A_246 = arith.addi %add3A_245, %arg1 : i32
    %mul3A_247 = arith.constant 10000 : i32
    %mul3A_248 = arith.muli %add3A_182, %mul3A_247 : i32
    %scan3A_249 = arith.constant 0 : i32
    %scan3A_250 = arith.constant 5 : i32
    %scan3A_251 = arith.addi %scan3A_249, %scan3A_250 : i32
    %scan3A_252 = arith.constant 1 : i32
    scf.for %scan3A_307 = %scan3A_249 to %scan3A_251 step %scan3A_252  : i32 {
      %mul3A_308 = arith.constant 1 : i32
      %mul3A_309 = arith.muli %scan3A_307, %mul3A_308 : i32
      %add3A_310 = arith.constant 0 : i32
      %add3A_311 = arith.addi %add3A_310, %mul3A_309 : i32
      %mul3A_312 = arith.constant 16 : i32
      %mul3A_313 = arith.muli %add3A_311, %mul3A_312 : i32
      %get3A = arith.index_cast %mul3A_313 : i32 to index
      %get3A_314 = tpu.vector_load %arg7[%get3A] {strides = array<i32>} : memref<80xi32, #tpu.memory_space<vmem>>, vector<16xi32>,
      %add3A_315 = vector.broadcast %mul3A_248 : i32 to vector<16xi32>
      %add3A_316 = arith.addi %get3A_314, %add3A_315 : vector<16xi32>
      %mul3A_317 = arith.constant 16 : i32
      %mul3A_318 = arith.muli %add3A_311, %mul3A_317 : i32
      %swap3A_319 = arith.index_cast %mul3A_318 : i32 to index
      %swap3A_320 = tpu.vector_load %arg7[%swap3A_319] {strides = array<i32>} : memref<80xi32, #tpu.memory_space<vmem>>, vector<16xi32>,
      tpu.vector_store %arg7[%swap3A_319], %add3A_316 {strides = array<i32>} : memref<80xi32, #tpu.memory_space<vmem>>, vector<16xi32>,
    }
    %scan3A_253 = arith.constant 5 : i32
    %dma_start3A_254 = arith.constant 0 : i32
    %dma_start3A_255 = arith.constant 0 : i32
    %dma_start3A_256 = tpu.memref_slice %arg2[%dma_start3A_254, %dma_start3A_255] : memref<40000x128xf32, #tpu.memory_space<hbm>> -> memref<40000x128xf32, #tpu.memory_space<hbm>>
    tpu.enqueue_indirect_dma source(%dma_start3A_256 : memref<40000x128xf32, #tpu.memory_space<hbm>>) target(%arg12 : memref<80x128xf32, #tpu.memory_space<vmem>>) offsets(%arg7 : memref<80xi32, #tpu.memory_space<vmem>>) semaphore(%arg23 : memref<!tpu.dma_semaphore, #tpu.memory_space<semaphore_mem>>)
    %mul3A_257 = arith.constant 320000 : i32
    %mul3A_258 = arith.muli %add3A_182, %mul3A_257 : i32
    %mul3A_259 = arith.constant 80 : i32
    %mul3A_260 = arith.muli %add3A_246, %mul3A_259 : i32
    %add3A_261 = arith.addi %mul3A_258, %mul3A_260 : i32
    %dma_start3A_262 = arith.constant 0 : i32
    %dma_start3A_263 = tpu.memref_slice %arg3[%add3A_261, %dma_start3A_262] : memref<1280000x128xf32, #tpu.memory_space<hbm>> -> memref<80x128xf32, #tpu.memory_space<hbm>>
    %dma_start3A_264 = arith.constant 0 : i32
    %dma_start3A_265 = tpu.memref_slice %arg3[%add3A_261, %dma_start3A_264] : memref<1280000x128xf32, #tpu.memory_space<hbm>> -> memref<80x128xf32, #tpu.memory_space<hbm>>
    tpu.enqueue_dma source(%dma_start3A_265 : memref<80x128xf32, #tpu.memory_space<hbm>>) target(%arg14 : memref<80x128xf32, #tpu.memory_space<vmem>>) target_semaphore(%arg25 : memref<!tpu.dma_semaphore, #tpu.memory_space<semaphore_mem>>)
    %scan3A_266 = arith.constant 0 : i32
    %scan3A_267 = arith.constant 125 : i32
    %scan3A_268 = arith.addi %scan3A_266, %scan3A_267 : i32
    %scan3A_269 = arith.constant 1 : i32
    scf.for %scan3A_307 = %scan3A_266 to %scan3A_268 step %scan3A_269  : i32 {
      %mul3A_308 = arith.constant 2 : i32
      %mul3A_309 = arith.muli %scan3A_307, %mul3A_308 : i32
      %add3A_310 = arith.constant 0 : i32
      %add3A_311 = arith.addi %add3A_310, %mul3A_309 : i32
      %add3A_312 = arith.constant 0 : i32
      %add3A_313 = arith.addi %add3A_311, %add3A_312 : i32
      %jit3A = arith.constant 3 : i32
      %eq3A_314 = arith.constant 0 : i32
      %eq3A_315 = arith.cmpi eq, %jit3A, %eq3A_314 : i32
      %jit3A_316 = arith.constant 1 : i32
      %select_n3A = arith.select %eq3A_315, %jit3A_316, %jit3A : i32
      %rem3A = arith.remsi %add3A_313, %select_n3A : i32
      %ne3A = arith.constant 0 : i32
      %ne3A_317 = arith.cmpi ne, %rem3A, %ne3A : i32
      %lt3A = arith.constant 0 : i32
      %lt3A_318 = arith.cmpi slt, %rem3A, %lt3A : i32
      %lt3A_319 = arith.constant 0 : i32
      %lt3A_320 = arith.cmpi slt, %select_n3A, %lt3A_319 : i32
      %ne3A_321 = arith.xori %lt3A_318, %lt3A_320 : i1
      %and3A = arith.andi %ne3A_321, %ne3A_317 : i1
      %add3A_322 = arith.addi %rem3A, %select_n3A : i32
      %select_n3A_323 = arith.select %and3A, %add3A_322, %rem3A : i32
      %ge3A = arith.constant 1 : i32
      %ge3A_324 = arith.cmpi sge, %add3A_313, %ge3A : i32
      %convert_element_type3A_325 = arith.extui %ge3A_324 : i1 to i32
      %cond3A_326 = arith.constant 0 : i32
      %cond3A_327 = arith.cmpi ne, %convert_element_type3A_325, %cond3A_326 : i32
      scf.if %cond3A_327 {
        %dma_wait3A_443 = arith.constant 0 : i32
        %dma_wait3A_444 = arith.constant 0 : i32
        %dma_wait3A_445 = tpu.memref_slice %arg16[%dma_wait3A_443, %dma_wait3A_444] : memref<10112x128xf32, #tpu.memory_space<vmem_shared>> -> memref<10112x128xf32, #tpu.memory_space<vmem_shared>>
        tpu.wait_indirect_dma semaphore(%arg28 : memref<!tpu.dma_semaphore, #tpu.memory_space<semaphore_mem>>) src(%arg13 : memref<80x128xf32, #tpu.memory_space<vmem>>) dst(%dma_wait3A_445 : memref<10112x128xf32, #tpu.memory_space<vmem_shared>>)
      } else {
      }
      %add3A_328 = arith.constant 1 : i32
      %add3A_329 = arith.addi %add3A_313, %add3A_328 : i32
      %lt3A_330 = arith.constant 250 : i32
      %lt3A_331 = arith.cmpi slt, %add3A_329, %lt3A_330 : i32
      %convert_element_type3A_332 = arith.extui %lt3A_331 : i1 to i32
      %cond3A_333 = arith.constant 0 : i32
      %cond3A_334 = arith.cmpi ne, %convert_element_type3A_332, %cond3A_333 : i32
      scf.if %cond3A_334 {
        %dma_wait3A_443 = arith.constant 0 : i32
        %dma_wait3A_444 = tpu.memref_slice %arg4[%dma_wait3A_443] : memref<640000xi32, #tpu.memory_space<hbm>> -> memref<80xi32, #tpu.memory_space<hbm>>
        %dma_wait3A_445 = arith.constant 0 : i32
        %dma_wait3A_446 = tpu.memref_slice %arg4[%dma_wait3A_445] : memref<640000xi32, #tpu.memory_space<hbm>> -> memref<80xi32, #tpu.memory_space<hbm>>
        tpu.wait_dma2 semaphore(%arg19 : memref<!tpu.dma_semaphore, #tpu.memory_space<semaphore_mem>>) src(%dma_wait3A_446 : memref<80xi32, #tpu.memory_space<hbm>>) dst(%arg8 : memref<80xi32, #tpu.memory_space<vmem>>)
        %add3A_447 = arith.constant 1 : i32
        %add3A_448 = arith.addi %add3A_313, %add3A_447 : i32
        %mul3A_449 = arith.constant 16 : i32
        %mul3A_450 = arith.muli %add3A_448, %mul3A_449 : i32
        %add3A_451 = arith.addi %mul3A_450, %arg1 : i32
        %mul3A_452 = arith.constant 10000 : i32
        %mul3A_453 = arith.muli %add3A_182, %mul3A_452 : i32
        %scan3A_454 = arith.constant 0 : i32
        %scan3A_455 = arith.constant 5 : i32
        %scan3A_456 = arith.addi %scan3A_454, %scan3A_455 : i32
        %scan3A_457 = arith.constant 1 : i32
        scf.for %scan3A_471 = %scan3A_454 to %scan3A_456 step %scan3A_457  : i32 {
          %mul3A_472 = arith.constant 1 : i32
          %mul3A_473 = arith.muli %scan3A_471, %mul3A_472 : i32
          %add3A_474 = arith.constant 0 : i32
          %add3A_475 = arith.addi %add3A_474, %mul3A_473 : i32
          %mul3A_476 = arith.constant 16 : i32
          %mul3A_477 = arith.muli %add3A_475, %mul3A_476 : i32
          %get3A = arith.index_cast %mul3A_477 : i32 to index
          %get3A_478 = tpu.vector_load %arg8[%get3A] {strides = array<i32>} : memref<80xi32, #tpu.memory_space<vmem>>, vector<16xi32>,
          %add3A_479 = vector.broadcast %mul3A_453 : i32 to vector<16xi32>
          %add3A_480 = arith.addi %get3A_478, %add3A_479 : vector<16xi32>
          %mul3A_481 = arith.constant 16 : i32
          %mul3A_482 = arith.muli %add3A_475, %mul3A_481 : i32
          %swap3A_483 = arith.index_cast %mul3A_482 : i32 to index
          %swap3A_484 = tpu.vector_load %arg8[%swap3A_483] {strides = array<i32>} : memref<80xi32, #tpu.memory_space<vmem>>, vector<16xi32>,
          tpu.vector_store %arg8[%swap3A_483], %add3A_480 {strides = array<i32>} : memref<80xi32, #tpu.memory_space<vmem>>, vector<16xi32>,
        }
        %scan3A_458 = arith.constant 5 : i32
        %dma_start3A_459 = arith.constant 0 : i32
        %dma_start3A_460 = arith.constant 0 : i32
        %dma_start3A_461 = tpu.memref_slice %arg2[%dma_start3A_459, %dma_start3A_460] : memref<40000x128xf32, #tpu.memory_space<hbm>> -> memref<40000x128xf32, #tpu.memory_space<hbm>>
        tpu.enqueue_indirect_dma source(%dma_start3A_461 : memref<40000x128xf32, #tpu.memory_space<hbm>>) target(%arg13 : memref<80x128xf32, #tpu.memory_space<vmem>>) offsets(%arg8 : memref<80xi32, #tpu.memory_space<vmem>>) semaphore(%arg24 : memref<!tpu.dma_semaphore, #tpu.memory_space<semaphore_mem>>)
        %mul3A_462 = arith.constant 320000 : i32
        %mul3A_463 = arith.muli %add3A_182, %mul3A_462 : i32
        %mul3A_464 = arith.constant 80 : i32
        %mul3A_465 = arith.muli %add3A_451, %mul3A_464 : i32
        %add3A_466 = arith.addi %mul3A_463, %mul3A_465 : i32
        %dma_start3A_467 = arith.constant 0 : i32
        %dma_start3A_468 = tpu.memref_slice %arg3[%add3A_466, %dma_start3A_467] : memref<1280000x128xf32, #tpu.memory_space<hbm>> -> memref<80x128xf32, #tpu.memory_space<hbm>>
        %dma_start3A_469 = arith.constant 0 : i32
        %dma_start3A_470 = tpu.memref_slice %arg3[%add3A_466, %dma_start3A_469] : memref<1280000x128xf32, #tpu.memory_space<hbm>> -> memref<80x128xf32, #tpu.memory_space<hbm>>
        tpu.enqueue_dma source(%dma_start3A_470 : memref<80x128xf32, #tpu.memory_space<hbm>>) target(%arg15 : memref<80x128xf32, #tpu.memory_space<vmem>>) target_semaphore(%arg26 : memref<!tpu.dma_semaphore, #tpu.memory_space<semaphore_mem>>)
      } else {
      }
      %add3A_335 = arith.constant 2 : i32
      %add3A_336 = arith.addi %add3A_313, %add3A_335 : i32
      %lt3A_337 = arith.constant 250 : i32
      %lt3A_338 = arith.cmpi slt, %add3A_336, %lt3A_337 : i32
      %convert_element_type3A_339 = arith.extui %lt3A_338 : i1 to i32
      %cond3A_340 = arith.constant 0 : i32
      %cond3A_341 = arith.cmpi ne, %convert_element_type3A_339, %cond3A_340 : i32
      scf.if %cond3A_341 {
        %add3A_443 = arith.constant 2 : i32
        %add3A_444 = arith.addi %add3A_313, %add3A_443 : i32
        %jit3A_445 = arith.constant 3 : i32
        %eq3A_446 = arith.constant 0 : i32
        %eq3A_447 = arith.cmpi eq, %jit3A_445, %eq3A_446 : i32
        %jit3A_448 = arith.constant 1 : i32
        %select_n3A_449 = arith.select %eq3A_447, %jit3A_448, %jit3A_445 : i32
        %rem3A_450 = arith.remsi %add3A_444, %select_n3A_449 : i32
        %ne3A_451 = arith.constant 0 : i32
        %ne3A_452 = arith.cmpi ne, %rem3A_450, %ne3A_451 : i32
        %lt3A_453 = arith.constant 0 : i32
        %lt3A_454 = arith.cmpi slt, %rem3A_450, %lt3A_453 : i32
        %lt3A_455 = arith.constant 0 : i32
        %lt3A_456 = arith.cmpi slt, %select_n3A_449, %lt3A_455 : i32
        %ne3A_457 = arith.xori %lt3A_454, %lt3A_456 : i1
        %and3A_458 = arith.andi %ne3A_457, %ne3A_452 : i1
        %add3A_459 = arith.addi %rem3A_450, %select_n3A_449 : i32
        %select_n3A_460 = arith.select %and3A_458, %add3A_459, %rem3A_450 : i32
        %eq3A_461 = arith.constant 0 : i32
        %eq3A_462 = arith.cmpi eq, %select_n3A_460, %eq3A_461 : i32
        %convert_element_type3A_463 = arith.extui %eq3A_462 : i1 to i32
        %cond3A_464 = arith.constant 0 : i32
        %cond3A_465 = arith.cmpi ne, %convert_element_type3A_463, %cond3A_464 : i32
        scf.if %cond3A_465 {
          %add3A_512 = arith.constant 2 : i32
          %add3A_513 = arith.addi %add3A_313, %add3A_512 : i32
          %mul3A_514 = arith.constant 16 : i32
          %mul3A_515 = arith.muli %add3A_513, %mul3A_514 : i32
          %add3A_516 = arith.addi %mul3A_515, %arg1 : i32
          %sub3A_517 = arith.constant 1 : i32
          %sub3A_518 = arith.subi %sub3A_517, %arg0 : i32
          %mul3A_519 = arith.constant 320000 : i32
          %mul3A_520 = arith.muli %sub3A_518, %mul3A_519 : i32
          %mul3A_521 = arith.constant 80 : i32
          %mul3A_522 = arith.muli %add3A_516, %mul3A_521 : i32
          %add3A_523 = arith.addi %mul3A_520, %mul3A_522 : i32
          %dma_start3A_524 = tpu.memref_slice %arg4[%add3A_523] : memref<640000xi32, #tpu.memory_space<hbm>> -> memref<80xi32, #tpu.memory_space<hbm>>
          %dma_start3A_525 = tpu.memref_slice %arg4[%add3A_523] : memref<640000xi32, #tpu.memory_space<hbm>> -> memref<80xi32, #tpu.memory_space<hbm>>
          tpu.enqueue_dma source(%dma_start3A_525 : memref<80xi32, #tpu.memory_space<hbm>>) target(%arg7 : memref<80xi32, #tpu.memory_space<vmem>>) target_semaphore(%arg18 : memref<!tpu.dma_semaphore, #tpu.memory_space<semaphore_mem>>)
          %mul3A_526 = arith.constant 320000 : i32
          %mul3A_527 = arith.muli %arg0, %mul3A_526 : i32
          %mul3A_528 = arith.constant 80 : i32
          %mul3A_529 = arith.muli %add3A_516, %mul3A_528 : i32
          %add3A_530 = arith.addi %mul3A_527, %mul3A_529 : i32
          %dma_start3A_531 = tpu.memref_slice %arg4[%add3A_530] : memref<640000xi32, #tpu.memory_space<hbm>> -> memref<80xi32, #tpu.memory_space<hbm>>
          %dma_start3A_532 = tpu.memref_slice %arg4[%add3A_530] : memref<640000xi32, #tpu.memory_space<hbm>> -> memref<80xi32, #tpu.memory_space<hbm>>
          tpu.enqueue_dma source(%dma_start3A_532 : memref<80xi32, #tpu.memory_space<hbm>>) target(%arg9 : memref<80xi32, #tpu.memory_space<vmem>>) target_semaphore(%arg20 : memref<!tpu.dma_semaphore, #tpu.memory_space<semaphore_mem>>)
        } else {
        }
        %add3A_466 = arith.constant 2 : i32
        %add3A_467 = arith.addi %add3A_313, %add3A_466 : i32
        %jit3A_468 = arith.constant 3 : i32
        %eq3A_469 = arith.constant 0 : i32
        %eq3A_470 = arith.cmpi eq, %jit3A_468, %eq3A_469 : i32
        %jit3A_471 = arith.constant 1 : i32
        %select_n3A_472 = arith.select %eq3A_470, %jit3A_471, %jit3A_468 : i32
        %rem3A_473 = arith.remsi %add3A_467, %select_n3A_472 : i32
        %ne3A_474 = arith.constant 0 : i32
        %ne3A_475 = arith.cmpi ne, %rem3A_473, %ne3A_474 : i32
        %lt3A_476 = arith.constant 0 : i32
        %lt3A_477 = arith.cmpi slt, %rem3A_473, %lt3A_476 : i32
        %lt3A_478 = arith.constant 0 : i32
        %lt3A_479 = arith.cmpi slt, %select_n3A_472, %lt3A_478 : i32
        %ne3A_480 = arith.xori %lt3A_477, %lt3A_479 : i1
        %and3A_481 = arith.andi %ne3A_480, %ne3A_475 : i1
        %add3A_482 = arith.addi %rem3A_473, %select_n3A_472 : i32
        %select_n3A_483 = arith.select %and3A_481, %add3A_482, %rem3A_473 : i32
        %eq3A_484 = arith.constant 1 : i32
        %eq3A_485 = arith.cmpi eq, %select_n3A_483, %eq3A_484 : i32
        %convert_element_type3A_486 = arith.extui %eq3A_485 : i1 to i32
        %cond3A_487 = arith.constant 0 : i32
        %cond3A_488 = arith.cmpi ne, %convert_element_type3A_486, %cond3A_487 : i32
        scf.if %cond3A_488 {
          %add3A_512 = arith.constant 2 : i32
          %add3A_513 = arith.addi %add3A_313, %add3A_512 : i32
          %mul3A_514 = arith.constant 16 : i32
          %mul3A_515 = arith.muli %add3A_513, %mul3A_514 : i32
          %add3A_516 = arith.addi %mul3A_515, %arg1 : i32
          %sub3A_517 = arith.constant 1 : i32
          %sub3A_518 = arith.subi %sub3A_517, %arg0 : i32
          %mul3A_519 = arith.constant 320000 : i32
          %mul3A_520 = arith.muli %sub3A_518, %mul3A_519 : i32
          %mul3A_521 = arith.constant 80 : i32
          %mul3A_522 = arith.muli %add3A_516, %mul3A_521 : i32
          %add3A_523 = arith.addi %mul3A_520, %mul3A_522 : i32
          %dma_start3A_524 = tpu.memref_slice %arg4[%add3A_523] : memref<640000xi32, #tpu.memory_space<hbm>> -> memref<80xi32, #tpu.memory_space<hbm>>
          %dma_start3A_525 = tpu.memref_slice %arg4[%add3A_523] : memref<640000xi32, #tpu.memory_space<hbm>> -> memref<80xi32, #tpu.memory_space<hbm>>
          tpu.enqueue_dma source(%dma_start3A_525 : memref<80xi32, #tpu.memory_space<hbm>>) target(%arg7 : memref<80xi32, #tpu.memory_space<vmem>>) target_semaphore(%arg18 : memref<!tpu.dma_semaphore, #tpu.memory_space<semaphore_mem>>)
          %mul3A_526 = arith.constant 320000 : i32
          %mul3A_527 = arith.muli %arg0, %mul3A_526 : i32
          %mul3A_528 = arith.constant 80 : i32
          %mul3A_529 = arith.muli %add3A_516, %mul3A_528 : i32
          %add3A_530 = arith.addi %mul3A_527, %mul3A_529 : i32
          %dma_start3A_531 = tpu.memref_slice %arg4[%add3A_530] : memref<640000xi32, #tpu.memory_space<hbm>> -> memref<80xi32, #tpu.memory_space<hbm>>
          %dma_start3A_532 = tpu.memref_slice %arg4[%add3A_530] : memref<640000xi32, #tpu.memory_space<hbm>> -> memref<80xi32, #tpu.memory_space<hbm>>
          tpu.enqueue_dma source(%dma_start3A_532 : memref<80xi32, #tpu.memory_space<hbm>>) target(%arg10 : memref<80xi32, #tpu.memory_space<vmem>>) target_semaphore(%arg21 : memref<!tpu.dma_semaphore, #tpu.memory_space<semaphore_mem>>)
        } else {
        }
        %add3A_489 = arith.constant 2 : i32
        %add3A_490 = arith.addi %add3A_313, %add3A_489 : i32
        %jit3A_491 = arith.constant 3 : i32
        %eq3A_492 = arith.constant 0 : i32
        %eq3A_493 = arith.cmpi eq, %jit3A_491, %eq3A_492 : i32
        %jit3A_494 = arith.constant 1 : i32
        %select_n3A_495 = arith.select %eq3A_493, %jit3A_494, %jit3A_491 : i32
        %rem3A_496 = arith.remsi %add3A_490, %select_n3A_495 : i32
        %ne3A_497 = arith.constant 0 : i32
        %ne3A_498 = arith.cmpi ne, %rem3A_496, %ne3A_497 : i32
        %lt3A_499 = arith.constant 0 : i32
        %lt3A_500 = arith.cmpi slt, %rem3A_496, %lt3A_499 : i32
        %lt3A_501 = arith.constant 0 : i32
        %lt3A_502 = arith.cmpi slt, %select_n3A_495, %lt3A_501 : i32
        %ne3A_503 = arith.xori %lt3A_500, %lt3A_502 : i1
        %and3A_504 = arith.andi %ne3A_503, %ne3A_498 : i1
        %add3A_505 = arith.addi %rem3A_496, %select_n3A_495 : i32
        %select_n3A_506 = arith.select %and3A_504, %add3A_505, %rem3A_496 : i32
        %eq3A_507 = arith.constant 2 : i32
        %eq3A_508 = arith.cmpi eq, %select_n3A_506, %eq3A_507 : i32
        %convert_element_type3A_509 = arith.extui %eq3A_508 : i1 to i32
        %cond3A_510 = arith.constant 0 : i32
        %cond3A_511 = arith.cmpi ne, %convert_element_type3A_509, %cond3A_510 : i32
        scf.if %cond3A_511 {
          %add3A_512 = arith.constant 2 : i32
          %add3A_513 = arith.addi %add3A_313, %add3A_512 : i32
          %mul3A_514 = arith.constant 16 : i32
          %mul3A_515 = arith.muli %add3A_513, %mul3A_514 : i32
          %add3A_516 = arith.addi %mul3A_515, %arg1 : i32
          %sub3A_517 = arith.constant 1 : i32
          %sub3A_518 = arith.subi %sub3A_517, %arg0 : i32
          %mul3A_519 = arith.constant 320000 : i32
          %mul3A_520 = arith.muli %sub3A_518, %mul3A_519 : i32
          %mul3A_521 = arith.constant 80 : i32
          %mul3A_522 = arith.muli %add3A_516, %mul3A_521 : i32
          %add3A_523 = arith.addi %mul3A_520, %mul3A_522 : i32
          %dma_start3A_524 = tpu.memref_slice %arg4[%add3A_523] : memref<640000xi32, #tpu.memory_space<hbm>> -> memref<80xi32, #tpu.memory_space<hbm>>
          %dma_start3A_525 = tpu.memref_slice %arg4[%add3A_523] : memref<640000xi32, #tpu.memory_space<hbm>> -> memref<80xi32, #tpu.memory_space<hbm>>
          tpu.enqueue_dma source(%dma_start3A_525 : memref<80xi32, #tpu.memory_space<hbm>>) target(%arg7 : memref<80xi32, #tpu.memory_space<vmem>>) target_semaphore(%arg18 : memref<!tpu.dma_semaphore, #tpu.memory_space<semaphore_mem>>)
          %mul3A_526 = arith.constant 320000 : i32
          %mul3A_527 = arith.muli %arg0, %mul3A_526 : i32
          %mul3A_528 = arith.constant 80 : i32
          %mul3A_529 = arith.muli %add3A_516, %mul3A_528 : i32
          %add3A_530 = arith.addi %mul3A_527, %mul3A_529 : i32
          %dma_start3A_531 = tpu.memref_slice %arg4[%add3A_530] : memref<640000xi32, #tpu.memory_space<hbm>> -> memref<80xi32, #tpu.memory_space<hbm>>
          %dma_start3A_532 = tpu.memref_slice %arg4[%add3A_530] : memref<640000xi32, #tpu.memory_space<hbm>> -> memref<80xi32, #tpu.memory_space<hbm>>
          tpu.enqueue_dma source(%dma_start3A_532 : memref<80xi32, #tpu.memory_space<hbm>>) target(%arg11 : memref<80xi32, #tpu.memory_space<vmem>>) target_semaphore(%arg22 : memref<!tpu.dma_semaphore, #tpu.memory_space<semaphore_mem>>)
        } else {
        }
      } else {
      }
      %dma_wait3A_342 = arith.constant 0 : i32
      %dma_wait3A_343 = arith.constant 0 : i32
      %dma_wait3A_344 = tpu.memref_slice %arg2[%dma_wait3A_342, %dma_wait3A_343] : memref<40000x128xf32, #tpu.memory_space<hbm>> -> memref<80x128xf32, #tpu.memory_space<hbm>>
      %dma_wait3A_345 = arith.constant 0 : i32
      %dma_wait3A_346 = arith.constant 0 : i32
      %dma_wait3A_347 = tpu.memref_slice %arg2[%dma_wait3A_345, %dma_wait3A_346] : memref<40000x128xf32, #tpu.memory_space<hbm>> -> memref<80x128xf32, #tpu.memory_space<hbm>>
      tpu.wait_dma2 semaphore(%arg23 : memref<!tpu.dma_semaphore, #tpu.memory_space<semaphore_mem>>) src(%dma_wait3A_347 : memref<80x128xf32, #tpu.memory_space<hbm>>) dst(%arg12 : memref<80x128xf32, #tpu.memory_space<vmem>>)
      %dma_wait3A_348 = arith.constant 0 : i32
      %dma_wait3A_349 = arith.constant 0 : i32
      %dma_wait3A_350 = tpu.memref_slice %arg3[%dma_wait3A_348, %dma_wait3A_349] : memref<1280000x128xf32, #tpu.memory_space<hbm>> -> memref<80x128xf32, #tpu.memory_space<hbm>>
      %dma_wait3A_351 = arith.constant 0 : i32
      %dma_wait3A_352 = arith.constant 0 : i32
      %dma_wait3A_353 = tpu.memref_slice %arg3[%dma_wait3A_351, %dma_wait3A_352] : memref<1280000x128xf32, #tpu.memory_space<hbm>> -> memref<80x128xf32, #tpu.memory_space<hbm>>
      tpu.wait_dma2 semaphore(%arg25 : memref<!tpu.dma_semaphore, #tpu.memory_space<semaphore_mem>>) src(%dma_wait3A_353 : memref<80x128xf32, #tpu.memory_space<hbm>>) dst(%arg14 : memref<80x128xf32, #tpu.memory_space<vmem>>)
      %scan3A_354 = arith.constant 0 : i32
      %scan3A_355 = arith.constant 80 : i32
      %scan3A_356 = arith.addi %scan3A_354, %scan3A_355 : i32
      %scan3A_357 = arith.constant 1 : i32
      scf.for %scan3A_443 = %scan3A_354 to %scan3A_356 step %scan3A_357  : i32 {
        %mul3A_444 = arith.constant 1 : i32
        %mul3A_445 = arith.muli %scan3A_443, %mul3A_444 : i32
        %add3A_446 = arith.constant 0 : i32
        %add3A_447 = arith.addi %add3A_446, %mul3A_445 : i32
        %get3A = arith.index_cast %add3A_447 : i32 to index
        %get3A_448 = arith.constant 0 : index
        %get3A_449 = tpu.vector_load %arg12[%get3A, %get3A_448] {strides = array<i32>} : memref<80x128xf32, #tpu.memory_space<vmem>>, vector<16xf32>,
        %get3A_450 = arith.index_cast %add3A_447 : i32 to index
        %get3A_451 = arith.constant 0 : index
        %get3A_452 = tpu.vector_load %arg14[%get3A_450, %get3A_451] {strides = array<i32>} : memref<80x128xf32, #tpu.memory_space<vmem>>, vector<16xf32>,
        %add3A_453 = arith.addf %get3A_449, %get3A_452 : vector<16xf32>
        %mul3A_454 = arith.constant 0.00999999977 : f32
        %mul3A_455 = vector.broadcast %mul3A_454 : f32 to vector<16xf32>
        %mul3A_456 = arith.mulf %mul3A_455, %add3A_453 : vector<16xf32>
        %max3A = arith.maximumf %add3A_453, %mul3A_456 : vector<16xf32>
        %swap3A_457 = arith.index_cast %add3A_447 : i32 to index
        %swap3A_458 = arith.constant 0 : index
        %swap3A_459 = tpu.vector_load %arg12[%swap3A_457, %swap3A_458] {strides = array<i32>} : memref<80x128xf32, #tpu.memory_space<vmem>>, vector<16xf32>,
        tpu.vector_store %arg12[%swap3A_457, %swap3A_458], %max3A {strides = array<i32>} : memref<80x128xf32, #tpu.memory_space<vmem>>, vector<16xf32>,
        %get3A_460 = arith.index_cast %add3A_447 : i32 to index
        %get3A_461 = arith.constant 16 : index
        %get3A_462 = tpu.vector_load %arg12[%get3A_460, %get3A_461] {strides = array<i32>} : memref<80x128xf32, #tpu.memory_space<vmem>>, vector<16xf32>,
        %get3A_463 = arith.index_cast %add3A_447 : i32 to index
        %get3A_464 = arith.constant 16 : index
        %get3A_465 = tpu.vector_load %arg14[%get3A_463, %get3A_464] {strides = array<i32>} : memref<80x128xf32, #tpu.memory_space<vmem>>, vector<16xf32>,
        %add3A_466 = arith.addf %get3A_462, %get3A_465 : vector<16xf32>
        %mul3A_467 = arith.constant 0.00999999977 : f32
        %mul3A_468 = vector.broadcast %mul3A_467 : f32 to vector<16xf32>
        %mul3A_469 = arith.mulf %mul3A_468, %add3A_466 : vector<16xf32>
        %max3A_470 = arith.maximumf %add3A_466, %mul3A_469 : vector<16xf32>
        %swap3A_471 = arith.index_cast %add3A_447 : i32 to index
        %swap3A_472 = arith.constant 16 : index
        %swap3A_473 = tpu.vector_load %arg12[%swap3A_471, %swap3A_472] {strides = array<i32>} : memref<80x128xf32, #tpu.memory_space<vmem>>, vector<16xf32>,
        tpu.vector_store %arg12[%swap3A_471, %swap3A_472], %max3A_470 {strides = array<i32>} : memref<80x128xf32, #tpu.memory_space<vmem>>, vector<16xf32>,
        %get3A_474 = arith.index_cast %add3A_447 : i32 to index
        %get3A_475 = arith.constant 32 : index
        %get3A_476 = tpu.vector_load %arg12[%get3A_474, %get3A_475] {strides = array<i32>} : memref<80x128xf32, #tpu.memory_space<vmem>>, vector<16xf32>,
        %get3A_477 = arith.index_cast %add3A_447 : i32 to index
        %get3A_478 = arith.constant 32 : index
        %get3A_479 = tpu.vector_load %arg14[%get3A_477, %get3A_478] {strides = array<i32>} : memref<80x128xf32, #tpu.memory_space<vmem>>, vector<16xf32>,
        %add3A_480 = arith.addf %get3A_476, %get3A_479 : vector<16xf32>
        %mul3A_481 = arith.constant 0.00999999977 : f32
        %mul3A_482 = vector.broadcast %mul3A_481 : f32 to vector<16xf32>
        %mul3A_483 = arith.mulf %mul3A_482, %add3A_480 : vector<16xf32>
        %max3A_484 = arith.maximumf %add3A_480, %mul3A_483 : vector<16xf32>
        %swap3A_485 = arith.index_cast %add3A_447 : i32 to index
        %swap3A_486 = arith.constant 32 : index
        %swap3A_487 = tpu.vector_load %arg12[%swap3A_485, %swap3A_486] {strides = array<i32>} : memref<80x128xf32, #tpu.memory_space<vmem>>, vector<16xf32>,
        tpu.vector_store %arg12[%swap3A_485, %swap3A_486], %max3A_484 {strides = array<i32>} : memref<80x128xf32, #tpu.memory_space<vmem>>, vector<16xf32>,
        %get3A_488 = arith.index_cast %add3A_447 : i32 to index
        %get3A_489 = arith.constant 48 : index
        %get3A_490 = tpu.vector_load %arg12[%get3A_488, %get3A_489] {strides = array<i32>} : memref<80x128xf32, #tpu.memory_space<vmem>>, vector<16xf32>,
        %get3A_491 = arith.index_cast %add3A_447 : i32 to index
        %get3A_492 = arith.constant 48 : index
        %get3A_493 = tpu.vector_load %arg14[%get3A_491, %get3A_492] {strides = array<i32>} : memref<80x128xf32, #tpu.memory_space<vmem>>, vector<16xf32>,
        %add3A_494 = arith.addf %get3A_490, %get3A_493 : vector<16xf32>
        %mul3A_495 = arith.constant 0.00999999977 : f32
        %mul3A_496 = vector.broadcast %mul3A_495 : f32 to vector<16xf32>
        %mul3A_497 = arith.mulf %mul3A_496, %add3A_494 : vector<16xf32>
        %max3A_498 = arith.maximumf %add3A_494, %mul3A_497 : vector<16xf32>
        %swap3A_499 = arith.index_cast %add3A_447 : i32 to index
        %swap3A_500 = arith.constant 48 : index
        %swap3A_501 = tpu.vector_load %arg12[%swap3A_499, %swap3A_500] {strides = array<i32>} : memref<80x128xf32, #tpu.memory_space<vmem>>, vector<16xf32>,
        tpu.vector_store %arg12[%swap3A_499, %swap3A_500], %max3A_498 {strides = array<i32>} : memref<80x128xf32, #tpu.memory_space<vmem>>, vector<16xf32>,
        %get3A_502 = arith.index_cast %add3A_447 : i32 to index
        %get3A_503 = arith.constant 64 : index
        %get3A_504 = tpu.vector_load %arg12[%get3A_502, %get3A_503] {strides = array<i32>} : memref<80x128xf32, #tpu.memory_space<vmem>>, vector<16xf32>,
        %get3A_505 = arith.index_cast %add3A_447 : i32 to index
        %get3A_506 = arith.constant 64 : index
        %get3A_507 = tpu.vector_load %arg14[%get3A_505, %get3A_506] {strides = array<i32>} : memref<80x128xf32, #tpu.memory_space<vmem>>, vector<16xf32>,
        %add3A_508 = arith.addf %get3A_504, %get3A_507 : vector<16xf32>
        %mul3A_509 = arith.constant 0.00999999977 : f32
        %mul3A_510 = vector.broadcast %mul3A_509 : f32 to vector<16xf32>
        %mul3A_511 = arith.mulf %mul3A_510, %add3A_508 : vector<16xf32>
        %max3A_512 = arith.maximumf %add3A_508, %mul3A_511 : vector<16xf32>
        %swap3A_513 = arith.index_cast %add3A_447 : i32 to index
        %swap3A_514 = arith.constant 64 : index
        %swap3A_515 = tpu.vector_load %arg12[%swap3A_513, %swap3A_514] {strides = array<i32>} : memref<80x128xf32, #tpu.memory_space<vmem>>, vector<16xf32>,
        tpu.vector_store %arg12[%swap3A_513, %swap3A_514], %max3A_512 {strides = array<i32>} : memref<80x128xf32, #tpu.memory_space<vmem>>, vector<16xf32>,
        %get3A_516 = arith.index_cast %add3A_447 : i32 to index
        %get3A_517 = arith.constant 80 : index
        %get3A_518 = tpu.vector_load %arg12[%get3A_516, %get3A_517] {strides = array<i32>} : memref<80x128xf32, #tpu.memory_space<vmem>>, vector<16xf32>,
        %get3A_519 = arith.index_cast %add3A_447 : i32 to index
        %get3A_520 = arith.constant 80 : index
        %get3A_521 = tpu.vector_load %arg14[%get3A_519, %get3A_520] {strides = array<i32>} : memref<80x128xf32, #tpu.memory_space<vmem>>, vector<16xf32>,
        %add3A_522 = arith.addf %get3A_518, %get3A_521 : vector<16xf32>
        %mul3A_523 = arith.constant 0.00999999977 : f32
        %mul3A_524 = vector.broadcast %mul3A_523 : f32 to vector<16xf32>
        %mul3A_525 = arith.mulf %mul3A_524, %add3A_522 : vector<16xf32>
        %max3A_526 = arith.maximumf %add3A_522, %mul3A_525 : vector<16xf32>
        %swap3A_527 = arith.index_cast %add3A_447 : i32 to index
        %swap3A_528 = arith.constant 80 : index
        %swap3A_529 = tpu.vector_load %arg12[%swap3A_527, %swap3A_528] {strides = array<i32>} : memref<80x128xf32, #tpu.memory_space<vmem>>, vector<16xf32>,
        tpu.vector_store %arg12[%swap3A_527, %swap3A_528], %max3A_526 {strides = array<i32>} : memref<80x128xf32, #tpu.memory_space<vmem>>, vector<16xf32>,
        %get3A_530 = arith.index_cast %add3A_447 : i32 to index
        %get3A_531 = arith.constant 96 : index
        %get3A_532 = tpu.vector_load %arg12[%get3A_530, %get3A_531] {strides = array<i32>} : memref<80x128xf32, #tpu.memory_space<vmem>>, vector<16xf32>,
        %get3A_533 = arith.index_cast %add3A_447 : i32 to index
        %get3A_534 = arith.constant 96 : index
        %get3A_535 = tpu.vector_load %arg14[%get3A_533, %get3A_534] {strides = array<i32>} : memref<80x128xf32, #tpu.memory_space<vmem>>, vector<16xf32>,
        %add3A_536 = arith.addf %get3A_532, %get3A_535 : vector<16xf32>
        %mul3A_537 = arith.constant 0.00999999977 : f32
        %mul3A_538 = vector.broadcast %mul3A_537 : f32 to vector<16xf32>
        %mul3A_539 = arith.mulf %mul3A_538, %add3A_536 : vector<16xf32>
        %max3A_540 = arith.maximumf %add3A_536, %mul3A_539 : vector<16xf32>
        %swap3A_541 = arith.index_cast %add3A_447 : i32 to index
        %swap3A_542 = arith.constant 96 : index
        %swap3A_543 = tpu.vector_load %arg12[%swap3A_541, %swap3A_542] {strides = array<i32>} : memref<80x128xf32, #tpu.memory_space<vmem>>, vector<16xf32>,
        tpu.vector_store %arg12[%swap3A_541, %swap3A_542], %max3A_540 {strides = array<i32>} : memref<80x128xf32, #tpu.memory_space<vmem>>, vector<16xf32>,
        %get3A_544 = arith.index_cast %add3A_447 : i32 to index
        %get3A_545 = arith.constant 112 : index
        %get3A_546 = tpu.vector_load %arg12[%get3A_544, %get3A_545] {strides = array<i32>} : memref<80x128xf32, #tpu.memory_space<vmem>>, vector<16xf32>,
        %get3A_547 = arith.index_cast %add3A_447 : i32 to index
        %get3A_548 = arith.constant 112 : index
        %get3A_549 = tpu.vector_load %arg14[%get3A_547, %get3A_548] {strides = array<i32>} : memref<80x128xf32, #tpu.memory_space<vmem>>, vector<16xf32>,
        %add3A_550 = arith.addf %get3A_546, %get3A_549 : vector<16xf32>
        %mul3A_551 = arith.constant 0.00999999977 : f32
        %mul3A_552 = vector.broadcast %mul3A_551 : f32 to vector<16xf32>
        %mul3A_553 = arith.mulf %mul3A_552, %add3A_550 : vector<16xf32>
        %max3A_554 = arith.maximumf %add3A_550, %mul3A_553 : vector<16xf32>
        %swap3A_555 = arith.index_cast %add3A_447 : i32 to index
        %swap3A_556 = arith.constant 112 : index
        %swap3A_557 = tpu.vector_load %arg12[%swap3A_555, %swap3A_556] {strides = array<i32>} : memref<80x128xf32, #tpu.memory_space<vmem>>, vector<16xf32>,
        tpu.vector_store %arg12[%swap3A_555, %swap3A_556], %max3A_554 {strides = array<i32>} : memref<80x128xf32, #tpu.memory_space<vmem>>, vector<16xf32>,
      }
      %scan3A_358 = arith.constant 80 : i32
      %eq3A_359 = arith.constant 0 : i32
      %eq3A_360 = arith.cmpi eq, %select_n3A_323, %eq3A_359 : i32
      %convert_element_type3A_361 = arith.extui %eq3A_360 : i1 to i32
      %cond3A_362 = arith.constant 0 : i32
      %cond3A_363 = arith.cmpi ne, %convert_element_type3A_361, %cond3A_362 : i32
      scf.if %cond3A_363 {
        %dma_wait3A_443 = arith.constant 0 : i32
        %dma_wait3A_444 = tpu.memref_slice %arg4[%dma_wait3A_443] : memref<640000xi32, #tpu.memory_space<hbm>> -> memref<80xi32, #tpu.memory_space<hbm>>
        %dma_wait3A_445 = arith.constant 0 : i32
        %dma_wait3A_446 = tpu.memref_slice %arg4[%dma_wait3A_445] : memref<640000xi32, #tpu.memory_space<hbm>> -> memref<80xi32, #tpu.memory_space<hbm>>
        tpu.wait_dma2 semaphore(%arg20 : memref<!tpu.dma_semaphore, #tpu.memory_space<semaphore_mem>>) src(%dma_wait3A_446 : memref<80xi32, #tpu.memory_space<hbm>>) dst(%arg9 : memref<80xi32, #tpu.memory_space<vmem>>)
        %dma_start3A_447 = arith.constant 0 : i32
        %dma_start3A_448 = arith.constant 0 : i32
        %dma_start3A_449 = tpu.memref_slice %arg16[%dma_start3A_447, %dma_start3A_448] : memref<10112x128xf32, #tpu.memory_space<vmem_shared>> -> memref<10112x128xf32, #tpu.memory_space<vmem_shared>>
        tpu.enqueue_indirect_dma source(%arg12 : memref<80x128xf32, #tpu.memory_space<vmem>>) target(%dma_start3A_449 : memref<10112x128xf32, #tpu.memory_space<vmem_shared>>) offsets(%arg9 : memref<80xi32, #tpu.memory_space<vmem>>) semaphore(%arg27 : memref<!tpu.dma_semaphore, #tpu.memory_space<semaphore_mem>>) {add = true}
      } else {
      }
      %eq3A_364 = arith.constant 1 : i32
      %eq3A_365 = arith.cmpi eq, %select_n3A_323, %eq3A_364 : i32
      %convert_element_type3A_366 = arith.extui %eq3A_365 : i1 to i32
      %cond3A_367 = arith.constant 0 : i32
      %cond3A_368 = arith.cmpi ne, %convert_element_type3A_366, %cond3A_367 : i32
      scf.if %cond3A_368 {
        %dma_wait3A_443 = arith.constant 0 : i32
        %dma_wait3A_444 = tpu.memref_slice %arg4[%dma_wait3A_443] : memref<640000xi32, #tpu.memory_space<hbm>> -> memref<80xi32, #tpu.memory_space<hbm>>
        %dma_wait3A_445 = arith.constant 0 : i32
        %dma_wait3A_446 = tpu.memref_slice %arg4[%dma_wait3A_445] : memref<640000xi32, #tpu.memory_space<hbm>> -> memref<80xi32, #tpu.memory_space<hbm>>
        tpu.wait_dma2 semaphore(%arg21 : memref<!tpu.dma_semaphore, #tpu.memory_space<semaphore_mem>>) src(%dma_wait3A_446 : memref<80xi32, #tpu.memory_space<hbm>>) dst(%arg10 : memref<80xi32, #tpu.memory_space<vmem>>)
        %dma_start3A_447 = arith.constant 0 : i32
        %dma_start3A_448 = arith.constant 0 : i32
        %dma_start3A_449 = tpu.memref_slice %arg16[%dma_start3A_447, %dma_start3A_448] : memref<10112x128xf32, #tpu.memory_space<vmem_shared>> -> memref<10112x128xf32, #tpu.memory_space<vmem_shared>>
        tpu.enqueue_indirect_dma source(%arg12 : memref<80x128xf32, #tpu.memory_space<vmem>>) target(%dma_start3A_449 : memref<10112x128xf32, #tpu.memory_space<vmem_shared>>) offsets(%arg10 : memref<80xi32, #tpu.memory_space<vmem>>) semaphore(%arg27 : memref<!tpu.dma_semaphore, #tpu.memory_space<semaphore_mem>>) {add = true}
      } else {
      }
      %eq3A_369 = arith.constant 2 : i32
      %eq3A_370 = arith.cmpi eq, %select_n3A_323, %eq3A_369 : i32
      %convert_element_type3A_371 = arith.extui %eq3A_370 : i1 to i32
      %cond3A_372 = arith.constant 0 : i32
      %cond3A_373 = arith.cmpi ne, %convert_element_type3A_371, %cond3A_372 : i32
      scf.if %cond3A_373 {
        %dma_wait3A_443 = arith.constant 0 : i32
        %dma_wait3A_444 = tpu.memref_slice %arg4[%dma_wait3A_443] : memref<640000xi32, #tpu.memory_space<hbm>> -> memref<80xi32, #tpu.memory_space<hbm>>
        %dma_wait3A_445 = arith.constant 0 : i32
        %dma_wait3A_446 = tpu.memref_slice %arg4[%dma_wait3A_445] : memref<640000xi32, #tpu.memory_space<hbm>> -> memref<80xi32, #tpu.memory_space<hbm>>
        tpu.wait_dma2 semaphore(%arg22 : memref<!tpu.dma_semaphore, #tpu.memory_space<semaphore_mem>>) src(%dma_wait3A_446 : memref<80xi32, #tpu.memory_space<hbm>>) dst(%arg11 : memref<80xi32, #tpu.memory_space<vmem>>)
        %dma_start3A_447 = arith.constant 0 : i32
        %dma_start3A_448 = arith.constant 0 : i32
        %dma_start3A_449 = tpu.memref_slice %arg16[%dma_start3A_447, %dma_start3A_448] : memref<10112x128xf32, #tpu.memory_space<vmem_shared>> -> memref<10112x128xf32, #tpu.memory_space<vmem_shared>>
        tpu.enqueue_indirect_dma source(%arg12 : memref<80x128xf32, #tpu.memory_space<vmem>>) target(%dma_start3A_449 : memref<10112x128xf32, #tpu.memory_space<vmem_shared>>) offsets(%arg11 : memref<80xi32, #tpu.memory_space<vmem>>) semaphore(%arg27 : memref<!tpu.dma_semaphore, #tpu.memory_space<semaphore_mem>>) {add = true}
      } else {
      }
      %add3A_374 = arith.constant 1 : i32
      %add3A_375 = arith.addi %add3A_311, %add3A_374 : i32
      %jit3A_376 = arith.constant 3 : i32
      %eq3A_377 = arith.constant 0 : i32
      %eq3A_378 = arith.cmpi eq, %jit3A_376, %eq3A_377 : i32
      %jit3A_379 = arith.constant 1 : i32
      %select_n3A_380 = arith.select %eq3A_378, %jit3A_379, %jit3A_376 : i32
      %rem3A_381 = arith.remsi %add3A_375, %select_n3A_380 : i32
      %ne3A_382 = arith.constant 0 : i32
      %ne3A_383 = arith.cmpi ne, %rem3A_381, %ne3A_382 : i32
      %lt3A_384 = arith.constant 0 : i32
      %lt3A_385 = arith.cmpi slt, %rem3A_381, %lt3A_384 : i32
      %lt3A_386 = arith.constant 0 : i32
      %lt3A_387 = arith.cmpi slt, %select_n3A_380, %lt3A_386 : i32
      %ne3A_388 = arith.xori %lt3A_385, %lt3A_387 : i1
      %and3A_389 = arith.andi %ne3A_388, %ne3A_383 : i1
      %add3A_390 = arith.addi %rem3A_381, %select_n3A_380 : i32
      %select_n3A_391 = arith.select %and3A_389, %add3A_390, %rem3A_381 : i32
      %ge3A_392 = arith.constant 1 : i32
      %ge3A_393 = arith.cmpi sge, %add3A_375, %ge3A_392 : i32
      %convert_element_type3A_394 = arith.extui %ge3A_393 : i1 to i32
      %cond3A_395 = arith.constant 0 : i32
      %cond3A_396 = arith.cmpi ne, %convert_element_type3A_394, %cond3A_395 : i32
      scf.if %cond3A_396 {
        %dma_wait3A_443 = arith.constant 0 : i32
        %dma_wait3A_444 = arith.constant 0 : i32
        %dma_wait3A_445 = tpu.memref_slice %arg16[%dma_wait3A_443, %dma_wait3A_444] : memref<10112x128xf32, #tpu.memory_space<vmem_shared>> -> memref<10112x128xf32, #tpu.memory_space<vmem_shared>>
        tpu.wait_indirect_dma semaphore(%arg27 : memref<!tpu.dma_semaphore, #tpu.memory_space<semaphore_mem>>) src(%arg12 : memref<80x128xf32, #tpu.memory_space<vmem>>) dst(%dma_wait3A_445 : memref<10112x128xf32, #tpu.memory_space<vmem_shared>>)
      } else {
      }
      %add3A_397 = arith.constant 1 : i32
      %add3A_398 = arith.addi %add3A_375, %add3A_397 : i32
      %lt3A_399 = arith.constant 250 : i32
      %lt3A_400 = arith.cmpi slt, %add3A_398, %lt3A_399 : i32
      %convert_element_type3A_401 = arith.extui %lt3A_400 : i1 to i32
      %cond3A_402 = arith.constant 0 : i32
      %cond3A_403 = arith.cmpi ne, %convert_element_type3A_401, %cond3A_402 : i32
      scf.if %cond3A_403 {
        %dma_wait3A_443 = arith.constant 0 : i32
        %dma_wait3A_444 = tpu.memref_slice %arg4[%dma_wait3A_443] : memref<640000xi32, #tpu.memory_space<hbm>> -> memref<80xi32, #tpu.memory_space<hbm>>
        %dma_wait3A_445 = arith.constant 0 : i32
        %dma_wait3A_446 = tpu.memref_slice %arg4[%dma_wait3A_445] : memref<640000xi32, #tpu.memory_space<hbm>> -> memref<80xi32, #tpu.memory_space<hbm>>
        tpu.wait_dma2 semaphore(%arg18 : memref<!tpu.dma_semaphore, #tpu.memory_space<semaphore_mem>>) src(%dma_wait3A_446 : memref<80xi32, #tpu.memory_space<hbm>>) dst(%arg7 : memref<80xi32, #tpu.memory_space<vmem>>)
        %add3A_447 = arith.constant 1 : i32
        %add3A_448 = arith.addi %add3A_375, %add3A_447 : i32
        %mul3A_449 = arith.constant 16 : i32
        %mul3A_450 = arith.muli %add3A_448, %mul3A_449 : i32
        %add3A_451 = arith.addi %mul3A_450, %arg1 : i32
        %mul3A_452 = arith.constant 10000 : i32
        %mul3A_453 = arith.muli %add3A_182, %mul3A_452 : i32
        %scan3A_454 = arith.constant 0 : i32
        %scan3A_455 = arith.constant 5 : i32
        %scan3A_456 = arith.addi %scan3A_454, %scan3A_455 : i32
        %scan3A_457 = arith.constant 1 : i32
        scf.for %scan3A_471 = %scan3A_454 to %scan3A_456 step %scan3A_457  : i32 {
          %mul3A_472 = arith.constant 1 : i32
          %mul3A_473 = arith.muli %scan3A_471, %mul3A_472 : i32
          %add3A_474 = arith.constant 0 : i32
          %add3A_475 = arith.addi %add3A_474, %mul3A_473 : i32
          %mul3A_476 = arith.constant 16 : i32
          %mul3A_477 = arith.muli %add3A_475, %mul3A_476 : i32
          %get3A = arith.index_cast %mul3A_477 : i32 to index
          %get3A_478 = tpu.vector_load %arg7[%get3A] {strides = array<i32>} : memref<80xi32, #tpu.memory_space<vmem>>, vector<16xi32>,
          %add3A_479 = vector.broadcast %mul3A_453 : i32 to vector<16xi32>
          %add3A_480 = arith.addi %get3A_478, %add3A_479 : vector<16xi32>
          %mul3A_481 = arith.constant 16 : i32
          %mul3A_482 = arith.muli %add3A_475, %mul3A_481 : i32
          %swap3A_483 = arith.index_cast %mul3A_482 : i32 to index
          %swap3A_484 = tpu.vector_load %arg7[%swap3A_483] {strides = array<i32>} : memref<80xi32, #tpu.memory_space<vmem>>, vector<16xi32>,
          tpu.vector_store %arg7[%swap3A_483], %add3A_480 {strides = array<i32>} : memref<80xi32, #tpu.memory_space<vmem>>, vector<16xi32>,
        }
        %scan3A_458 = arith.constant 5 : i32
        %dma_start3A_459 = arith.constant 0 : i32
        %dma_start3A_460 = arith.constant 0 : i32
        %dma_start3A_461 = tpu.memref_slice %arg2[%dma_start3A_459, %dma_start3A_460] : memref<40000x128xf32, #tpu.memory_space<hbm>> -> memref<40000x128xf32, #tpu.memory_space<hbm>>
        tpu.enqueue_indirect_dma source(%dma_start3A_461 : memref<40000x128xf32, #tpu.memory_space<hbm>>) target(%arg12 : memref<80x128xf32, #tpu.memory_space<vmem>>) offsets(%arg7 : memref<80xi32, #tpu.memory_space<vmem>>) semaphore(%arg23 : memref<!tpu.dma_semaphore, #tpu.memory_space<semaphore_mem>>)
        %mul3A_462 = arith.constant 320000 : i32
        %mul3A_463 = arith.muli %add3A_182, %mul3A_462 : i32
        %mul3A_464 = arith.constant 80 : i32
        %mul3A_465 = arith.muli %add3A_451, %mul3A_464 : i32
        %add3A_466 = arith.addi %mul3A_463, %mul3A_465 : i32
        %dma_start3A_467 = arith.constant 0 : i32
        %dma_start3A_468 = tpu.memref_slice %arg3[%add3A_466, %dma_start3A_467] : memref<1280000x128xf32, #tpu.memory_space<hbm>> -> memref<80x128xf32, #tpu.memory_space<hbm>>
        %dma_start3A_469 = arith.constant 0 : i32
        %dma_start3A_470 = tpu.memref_slice %arg3[%add3A_466, %dma_start3A_469] : memref<1280000x128xf32, #tpu.memory_space<hbm>> -> memref<80x128xf32, #tpu.memory_space<hbm>>
        tpu.enqueue_dma source(%dma_start3A_470 : memref<80x128xf32, #tpu.memory_space<hbm>>) target(%arg14 : memref<80x128xf32, #tpu.memory_space<vmem>>) target_semaphore(%arg25 : memref<!tpu.dma_semaphore, #tpu.memory_space<semaphore_mem>>)
      } else {
      }
      %add3A_404 = arith.constant 2 : i32
      %add3A_405 = arith.addi %add3A_375, %add3A_404 : i32
      %lt3A_406 = arith.constant 250 : i32
      %lt3A_407 = arith.cmpi slt, %add3A_405, %lt3A_406 : i32
      %convert_element_type3A_408 = arith.extui %lt3A_407 : i1 to i32
      %cond3A_409 = arith.constant 0 : i32
      %cond3A_410 = arith.cmpi ne, %convert_element_type3A_408, %cond3A_409 : i32
      scf.if %cond3A_410 {
        %add3A_443 = arith.constant 2 : i32
        %add3A_444 = arith.addi %add3A_375, %add3A_443 : i32
        %jit3A_445 = arith.constant 3 : i32
        %eq3A_446 = arith.constant 0 : i32
        %eq3A_447 = arith.cmpi eq, %jit3A_445, %eq3A_446 : i32
        %jit3A_448 = arith.constant 1 : i32
        %select_n3A_449 = arith.select %eq3A_447, %jit3A_448, %jit3A_445 : i32
        %rem3A_450 = arith.remsi %add3A_444, %select_n3A_449 : i32
        %ne3A_451 = arith.constant 0 : i32
        %ne3A_452 = arith.cmpi ne, %rem3A_450, %ne3A_451 : i32
        %lt3A_453 = arith.constant 0 : i32
        %lt3A_454 = arith.cmpi slt, %rem3A_450, %lt3A_453 : i32
        %lt3A_455 = arith.constant 0 : i32
        %lt3A_456 = arith.cmpi slt, %select_n3A_449, %lt3A_455 : i32
        %ne3A_457 = arith.xori %lt3A_454, %lt3A_456 : i1
        %and3A_458 = arith.andi %ne3A_457, %ne3A_452 : i1
        %add3A_459 = arith.addi %rem3A_450, %select_n3A_449 : i32
        %select_n3A_460 = arith.select %and3A_458, %add3A_459, %rem3A_450 : i32
        %eq3A_461 = arith.constant 0 : i32
        %eq3A_462 = arith.cmpi eq, %select_n3A_460, %eq3A_461 : i32
        %convert_element_type3A_463 = arith.extui %eq3A_462 : i1 to i32
        %cond3A_464 = arith.constant 0 : i32
        %cond3A_465 = arith.cmpi ne, %convert_element_type3A_463, %cond3A_464 : i32
        scf.if %cond3A_465 {
          %add3A_512 = arith.constant 2 : i32
          %add3A_513 = arith.addi %add3A_375, %add3A_512 : i32
          %mul3A_514 = arith.constant 16 : i32
          %mul3A_515 = arith.muli %add3A_513, %mul3A_514 : i32
          %add3A_516 = arith.addi %mul3A_515, %arg1 : i32
          %sub3A_517 = arith.constant 1 : i32
          %sub3A_518 = arith.subi %sub3A_517, %arg0 : i32
          %mul3A_519 = arith.constant 320000 : i32
          %mul3A_520 = arith.muli %sub3A_518, %mul3A_519 : i32
          %mul3A_521 = arith.constant 80 : i32
          %mul3A_522 = arith.muli %add3A_516, %mul3A_521 : i32
          %add3A_523 = arith.addi %mul3A_520, %mul3A_522 : i32
          %dma_start3A_524 = tpu.memref_slice %arg4[%add3A_523] : memref<640000xi32, #tpu.memory_space<hbm>> -> memref<80xi32, #tpu.memory_space<hbm>>
          %dma_start3A_525 = tpu.memref_slice %arg4[%add3A_523] : memref<640000xi32, #tpu.memory_space<hbm>> -> memref<80xi32, #tpu.memory_space<hbm>>
          tpu.enqueue_dma source(%dma_start3A_525 : memref<80xi32, #tpu.memory_space<hbm>>) target(%arg8 : memref<80xi32, #tpu.memory_space<vmem>>) target_semaphore(%arg19 : memref<!tpu.dma_semaphore, #tpu.memory_space<semaphore_mem>>)
          %mul3A_526 = arith.constant 320000 : i32
          %mul3A_527 = arith.muli %arg0, %mul3A_526 : i32
          %mul3A_528 = arith.constant 80 : i32
          %mul3A_529 = arith.muli %add3A_516, %mul3A_528 : i32
          %add3A_530 = arith.addi %mul3A_527, %mul3A_529 : i32
          %dma_start3A_531 = tpu.memref_slice %arg4[%add3A_530] : memref<640000xi32, #tpu.memory_space<hbm>> -> memref<80xi32, #tpu.memory_space<hbm>>
          %dma_start3A_532 = tpu.memref_slice %arg4[%add3A_530] : memref<640000xi32, #tpu.memory_space<hbm>> -> memref<80xi32, #tpu.memory_space<hbm>>
          tpu.enqueue_dma source(%dma_start3A_532 : memref<80xi32, #tpu.memory_space<hbm>>) target(%arg9 : memref<80xi32, #tpu.memory_space<vmem>>) target_semaphore(%arg20 : memref<!tpu.dma_semaphore, #tpu.memory_space<semaphore_mem>>)
        } else {
        }
        %add3A_466 = arith.constant 2 : i32
        %add3A_467 = arith.addi %add3A_375, %add3A_466 : i32
        %jit3A_468 = arith.constant 3 : i32
        %eq3A_469 = arith.constant 0 : i32
        %eq3A_470 = arith.cmpi eq, %jit3A_468, %eq3A_469 : i32
        %jit3A_471 = arith.constant 1 : i32
        %select_n3A_472 = arith.select %eq3A_470, %jit3A_471, %jit3A_468 : i32
        %rem3A_473 = arith.remsi %add3A_467, %select_n3A_472 : i32
        %ne3A_474 = arith.constant 0 : i32
        %ne3A_475 = arith.cmpi ne, %rem3A_473, %ne3A_474 : i32
        %lt3A_476 = arith.constant 0 : i32
        %lt3A_477 = arith.cmpi slt, %rem3A_473, %lt3A_476 : i32
        %lt3A_478 = arith.constant 0 : i32
        %lt3A_479 = arith.cmpi slt, %select_n3A_472, %lt3A_478 : i32
        %ne3A_480 = arith.xori %lt3A_477, %lt3A_479 : i1
        %and3A_481 = arith.andi %ne3A_480, %ne3A_475 : i1
        %add3A_482 = arith.addi %rem3A_473, %select_n3A_472 : i32
        %select_n3A_483 = arith.select %and3A_481, %add3A_482, %rem3A_473 : i32
        %eq3A_484 = arith.constant 1 : i32
        %eq3A_485 = arith.cmpi eq, %select_n3A_483, %eq3A_484 : i32
        %convert_element_type3A_486 = arith.extui %eq3A_485 : i1 to i32
        %cond3A_487 = arith.constant 0 : i32
        %cond3A_488 = arith.cmpi ne, %convert_element_type3A_486, %cond3A_487 : i32
        scf.if %cond3A_488 {
          %add3A_512 = arith.constant 2 : i32
          %add3A_513 = arith.addi %add3A_375, %add3A_512 : i32
          %mul3A_514 = arith.constant 16 : i32
          %mul3A_515 = arith.muli %add3A_513, %mul3A_514 : i32
          %add3A_516 = arith.addi %mul3A_515, %arg1 : i32
          %sub3A_517 = arith.constant 1 : i32
          %sub3A_518 = arith.subi %sub3A_517, %arg0 : i32
          %mul3A_519 = arith.constant 320000 : i32
          %mul3A_520 = arith.muli %sub3A_518, %mul3A_519 : i32
          %mul3A_521 = arith.constant 80 : i32
          %mul3A_522 = arith.muli %add3A_516, %mul3A_521 : i32
          %add3A_523 = arith.addi %mul3A_520, %mul3A_522 : i32
          %dma_start3A_524 = tpu.memref_slice %arg4[%add3A_523] : memref<640000xi32, #tpu.memory_space<hbm>> -> memref<80xi32, #tpu.memory_space<hbm>>
          %dma_start3A_525 = tpu.memref_slice %arg4[%add3A_523] : memref<640000xi32, #tpu.memory_space<hbm>> -> memref<80xi32, #tpu.memory_space<hbm>>
          tpu.enqueue_dma source(%dma_start3A_525 : memref<80xi32, #tpu.memory_space<hbm>>) target(%arg8 : memref<80xi32, #tpu.memory_space<vmem>>) target_semaphore(%arg19 : memref<!tpu.dma_semaphore, #tpu.memory_space<semaphore_mem>>)
          %mul3A_526 = arith.constant 320000 : i32
          %mul3A_527 = arith.muli %arg0, %mul3A_526 : i32
          %mul3A_528 = arith.constant 80 : i32
          %mul3A_529 = arith.muli %add3A_516, %mul3A_528 : i32
          %add3A_530 = arith.addi %mul3A_527, %mul3A_529 : i32
          %dma_start3A_531 = tpu.memref_slice %arg4[%add3A_530] : memref<640000xi32, #tpu.memory_space<hbm>> -> memref<80xi32, #tpu.memory_space<hbm>>
          %dma_start3A_532 = tpu.memref_slice %arg4[%add3A_530] : memref<640000xi32, #tpu.memory_space<hbm>> -> memref<80xi32, #tpu.memory_space<hbm>>
          tpu.enqueue_dma source(%dma_start3A_532 : memref<80xi32, #tpu.memory_space<hbm>>) target(%arg10 : memref<80xi32, #tpu.memory_space<vmem>>) target_semaphore(%arg21 : memref<!tpu.dma_semaphore, #tpu.memory_space<semaphore_mem>>)
        } else {
        }
        %add3A_489 = arith.constant 2 : i32
        %add3A_490 = arith.addi %add3A_375, %add3A_489 : i32
        %jit3A_491 = arith.constant 3 : i32
        %eq3A_492 = arith.constant 0 : i32
        %eq3A_493 = arith.cmpi eq, %jit3A_491, %eq3A_492 : i32
        %jit3A_494 = arith.constant 1 : i32
        %select_n3A_495 = arith.select %eq3A_493, %jit3A_494, %jit3A_491 : i32
        %rem3A_496 = arith.remsi %add3A_490, %select_n3A_495 : i32
        %ne3A_497 = arith.constant 0 : i32
        %ne3A_498 = arith.cmpi ne, %rem3A_496, %ne3A_497 : i32
        %lt3A_499 = arith.constant 0 : i32
        %lt3A_500 = arith.cmpi slt, %rem3A_496, %lt3A_499 : i32
        %lt3A_501 = arith.constant 0 : i32
        %lt3A_502 = arith.cmpi slt, %select_n3A_495, %lt3A_501 : i32
        %ne3A_503 = arith.xori %lt3A_500, %lt3A_502 : i1
        %and3A_504 = arith.andi %ne3A_503, %ne3A_498 : i1
        %add3A_505 = arith.addi %rem3A_496, %select_n3A_495 : i32
        %select_n3A_506 = arith.select %and3A_504, %add3A_505, %rem3A_496 : i32
        %eq3A_507 = arith.constant 2 : i32
        %eq3A_508 = arith.cmpi eq, %select_n3A_506, %eq3A_507 : i32
        %convert_element_type3A_509 = arith.extui %eq3A_508 : i1 to i32
        %cond3A_510 = arith.constant 0 : i32
        %cond3A_511 = arith.cmpi ne, %convert_element_type3A_509, %cond3A_510 : i32
        scf.if %cond3A_511 {
          %add3A_512 = arith.constant 2 : i32
          %add3A_513 = arith.addi %add3A_375, %add3A_512 : i32
          %mul3A_514 = arith.constant 16 : i32
          %mul3A_515 = arith.muli %add3A_513, %mul3A_514 : i32
          %add3A_516 = arith.addi %mul3A_515, %arg1 : i32
          %sub3A_517 = arith.constant 1 : i32
          %sub3A_518 = arith.subi %sub3A_517, %arg0 : i32
          %mul3A_519 = arith.constant 320000 : i32
          %mul3A_520 = arith.muli %sub3A_518, %mul3A_519 : i32
          %mul3A_521 = arith.constant 80 : i32
          %mul3A_522 = arith.muli %add3A_516, %mul3A_521 : i32
          %add3A_523 = arith.addi %mul3A_520, %mul3A_522 : i32
          %dma_start3A_524 = tpu.memref_slice %arg4[%add3A_523] : memref<640000xi32, #tpu.memory_space<hbm>> -> memref<80xi32, #tpu.memory_space<hbm>>
          %dma_start3A_525 = tpu.memref_slice %arg4[%add3A_523] : memref<640000xi32, #tpu.memory_space<hbm>> -> memref<80xi32, #tpu.memory_space<hbm>>
          tpu.enqueue_dma source(%dma_start3A_525 : memref<80xi32, #tpu.memory_space<hbm>>) target(%arg8 : memref<80xi32, #tpu.memory_space<vmem>>) target_semaphore(%arg19 : memref<!tpu.dma_semaphore, #tpu.memory_space<semaphore_mem>>)
          %mul3A_526 = arith.constant 320000 : i32
          %mul3A_527 = arith.muli %arg0, %mul3A_526 : i32
          %mul3A_528 = arith.constant 80 : i32
          %mul3A_529 = arith.muli %add3A_516, %mul3A_528 : i32
          %add3A_530 = arith.addi %mul3A_527, %mul3A_529 : i32
          %dma_start3A_531 = tpu.memref_slice %arg4[%add3A_530] : memref<640000xi32, #tpu.memory_space<hbm>> -> memref<80xi32, #tpu.memory_space<hbm>>
          %dma_start3A_532 = tpu.memref_slice %arg4[%add3A_530] : memref<640000xi32, #tpu.memory_space<hbm>> -> memref<80xi32, #tpu.memory_space<hbm>>
          tpu.enqueue_dma source(%dma_start3A_532 : memref<80xi32, #tpu.memory_space<hbm>>) target(%arg11 : memref<80xi32, #tpu.memory_space<vmem>>) target_semaphore(%arg22 : memref<!tpu.dma_semaphore, #tpu.memory_space<semaphore_mem>>)
        } else {
        }
      } else {
      }
      %dma_wait3A_411 = arith.constant 0 : i32
      %dma_wait3A_412 = arith.constant 0 : i32
      %dma_wait3A_413 = tpu.memref_slice %arg2[%dma_wait3A_411, %dma_wait3A_412] : memref<40000x128xf32, #tpu.memory_space<hbm>> -> memref<80x128xf32, #tpu.memory_space<hbm>>
      %dma_wait3A_414 = arith.constant 0 : i32
      %dma_wait3A_415 = arith.constant 0 : i32
      %dma_wait3A_416 = tpu.memref_slice %arg2[%dma_wait3A_414, %dma_wait3A_415] : memref<40000x128xf32, #tpu.memory_space<hbm>> -> memref<80x128xf32, #tpu.memory_space<hbm>>
      tpu.wait_dma2 semaphore(%arg24 : memref<!tpu.dma_semaphore, #tpu.memory_space<semaphore_mem>>) src(%dma_wait3A_416 : memref<80x128xf32, #tpu.memory_space<hbm>>) dst(%arg13 : memref<80x128xf32, #tpu.memory_space<vmem>>)
      %dma_wait3A_417 = arith.constant 0 : i32
      %dma_wait3A_418 = arith.constant 0 : i32
      %dma_wait3A_419 = tpu.memref_slice %arg3[%dma_wait3A_417, %dma_wait3A_418] : memref<1280000x128xf32, #tpu.memory_space<hbm>> -> memref<80x128xf32, #tpu.memory_space<hbm>>
      %dma_wait3A_420 = arith.constant 0 : i32
      %dma_wait3A_421 = arith.constant 0 : i32
      %dma_wait3A_422 = tpu.memref_slice %arg3[%dma_wait3A_420, %dma_wait3A_421] : memref<1280000x128xf32, #tpu.memory_space<hbm>> -> memref<80x128xf32, #tpu.memory_space<hbm>>
      tpu.wait_dma2 semaphore(%arg26 : memref<!tpu.dma_semaphore, #tpu.memory_space<semaphore_mem>>) src(%dma_wait3A_422 : memref<80x128xf32, #tpu.memory_space<hbm>>) dst(%arg15 : memref<80x128xf32, #tpu.memory_space<vmem>>)
      %scan3A_423 = arith.constant 0 : i32
      %scan3A_424 = arith.constant 80 : i32
      %scan3A_425 = arith.addi %scan3A_423, %scan3A_424 : i32
      %scan3A_426 = arith.constant 1 : i32
      scf.for %scan3A_443 = %scan3A_423 to %scan3A_425 step %scan3A_426  : i32 {
        %mul3A_444 = arith.constant 1 : i32
        %mul3A_445 = arith.muli %scan3A_443, %mul3A_444 : i32
        %add3A_446 = arith.constant 0 : i32
        %add3A_447 = arith.addi %add3A_446, %mul3A_445 : i32
        %get3A = arith.index_cast %add3A_447 : i32 to index
        %get3A_448 = arith.constant 0 : index
        %get3A_449 = tpu.vector_load %arg13[%get3A, %get3A_448] {strides = array<i32>} : memref<80x128xf32, #tpu.memory_space<vmem>>, vector<16xf32>,
        %get3A_450 = arith.index_cast %add3A_447 : i32 to index
        %get3A_451 = arith.constant 0 : index
        %get3A_452 = tpu.vector_load %arg15[%get3A_450, %get3A_451] {strides = array<i32>} : memref<80x128xf32, #tpu.memory_space<vmem>>, vector<16xf32>,
        %add3A_453 = arith.addf %get3A_449, %get3A_452 : vector<16xf32>
        %mul3A_454 = arith.constant 0.00999999977 : f32
        %mul3A_455 = vector.broadcast %mul3A_454 : f32 to vector<16xf32>
        %mul3A_456 = arith.mulf %mul3A_455, %add3A_453 : vector<16xf32>
        %max3A = arith.maximumf %add3A_453, %mul3A_456 : vector<16xf32>
        %swap3A_457 = arith.index_cast %add3A_447 : i32 to index
        %swap3A_458 = arith.constant 0 : index
        %swap3A_459 = tpu.vector_load %arg13[%swap3A_457, %swap3A_458] {strides = array<i32>} : memref<80x128xf32, #tpu.memory_space<vmem>>, vector<16xf32>,
        tpu.vector_store %arg13[%swap3A_457, %swap3A_458], %max3A {strides = array<i32>} : memref<80x128xf32, #tpu.memory_space<vmem>>, vector<16xf32>,
        %get3A_460 = arith.index_cast %add3A_447 : i32 to index
        %get3A_461 = arith.constant 16 : index
        %get3A_462 = tpu.vector_load %arg13[%get3A_460, %get3A_461] {strides = array<i32>} : memref<80x128xf32, #tpu.memory_space<vmem>>, vector<16xf32>,
        %get3A_463 = arith.index_cast %add3A_447 : i32 to index
        %get3A_464 = arith.constant 16 : index
        %get3A_465 = tpu.vector_load %arg15[%get3A_463, %get3A_464] {strides = array<i32>} : memref<80x128xf32, #tpu.memory_space<vmem>>, vector<16xf32>,
        %add3A_466 = arith.addf %get3A_462, %get3A_465 : vector<16xf32>
        %mul3A_467 = arith.constant 0.00999999977 : f32
        %mul3A_468 = vector.broadcast %mul3A_467 : f32 to vector<16xf32>
        %mul3A_469 = arith.mulf %mul3A_468, %add3A_466 : vector<16xf32>
        %max3A_470 = arith.maximumf %add3A_466, %mul3A_469 : vector<16xf32>
        %swap3A_471 = arith.index_cast %add3A_447 : i32 to index
        %swap3A_472 = arith.constant 16 : index
        %swap3A_473 = tpu.vector_load %arg13[%swap3A_471, %swap3A_472] {strides = array<i32>} : memref<80x128xf32, #tpu.memory_space<vmem>>, vector<16xf32>,
        tpu.vector_store %arg13[%swap3A_471, %swap3A_472], %max3A_470 {strides = array<i32>} : memref<80x128xf32, #tpu.memory_space<vmem>>, vector<16xf32>,
        %get3A_474 = arith.index_cast %add3A_447 : i32 to index
        %get3A_475 = arith.constant 32 : index
        %get3A_476 = tpu.vector_load %arg13[%get3A_474, %get3A_475] {strides = array<i32>} : memref<80x128xf32, #tpu.memory_space<vmem>>, vector<16xf32>,
        %get3A_477 = arith.index_cast %add3A_447 : i32 to index
        %get3A_478 = arith.constant 32 : index
        %get3A_479 = tpu.vector_load %arg15[%get3A_477, %get3A_478] {strides = array<i32>} : memref<80x128xf32, #tpu.memory_space<vmem>>, vector<16xf32>,
        %add3A_480 = arith.addf %get3A_476, %get3A_479 : vector<16xf32>
        %mul3A_481 = arith.constant 0.00999999977 : f32
        %mul3A_482 = vector.broadcast %mul3A_481 : f32 to vector<16xf32>
        %mul3A_483 = arith.mulf %mul3A_482, %add3A_480 : vector<16xf32>
        %max3A_484 = arith.maximumf %add3A_480, %mul3A_483 : vector<16xf32>
        %swap3A_485 = arith.index_cast %add3A_447 : i32 to index
        %swap3A_486 = arith.constant 32 : index
        %swap3A_487 = tpu.vector_load %arg13[%swap3A_485, %swap3A_486] {strides = array<i32>} : memref<80x128xf32, #tpu.memory_space<vmem>>, vector<16xf32>,
        tpu.vector_store %arg13[%swap3A_485, %swap3A_486], %max3A_484 {strides = array<i32>} : memref<80x128xf32, #tpu.memory_space<vmem>>, vector<16xf32>,
        %get3A_488 = arith.index_cast %add3A_447 : i32 to index
        %get3A_489 = arith.constant 48 : index
        %get3A_490 = tpu.vector_load %arg13[%get3A_488, %get3A_489] {strides = array<i32>} : memref<80x128xf32, #tpu.memory_space<vmem>>, vector<16xf32>,
        %get3A_491 = arith.index_cast %add3A_447 : i32 to index
        %get3A_492 = arith.constant 48 : index
        %get3A_493 = tpu.vector_load %arg15[%get3A_491, %get3A_492] {strides = array<i32>} : memref<80x128xf32, #tpu.memory_space<vmem>>, vector<16xf32>,
        %add3A_494 = arith.addf %get3A_490, %get3A_493 : vector<16xf32>
        %mul3A_495 = arith.constant 0.00999999977 : f32
        %mul3A_496 = vector.broadcast %mul3A_495 : f32 to vector<16xf32>
        %mul3A_497 = arith.mulf %mul3A_496, %add3A_494 : vector<16xf32>
        %max3A_498 = arith.maximumf %add3A_494, %mul3A_497 : vector<16xf32>
        %swap3A_499 = arith.index_cast %add3A_447 : i32 to index
        %swap3A_500 = arith.constant 48 : index
        %swap3A_501 = tpu.vector_load %arg13[%swap3A_499, %swap3A_500] {strides = array<i32>} : memref<80x128xf32, #tpu.memory_space<vmem>>, vector<16xf32>,
        tpu.vector_store %arg13[%swap3A_499, %swap3A_500], %max3A_498 {strides = array<i32>} : memref<80x128xf32, #tpu.memory_space<vmem>>, vector<16xf32>,
        %get3A_502 = arith.index_cast %add3A_447 : i32 to index
        %get3A_503 = arith.constant 64 : index
        %get3A_504 = tpu.vector_load %arg13[%get3A_502, %get3A_503] {strides = array<i32>} : memref<80x128xf32, #tpu.memory_space<vmem>>, vector<16xf32>,
        %get3A_505 = arith.index_cast %add3A_447 : i32 to index
        %get3A_506 = arith.constant 64 : index
        %get3A_507 = tpu.vector_load %arg15[%get3A_505, %get3A_506] {strides = array<i32>} : memref<80x128xf32, #tpu.memory_space<vmem>>, vector<16xf32>,
        %add3A_508 = arith.addf %get3A_504, %get3A_507 : vector<16xf32>
        %mul3A_509 = arith.constant 0.00999999977 : f32
        %mul3A_510 = vector.broadcast %mul3A_509 : f32 to vector<16xf32>
        %mul3A_511 = arith.mulf %mul3A_510, %add3A_508 : vector<16xf32>
        %max3A_512 = arith.maximumf %add3A_508, %mul3A_511 : vector<16xf32>
        %swap3A_513 = arith.index_cast %add3A_447 : i32 to index
        %swap3A_514 = arith.constant 64 : index
        %swap3A_515 = tpu.vector_load %arg13[%swap3A_513, %swap3A_514] {strides = array<i32>} : memref<80x128xf32, #tpu.memory_space<vmem>>, vector<16xf32>,
        tpu.vector_store %arg13[%swap3A_513, %swap3A_514], %max3A_512 {strides = array<i32>} : memref<80x128xf32, #tpu.memory_space<vmem>>, vector<16xf32>,
        %get3A_516 = arith.index_cast %add3A_447 : i32 to index
        %get3A_517 = arith.constant 80 : index
        %get3A_518 = tpu.vector_load %arg13[%get3A_516, %get3A_517] {strides = array<i32>} : memref<80x128xf32, #tpu.memory_space<vmem>>, vector<16xf32>,
        %get3A_519 = arith.index_cast %add3A_447 : i32 to index
        %get3A_520 = arith.constant 80 : index
        %get3A_521 = tpu.vector_load %arg15[%get3A_519, %get3A_520] {strides = array<i32>} : memref<80x128xf32, #tpu.memory_space<vmem>>, vector<16xf32>,
        %add3A_522 = arith.addf %get3A_518, %get3A_521 : vector<16xf32>
        %mul3A_523 = arith.constant 0.00999999977 : f32
        %mul3A_524 = vector.broadcast %mul3A_523 : f32 to vector<16xf32>
        %mul3A_525 = arith.mulf %mul3A_524, %add3A_522 : vector<16xf32>
        %max3A_526 = arith.maximumf %add3A_522, %mul3A_525 : vector<16xf32>
        %swap3A_527 = arith.index_cast %add3A_447 : i32 to index
        %swap3A_528 = arith.constant 80 : index
        %swap3A_529 = tpu.vector_load %arg13[%swap3A_527, %swap3A_528] {strides = array<i32>} : memref<80x128xf32, #tpu.memory_space<vmem>>, vector<16xf32>,
        tpu.vector_store %arg13[%swap3A_527, %swap3A_528], %max3A_526 {strides = array<i32>} : memref<80x128xf32, #tpu.memory_space<vmem>>, vector<16xf32>,
        %get3A_530 = arith.index_cast %add3A_447 : i32 to index
        %get3A_531 = arith.constant 96 : index
        %get3A_532 = tpu.vector_load %arg13[%get3A_530, %get3A_531] {strides = array<i32>} : memref<80x128xf32, #tpu.memory_space<vmem>>, vector<16xf32>,
        %get3A_533 = arith.index_cast %add3A_447 : i32 to index
        %get3A_534 = arith.constant 96 : index
        %get3A_535 = tpu.vector_load %arg15[%get3A_533, %get3A_534] {strides = array<i32>} : memref<80x128xf32, #tpu.memory_space<vmem>>, vector<16xf32>,
        %add3A_536 = arith.addf %get3A_532, %get3A_535 : vector<16xf32>
        %mul3A_537 = arith.constant 0.00999999977 : f32
        %mul3A_538 = vector.broadcast %mul3A_537 : f32 to vector<16xf32>
        %mul3A_539 = arith.mulf %mul3A_538, %add3A_536 : vector<16xf32>
        %max3A_540 = arith.maximumf %add3A_536, %mul3A_539 : vector<16xf32>
        %swap3A_541 = arith.index_cast %add3A_447 : i32 to index
        %swap3A_542 = arith.constant 96 : index
        %swap3A_543 = tpu.vector_load %arg13[%swap3A_541, %swap3A_542] {strides = array<i32>} : memref<80x128xf32, #tpu.memory_space<vmem>>, vector<16xf32>,
        tpu.vector_store %arg13[%swap3A_541, %swap3A_542], %max3A_540 {strides = array<i32>} : memref<80x128xf32, #tpu.memory_space<vmem>>, vector<16xf32>,
        %get3A_544 = arith.index_cast %add3A_447 : i32 to index
        %get3A_545 = arith.constant 112 : index
        %get3A_546 = tpu.vector_load %arg13[%get3A_544, %get3A_545] {strides = array<i32>} : memref<80x128xf32, #tpu.memory_space<vmem>>, vector<16xf32>,
        %get3A_547 = arith.index_cast %add3A_447 : i32 to index
        %get3A_548 = arith.constant 112 : index
        %get3A_549 = tpu.vector_load %arg15[%get3A_547, %get3A_548] {strides = array<i32>} : memref<80x128xf32, #tpu.memory_space<vmem>>, vector<16xf32>,
        %add3A_550 = arith.addf %get3A_546, %get3A_549 : vector<16xf32>
        %mul3A_551 = arith.constant 0.00999999977 : f32
        %mul3A_552 = vector.broadcast %mul3A_551 : f32 to vector<16xf32>
        %mul3A_553 = arith.mulf %mul3A_552, %add3A_550 : vector<16xf32>
        %max3A_554 = arith.maximumf %add3A_550, %mul3A_553 : vector<16xf32>
        %swap3A_555 = arith.index_cast %add3A_447 : i32 to index
        %swap3A_556 = arith.constant 112 : index
        %swap3A_557 = tpu.vector_load %arg13[%swap3A_555, %swap3A_556] {strides = array<i32>} : memref<80x128xf32, #tpu.memory_space<vmem>>, vector<16xf32>,
        tpu.vector_store %arg13[%swap3A_555, %swap3A_556], %max3A_554 {strides = array<i32>} : memref<80x128xf32, #tpu.memory_space<vmem>>, vector<16xf32>,
      }
      %scan3A_427 = arith.constant 80 : i32
      %eq3A_428 = arith.constant 0 : i32
      %eq3A_429 = arith.cmpi eq, %select_n3A_391, %eq3A_428 : i32
      %convert_element_type3A_430 = arith.extui %eq3A_429 : i1 to i32
      %cond3A_431 = arith.constant 0 : i32
      %cond3A_432 = arith.cmpi ne, %convert_element_type3A_430, %cond3A_431 : i32
      scf.if %cond3A_432 {
        %dma_wait3A_443 = arith.constant 0 : i32
        %dma_wait3A_444 = tpu.memref_slice %arg4[%dma_wait3A_443] : memref<640000xi32, #tpu.memory_space<hbm>> -> memref<80xi32, #tpu.memory_space<hbm>>
        %dma_wait3A_445 = arith.constant 0 : i32
        %dma_wait3A_446 = tpu.memref_slice %arg4[%dma_wait3A_445] : memref<640000xi32, #tpu.memory_space<hbm>> -> memref<80xi32, #tpu.memory_space<hbm>>
        tpu.wait_dma2 semaphore(%arg20 : memref<!tpu.dma_semaphore, #tpu.memory_space<semaphore_mem>>) src(%dma_wait3A_446 : memref<80xi32, #tpu.memory_space<hbm>>) dst(%arg9 : memref<80xi32, #tpu.memory_space<vmem>>)
        %dma_start3A_447 = arith.constant 0 : i32
        %dma_start3A_448 = arith.constant 0 : i32
        %dma_start3A_449 = tpu.memref_slice %arg16[%dma_start3A_447, %dma_start3A_448] : memref<10112x128xf32, #tpu.memory_space<vmem_shared>> -> memref<10112x128xf32, #tpu.memory_space<vmem_shared>>
        tpu.enqueue_indirect_dma source(%arg13 : memref<80x128xf32, #tpu.memory_space<vmem>>) target(%dma_start3A_449 : memref<10112x128xf32, #tpu.memory_space<vmem_shared>>) offsets(%arg9 : memref<80xi32, #tpu.memory_space<vmem>>) semaphore(%arg28 : memref<!tpu.dma_semaphore, #tpu.memory_space<semaphore_mem>>) {add = true}
      } else {
      }
      %eq3A_433 = arith.constant 1 : i32
      %eq3A_434 = arith.cmpi eq, %select_n3A_391, %eq3A_433 : i32
      %convert_element_type3A_435 = arith.extui %eq3A_434 : i1 to i32
      %cond3A_436 = arith.constant 0 : i32
      %cond3A_437 = arith.cmpi ne, %convert_element_type3A_435, %cond3A_436 : i32
      scf.if %cond3A_437 {
        %dma_wait3A_443 = arith.constant 0 : i32
        %dma_wait3A_444 = tpu.memref_slice %arg4[%dma_wait3A_443] : memref<640000xi32, #tpu.memory_space<hbm>> -> memref<80xi32, #tpu.memory_space<hbm>>
        %dma_wait3A_445 = arith.constant 0 : i32
        %dma_wait3A_446 = tpu.memref_slice %arg4[%dma_wait3A_445] : memref<640000xi32, #tpu.memory_space<hbm>> -> memref<80xi32, #tpu.memory_space<hbm>>
        tpu.wait_dma2 semaphore(%arg21 : memref<!tpu.dma_semaphore, #tpu.memory_space<semaphore_mem>>) src(%dma_wait3A_446 : memref<80xi32, #tpu.memory_space<hbm>>) dst(%arg10 : memref<80xi32, #tpu.memory_space<vmem>>)
        %dma_start3A_447 = arith.constant 0 : i32
        %dma_start3A_448 = arith.constant 0 : i32
        %dma_start3A_449 = tpu.memref_slice %arg16[%dma_start3A_447, %dma_start3A_448] : memref<10112x128xf32, #tpu.memory_space<vmem_shared>> -> memref<10112x128xf32, #tpu.memory_space<vmem_shared>>
        tpu.enqueue_indirect_dma source(%arg13 : memref<80x128xf32, #tpu.memory_space<vmem>>) target(%dma_start3A_449 : memref<10112x128xf32, #tpu.memory_space<vmem_shared>>) offsets(%arg10 : memref<80xi32, #tpu.memory_space<vmem>>) semaphore(%arg28 : memref<!tpu.dma_semaphore, #tpu.memory_space<semaphore_mem>>) {add = true}
      } else {
      }
      %eq3A_438 = arith.constant 2 : i32
      %eq3A_439 = arith.cmpi eq, %select_n3A_391, %eq3A_438 : i32
      %convert_element_type3A_440 = arith.extui %eq3A_439 : i1 to i32
      %cond3A_441 = arith.constant 0 : i32
      %cond3A_442 = arith.cmpi ne, %convert_element_type3A_440, %cond3A_441 : i32
      scf.if %cond3A_442 {
        %dma_wait3A_443 = arith.constant 0 : i32
        %dma_wait3A_444 = tpu.memref_slice %arg4[%dma_wait3A_443] : memref<640000xi32, #tpu.memory_space<hbm>> -> memref<80xi32, #tpu.memory_space<hbm>>
        %dma_wait3A_445 = arith.constant 0 : i32
        %dma_wait3A_446 = tpu.memref_slice %arg4[%dma_wait3A_445] : memref<640000xi32, #tpu.memory_space<hbm>> -> memref<80xi32, #tpu.memory_space<hbm>>
        tpu.wait_dma2 semaphore(%arg22 : memref<!tpu.dma_semaphore, #tpu.memory_space<semaphore_mem>>) src(%dma_wait3A_446 : memref<80xi32, #tpu.memory_space<hbm>>) dst(%arg11 : memref<80xi32, #tpu.memory_space<vmem>>)
        %dma_start3A_447 = arith.constant 0 : i32
        %dma_start3A_448 = arith.constant 0 : i32
        %dma_start3A_449 = tpu.memref_slice %arg16[%dma_start3A_447, %dma_start3A_448] : memref<10112x128xf32, #tpu.memory_space<vmem_shared>> -> memref<10112x128xf32, #tpu.memory_space<vmem_shared>>
        tpu.enqueue_indirect_dma source(%arg13 : memref<80x128xf32, #tpu.memory_space<vmem>>) target(%dma_start3A_449 : memref<10112x128xf32, #tpu.memory_space<vmem_shared>>) offsets(%arg11 : memref<80xi32, #tpu.memory_space<vmem>>) semaphore(%arg28 : memref<!tpu.dma_semaphore, #tpu.memory_space<semaphore_mem>>) {add = true}
      } else {
      }
    }
    %scan3A_270 = arith.constant 125 : i32
    %dma_wait3A_271 = arith.constant 0 : i32
    %dma_wait3A_272 = arith.constant 0 : i32
    %dma_wait3A_273 = tpu.memref_slice %arg16[%dma_wait3A_271, %dma_wait3A_272] : memref<10112x128xf32, #tpu.memory_space<vmem_shared>> -> memref<10112x128xf32, #tpu.memory_space<vmem_shared>>
    tpu.wait_indirect_dma semaphore(%arg28 : memref<!tpu.dma_semaphore, #tpu.memory_space<semaphore_mem>>) src(%arg13 : memref<80x128xf32, #tpu.memory_space<vmem>>) dst(%dma_wait3A_273 : memref<10112x128xf32, #tpu.memory_space<vmem_shared>>)
    %barrier3A_274 = arith.constant 0 : index
    tpu.barrier barrier_id(%barrier3A_274)
    %add3A_275 = arith.constant 0 : i32
    %add3A_276 = arith.addi %mul3A_1, %add3A_275 : i32
    %add3A_277 = arith.constant 0 : i32
    %add3A_278 = arith.addi %mul3A_1, %add3A_277 : i32
    "tpu.region"() ({
      %run_scoped3A = tpu.sem_alloc : memref<!tpu.dma_semaphore, #tpu.memory_space<semaphore_mem>>
      %dma_start3A_307 = arith.constant 0 : i32
      %dma_start3A_308 = tpu.memref_slice %arg5[%add3A_182, %add3A_278, %dma_start3A_307] : memref<4x10112x128xf32, #tpu.memory_space<hbm>> -> memref<1x80x128xf32, #tpu.memory_space<hbm>>
      %dma_start3A_309 = tpu.memref_squeeze %dma_start3A_308 : memref<1x80x128xf32, #tpu.memory_space<hbm>> -> memref<80x128xf32, #tpu.memory_space<hbm>>
      %dma_start3A_310 = arith.constant 0 : i32
      %dma_start3A_311 = tpu.memref_slice %arg16[%add3A_276, %dma_start3A_310] : memref<10112x128xf32, #tpu.memory_space<vmem_shared>> -> memref<80x128xf32, #tpu.memory_space<vmem_shared>>
      tpu.enqueue_dma source(%dma_start3A_311 : memref<80x128xf32, #tpu.memory_space<vmem_shared>>) target(%dma_start3A_309 : memref<80x128xf32, #tpu.memory_space<hbm>>) target_semaphore(%run_scoped3A : memref<!tpu.dma_semaphore, #tpu.memory_space<semaphore_mem>>)
      %dma_wait3A_312 = arith.constant 0 : i32
      %dma_wait3A_313 = tpu.memref_slice %arg5[%add3A_182, %add3A_278, %dma_wait3A_312] : memref<4x10112x128xf32, #tpu.memory_space<hbm>> -> memref<1x80x128xf32, #tpu.memory_space<hbm>>
      %dma_wait3A_314 = tpu.memref_squeeze %dma_wait3A_313 : memref<1x80x128xf32, #tpu.memory_space<hbm>> -> memref<80x128xf32, #tpu.memory_space<hbm>>
      %dma_wait3A_315 = arith.constant 0 : i32
      %dma_wait3A_316 = tpu.memref_slice %arg16[%add3A_276, %dma_wait3A_315] : memref<10112x128xf32, #tpu.memory_space<vmem_shared>> -> memref<80x128xf32, #tpu.memory_space<vmem_shared>>
      tpu.wait_dma2 semaphore(%run_scoped3A : memref<!tpu.dma_semaphore, #tpu.memory_space<semaphore_mem>>) src(%dma_wait3A_316 : memref<80x128xf32, #tpu.memory_space<vmem_shared>>) dst(%dma_wait3A_314 : memref<80x128xf32, #tpu.memory_space<hbm>>)
      tpu.yield
    }) : () -> ()
    %add3A_279 = arith.constant 80 : i32
    %add3A_280 = arith.addi %mul3A_1, %add3A_279 : i32
    %add3A_281 = arith.constant 80 : i32
    %add3A_282 = arith.addi %mul3A_1, %add3A_281 : i32
    "tpu.region"() ({
      %run_scoped3A = tpu.sem_alloc : memref<!tpu.dma_semaphore, #tpu.memory_space<semaphore_mem>>
      %dma_start3A_307 = arith.constant 0 : i32
      %dma_start3A_308 = tpu.memref_slice %arg5[%add3A_182, %add3A_282, %dma_start3A_307] : memref<4x10112x128xf32, #tpu.memory_space<hbm>> -> memref<1x80x128xf32, #tpu.memory_space<hbm>>
      %dma_start3A_309 = tpu.memref_squeeze %dma_start3A_308 : memref<1x80x128xf32, #tpu.memory_space<hbm>> -> memref<80x128xf32, #tpu.memory_space<hbm>>
      %dma_start3A_310 = arith.constant 0 : i32
      %dma_start3A_311 = tpu.memref_slice %arg16[%add3A_280, %dma_start3A_310] : memref<10112x128xf32, #tpu.memory_space<vmem_shared>> -> memref<80x128xf32, #tpu.memory_space<vmem_shared>>
      tpu.enqueue_dma source(%dma_start3A_311 : memref<80x128xf32, #tpu.memory_space<vmem_shared>>) target(%dma_start3A_309 : memref<80x128xf32, #tpu.memory_space<hbm>>) target_semaphore(%run_scoped3A : memref<!tpu.dma_semaphore, #tpu.memory_space<semaphore_mem>>)
      %dma_wait3A_312 = arith.constant 0 : i32
      %dma_wait3A_313 = tpu.memref_slice %arg5[%add3A_182, %add3A_282, %dma_wait3A_312] : memref<4x10112x128xf32, #tpu.memory_space<hbm>> -> memref<1x80x128xf32, #tpu.memory_space<hbm>>
      %dma_wait3A_314 = tpu.memref_squeeze %dma_wait3A_313 : memref<1x80x128xf32, #tpu.memory_space<hbm>> -> memref<80x128xf32, #tpu.memory_space<hbm>>
      %dma_wait3A_315 = arith.constant 0 : i32
      %dma_wait3A_316 = tpu.memref_slice %arg16[%add3A_280, %dma_wait3A_315] : memref<10112x128xf32, #tpu.memory_space<vmem_shared>> -> memref<80x128xf32, #tpu.memory_space<vmem_shared>>
      tpu.wait_dma2 semaphore(%run_scoped3A : memref<!tpu.dma_semaphore, #tpu.memory_space<semaphore_mem>>) src(%dma_wait3A_316 : memref<80x128xf32, #tpu.memory_space<vmem_shared>>) dst(%dma_wait3A_314 : memref<80x128xf32, #tpu.memory_space<hbm>>)
      tpu.yield
    }) : () -> ()
    %add3A_283 = arith.constant 160 : i32
    %add3A_284 = arith.addi %mul3A_1, %add3A_283 : i32
    %add3A_285 = arith.constant 160 : i32
    %add3A_286 = arith.addi %mul3A_1, %add3A_285 : i32
    "tpu.region"() ({
      %run_scoped3A = tpu.sem_alloc : memref<!tpu.dma_semaphore, #tpu.memory_space<semaphore_mem>>
      %dma_start3A_307 = arith.constant 0 : i32
      %dma_start3A_308 = tpu.memref_slice %arg5[%add3A_182, %add3A_286, %dma_start3A_307] : memref<4x10112x128xf32, #tpu.memory_space<hbm>> -> memref<1x80x128xf32, #tpu.memory_space<hbm>>
      %dma_start3A_309 = tpu.memref_squeeze %dma_start3A_308 : memref<1x80x128xf32, #tpu.memory_space<hbm>> -> memref<80x128xf32, #tpu.memory_space<hbm>>
      %dma_start3A_310 = arith.constant 0 : i32
      %dma_start3A_311 = tpu.memref_slice %arg16[%add3A_284, %dma_start3A_310] : memref<10112x128xf32, #tpu.memory_space<vmem_shared>> -> memref<80x128xf32, #tpu.memory_space<vmem_shared>>
      tpu.enqueue_dma source(%dma_start3A_311 : memref<80x128xf32, #tpu.memory_space<vmem_shared>>) target(%dma_start3A_309 : memref<80x128xf32, #tpu.memory_space<hbm>>) target_semaphore(%run_scoped3A : memref<!tpu.dma_semaphore, #tpu.memory_space<semaphore_mem>>)
      %dma_wait3A_312 = arith.constant 0 : i32
      %dma_wait3A_313 = tpu.memref_slice %arg5[%add3A_182, %add3A_286, %dma_wait3A_312] : memref<4x10112x128xf32, #tpu.memory_space<hbm>> -> memref<1x80x128xf32, #tpu.memory_space<hbm>>
      %dma_wait3A_314 = tpu.memref_squeeze %dma_wait3A_313 : memref<1x80x128xf32, #tpu.memory_space<hbm>> -> memref<80x128xf32, #tpu.memory_space<hbm>>
      %dma_wait3A_315 = arith.constant 0 : i32
      %dma_wait3A_316 = tpu.memref_slice %arg16[%add3A_284, %dma_wait3A_315] : memref<10112x128xf32, #tpu.memory_space<vmem_shared>> -> memref<80x128xf32, #tpu.memory_space<vmem_shared>>
      tpu.wait_dma2 semaphore(%run_scoped3A : memref<!tpu.dma_semaphore, #tpu.memory_space<semaphore_mem>>) src(%dma_wait3A_316 : memref<80x128xf32, #tpu.memory_space<vmem_shared>>) dst(%dma_wait3A_314 : memref<80x128xf32, #tpu.memory_space<hbm>>)
      tpu.yield
    }) : () -> ()
    %add3A_287 = arith.constant 240 : i32
    %add3A_288 = arith.addi %mul3A_1, %add3A_287 : i32
    %add3A_289 = arith.constant 240 : i32
    %add3A_290 = arith.addi %mul3A_1, %add3A_289 : i32
    "tpu.region"() ({
      %run_scoped3A = tpu.sem_alloc : memref<!tpu.dma_semaphore, #tpu.memory_space<semaphore_mem>>
      %dma_start3A_307 = arith.constant 0 : i32
      %dma_start3A_308 = tpu.memref_slice %arg5[%add3A_182, %add3A_290, %dma_start3A_307] : memref<4x10112x128xf32, #tpu.memory_space<hbm>> -> memref<1x80x128xf32, #tpu.memory_space<hbm>>
      %dma_start3A_309 = tpu.memref_squeeze %dma_start3A_308 : memref<1x80x128xf32, #tpu.memory_space<hbm>> -> memref<80x128xf32, #tpu.memory_space<hbm>>
      %dma_start3A_310 = arith.constant 0 : i32
      %dma_start3A_311 = tpu.memref_slice %arg16[%add3A_288, %dma_start3A_310] : memref<10112x128xf32, #tpu.memory_space<vmem_shared>> -> memref<80x128xf32, #tpu.memory_space<vmem_shared>>
      tpu.enqueue_dma source(%dma_start3A_311 : memref<80x128xf32, #tpu.memory_space<vmem_shared>>) target(%dma_start3A_309 : memref<80x128xf32, #tpu.memory_space<hbm>>) target_semaphore(%run_scoped3A : memref<!tpu.dma_semaphore, #tpu.memory_space<semaphore_mem>>)
      %dma_wait3A_312 = arith.constant 0 : i32
      %dma_wait3A_313 = tpu.memref_slice %arg5[%add3A_182, %add3A_290, %dma_wait3A_312] : memref<4x10112x128xf32, #tpu.memory_space<hbm>> -> memref<1x80x128xf32, #tpu.memory_space<hbm>>
      %dma_wait3A_314 = tpu.memref_squeeze %dma_wait3A_313 : memref<1x80x128xf32, #tpu.memory_space<hbm>> -> memref<80x128xf32, #tpu.memory_space<hbm>>
      %dma_wait3A_315 = arith.constant 0 : i32
      %dma_wait3A_316 = tpu.memref_slice %arg16[%add3A_288, %dma_wait3A_315] : memref<10112x128xf32, #tpu.memory_space<vmem_shared>> -> memref<80x128xf32, #tpu.memory_space<vmem_shared>>
      tpu.wait_dma2 semaphore(%run_scoped3A : memref<!tpu.dma_semaphore, #tpu.memory_space<semaphore_mem>>) src(%dma_wait3A_316 : memref<80x128xf32, #tpu.memory_space<vmem_shared>>) dst(%dma_wait3A_314 : memref<80x128xf32, #tpu.memory_space<hbm>>)
      tpu.yield
    }) : () -> ()
    %add3A_291 = arith.constant 320 : i32
    %add3A_292 = arith.addi %mul3A_1, %add3A_291 : i32
    %add3A_293 = arith.constant 320 : i32
    %add3A_294 = arith.addi %mul3A_1, %add3A_293 : i32
    "tpu.region"() ({
      %run_scoped3A = tpu.sem_alloc : memref<!tpu.dma_semaphore, #tpu.memory_space<semaphore_mem>>
      %dma_start3A_307 = arith.constant 0 : i32
      %dma_start3A_308 = tpu.memref_slice %arg5[%add3A_182, %add3A_294, %dma_start3A_307] : memref<4x10112x128xf32, #tpu.memory_space<hbm>> -> memref<1x80x128xf32, #tpu.memory_space<hbm>>
      %dma_start3A_309 = tpu.memref_squeeze %dma_start3A_308 : memref<1x80x128xf32, #tpu.memory_space<hbm>> -> memref<80x128xf32, #tpu.memory_space<hbm>>
      %dma_start3A_310 = arith.constant 0 : i32
      %dma_start3A_311 = tpu.memref_slice %arg16[%add3A_292, %dma_start3A_310] : memref<10112x128xf32, #tpu.memory_space<vmem_shared>> -> memref<80x128xf32, #tpu.memory_space<vmem_shared>>
      tpu.enqueue_dma source(%dma_start3A_311 : memref<80x128xf32, #tpu.memory_space<vmem_shared>>) target(%dma_start3A_309 : memref<80x128xf32, #tpu.memory_space<hbm>>) target_semaphore(%run_scoped3A : memref<!tpu.dma_semaphore, #tpu.memory_space<semaphore_mem>>)
      %dma_wait3A_312 = arith.constant 0 : i32
      %dma_wait3A_313 = tpu.memref_slice %arg5[%add3A_182, %add3A_294, %dma_wait3A_312] : memref<4x10112x128xf32, #tpu.memory_space<hbm>> -> memref<1x80x128xf32, #tpu.memory_space<hbm>>
      %dma_wait3A_314 = tpu.memref_squeeze %dma_wait3A_313 : memref<1x80x128xf32, #tpu.memory_space<hbm>> -> memref<80x128xf32, #tpu.memory_space<hbm>>
      %dma_wait3A_315 = arith.constant 0 : i32
      %dma_wait3A_316 = tpu.memref_slice %arg16[%add3A_292, %dma_wait3A_315] : memref<10112x128xf32, #tpu.memory_space<vmem_shared>> -> memref<80x128xf32, #tpu.memory_space<vmem_shared>>
      tpu.wait_dma2 semaphore(%run_scoped3A : memref<!tpu.dma_semaphore, #tpu.memory_space<semaphore_mem>>) src(%dma_wait3A_316 : memref<80x128xf32, #tpu.memory_space<vmem_shared>>) dst(%dma_wait3A_314 : memref<80x128xf32, #tpu.memory_space<hbm>>)
      tpu.yield
    }) : () -> ()
    %add3A_295 = arith.constant 400 : i32
    %add3A_296 = arith.addi %mul3A_1, %add3A_295 : i32
    %add3A_297 = arith.constant 400 : i32
    %add3A_298 = arith.addi %mul3A_1, %add3A_297 : i32
    "tpu.region"() ({
      %run_scoped3A = tpu.sem_alloc : memref<!tpu.dma_semaphore, #tpu.memory_space<semaphore_mem>>
      %dma_start3A_307 = arith.constant 0 : i32
      %dma_start3A_308 = tpu.memref_slice %arg5[%add3A_182, %add3A_298, %dma_start3A_307] : memref<4x10112x128xf32, #tpu.memory_space<hbm>> -> memref<1x80x128xf32, #tpu.memory_space<hbm>>
      %dma_start3A_309 = tpu.memref_squeeze %dma_start3A_308 : memref<1x80x128xf32, #tpu.memory_space<hbm>> -> memref<80x128xf32, #tpu.memory_space<hbm>>
      %dma_start3A_310 = arith.constant 0 : i32
      %dma_start3A_311 = tpu.memref_slice %arg16[%add3A_296, %dma_start3A_310] : memref<10112x128xf32, #tpu.memory_space<vmem_shared>> -> memref<80x128xf32, #tpu.memory_space<vmem_shared>>
      tpu.enqueue_dma source(%dma_start3A_311 : memref<80x128xf32, #tpu.memory_space<vmem_shared>>) target(%dma_start3A_309 : memref<80x128xf32, #tpu.memory_space<hbm>>) target_semaphore(%run_scoped3A : memref<!tpu.dma_semaphore, #tpu.memory_space<semaphore_mem>>)
      %dma_wait3A_312 = arith.constant 0 : i32
      %dma_wait3A_313 = tpu.memref_slice %arg5[%add3A_182, %add3A_298, %dma_wait3A_312] : memref<4x10112x128xf32, #tpu.memory_space<hbm>> -> memref<1x80x128xf32, #tpu.memory_space<hbm>>
      %dma_wait3A_314 = tpu.memref_squeeze %dma_wait3A_313 : memref<1x80x128xf32, #tpu.memory_space<hbm>> -> memref<80x128xf32, #tpu.memory_space<hbm>>
      %dma_wait3A_315 = arith.constant 0 : i32
      %dma_wait3A_316 = tpu.memref_slice %arg16[%add3A_296, %dma_wait3A_315] : memref<10112x128xf32, #tpu.memory_space<vmem_shared>> -> memref<80x128xf32, #tpu.memory_space<vmem_shared>>
      tpu.wait_dma2 semaphore(%run_scoped3A : memref<!tpu.dma_semaphore, #tpu.memory_space<semaphore_mem>>) src(%dma_wait3A_316 : memref<80x128xf32, #tpu.memory_space<vmem_shared>>) dst(%dma_wait3A_314 : memref<80x128xf32, #tpu.memory_space<hbm>>)
      tpu.yield
    }) : () -> ()
    %add3A_299 = arith.constant 480 : i32
    %add3A_300 = arith.addi %mul3A_1, %add3A_299 : i32
    %add3A_301 = arith.constant 480 : i32
    %add3A_302 = arith.addi %mul3A_1, %add3A_301 : i32
    "tpu.region"() ({
      %run_scoped3A = tpu.sem_alloc : memref<!tpu.dma_semaphore, #tpu.memory_space<semaphore_mem>>
      %dma_start3A_307 = arith.constant 0 : i32
      %dma_start3A_308 = tpu.memref_slice %arg5[%add3A_182, %add3A_302, %dma_start3A_307] : memref<4x10112x128xf32, #tpu.memory_space<hbm>> -> memref<1x80x128xf32, #tpu.memory_space<hbm>>
      %dma_start3A_309 = tpu.memref_squeeze %dma_start3A_308 : memref<1x80x128xf32, #tpu.memory_space<hbm>> -> memref<80x128xf32, #tpu.memory_space<hbm>>
      %dma_start3A_310 = arith.constant 0 : i32
      %dma_start3A_311 = tpu.memref_slice %arg16[%add3A_300, %dma_start3A_310] : memref<10112x128xf32, #tpu.memory_space<vmem_shared>> -> memref<80x128xf32, #tpu.memory_space<vmem_shared>>
      tpu.enqueue_dma source(%dma_start3A_311 : memref<80x128xf32, #tpu.memory_space<vmem_shared>>) target(%dma_start3A_309 : memref<80x128xf32, #tpu.memory_space<hbm>>) target_semaphore(%run_scoped3A : memref<!tpu.dma_semaphore, #tpu.memory_space<semaphore_mem>>)
      %dma_wait3A_312 = arith.constant 0 : i32
      %dma_wait3A_313 = tpu.memref_slice %arg5[%add3A_182, %add3A_302, %dma_wait3A_312] : memref<4x10112x128xf32, #tpu.memory_space<hbm>> -> memref<1x80x128xf32, #tpu.memory_space<hbm>>
      %dma_wait3A_314 = tpu.memref_squeeze %dma_wait3A_313 : memref<1x80x128xf32, #tpu.memory_space<hbm>> -> memref<80x128xf32, #tpu.memory_space<hbm>>
      %dma_wait3A_315 = arith.constant 0 : i32
      %dma_wait3A_316 = tpu.memref_slice %arg16[%add3A_300, %dma_wait3A_315] : memref<10112x128xf32, #tpu.memory_space<vmem_shared>> -> memref<80x128xf32, #tpu.memory_space<vmem_shared>>
      tpu.wait_dma2 semaphore(%run_scoped3A : memref<!tpu.dma_semaphore, #tpu.memory_space<semaphore_mem>>) src(%dma_wait3A_316 : memref<80x128xf32, #tpu.memory_space<vmem_shared>>) dst(%dma_wait3A_314 : memref<80x128xf32, #tpu.memory_space<hbm>>)
      tpu.yield
    }) : () -> ()
    %add3A_303 = arith.constant 560 : i32
    %add3A_304 = arith.addi %mul3A_1, %add3A_303 : i32
    %add3A_305 = arith.constant 560 : i32
    %add3A_306 = arith.addi %mul3A_1, %add3A_305 : i32
    "tpu.region"() ({
      %run_scoped3A = tpu.sem_alloc : memref<!tpu.dma_semaphore, #tpu.memory_space<semaphore_mem>>
      %dma_start3A_307 = arith.constant 0 : i32
      %dma_start3A_308 = tpu.memref_slice %arg5[%add3A_182, %add3A_306, %dma_start3A_307] : memref<4x10112x128xf32, #tpu.memory_space<hbm>> -> memref<1x72x128xf32, #tpu.memory_space<hbm>>
      %dma_start3A_309 = tpu.memref_squeeze %dma_start3A_308 : memref<1x72x128xf32, #tpu.memory_space<hbm>> -> memref<72x128xf32, #tpu.memory_space<hbm>>
      %dma_start3A_310 = arith.constant 0 : i32
      %dma_start3A_311 = tpu.memref_slice %arg16[%add3A_304, %dma_start3A_310] : memref<10112x128xf32, #tpu.memory_space<vmem_shared>> -> memref<72x128xf32, #tpu.memory_space<vmem_shared>>
      tpu.enqueue_dma source(%dma_start3A_311 : memref<72x128xf32, #tpu.memory_space<vmem_shared>>) target(%dma_start3A_309 : memref<72x128xf32, #tpu.memory_space<hbm>>) target_semaphore(%run_scoped3A : memref<!tpu.dma_semaphore, #tpu.memory_space<semaphore_mem>>)
      %dma_wait3A_312 = arith.constant 0 : i32
      %dma_wait3A_313 = tpu.memref_slice %arg5[%add3A_182, %add3A_306, %dma_wait3A_312] : memref<4x10112x128xf32, #tpu.memory_space<hbm>> -> memref<1x72x128xf32, #tpu.memory_space<hbm>>
      %dma_wait3A_314 = tpu.memref_squeeze %dma_wait3A_313 : memref<1x72x128xf32, #tpu.memory_space<hbm>> -> memref<72x128xf32, #tpu.memory_space<hbm>>
      %dma_wait3A_315 = arith.constant 0 : i32
      %dma_wait3A_316 = tpu.memref_slice %arg16[%add3A_304, %dma_wait3A_315] : memref<10112x128xf32, #tpu.memory_space<vmem_shared>> -> memref<72x128xf32, #tpu.memory_space<vmem_shared>>
      tpu.wait_dma2 semaphore(%run_scoped3A : memref<!tpu.dma_semaphore, #tpu.memory_space<semaphore_mem>>) src(%dma_wait3A_316 : memref<72x128xf32, #tpu.memory_space<vmem_shared>>) dst(%dma_wait3A_314 : memref<72x128xf32, #tpu.memory_space<hbm>>)
      tpu.yield
    }) : () -> ()
    return
  }
}

module attributes {stable_mosaic.version = 14 : i64} {
  func.func @_pre_b_body(%arg0: i32, %arg1: memref<4000x16xf32, #tpu.memory_space<vmem>>, %arg2: memref<16x256xf32, #tpu.memory_space<vmem>>, %arg3: memref<256xf32, #tpu.memory_space<vmem>>, %arg4: memref<16x256xf32, #tpu.memory_space<vmem>>, %arg5: memref<256xf32, #tpu.memory_space<vmem>>, %arg6: memref<4x4000x128xf32, #tpu.memory_space<vmem>>) attributes {dimension_semantics = [#tpu.dimension_semantics<arbitrary>], iteration_bounds = array<i64: 80>, scalar_prefetch = 0 : i64, scratch_operands = 0 : i64, tpu.core_type = #tpu.core_type<tc>, window_params = [{transform_indices = @transform_0, window_bounds = array<i64: 4000, 16>}, {pipeline_mode = #tpu.pipeline_mode<synchronous>, transform_indices = @transform_1, window_bounds = array<i64: 16, 256>}, {pipeline_mode = #tpu.pipeline_mode<synchronous>, transform_indices = @transform_2, window_bounds = array<i64: 256>}, {pipeline_mode = #tpu.pipeline_mode<synchronous>, transform_indices = @transform_3, window_bounds = array<i64: 16, 256>}, {pipeline_mode = #tpu.pipeline_mode<synchronous>, transform_indices = @transform_4, window_bounds = array<i64: 256>}, {transform_indices = @transform_5, window_bounds = array<i64: 4, 4000, 128>}]} {
    %get3A = arith.constant 0 : index
    %get3A_0 = arith.constant 0 : index
    %get3A_1 = vector.load %arg1[%get3A, %get3A_0] : memref<4000x16xf32, #tpu.memory_space<vmem>>, vector<4000x16xf32>
    %get3A_2 = arith.constant 0 : index
    %get3A_3 = arith.constant 0 : index
    %get3A_4 = vector.load %arg2[%get3A_2, %get3A_3] : memref<16x256xf32, #tpu.memory_space<vmem>>, vector<16x256xf32>
    %get3A_5 = arith.constant 0 : index
    %get3A_6 = arith.constant 0 : index
    %get3A_7 = vector.load %arg4[%get3A_5, %get3A_6] : memref<16x256xf32, #tpu.memory_space<vmem>>, vector<16x256xf32>
    %get3A_8 = arith.constant 0 : index
    %get3A_9 = vector.load %arg3[%get3A_8] : memref<256xf32, #tpu.memory_space<vmem>>, vector<256xf32>
    %get3A_10 = arith.constant 0 : index
    %get3A_11 = vector.load %arg5[%get3A_10] : memref<256xf32, #tpu.memory_space<vmem>>, vector<256xf32>
    %slice3A = vector.extract_strided_slice %get3A_4 {offsets = [0, 0], sizes = [16, 128], strides = [1, 1]} : vector<16x256xf32> to vector<16x128xf32>
    %dot_general3A = arith.constant dense<0.000000e+00> : vector<4000x128xf32>
    %dot_general3A_12 = tpu.matmul %get3A_1, %slice3A, %dot_general3A {dimension_numbers = #tpu.dot_dimension_numbers<[1], [0], [0], [1], [0, 0, 1, 1], [], []>, transpose_lhs_hint = false} : vector<4000x16xf32>, vector<16x128xf32>, vector<4000x128xf32> -> vector<4000x128xf32>
    %slice3A_13 = vector.extract_strided_slice %get3A_9 {offsets = [0], sizes = [128], strides = [1]} : vector<256xf32> to vector<128xf32>
    %broadcast_in_dim3A = vector.shape_cast %slice3A_13 : vector<128xf32> to vector<1x128xf32>
    %add3A = vector.broadcast %broadcast_in_dim3A : vector<1x128xf32> to vector<4000x128xf32>
    %add3A_14 = arith.addf %dot_general3A_12, %add3A : vector<4000x128xf32>
    %swap3A = arith.constant 0 : index
    %swap3A_15 = arith.constant 0 : index
    %swap3A_16 = arith.constant 0 : index
    %swap3A_17 = vector.load %arg6[%swap3A, %swap3A_15, %swap3A_16] : memref<4x4000x128xf32, #tpu.memory_space<vmem>>, vector<1x4000x128xf32>
    %swap3A_18 = vector.shape_cast %swap3A_17 : vector<1x4000x128xf32> to vector<4000x128xf32>
    %swap3A_19 = vector.shape_cast %add3A_14 : vector<4000x128xf32> to vector<1x4000x128xf32>
    tpu.vector_store %arg6[%swap3A, %swap3A_15, %swap3A_16], %swap3A_19 {strides = array<i32>} : memref<4x4000x128xf32, #tpu.memory_space<vmem>>, vector<1x4000x128xf32>,
    %slice3A_20 = vector.extract_strided_slice %get3A_4 {offsets = [0, 128], sizes = [16, 128], strides = [1, 1]} : vector<16x256xf32> to vector<16x128xf32>
    %dot_general3A_21 = arith.constant dense<0.000000e+00> : vector<4000x128xf32>
    %dot_general3A_22 = tpu.matmul %get3A_1, %slice3A_20, %dot_general3A_21 {dimension_numbers = #tpu.dot_dimension_numbers<[1], [0], [0], [1], [0, 0, 1, 1], [], []>, transpose_lhs_hint = false} : vector<4000x16xf32>, vector<16x128xf32>, vector<4000x128xf32> -> vector<4000x128xf32>
    %slice3A_23 = vector.extract_strided_slice %get3A_9 {offsets = [128], sizes = [128], strides = [1]} : vector<256xf32> to vector<128xf32>
    %broadcast_in_dim3A_24 = vector.shape_cast %slice3A_23 : vector<128xf32> to vector<1x128xf32>
    %add3A_25 = vector.broadcast %broadcast_in_dim3A_24 : vector<1x128xf32> to vector<4000x128xf32>
    %add3A_26 = arith.addf %dot_general3A_22, %add3A_25 : vector<4000x128xf32>
    %swap3A_27 = arith.constant 1 : index
    %swap3A_28 = arith.constant 0 : index
    %swap3A_29 = arith.constant 0 : index
    %swap3A_30 = vector.load %arg6[%swap3A_27, %swap3A_28, %swap3A_29] : memref<4x4000x128xf32, #tpu.memory_space<vmem>>, vector<1x4000x128xf32>
    %swap3A_31 = vector.shape_cast %swap3A_30 : vector<1x4000x128xf32> to vector<4000x128xf32>
    %swap3A_32 = vector.shape_cast %add3A_26 : vector<4000x128xf32> to vector<1x4000x128xf32>
    tpu.vector_store %arg6[%swap3A_27, %swap3A_28, %swap3A_29], %swap3A_32 {strides = array<i32>} : memref<4x4000x128xf32, #tpu.memory_space<vmem>>, vector<1x4000x128xf32>,
    %slice3A_33 = vector.extract_strided_slice %get3A_7 {offsets = [0, 0], sizes = [16, 128], strides = [1, 1]} : vector<16x256xf32> to vector<16x128xf32>
    %dot_general3A_34 = arith.constant dense<0.000000e+00> : vector<4000x128xf32>
    %dot_general3A_35 = tpu.matmul %get3A_1, %slice3A_33, %dot_general3A_34 {dimension_numbers = #tpu.dot_dimension_numbers<[1], [0], [0], [1], [0, 0, 1, 1], [], []>, transpose_lhs_hint = false} : vector<4000x16xf32>, vector<16x128xf32>, vector<4000x128xf32> -> vector<4000x128xf32>
    %slice3A_36 = vector.extract_strided_slice %get3A_11 {offsets = [0], sizes = [128], strides = [1]} : vector<256xf32> to vector<128xf32>
    %broadcast_in_dim3A_37 = vector.shape_cast %slice3A_36 : vector<128xf32> to vector<1x128xf32>
    %add3A_38 = vector.broadcast %broadcast_in_dim3A_37 : vector<1x128xf32> to vector<4000x128xf32>
    %add3A_39 = arith.addf %dot_general3A_35, %add3A_38 : vector<4000x128xf32>
    %swap3A_40 = arith.constant 2 : index
    %swap3A_41 = arith.constant 0 : index
    %swap3A_42 = arith.constant 0 : index
    %swap3A_43 = vector.load %arg6[%swap3A_40, %swap3A_41, %swap3A_42] : memref<4x4000x128xf32, #tpu.memory_space<vmem>>, vector<1x4000x128xf32>
    %swap3A_44 = vector.shape_cast %swap3A_43 : vector<1x4000x128xf32> to vector<4000x128xf32>
    %swap3A_45 = vector.shape_cast %add3A_39 : vector<4000x128xf32> to vector<1x4000x128xf32>
    tpu.vector_store %arg6[%swap3A_40, %swap3A_41, %swap3A_42], %swap3A_45 {strides = array<i32>} : memref<4x4000x128xf32, #tpu.memory_space<vmem>>, vector<1x4000x128xf32>,
    %slice3A_46 = vector.extract_strided_slice %get3A_7 {offsets = [0, 128], sizes = [16, 128], strides = [1, 1]} : vector<16x256xf32> to vector<16x128xf32>
    %dot_general3A_47 = arith.constant dense<0.000000e+00> : vector<4000x128xf32>
    %dot_general3A_48 = tpu.matmul %get3A_1, %slice3A_46, %dot_general3A_47 {dimension_numbers = #tpu.dot_dimension_numbers<[1], [0], [0], [1], [0, 0, 1, 1], [], []>, transpose_lhs_hint = false} : vector<4000x16xf32>, vector<16x128xf32>, vector<4000x128xf32> -> vector<4000x128xf32>
    %slice3A_49 = vector.extract_strided_slice %get3A_11 {offsets = [128], sizes = [128], strides = [1]} : vector<256xf32> to vector<128xf32>
    %broadcast_in_dim3A_50 = vector.shape_cast %slice3A_49 : vector<128xf32> to vector<1x128xf32>
    %add3A_51 = vector.broadcast %broadcast_in_dim3A_50 : vector<1x128xf32> to vector<4000x128xf32>
    %add3A_52 = arith.addf %dot_general3A_48, %add3A_51 : vector<4000x128xf32>
    %swap3A_53 = arith.constant 3 : index
    %swap3A_54 = arith.constant 0 : index
    %swap3A_55 = arith.constant 0 : index
    %swap3A_56 = vector.load %arg6[%swap3A_53, %swap3A_54, %swap3A_55] : memref<4x4000x128xf32, #tpu.memory_space<vmem>>, vector<1x4000x128xf32>
    %swap3A_57 = vector.shape_cast %swap3A_56 : vector<1x4000x128xf32> to vector<4000x128xf32>
    %swap3A_58 = vector.shape_cast %add3A_52 : vector<4000x128xf32> to vector<1x4000x128xf32>
    tpu.vector_store %arg6[%swap3A_53, %swap3A_54, %swap3A_55], %swap3A_58 {strides = array<i32>} : memref<4x4000x128xf32, #tpu.memory_space<vmem>>, vector<1x4000x128xf32>,
    return
  }
  func.func @transform_0(%arg0: i32) -> (i32, i32) {
    %c0_i32 = arith.constant 0 : i32
    %c0_i32_0 = arith.constant 0 : i32
    return %arg0, %c0_i32 : i32, i32
  }
  func.func @transform_1(%arg0: i32) -> (i32, i32) {
    %c0_i32 = arith.constant 0 : i32
    %c0_i32_0 = arith.constant 0 : i32
    %c0_i32_1 = arith.constant 0 : i32
    return %c0_i32, %c0_i32_0 : i32, i32
  }
  func.func @transform_2(%arg0: i32) -> i32 {
    %c0_i32 = arith.constant 0 : i32
    %c0_i32_0 = arith.constant 0 : i32
    return %c0_i32 : i32
  }
  func.func @transform_3(%arg0: i32) -> (i32, i32) {
    %c0_i32 = arith.constant 0 : i32
    %c0_i32_0 = arith.constant 0 : i32
    %c0_i32_1 = arith.constant 0 : i32
    return %c0_i32, %c0_i32_0 : i32, i32
  }
  func.func @transform_4(%arg0: i32) -> i32 {
    %c0_i32 = arith.constant 0 : i32
    %c0_i32_0 = arith.constant 0 : i32
    return %c0_i32 : i32
  }
  func.func @transform_5(%arg0: i32) -> (i32, i32, i32) {
    %c0_i32 = arith.constant 0 : i32
    %c0_i32_0 = arith.constant 0 : i32
    %c0_i32_1 = arith.constant 0 : i32
    return %c0_i32, %arg0, %c0_i32_0 : i32, i32, i32
  }
}

module attributes {stable_mosaic.version = 14 : i64} {
  func.func @_pre_a_body(%arg0: i32, %arg1: memref<1000x128xf32, #tpu.memory_space<vmem>>, %arg2: memref<128x256xf32, #tpu.memory_space<vmem>>, %arg3: memref<128x256xf32, #tpu.memory_space<vmem>>, %arg4: memref<4x1000x128xf32, #tpu.memory_space<vmem>>) attributes {dimension_semantics = [#tpu.dimension_semantics<arbitrary>], iteration_bounds = array<i64: 10>, scalar_prefetch = 0 : i64, scratch_operands = 0 : i64, tpu.core_type = #tpu.core_type<tc>, window_params = [{transform_indices = @transform_0, window_bounds = array<i64: 1000, 128>}, {pipeline_mode = #tpu.pipeline_mode<synchronous>, transform_indices = @transform_1, window_bounds = array<i64: 128, 256>}, {pipeline_mode = #tpu.pipeline_mode<synchronous>, transform_indices = @transform_2, window_bounds = array<i64: 128, 256>}, {transform_indices = @transform_3, window_bounds = array<i64: 4, 1000, 128>}]} {
    %get3A = arith.constant 0 : index
    %get3A_0 = arith.constant 0 : index
    %get3A_1 = vector.load %arg1[%get3A, %get3A_0] : memref<1000x128xf32, #tpu.memory_space<vmem>>, vector<1000x128xf32>
    %get3A_2 = arith.constant 0 : index
    %get3A_3 = arith.constant 0 : index
    %get3A_4 = vector.load %arg2[%get3A_2, %get3A_3] : memref<128x256xf32, #tpu.memory_space<vmem>>, vector<128x256xf32>
    %get3A_5 = arith.constant 0 : index
    %get3A_6 = arith.constant 0 : index
    %get3A_7 = vector.load %arg3[%get3A_5, %get3A_6] : memref<128x256xf32, #tpu.memory_space<vmem>>, vector<128x256xf32>
    %slice3A = vector.extract_strided_slice %get3A_4 {offsets = [0, 0], sizes = [128, 128], strides = [1, 1]} : vector<128x256xf32> to vector<128x128xf32>
    %dot_general3A = arith.constant dense<0.000000e+00> : vector<1000x128xf32>
    %dot_general3A_8 = tpu.matmul %get3A_1, %slice3A, %dot_general3A {dimension_numbers = #tpu.dot_dimension_numbers<[1], [0], [0], [1], [0, 0, 1, 1], [], []>, transpose_lhs_hint = false} : vector<1000x128xf32>, vector<128x128xf32>, vector<1000x128xf32> -> vector<1000x128xf32>
    %swap3A = arith.constant 0 : index
    %swap3A_9 = arith.constant 0 : index
    %swap3A_10 = arith.constant 0 : index
    %swap3A_11 = vector.load %arg4[%swap3A, %swap3A_9, %swap3A_10] : memref<4x1000x128xf32, #tpu.memory_space<vmem>>, vector<1x1000x128xf32>
    %swap3A_12 = vector.shape_cast %swap3A_11 : vector<1x1000x128xf32> to vector<1000x128xf32>
    %swap3A_13 = vector.shape_cast %dot_general3A_8 : vector<1000x128xf32> to vector<1x1000x128xf32>
    tpu.vector_store %arg4[%swap3A, %swap3A_9, %swap3A_10], %swap3A_13 {strides = array<i32>} : memref<4x1000x128xf32, #tpu.memory_space<vmem>>, vector<1x1000x128xf32>,
    %slice3A_14 = vector.extract_strided_slice %get3A_4 {offsets = [0, 128], sizes = [128, 128], strides = [1, 1]} : vector<128x256xf32> to vector<128x128xf32>
    %dot_general3A_15 = arith.constant dense<0.000000e+00> : vector<1000x128xf32>
    %dot_general3A_16 = tpu.matmul %get3A_1, %slice3A_14, %dot_general3A_15 {dimension_numbers = #tpu.dot_dimension_numbers<[1], [0], [0], [1], [0, 0, 1, 1], [], []>, transpose_lhs_hint = false} : vector<1000x128xf32>, vector<128x128xf32>, vector<1000x128xf32> -> vector<1000x128xf32>
    %swap3A_17 = arith.constant 1 : index
    %swap3A_18 = arith.constant 0 : index
    %swap3A_19 = arith.constant 0 : index
    %swap3A_20 = vector.load %arg4[%swap3A_17, %swap3A_18, %swap3A_19] : memref<4x1000x128xf32, #tpu.memory_space<vmem>>, vector<1x1000x128xf32>
    %swap3A_21 = vector.shape_cast %swap3A_20 : vector<1x1000x128xf32> to vector<1000x128xf32>
    %swap3A_22 = vector.shape_cast %dot_general3A_16 : vector<1000x128xf32> to vector<1x1000x128xf32>
    tpu.vector_store %arg4[%swap3A_17, %swap3A_18, %swap3A_19], %swap3A_22 {strides = array<i32>} : memref<4x1000x128xf32, #tpu.memory_space<vmem>>, vector<1x1000x128xf32>,
    %slice3A_23 = vector.extract_strided_slice %get3A_7 {offsets = [0, 0], sizes = [128, 128], strides = [1, 1]} : vector<128x256xf32> to vector<128x128xf32>
    %dot_general3A_24 = arith.constant dense<0.000000e+00> : vector<1000x128xf32>
    %dot_general3A_25 = tpu.matmul %get3A_1, %slice3A_23, %dot_general3A_24 {dimension_numbers = #tpu.dot_dimension_numbers<[1], [0], [0], [1], [0, 0, 1, 1], [], []>, transpose_lhs_hint = false} : vector<1000x128xf32>, vector<128x128xf32>, vector<1000x128xf32> -> vector<1000x128xf32>
    %swap3A_26 = arith.constant 2 : index
    %swap3A_27 = arith.constant 0 : index
    %swap3A_28 = arith.constant 0 : index
    %swap3A_29 = vector.load %arg4[%swap3A_26, %swap3A_27, %swap3A_28] : memref<4x1000x128xf32, #tpu.memory_space<vmem>>, vector<1x1000x128xf32>
    %swap3A_30 = vector.shape_cast %swap3A_29 : vector<1x1000x128xf32> to vector<1000x128xf32>
    %swap3A_31 = vector.shape_cast %dot_general3A_25 : vector<1000x128xf32> to vector<1x1000x128xf32>
    tpu.vector_store %arg4[%swap3A_26, %swap3A_27, %swap3A_28], %swap3A_31 {strides = array<i32>} : memref<4x1000x128xf32, #tpu.memory_space<vmem>>, vector<1x1000x128xf32>,
    %slice3A_32 = vector.extract_strided_slice %get3A_7 {offsets = [0, 128], sizes = [128, 128], strides = [1, 1]} : vector<128x256xf32> to vector<128x128xf32>
    %dot_general3A_33 = arith.constant dense<0.000000e+00> : vector<1000x128xf32>
    %dot_general3A_34 = tpu.matmul %get3A_1, %slice3A_32, %dot_general3A_33 {dimension_numbers = #tpu.dot_dimension_numbers<[1], [0], [0], [1], [0, 0, 1, 1], [], []>, transpose_lhs_hint = false} : vector<1000x128xf32>, vector<128x128xf32>, vector<1000x128xf32> -> vector<1000x128xf32>
    %swap3A_35 = arith.constant 3 : index
    %swap3A_36 = arith.constant 0 : index
    %swap3A_37 = arith.constant 0 : index
    %swap3A_38 = vector.load %arg4[%swap3A_35, %swap3A_36, %swap3A_37] : memref<4x1000x128xf32, #tpu.memory_space<vmem>>, vector<1x1000x128xf32>
    %swap3A_39 = vector.shape_cast %swap3A_38 : vector<1x1000x128xf32> to vector<1000x128xf32>
    %swap3A_40 = vector.shape_cast %dot_general3A_34 : vector<1000x128xf32> to vector<1x1000x128xf32>
    tpu.vector_store %arg4[%swap3A_35, %swap3A_36, %swap3A_37], %swap3A_40 {strides = array<i32>} : memref<4x1000x128xf32, #tpu.memory_space<vmem>>, vector<1x1000x128xf32>,
    return
  }
  func.func @transform_0(%arg0: i32) -> (i32, i32) {
    %c0_i32 = arith.constant 0 : i32
    %c0_i32_0 = arith.constant 0 : i32
    return %arg0, %c0_i32 : i32, i32
  }
  func.func @transform_1(%arg0: i32) -> (i32, i32) {
    %c0_i32 = arith.constant 0 : i32
    %c0_i32_0 = arith.constant 0 : i32
    %c0_i32_1 = arith.constant 0 : i32
    return %c0_i32, %c0_i32_0 : i32, i32
  }
  func.func @transform_2(%arg0: i32) -> (i32, i32) {
    %c0_i32 = arith.constant 0 : i32
    %c0_i32_0 = arith.constant 0 : i32
    %c0_i32_1 = arith.constant 0 : i32
    return %c0_i32, %c0_i32_0 : i32, i32
  }
  func.func @transform_3(%arg0: i32) -> (i32, i32, i32) {
    %c0_i32 = arith.constant 0 : i32
    %c0_i32_0 = arith.constant 0 : i32
    %c0_i32_1 = arith.constant 0 : i32
    return %c0_i32, %arg0, %c0_i32_0 : i32, i32, i32
  }
}

module attributes {stable_mosaic.version = 14 : i64} {
  func.func @_post_body(%arg0: i32, %arg1: memref<1x1000x128xf32, #tpu.memory_space<vmem>>, %arg2: memref<1x1000x128xf32, #tpu.memory_space<vmem>>, %arg3: memref<1x1000x128xf32, #tpu.memory_space<vmem>>, %arg4: memref<1x1000x128xf32, #tpu.memory_space<vmem>>, %arg5: memref<1000x1xf32, #tpu.memory_space<vmem>>, %arg6: memref<1000x1xf32, #tpu.memory_space<vmem>>, %arg7: memref<1000x128xf32, #tpu.memory_space<vmem>>, %arg8: memref<256x128xf32, #tpu.memory_space<vmem>>, %arg9: memref<128xf32, #tpu.memory_space<vmem>>, %arg10: memref<256x128xf32, #tpu.memory_space<vmem>>, %arg11: memref<128xf32, #tpu.memory_space<vmem>>, %arg12: memref<256x256xf32, #tpu.memory_space<vmem>>, %arg13: memref<256xf32, #tpu.memory_space<vmem>>, %arg14: memref<256x128xf32, #tpu.memory_space<vmem>>, %arg15: memref<128xf32, #tpu.memory_space<vmem>>, %arg16: memref<1000x128xf32, #tpu.memory_space<vmem>>) attributes {dimension_semantics = [#tpu.dimension_semantics<arbitrary>], iteration_bounds = array<i64: 10>, scalar_prefetch = 0 : i64, scratch_operands = 0 : i64, tpu.core_type = #tpu.core_type<tc>, window_params = [{transform_indices = @transform_0, window_bounds = array<i64: 1, 1000, 128>}, {transform_indices = @transform_1, window_bounds = array<i64: 1, 1000, 128>}, {transform_indices = @transform_2, window_bounds = array<i64: 1, 1000, 128>}, {transform_indices = @transform_3, window_bounds = array<i64: 1, 1000, 128>}, {transform_indices = @transform_4, window_bounds = array<i64: 1000, 1>}, {transform_indices = @transform_5, window_bounds = array<i64: 1000, 1>}, {transform_indices = @transform_6, window_bounds = array<i64: 1000, 128>}, {pipeline_mode = #tpu.pipeline_mode<synchronous>, transform_indices = @transform_7, window_bounds = array<i64: 256, 128>}, {pipeline_mode = #tpu.pipeline_mode<synchronous>, transform_indices = @transform_8, window_bounds = array<i64: 128>}, {pipeline_mode = #tpu.pipeline_mode<synchronous>, transform_indices = @transform_9, window_bounds = array<i64: 256, 128>}, {pipeline_mode = #tpu.pipeline_mode<synchronous>, transform_indices = @transform_10, window_bounds = array<i64: 128>}, {pipeline_mode = #tpu.pipeline_mode<synchronous>, transform_indices = @transform_11, window_bounds = array<i64: 256, 256>}, {pipeline_mode = #tpu.pipeline_mode<synchronous>, transform_indices = @transform_12, window_bounds = array<i64: 256>}, {pipeline_mode = #tpu.pipeline_mode<synchronous>, transform_indices = @transform_13, window_bounds = array<i64: 256, 128>}, {pipeline_mode = #tpu.pipeline_mode<synchronous>, transform_indices = @transform_14, window_bounds = array<i64: 128>}, {transform_indices = @transform_15, window_bounds = array<i64: 1000, 128>}]} {
    %get3A = arith.constant 0 : index
    %get3A_0 = arith.constant 0 : index
    %get3A_1 = vector.load %arg8[%get3A, %get3A_0] : memref<256x128xf32, #tpu.memory_space<vmem>>, vector<256x128xf32>
    %get3A_2 = arith.constant 0 : index
    %get3A_3 = arith.constant 0 : index
    %get3A_4 = vector.load %arg10[%get3A_2, %get3A_3] : memref<256x128xf32, #tpu.memory_space<vmem>>, vector<256x128xf32>
    %get3A_5 = arith.constant 0 : index
    %get3A_6 = arith.constant 0 : index
    %get3A_7 = arith.constant 0 : index
    %get3A_8 = vector.load %arg1[%get3A_5, %get3A_6, %get3A_7] : memref<1x1000x128xf32, #tpu.memory_space<vmem>>, vector<1x1000x128xf32>
    %get3A_9 = vector.shape_cast %get3A_8 : vector<1x1000x128xf32> to vector<1000x128xf32>
    %get3A_10 = arith.constant 0 : index
    %get3A_11 = arith.constant 0 : index
    %get3A_12 = arith.constant 0 : index
    %get3A_13 = vector.load %arg2[%get3A_10, %get3A_11, %get3A_12] : memref<1x1000x128xf32, #tpu.memory_space<vmem>>, vector<1x1000x128xf32>
    %get3A_14 = vector.shape_cast %get3A_13 : vector<1x1000x128xf32> to vector<1000x128xf32>
    %get3A_15 = arith.constant 0 : index
    %get3A_16 = arith.constant 0 : index
    %get3A_17 = arith.constant 0 : index
    %get3A_18 = vector.load %arg3[%get3A_15, %get3A_16, %get3A_17] : memref<1x1000x128xf32, #tpu.memory_space<vmem>>, vector<1x1000x128xf32>
    %get3A_19 = vector.shape_cast %get3A_18 : vector<1x1000x128xf32> to vector<1000x128xf32>
    %get3A_20 = arith.constant 0 : index
    %get3A_21 = arith.constant 0 : index
    %get3A_22 = arith.constant 0 : index
    %get3A_23 = vector.load %arg4[%get3A_20, %get3A_21, %get3A_22] : memref<1x1000x128xf32, #tpu.memory_space<vmem>>, vector<1x1000x128xf32>
    %get3A_24 = vector.shape_cast %get3A_23 : vector<1x1000x128xf32> to vector<1000x128xf32>
    %get3A_25 = arith.constant 0 : index
    %get3A_26 = arith.constant 0 : index
    %get3A_27 = vector.load %arg5[%get3A_25, %get3A_26] : memref<1000x1xf32, #tpu.memory_space<vmem>>, vector<1000x1xf32>
    %get3A_28 = arith.constant 0 : index
    %get3A_29 = arith.constant 0 : index
    %get3A_30 = vector.load %arg6[%get3A_28, %get3A_29] : memref<1000x1xf32, #tpu.memory_space<vmem>>, vector<1000x1xf32>
    %slice3A = vector.extract_strided_slice %get3A_1 {offsets = [0, 0], sizes = [128, 128], strides = [1, 1]} : vector<256x128xf32> to vector<128x128xf32>
    %dot_general3A = arith.constant dense<0.000000e+00> : vector<1000x128xf32>
    %dot_general3A_31 = tpu.matmul %get3A_9, %slice3A, %dot_general3A {dimension_numbers = #tpu.dot_dimension_numbers<[1], [0], [0], [1], [0, 0, 1, 1], [], []>, transpose_lhs_hint = false} : vector<1000x128xf32>, vector<128x128xf32>, vector<1000x128xf32> -> vector<1000x128xf32>
    %slice3A_32 = vector.extract_strided_slice %get3A_1 {offsets = [128, 0], sizes = [128, 128], strides = [1, 1]} : vector<256x128xf32> to vector<128x128xf32>
    %dot_general3A_33 = arith.constant dense<0.000000e+00> : vector<1000x128xf32>
    %dot_general3A_34 = tpu.matmul %get3A_14, %slice3A_32, %dot_general3A_33 {dimension_numbers = #tpu.dot_dimension_numbers<[1], [0], [0], [1], [0, 0, 1, 1], [], []>, transpose_lhs_hint = false} : vector<1000x128xf32>, vector<128x128xf32>, vector<1000x128xf32> -> vector<1000x128xf32>
    %add3A = arith.addf %dot_general3A_31, %dot_general3A_34 : vector<1000x128xf32>
    %get3A_35 = arith.constant 0 : index
    %get3A_36 = vector.load %arg9[%get3A_35] : memref<128xf32, #tpu.memory_space<vmem>>, vector<128xf32>
    %broadcast_in_dim3A = vector.shape_cast %get3A_36 : vector<128xf32> to vector<1x128xf32>
    %mul3A = vector.broadcast %get3A_27 : vector<1000x1xf32> to vector<1000x128xf32>
    %mul3A_37 = vector.broadcast %broadcast_in_dim3A : vector<1x128xf32> to vector<1000x128xf32>
    %mul3A_38 = arith.mulf %mul3A, %mul3A_37 : vector<1000x128xf32>
    %add3A_39 = arith.addf %add3A, %mul3A_38 : vector<1000x128xf32>
    %slice3A_40 = vector.extract_strided_slice %get3A_4 {offsets = [0, 0], sizes = [128, 128], strides = [1, 1]} : vector<256x128xf32> to vector<128x128xf32>
    %dot_general3A_41 = arith.constant dense<0.000000e+00> : vector<1000x128xf32>
    %dot_general3A_42 = tpu.matmul %get3A_19, %slice3A_40, %dot_general3A_41 {dimension_numbers = #tpu.dot_dimension_numbers<[1], [0], [0], [1], [0, 0, 1, 1], [], []>, transpose_lhs_hint = false} : vector<1000x128xf32>, vector<128x128xf32>, vector<1000x128xf32> -> vector<1000x128xf32>
    %slice3A_43 = vector.extract_strided_slice %get3A_4 {offsets = [128, 0], sizes = [128, 128], strides = [1, 1]} : vector<256x128xf32> to vector<128x128xf32>
    %dot_general3A_44 = arith.constant dense<0.000000e+00> : vector<1000x128xf32>
    %dot_general3A_45 = tpu.matmul %get3A_24, %slice3A_43, %dot_general3A_44 {dimension_numbers = #tpu.dot_dimension_numbers<[1], [0], [0], [1], [0, 0, 1, 1], [], []>, transpose_lhs_hint = false} : vector<1000x128xf32>, vector<128x128xf32>, vector<1000x128xf32> -> vector<1000x128xf32>
    %add3A_46 = arith.addf %dot_general3A_42, %dot_general3A_45 : vector<1000x128xf32>
    %get3A_47 = arith.constant 0 : index
    %get3A_48 = vector.load %arg11[%get3A_47] : memref<128xf32, #tpu.memory_space<vmem>>, vector<128xf32>
    %broadcast_in_dim3A_49 = vector.shape_cast %get3A_48 : vector<128xf32> to vector<1x128xf32>
    %mul3A_50 = vector.broadcast %get3A_30 : vector<1000x1xf32> to vector<1000x128xf32>
    %mul3A_51 = vector.broadcast %broadcast_in_dim3A_49 : vector<1x128xf32> to vector<1000x128xf32>
    %mul3A_52 = arith.mulf %mul3A_50, %mul3A_51 : vector<1000x128xf32>
    %add3A_53 = arith.addf %add3A_46, %mul3A_52 : vector<1000x128xf32>
    %max3A = arith.constant 1.000000e+00 : f32
    %max3A_54 = vector.broadcast %max3A : f32 to vector<1000x1xf32>
    %max3A_55 = arith.maximumf %get3A_30, %max3A_54 : vector<1000x1xf32>
    %div3A = vector.broadcast %max3A_55 : vector<1000x1xf32> to vector<1000x128xf32>
    %div3A_56 = arith.divf %add3A_53, %div3A : vector<1000x128xf32>
    %get3A_57 = arith.constant 0 : index
    %get3A_58 = arith.constant 0 : index
    %get3A_59 = vector.load %arg12[%get3A_57, %get3A_58] : memref<256x256xf32, #tpu.memory_space<vmem>>, vector<256x256xf32>
    %slice3A_60 = vector.extract_strided_slice %get3A_59 {offsets = [0, 0], sizes = [128, 256], strides = [1, 1]} : vector<256x256xf32> to vector<128x256xf32>
    %dot_general3A_61 = arith.constant dense<0.000000e+00> : vector<1000x256xf32>
    %dot_general3A_62 = tpu.matmul %div3A_56, %slice3A_60, %dot_general3A_61 {dimension_numbers = #tpu.dot_dimension_numbers<[1], [0], [0], [1], [0, 0, 1, 1], [], []>, transpose_lhs_hint = false} : vector<1000x128xf32>, vector<128x256xf32>, vector<1000x256xf32> -> vector<1000x256xf32>
    %slice3A_63 = vector.extract_strided_slice %get3A_59 {offsets = [128, 0], sizes = [128, 256], strides = [1, 1]} : vector<256x256xf32> to vector<128x256xf32>
    %dot_general3A_64 = arith.constant dense<0.000000e+00> : vector<1000x256xf32>
    %dot_general3A_65 = tpu.matmul %add3A_39, %slice3A_63, %dot_general3A_64 {dimension_numbers = #tpu.dot_dimension_numbers<[1], [0], [0], [1], [0, 0, 1, 1], [], []>, transpose_lhs_hint = false} : vector<1000x128xf32>, vector<128x256xf32>, vector<1000x256xf32> -> vector<1000x256xf32>
    %add3A_66 = arith.addf %dot_general3A_62, %dot_general3A_65 : vector<1000x256xf32>
    %get3A_67 = arith.constant 0 : index
    %get3A_68 = vector.load %arg13[%get3A_67] : memref<256xf32, #tpu.memory_space<vmem>>, vector<256xf32>
    %broadcast_in_dim3A_69 = vector.shape_cast %get3A_68 : vector<256xf32> to vector<1x256xf32>
    %add3A_70 = vector.broadcast %broadcast_in_dim3A_69 : vector<1x256xf32> to vector<1000x256xf32>
    %add3A_71 = arith.addf %add3A_66, %add3A_70 : vector<1000x256xf32>
    %mul3A_72 = arith.constant 0.00999999977 : f32
    %mul3A_73 = vector.broadcast %mul3A_72 : f32 to vector<1000x256xf32>
    %mul3A_74 = arith.mulf %mul3A_73, %add3A_71 : vector<1000x256xf32>
    %max3A_75 = arith.maximumf %add3A_71, %mul3A_74 : vector<1000x256xf32>
    %get3A_76 = arith.constant 0 : index
    %get3A_77 = arith.constant 0 : index
    %get3A_78 = vector.load %arg14[%get3A_76, %get3A_77] : memref<256x128xf32, #tpu.memory_space<vmem>>, vector<256x128xf32>
    %dot_general3A_79 = arith.constant dense<0.000000e+00> : vector<1000x128xf32>
    %dot_general3A_80 = tpu.matmul %max3A_75, %get3A_78, %dot_general3A_79 {dimension_numbers = #tpu.dot_dimension_numbers<[1], [0], [0], [1], [0, 0, 1, 1], [], []>, transpose_lhs_hint = false} : vector<1000x256xf32>, vector<256x128xf32>, vector<1000x128xf32> -> vector<1000x128xf32>
    %get3A_81 = arith.constant 0 : index
    %get3A_82 = vector.load %arg15[%get3A_81] : memref<128xf32, #tpu.memory_space<vmem>>, vector<128xf32>
    %broadcast_in_dim3A_83 = vector.shape_cast %get3A_82 : vector<128xf32> to vector<1x128xf32>
    %add3A_84 = vector.broadcast %broadcast_in_dim3A_83 : vector<1x128xf32> to vector<1000x128xf32>
    %add3A_85 = arith.addf %dot_general3A_80, %add3A_84 : vector<1000x128xf32>
    %get3A_86 = arith.constant 0 : index
    %get3A_87 = arith.constant 0 : index
    %get3A_88 = vector.load %arg7[%get3A_86, %get3A_87] : memref<1000x128xf32, #tpu.memory_space<vmem>>, vector<1000x128xf32>
    %add3A_89 = arith.addf %add3A_85, %get3A_88 : vector<1000x128xf32>
    %swap3A = arith.constant 0 : index
    %swap3A_90 = arith.constant 0 : index
    %swap3A_91 = vector.load %arg16[%swap3A, %swap3A_90] : memref<1000x128xf32, #tpu.memory_space<vmem>>, vector<1000x128xf32>
    tpu.vector_store %arg16[%swap3A, %swap3A_90], %add3A_89 {strides = array<i32>} : memref<1000x128xf32, #tpu.memory_space<vmem>>, vector<1000x128xf32>,
    return
  }
  func.func @transform_0(%arg0: i32) -> (i32, i32, i32) {
    %c0_i32 = arith.constant 0 : i32
    %c0_i32_0 = arith.constant 0 : i32
    %c0_i32_1 = arith.constant 0 : i32
    return %c0_i32, %arg0, %c0_i32_0 : i32, i32, i32
  }
  func.func @transform_1(%arg0: i32) -> (i32, i32, i32) {
    %c1_i32 = arith.constant 1 : i32
    %c0_i32 = arith.constant 0 : i32
    %c0_i32_0 = arith.constant 0 : i32
    return %c1_i32, %arg0, %c0_i32 : i32, i32, i32
  }
  func.func @transform_2(%arg0: i32) -> (i32, i32, i32) {
    %c2_i32 = arith.constant 2 : i32
    %c0_i32 = arith.constant 0 : i32
    %c0_i32_0 = arith.constant 0 : i32
    return %c2_i32, %arg0, %c0_i32 : i32, i32, i32
  }
  func.func @transform_3(%arg0: i32) -> (i32, i32, i32) {
    %c3_i32 = arith.constant 3 : i32
    %c0_i32 = arith.constant 0 : i32
    %c0_i32_0 = arith.constant 0 : i32
    return %c3_i32, %arg0, %c0_i32 : i32, i32, i32
  }
  func.func @transform_4(%arg0: i32) -> (i32, i32) {
    %c0_i32 = arith.constant 0 : i32
    %c0_i32_0 = arith.constant 0 : i32
    return %arg0, %c0_i32 : i32, i32
  }
  func.func @transform_5(%arg0: i32) -> (i32, i32) {
    %c0_i32 = arith.constant 0 : i32
    %c0_i32_0 = arith.constant 0 : i32
    return %arg0, %c0_i32 : i32, i32
  }
  func.func @transform_6(%arg0: i32) -> (i32, i32) {
    %c0_i32 = arith.constant 0 : i32
    %c0_i32_0 = arith.constant 0 : i32
    return %arg0, %c0_i32 : i32, i32
  }
  func.func @transform_7(%arg0: i32) -> (i32, i32) {
    %c0_i32 = arith.constant 0 : i32
    %c0_i32_0 = arith.constant 0 : i32
    %c0_i32_1 = arith.constant 0 : i32
    return %c0_i32, %c0_i32_0 : i32, i32
  }
  func.func @transform_8(%arg0: i32) -> i32 {
    %c0_i32 = arith.constant 0 : i32
    %c0_i32_0 = arith.constant 0 : i32
    return %c0_i32 : i32
  }
  func.func @transform_9(%arg0: i32) -> (i32, i32) {
    %c0_i32 = arith.constant 0 : i32
    %c0_i32_0 = arith.constant 0 : i32
    %c0_i32_1 = arith.constant 0 : i32
    return %c0_i32, %c0_i32_0 : i32, i32
  }
  func.func @transform_10(%arg0: i32) -> i32 {
    %c0_i32 = arith.constant 0 : i32
    %c0_i32_0 = arith.constant 0 : i32
    return %c0_i32 : i32
  }
  func.func @transform_11(%arg0: i32) -> (i32, i32) {
    %c0_i32 = arith.constant 0 : i32
    %c0_i32_0 = arith.constant 0 : i32
    %c0_i32_1 = arith.constant 0 : i32
    return %c0_i32, %c0_i32_0 : i32, i32
  }
  func.func @transform_12(%arg0: i32) -> i32 {
    %c0_i32 = arith.constant 0 : i32
    %c0_i32_0 = arith.constant 0 : i32
    return %c0_i32 : i32
  }
  func.func @transform_13(%arg0: i32) -> (i32, i32) {
    %c0_i32 = arith.constant 0 : i32
    %c0_i32_0 = arith.constant 0 : i32
    %c0_i32_1 = arith.constant 0 : i32
    return %c0_i32, %c0_i32_0 : i32, i32
  }
  func.func @transform_14(%arg0: i32) -> i32 {
    %c0_i32 = arith.constant 0 : i32
    %c0_i32_0 = arith.constant 0 : i32
    return %c0_i32 : i32
  }
  func.func @transform_15(%arg0: i32) -> (i32, i32) {
    %c0_i32 = arith.constant 0 : i32
    %c0_i32_0 = arith.constant 0 : i32
    return %arg0, %c0_i32 : i32, i32
  }
}

</mosaic_0001>

<sc_bundles>
// kernel: kernel.6.cloned.1.call-start
scs
__scs_entry_jumppad:
0x0: {  	(pc) =	sbr.rel $0x88, $3  }
0x1: {  	(tag) =	ssettag $0x0;
	lr =	simm.s32 $0x1  }
0x2: {  	[smem:$0x3F92] =	sst lr;
	_ =	strace $0xD0000000  }
0x3: {  	_ = 	snop  }
0x4: {  	_ = 	snop  }
0x5: {  	_ = 	snop  }
0x6: {  	_ = 	snop  }
0x7: {  	_ = 	snop  }
__scs_overlays_trampoline_lowered:
0x8: {  	[smem:$0x3FA1] =	sst s0  }
0x9: {  	[smem:$0x3FA2] =	sst s1  }
0xa: {  	[smem:$0x3FA3] =	sst s2  }
0xb: {  	[smem:$0x3FA4] =	sst s3  }
0xc: {  	[smem:$0x3FA5] =	sst s4  }
0xd: {  	[smem:$0x3FA6] =	sst s5  }
0xe: {  	[smem:$0x3FA7] =	sst s6  }
0xf: {  	[smem:$0x3FA8] =	sst s7  }
0x10: {  	[smem:$0x3FA9] =	sst s8  }
0x11: {  	[smem:$0x3FAA] =	sst s9;
	s0 =	simm.s32 @!p0 $0x0  }
0x12: {  	s1 =	sld [smem:$0x3F90];
	s0 =	simm.s32 @p0 $0x1  }
0x13: {  	[smem:$0x3FAB] =	sst s0;
	s0 =	simm.s32 @!p1 $0x0  }
0x14: {  	s2 =	sld [smem:$0x3F8F];
	s0 =	simm.s32 @p1 $0x1  }
0x15: {  	[smem:$0x3FAC] =	sst s0;
	s0 =	simm.s32 @!p2 $0x0  }
0x16: {  	s3 =	sld [smem:$0x3FDB];
	s0 =	simm.s32 @p2 $0x1  }
0x17: {  	s4 =	simm.s32 $0x1BF5;
	[smem:$0x3FAE] =	sst s0  }
0x18: {  	s0 =	sld [smem:$0x3F91];
	_ =	swait.ge [sflag:s4], $0x0  }
0x19: {  	s7 =	sld [smem:$0x3F92]  }
0x1a: {  	s8 =	sadd.s32 $0xFFFFE003, lr  }
0x1b: {  	s9 =	sadd.s32 $0xFFFFFEF7, lr;
	s5 =	simm.s32 $0xFFFFFFFF;
	p2 =	slt.u32 s8, $0xFFFFF086  }
0x1c: {  	p1 =	slt.u32 s9, $0xF7A;
	s5 =	simm.s32 @!p2 $0x0  }
0x1d: {  	s5 =	simm.s32 @p1 $0x1;
	p0 =	seq.s32 s7, s2  }
0x1e: {  	s7 =	smul.u32 @!p0 $0xF7A, s2;
	p2 =	seq.s32 @!p0 s5, $0x0  }
0x1f: {  	s9 =	smul.u32 $0xF7A, s1;
	s8 =	simm.s32 @!p0 $0x1BF5;
	p2 =	por !p2, p0  }
0x20: {  	[sflag:s8] =	ssyncset.s32 @!p0 $0xFFFFF086;
	s6 =	sadd.s32 @!p0 s3, s7;
	s7 =	simm.s32 @!p0 $0x108  }
0x21: {  	s3 =	sadd.s32 s3, s9;
	s6 =	sadd.s32 @!p0 $0x88, s6;
	s7 =	simm.s32 @p2 $0x1082  }
0x22: {  	[simem:s7], [sflag:s8] =	dma.local @!p0 [hbm:s6], $0xF7A  }
0x23: {  	s9 =	sor.u32 $0xD0000000, s2;
	s6 =	simm.s32 $0x108;
	_ =	swait.ge @!p0 [sflag:s8], $0x0  }
0x24: {  	s3 =	sadd.s32 $0x88, s3;
	s6 =	simm.s32 @!p1 $0x1082;
	[sflag:s4] =	ssyncset.s32 $0xFFFFF086  }
0x25: {  	[simem:s6], [sflag:s4] =	dma.local [hbm:s3], $0xF7A  }
0x26: {  	[smem:$0x3F92] =	sst s1;
	(tag) =	ssettag s2;
	_ =	strace s9  }
0x27: {  	s1 =	sld [smem:$0x3FA2]  }
0x28: {  	s2 =	sld [smem:$0x3FA3]  }
0x29: {  	s4 =	sld [smem:$0x3FA5]  }
0x2a: {  	p0 =	seq.s32 s5, $0x0;
	s5 =	sld [smem:$0x3FA6]  }
0x2b: {  	s6 =	sld [smem:$0x3FA7]  }
0x2c: {  	s7 =	sld [smem:$0x3FA8]  }
0x2d: {  	s3 =	simm.s32 $0x108;
	s8 =	sld [smem:$0x3FA9]  }
0x2e: {  	s3 =	simm.s32 @!p0 $0x1082;
	s9 =	sld [smem:$0x3FAA]  }
0x2f: {  	lr =	sadd.s32 s0, s3;
	s0 =	sld [smem:$0x3FA1]  }
0x30: {  	s3 =	sld [smem:$0x3FA4]  }
0x31: {  	[smem:$0x3FAD] =	sst s10  }
0x32: {  	s10 =	sld [smem:$0x3FAB];
	_ =	sdelay $0x3  }
0x33: {  	p0 =	seq.s32 s10, $0x1;
	s10 =	sld [smem:$0x3FAD];
	_ =	sdelay $0x3  }
0x34: {  	[smem:$0x3FAD] =	sst s10  }
0x35: {  	s10 =	sld [smem:$0x3FAC];
	_ =	sdelay $0x3  }
0x36: {  	p1 =	seq.s32 s10, $0x1;
	s10 =	sld [smem:$0x3FAD];
	_ =	sdelay $0x3  }
0x37: {  	[smem:$0x3FAD] =	sst s10  }
0x38: {  	s10 =	sld [smem:$0x3FAE]  }
0x39: {  	_ = 	snop;
	(pc) =	sbr.ind lr, $3  }
0x3a: {  	_ = 	snop  }
0x3b: {  	_ = 	snop  }
0x3c: {  	p2 =	seq.s32 s10, $0x1;
	s10 =	sld [smem:$0x3FAD]  }
0x3d: {  	_ =	shalt  }
0x3e: {  	_ =	shalt  }
0x3f: {  	_ =	shalt  }
0x40: {  	_ =	shalt  }
0x41: {  	_ =	shalt  }
0x42: {  	_ =	shalt  }
0x43: {  	_ =	shalt  }
0x44: {  	_ =	shalt  }
0x45: {  	_ =	shalt  }
0x46: {  	_ =	shalt  }
0x47: {  	_ =	shalt  }
0x48: {  	_ =	shalt  }
0x49: {  	_ =	shalt  }
0x4a: {  	_ =	shalt  }
0x4b: {  	_ =	shalt  }
0x4c: {  	_ =	shalt  }
0x4d: {  	_ =	shalt  }
0x4e: {  	_ =	shalt  }
0x4f: {  	_ =	shalt  }
0x50: {  	_ =	shalt  }
0x51: {  	_ =	shalt  }
0x52: {  	_ =	shalt  }
0x53: {  	_ =	shalt  }
0x54: {  	_ =	shalt  }
0x55: {  	_ =	shalt  }
0x56: {  	_ =	shalt  }
0x57: {  	_ =	shalt  }
0x58: {  	_ =	shalt  }
0x59: {  	_ =	shalt  }
0x5a: {  	_ =	shalt  }
0x5b: {  	_ =	shalt  }
0x5c: {  	_ =	shalt  }
0x5d: {  	_ =	shalt  }
0x5e: {  	_ =	shalt  }
0x5f: {  	_ =	shalt  }
0x60: {  	_ =	shalt  }
0x61: {  	_ =	shalt  }
0x62: {  	_ =	shalt  }
0x63: {  	_ =	shalt  }
0x64: {  	_ =	shalt  }
0x65: {  	_ =	shalt  }
0x66: {  	_ =	shalt  }
0x67: {  	_ =	shalt  }
0x68: {  	_ =	shalt  }
0x69: {  	_ =	shalt  }
0x6a: {  	_ =	shalt  }
0x6b: {  	_ =	shalt  }
0x6c: {  	_ =	shalt  }
0x6d: {  	_ =	shalt  }
0x6e: {  	_ =	shalt  }
0x6f: {  	_ =	shalt  }
0x70: {  	_ =	shalt  }
0x71: {  	_ =	shalt  }
0x72: {  	_ =	shalt  }
0x73: {  	_ =	shalt  }
0x74: {  	_ =	shalt  }
0x75: {  	_ =	shalt  }
0x76: {  	_ =	shalt  }
0x77: {  	_ =	shalt  }
0x78: {  	_ =	shalt  }
0x79: {  	_ =	shalt  }
0x7a: {  	_ =	shalt  }
0x7b: {  	_ =	shalt  }
0x7c: {  	_ =	shalt  }
0x7d: {  	_ =	shalt  }
0x7e: {  	_ =	shalt  }
0x7f: {  	_ =	shalt  }
0x80: {  	_ =	shalt  }
0x81: {  	_ =	shalt  }
0x82: {  	_ =	shalt  }
0x83: {  	_ =	shalt  }
0x84: {  	_ =	shalt  }
0x85: {  	_ =	shalt  }
0x86: {  	_ =	shalt  }
0x87: {  	_ =	shalt  }
.Lfunc_end0:
.L_simem_size_0:
called_computation_lowered:
.L_overlay_start_0:
0x88: {  	s2 =	sld [smem:$0x3FD9]  }
0x89: {  	s3 =	sld [smem:$0x3FFE];
	_ =	sdelay $0x1  }
0x8a: {  	s1 =	srdreg.scid  }
0x8b: {  	s0 =	sand.u32 $0x1, s1  }
0x8c: {  	s17 =	sshll.u32 s0, $0xA;
	s2 =	sadd.s32 s3, s2  }
0x8d: {  	s2 =	sadd.s32 s2, s17  }
0x8e: {  	[smem:$0x3FB9] =	sst s2  }
0x8f: {  	_ = 	snop  }
0x90: {  	s2 =	sld [smem:$0x3FD0];
	(tm) =	ssettm $0x1  }
0x91: {  	s18 =	sld [smem:$0x3FFB];
	_ =	sdelay $0x3  }
0x92: {  	_ =	strace s18  }
0x93: {  	s3 =	sld [smem:$0x3FFC];
	_ =	sdelay $0x3  }
0x94: {  	_ =	strace s3  }
0x95: {  	s3 =	sld [smem:$0x3FFD];
	_ =	sdelay $0x3  }
0x96: {  	_ =	strace s3  }
0x97: {  	_ =	strace $0x8FFFFFFF  }
0x98: {  	s19 =	sld [smem:$0x3FDB];
	_ =	sdelay $0x1  }
0x99: {  	s4 =	simm.s32 $_scs_section_size  }
0x9a: {  	s5 =	simm.s32 $_size__tile_overlayer_lowered;
	s6 =	simm.s32 $_tile_overlayer_lowered  }
0x9b: {  	s22 =	simm.s32 $0x1BFF;
	s21 =	sshll.u32 s6, $0x1;
	s3 =	sadd.s32 s4, s19  }
0x9c: {  	s7 =	simm.s32 $0x0;
	s20 =	sshll.u32 s5, $0x1;
	s5 =	sadd.s32 s21, s3  }
0x9d: {  	[timem:s7], [sflag:s22] =	dma.local [hbm:s5], s20  }
0x9e: {  	_ =	swait.ge [sflag:s22], s20  }
0x9f: {  	s4 =	ssub.s32 $0x0, s20;
	[sflag:s22] =	ssyncset.done $0x0  }
0xa0: {  	[sflag:s22] =	ssyncadd.s32 s4;
	_ =	sdelay $0x1  }
0xa1: {  	s23 =	simm.s32 $0x1B8B  }
0xa2: {  	_ =	swait.ge [sflag:s23], $0x1  }
0xa3: {  	[sflag:s23] =	ssyncset.done $0x0  }
0xa4: {  	s25 =	simm.s32 $0x1B8E;
	s24 =	sld [smem:$0x3FFE];
	[sflag:s23] =	ssyncadd.s32 $0xFFFFFFFF  }
0xa5: {  	s26 =	simm.s32 $execute0_lowered;
	[smem:$0x3FD2] =	sst s25  }
0xa6: {  	s5 =	sshll.u32 s26, $0x1;
	_ =	strace $0x80000046;
	[dreg:$0x1] =	wrdreg $0xFFFFFFFF  }
0xa7: {  	s28 =	simm.s32 $_size_execute0_lowered;
	s3 =	sadd.s32 s3, s5;
	[dreg:$0x0] =	wrdreg $0x0  }
0xa8: {  	s5 =	sshll.u32 s28, $0x1;
	[dreg:$0x2] =	wrdreg s3  }
0xa9: {  	[dreg:$0x3] =	wrdreg s5  }
0xaa: {  	[dreg:$0x4] =	wrdreg $0xC0  }
0xab: {  	_ =	task [dreg:s7], $0x5FFFF  }
0xac: {  	[dreg:$0x1] =	wrdreg $0xFFFFFFFF  }
0xad: {  	[dreg:$0x0] =	wrdreg $0x60  }
0xae: {  	[dreg:$0x2] =	wrdreg s24  }
0xaf: {  	[dreg:$0x3] =	wrdreg s2  }
0xb0: {  	[dreg:$0x4] =	wrdreg $0xA2800  }
0xb1: {  	[dreg:$0x5] =	wrdreg $0x1DE800  }
0xb2: {  	[dreg:$0x6] =	wrdreg $0x9  }
0xb3: {  	_ =	task.clear_ibuf [dreg:s7], $0x7FFFF;
	_ =	strace $0x90000046  }
0xb4: {  	s29 =	simm.s32 $0x9;
	_ =	strace $0x80000048  }
0xb5: {  	_ =	swait.ge [sflag:s29], $0x1  }
0xb6: {  	[sflag:s29] =	ssyncadd.s32 $0xFFFFFFFF  }
0xb7: {  	_ =	strace $0x90000048  }
0xb8: {  	_ =	sfence  }
0xb9: {  	s30 =	sld [smem:$0x0];
	_ =	sdelay $0x2  }
0xba: {  	s31 =	sshll.u32 s1, $0xD;
	s1 =	sshrl.u32 s1, $0x2  }
0xbb: {  	s3 =	sand.u32 $0x4000, s31;
	s1 =	sadd.s32 s1, s30  }
0xbc: {  	s0 =	sor.u32 s3, s0;
	s1 =	sshll.u32 s1, $0x11  }
0xbd: {  	s0 =	sor.u32 s1, s0  }
0xbe: {  	s0 =	sadd.s32 $0x8F2B, s0  }
0xbf: {  	[sflag:s0] =	ssyncadd.remote.s32 $0x1  }
0xc0: {  	_ =	sfence.sel $0xFFFF  }
0xc1: {  	[dreg:$0x0] =	wrdreg $0xFFFFFFFF;
	(pc) =	sbr.abs _section_cstart, $3  }
0xc2: {  	[dreg:$0x1] =	wrdreg $0xFFFFFFFF  }
0xc3: {  	_ =	task.clear_ibuf [dreg:s7], $0x2FFFF;
	_ =	strace $0x9FFFFFFF  }
0xc4: {  	(tm) =	ssettm $0x7FFFFFFF  }
0xc5: {  	_ =	shalt  }
tec
execute0_lowered:
.L_overlay_start_1:
0x0: {  	(tag) =	ssettag $0x1  }
0x1: {  	s0 =	srdreg.scid  }
0x2: {  	s4 =	rddreg [dreg:$0x0];
	s1 =	simm.s32 $0x0;
	s28 =	simm.s32 $0x100  }
0x3: {  	s29 =	simm.s32 $0x6;
	s30 =	simm.s32 $0x8;
	s2 =	sand.u32 $0x1, s0  }
0x4: {  	s31 =	simm.s32 $0xA;
	s0 =	stileid.u32;
	s3 =	ssub.s32 $0x2, s2  }
0x5: {  	[smem:$0x7FF] =	sst s1;
	s14 =	smul.u32 $0x13C00, s0;
	s5 =	sshrl.u32 s3, $0x1  }
0x6: {  	s13 =	sadd.s32 $0x3400, s4;
	s15 =	smul.u32 $0x278000, s2;
	s3 =	ssub.s32 s3, s5  }
0x7: {  	s9 =	sadd.s32 $0x2800, s14;
	s5 =	sadd.s32 $0x5000, s14;
	s10 =	sadd.s32 $0x7800, s14  }
0x8: {  	s6 =	sadd.s32 $0xA000, s14;
	s7 =	sadd.s32 $0xC800, s14;
	s8 =	sadd.s32 $0xF000, s14  }
0x9: {  	s11 =	sadd.s32 s14, s15;
	s12 =	sadd.s32 $0x11800, s14;
	s16 =	sadd.s32 s15, s9  }
0xa: {  	s11 =	sshrl.u32 s11, $0x3;
	s20 =	sadd.s32 s15, s5;
	s21 =	sadd.s32 s15, s10  }
0xb: {  	s17 =	sadd.s32 s15, s6;
	s25 =	sadd.s32 s15, s7;
	s18 =	sadd.s32 s15, s8  }
0xc: {  	s15 =	sadd.s32 s15, s12;
	s16 =	sshrl.u32 s16, $0x3;
	s11 =	sadd.s32 s13, s11  }
0xd: {  	s23 =	sshrl.u32 s17, $0x3;
	[dreg:$0x5] =	wrdreg s11;
	s19 =	sadd.s32 s13, s16  }
0xe: {  	s26 =	sshrl.u32 s25, $0x3;
	s24 =	sadd.s32 s13, s23;
	[dreg:$0x6] =	wrdreg s19  }
0xf: {  	s11 =	sshrl.u32 s20, $0x3;
	s16 =	sadd.s32 s13, s26;
	[dreg:$0x9] =	wrdreg s24  }
0x10: {  	s22 =	sshrl.u32 s21, $0x3;
	s11 =	sadd.s32 s13, s11;
	[dreg:$0xa] =	wrdreg s16  }
0x11: {  	s15 =	sshrl.u32 s15, $0x3;
	[dreg:$0x7] =	wrdreg s11;
	s11 =	sadd.s32 s13, s22  }
0x12: {  	s15 =	sadd.s32 s13, s15;
	[dreg:$0x8] =	wrdreg s11;
	s11 =	sshllo.u32 s2, $0x1  }
0x13: {  	s17 =	sshrl.u32 s18, $0x3;
	[dreg:$0xc] =	wrdreg s15;
	s18 =	smul.u32 $0x13C000, s11  }
0x14: {  	p0 =	sne.s32 s0, $0x0;
	s19 =	sadd.s32 s13, s17;
	s16 =	rddreg [dreg:$0x1]  }
0x15: {  	s3 =	smax.u32 s3, $0x1;
	[dreg:$0xb] =	wrdreg s19;
	s14 =	sadd.s32 s14, s18  }
0x16: {  	s20 =	sadd.s32 s9, s18;
	s21 =	sadd.s32 s5, s18;
	s24 =	sadd.s32 s10, s18  }
0x17: {  	s25 =	sadd.s32 s6, s18;
	s26 =	sadd.s32 s7, s18;
	s14 =	sshrl.u32 s14, $0x3  }
0x18: {  	s15 =	sshrl.u32 s20, $0x3;
	s23 =	sshrl.u32 s21, $0x3;
	s19 =	sshrl.u32 s26, $0x3  }
0x19: {  	s20 =	sadd.s32 s8, s18;
	s21 =	smul.u32 $0x500, s2;
	s14 =	sadd.s32 s13, s14  }
0x1a: {  	s18 =	sadd.s32 s12, s18;
	s22 =	sadd.s32 s13, s15;
	[dreg:$0xd] =	wrdreg s14  }
0x1b: {  	s15 =	sshrl.u32 s25, $0x3;
	[dreg:$0xe] =	wrdreg s22;
	s14 =	sadd.s32 s13, s23  }
0x1c: {  	s18 =	sshrl.u32 s18, $0x3;
	s17 =	sadd.s32 s13, s15;
	[dreg:$0xf] =	wrdreg s14  }
0x1d: {  	s25 =	smul.u32 $0x4F000, s0;
	s14 =	sshrl.u32 s24, $0x3;
	[dreg:$0x11] =	wrdreg s17  }
0x1e: {  	s22 =	sadd.s32 s21, s4;
	s17 =	rddreg [dreg:$0x2];
	s14 =	sadd.s32 s13, s14  }
0x1f: {  	s23 =	sadd.s32 $0x4E4A00, s4;
	[dreg:$0x10] =	wrdreg s14;
	s14 =	sadd.s32 s13, s19  }
0x20: {  	s24 =	sadd.s32 $0x580E00, s4;
	[dreg:$0x12] =	wrdreg s14;
	s14 =	sshrl.u32 s20, $0x3  }
0x21: {  	s21 =	sshrl.u32 s25, $0x2;
	s25 =	sxor.u32 $0x1, s2;
	s14 =	sadd.s32 s13, s14  }
0x22: {  	s5 =	sadd.s32 s5, s17;
	s13 =	sadd.s32 s13, s18;
	[dreg:$0x13] =	wrdreg s14  }
0x23: {  	s19 =	smul.u32 $0x50, s0;
	s18 =	sadd.s32 $0x2A00, s22;
	[dreg:$0x14] =	wrdreg s13  }
0x24: {  	s22 =	sadd.s32 s9, s17;
	_ =	strace $0x80000047;
	[dreg:$0x16] =	wrdreg s18  }
0x25: {  	s6 =	sadd.s32 s6, s17;
	s20 =	smul.u32 $0x4E200, s2;
	[dreg:$0x18] =	wrdreg s22  }
0x26: {  	s7 =	sadd.s32 s7, s17;
	s9 =	sadd.s32 s8, s17;
	[dreg:$0x19] =	wrdreg s5  }
0x27: {  	s8 =	smul.u32 $0x2710, s11;
	s14 =	sadd.s32 s19, s20;
	[dreg:$0x1b] =	wrdreg s6  }
0x28: {  	s13 =	sadd.s32 $0x500, s19;
	s26 =	sshrl.u32 s14, $0x3;
	[dreg:$0x1c] =	wrdreg s7  }
0x29: {  	s18 =	smul.u32 $0x4E200, s25;
	[dreg:$0x1d] =	wrdreg s9;
	s5 =	sadd.s32 s20, s13  }
0x2a: {  	[smem:$0x7FA] =	sst s3;
	s9 =	simm.s32 $0x180;
	s4 =	sadd.s32 s16, s26  }
0x2b: {  	s3 =	simm.s32 $0x9;
	s26 =	sadd.s32 s10, s17;
	[dreg:$0x15] =	wrdreg s4  }
0x2c: {  	s10 =	sadd.s32 s12, s17;
	s5 =	sshrl.u32 s5, $0x3;
	[dreg:$0x1a] =	wrdreg s26  }
0x2d: {  	s4 =	sadd.s32 s21, s17;
	[dreg:$0x1e] =	wrdreg s10;
	s21 =	smul.u32 $0x9C400, s2  }
0x2e: {  	s12 =	sadd.s32 s19, s18;
	s15 =	sadd.s32 s13, s18;
	s26 =	smul.u32 $0x4E200, s11  }
0x2f: {  	s5 =	sadd.s32 s16, s5;
	s2 =	smul.u32 $0x4E20, s2;
	s11 =	simm.s32 $0x3  }
0x30: {  	s13 =	simm.s32 $0x4;
	s10 =	simm.s32 $0x2;
	[dreg:$0x17] =	wrdreg s4  }
0x31: {  	s4 =	sshrl.u32 s12, $0x3;
	s22 =	sshrl.u32 s15, $0x3;
	[smem:$0x7F6] =	sst s5  }
0x32: {  	s15 =	sadd.s32 $0x4DD00, s14;
	s12 =	simm.s32 $0x5280;
	s5 =	simm.s32 $0x0  }
0x33: {  	s4 =	sadd.s32 s16, s4;
	[dreg:$0x1f] =	wrdreg s21;
	s25 =	sadd.s32 s19, s21  }
0x34: {  	[smem:$0x7F8] =	sst s26;
	s7 =	sadd.s32 s19, s26;
	s19 =	sshrl.u32 s15, $0x3  }
0x35: {  	s21 =	sadd.s32 $0x500, s14;
	s26 =	sadd.s32 $0xA00, s14;
	s14 =	simm.s32 $0x50  }
0x36: {  	v0 =	vmov s2;
	s2 =	simm.s32 $0x7;
	[smem:$0x7F4] =	sst s4;
	s4 =	sadd.s32 s16, s22  }
0x37: {  	s6 =	sshll.u32 s25, $0x4;
	s22 =	sadd.s32 s16, s19;
	[smem:$0x7FC] =	sst s26  }
.Ltmp0:
0x38: {  	s25 =	sshrl.u32 s21, $0x3;
	[smem:$0x7F5] =	sst s4;
	(pc) =	sbr.rel .LBB2_1-.Ltmp0, $4  }
0x39: {  	s21 =	simm.s32 $0x80;
	s4 =	sadd.s32 s24, s6;
	[smem:$0x7FB] =	sst s22  }
0x3a: {  	v1 =	vlaneseq.u32;
	s6 =	sadd.s32 s25, s16;
	[smem:$0x7F7] =	sst s4;
	s4 =	sshll.u32 s7, $0x4  }
0x3b: {  	v3 =	vimm.f32 $0.0e+00;
	v4 =	vor.u32 $0x10, v1;
	v5 =	vor.u32 $0x20, v1;
	s19 =	simm.s32 $0xC;
	[smem:$0x7FD] =	sst s6;
	s4 =	sadd.s32 s24, s4  }
0x3c: {  	v6 =	vor.u32 $0x30, v1;
	v7 =	vor.u32 $0x40, v1;
	v2 =	vmov s8;
	s25 =	simm.s32 $0x2A80;
	s7 =	simm.s32 $0x1;
	[smem:$0x7F9] =	sst s4  }
.LBB2_49:
0x3d: {  	s4 =	simm.s32 $0xB  }
0x3e: {  	_ =	swait.ge [sflag:s4], $0x2800  }
0x3f: {  	[sflag:s4] =	ssyncset.done $0x0  }
0x40: {  	[sflag:s4] =	ssyncadd.s32 $0xFFFFD800  }
0x41: {  	[bflag:$0x0] =	sbarrier.arrive $0xFFFF  }
0x42: {  	s5 =	sld [smem:$0x7F1]  }
0x43: {  	s6 =	sld [smem:$0x7EA];
	_ =	sdelay $0x1  }
0x44: {  	s26 =	rddreg [dreg:$0xd]  }
0x45: {  	[hbm:s26], [sflag:s5] =	dma.local [spmem:s6], $0x500  }
0x46: {  	_ =	swait.ge [sflag:s19], $0x500  }
0x47: {  	s15 =	sld [smem:$0x7EB]  }
0x48: {  	[sflag:s19] =	ssyncset.done $0x0  }
0x49: {  	s8 =	rddreg [dreg:$0xe];
	[sflag:s19] =	ssyncadd.s32 $0xFFFFFB00  }
0x4a: {  	[hbm:s8], [sflag:s5] =	dma.local [spmem:s15], $0x500  }
0x4b: {  	_ =	swait.ge [sflag:s19], $0x500  }
0x4c: {  	s26 =	sld [smem:$0x7EC]  }
0x4d: {  	[sflag:s19] =	ssyncset.done $0x0  }
0x4e: {  	s22 =	rddreg [dreg:$0xf];
	[sflag:s19] =	ssyncadd.s32 $0xFFFFFB00  }
0x4f: {  	[hbm:s22], [sflag:s5] =	dma.local [spmem:s26], $0x500  }
0x50: {  	_ =	swait.ge [sflag:s19], $0x500  }
0x51: {  	s15 =	sld [smem:$0x7ED]  }
0x52: {  	[sflag:s19] =	ssyncset.done $0x0  }
0x53: {  	s8 =	rddreg [dreg:$0x10];
	[sflag:s19] =	ssyncadd.s32 $0xFFFFFB00  }
0x54: {  	[hbm:s8], [sflag:s5] =	dma.local [spmem:s15], $0x500  }
0x55: {  	_ =	swait.ge [sflag:s19], $0x500  }
0x56: {  	s26 =	sld [smem:$0x7EE]  }
0x57: {  	[sflag:s19] =	ssyncset.done $0x0  }
0x58: {  	s22 =	rddreg [dreg:$0x11];
	[sflag:s19] =	ssyncadd.s32 $0xFFFFFB00  }
0x59: {  	[hbm:s22], [sflag:s5] =	dma.local [spmem:s26], $0x500  }
0x5a: {  	_ =	swait.ge [sflag:s19], $0x500  }
0x5b: {  	s15 =	sld [smem:$0x7EF]  }
0x5c: {  	[sflag:s19] =	ssyncset.done $0x0  }
0x5d: {  	s8 =	rddreg [dreg:$0x12];
	[sflag:s19] =	ssyncadd.s32 $0xFFFFFB00  }
0x5e: {  	[hbm:s8], [sflag:s5] =	dma.local [spmem:s15], $0x500  }
0x5f: {  	_ =	swait.ge [sflag:s19], $0x500  }
0x60: {  	s26 =	sld [smem:$0x7F0]  }
0x61: {  	[sflag:s19] =	ssyncset.done $0x0  }
0x62: {  	s22 =	rddreg [dreg:$0x13];
	[sflag:s19] =	ssyncadd.s32 $0xFFFFFB00  }
0x63: {  	[hbm:s22], [sflag:s5] =	dma.local [spmem:s26], $0x500  }
0x64: {  	_ =	swait.ge [sflag:s19], $0x500  }
0x65: {  	s15 =	sld [smem:$0x7F2]  }
0x66: {  	[sflag:s19] =	ssyncset.done $0x0  }
0x67: {  	s8 =	rddreg [dreg:$0x14];
	[sflag:s19] =	ssyncadd.s32 $0xFFFFFB00  }
0x68: {  	[hbm:s8], [sflag:s5] =	dma.local [spmem:s15], $0x480  }
0x69: {  	_ =	swait.ge [sflag:s19], $0x480  }
0x6a: {  	s22 =	sld [smem:$0x7F3]  }
0x6b: {  	s26 =	sld [smem:$0x7FA];
	_ =	sdelay $0x1  }
0x6c: {  	s5 =	sadd.s32 $0x1, s22  }
0x6d: {  	p1 =	sne.s32 s5, s26  }
.Ltmp1:
0x6e: {  	_ = 	snop;
	(pc) =	sbr.rel @!p1 .LBB2_50-.Ltmp1, $3  }
0x6f: {  	_ =	sdelay $0x1  }
0x70: {  	[sflag:s19] =	ssyncset.done $0x0  }
0x71: {  	s6 =	sld [smem:$0x7FD];
	[sflag:s19] =	ssyncadd.s32 $0xFFFFFB80  }
.LBB2_1:
0x72: {  	[smem:$0x7F3] =	sst s5;
	s4 =	simm.s32 $0x0;
	s5 =	simm.s32 $0x200  }
.LBB2_2:
0x73: {  	p1 =	sne.s32 s5, $0x9E00;
	[tilespmem:s4+$0x52F0] =	vst v3  }
0x74: {  	[tilespmem:s4+$0x5280] =	vst v3  }
0x75: {  	[tilespmem:s4+$0x5290] =	vst v3  }
.Ltmp2:
0x76: {  	[tilespmem:s4+$0x52A0] =	vst v3;
	(pc) =	sbr.rel @p1 .LBB2_2-.Ltmp2, $4  }
0x77: {  	[tilespmem:s4+$0x52B0] =	vst v3  }
0x78: {  	[tilespmem:s4+$0x52C0] =	vst v3  }
0x79: {  	[tilespmem:s4+$0x52D0] =	vst v3  }
0x7a: {  	[tilespmem:s4+$0x52E0] =	vst v3;
	s4 =	sshra.s32 s5, $0x2;
	s5 =	sadd.s32 $0x200, s5  }
0x7b: {  	[tilespmem:s4+$0x52F0] =	vst v3  }
0x7c: {  	[tilespmem:s4+$0x5280] =	vst v3  }
0x7d: {  	[tilespmem:s4+$0x5290] =	vst v3  }
0x7e: {  	[tilespmem:s4+$0x52A0] =	vst v3  }
0x7f: {  	[tilespmem:s4+$0x52B0] =	vst v3  }
0x80: {  	[tilespmem:s4+$0x52C0] =	vst v3  }
0x81: {  	[tilespmem:s4+$0x52D0] =	vst v3  }
0x82: {  	[tilespmem:s4+$0x52E0] =	vst v3;
	s4 =	simm.s32 @!p0 $0x5280;
	s5 =	rddreg [dreg:$0x3]  }
0x83: {  	[spmem:s5] =	stream.linear.scatter @!p0 [tilespmem:s4], [sflag:$0xC], $0x2800, $0x38;
	[tilespmem:$0x1E100] =	vst v63  }
0x84: {  	s4 =	simm.s32 @!p0 $0xC  }
0x85: {  	_ =	swait.ge @!p0 [sflag:s4], $0x2800  }
0x86: {  	[sflag:s4] =	ssyncset.done @!p0 $0x0  }
0x87: {  	[sflag:s4] =	ssyncadd.s32 @!p0 $0xFFFFD800  }
0x88: {  	[tilespmem:$0x80] =	vst v1  }
0x89: {  	[tilespmem:$0x90] =	vst v4  }
0x8a: {  	[tilespmem:$0xA0] =	vst v5  }
0x8b: {  	[tilespmem:$0xB0] =	vst v6  }
0x8c: {  	[tilespmem:$0xC0] =	vst v7  }
0x8d: {  	[bflag:$0x0] =	sbarrier.arrive $0xFFFF  }
0x8e: {  	s26 =	rddreg [dreg:$0x15]  }
0x8f: {  	s8 =	smov.u32 s6;
	s4 =	simm.s32 $0x0;
	s5 =	sld [smem:$0x7FC]  }
0x90: {  	[tilespmem:s28], [sflag:$0x3] =	stream.linear.gather [hbm4b:s26+s4], $0x50, $0x38;
	[tilespmem:$0x1E100] =	vst v63  }
.LBB2_4:
0x91: {  	s6 =	sadd.s32 s4, s8  }
0x92: {  	[tilespmem:s9], [sflag:$0x4] =	stream.linear.gather [hbm4b:s6+s1], $0x50, $0x38;
	[tilespmem:$0x1E100] =	vst v63  }
0x93: {  	_ =	swait.ge [sflag:s11], $0x50  }
0x94: {  	[sflag:s11] =	ssyncset.done $0x0  }
0x95: {  	[sflag:s11] =	ssyncadd.s32 $0xFFFFFFB0  }
0x96: {  	v8 =	vld [tilespmem:$0x100];
	_ =	sdelay $0x4  }
0x97: {  	(xrf1) =	vunique.msk.u32 $0xffff, v8;
	_ =	sdelay $0xd  }
0x98: {  	_, v9, vm0 =	vpop (xrf1);
	_ =	sdelay $0x3  }
0x99: {  	v9 =	vcvt.s32.f32 v9;
	_ =	sdelay $0x1  }
0x9a: {  	[tilespmem:v8+s12+$0x0] =	vst.idx.add.f32.msk vm0, v9  }
0x9b: {  	v8 =	vld [tilespmem:$0x110];
	_ =	sdelay $0x4  }
0x9c: {  	(xrf1) =	vunique.msk.u32 $0xffff, v8;
	_ =	sdelay $0xd  }
0x9d: {  	_, v9, vm0 =	vpop (xrf1);
	_ =	sdelay $0x3  }
0x9e: {  	v9 =	vcvt.s32.f32 v9;
	_ =	sdelay $0x1  }
0x9f: {  	[tilespmem:v8+s12+$0x0] =	vst.idx.add.f32.msk vm0, v9  }
0xa0: {  	v8 =	vld [tilespmem:$0x120];
	_ =	sdelay $0x4  }
0xa1: {  	(xrf1) =	vunique.msk.u32 $0xffff, v8;
	_ =	sdelay $0xd  }
0xa2: {  	_, v9, vm0 =	vpop (xrf1);
	_ =	sdelay $0x3  }
0xa3: {  	v9 =	vcvt.s32.f32 v9;
	_ =	sdelay $0x1  }
0xa4: {  	[tilespmem:v8+s12+$0x0] =	vst.idx.add.f32.msk vm0, v9  }
0xa5: {  	v8 =	vld [tilespmem:$0x130];
	_ =	sdelay $0x4  }
0xa6: {  	(xrf1) =	vunique.msk.u32 $0xffff, v8;
	_ =	sdelay $0xd  }
0xa7: {  	_, v9, vm0 =	vpop (xrf1);
	_ =	sdelay $0x3  }
0xa8: {  	v9 =	vcvt.s32.f32 v9;
	_ =	sdelay $0x1  }
0xa9: {  	[tilespmem:v8+s12+$0x0] =	vst.idx.add.f32.msk vm0, v9  }
0xaa: {  	v8 =	vld [tilespmem:$0x140];
	_ =	sdelay $0x4  }
0xab: {  	(xrf1) =	vunique.msk.u32 $0xffff, v8;
	_ =	sdelay $0xd  }
0xac: {  	_, v9, vm0 =	vpop (xrf1);
	_ =	sdelay $0x3  }
0xad: {  	v9 =	vcvt.s32.f32 v9  }
0xae: {  	s26 =	sshrl.u32 s5, $0x3  }
0xaf: {  	s6 =	sadd.s32 s16, s26;
	[tilespmem:v8+s12+$0x0] =	vst.idx.add.f32.msk vm0, v9  }
0xb0: {  	[tilespmem:s28], [sflag:$0x3] =	stream.linear.gather [hbm4b:s6+s1], $0x50, $0x38;
	[tilespmem:$0x1E100] =	vst v63  }
0xb1: {  	_ =	swait.ge [sflag:s13], $0x50  }
0xb2: {  	[sflag:s13] =	ssyncset.done $0x0  }
0xb3: {  	[sflag:s13] =	ssyncadd.s32 $0xFFFFFFB0  }
0xb4: {  	v8 =	vld [tilespmem:$0x180];
	_ =	sdelay $0x4  }
0xb5: {  	(xrf1) =	vunique.msk.u32 $0xffff, v8;
	_ =	sdelay $0xd  }
0xb6: {  	_, v9, vm0 =	vpop (xrf1);
	_ =	sdelay $0x3  }
0xb7: {  	v9 =	vcvt.s32.f32 v9;
	_ =	sdelay $0x1  }
0xb8: {  	[tilespmem:v8+s12+$0x0] =	vst.idx.add.f32.msk vm0, v9  }
0xb9: {  	v8 =	vld [tilespmem:$0x190];
	_ =	sdelay $0x4  }
0xba: {  	(xrf1) =	vunique.msk.u32 $0xffff, v8;
	_ =	sdelay $0xd  }
0xbb: {  	_, v9, vm0 =	vpop (xrf1);
	_ =	sdelay $0x3  }
0xbc: {  	v9 =	vcvt.s32.f32 v9;
	_ =	sdelay $0x1  }
0xbd: {  	[tilespmem:v8+s12+$0x0] =	vst.idx.add.f32.msk vm0, v9  }
0xbe: {  	v8 =	vld [tilespmem:$0x1A0];
	_ =	sdelay $0x4  }
0xbf: {  	(xrf1) =	vunique.msk.u32 $0xffff, v8;
	_ =	sdelay $0xd  }
0xc0: {  	_, v9, vm0 =	vpop (xrf1);
	_ =	sdelay $0x3  }
0xc1: {  	v9 =	vcvt.s32.f32 v9;
	_ =	sdelay $0x1  }
0xc2: {  	[tilespmem:v8+s12+$0x0] =	vst.idx.add.f32.msk vm0, v9  }
0xc3: {  	v8 =	vld [tilespmem:$0x1B0];
	_ =	sdelay $0x4  }
0xc4: {  	(xrf1) =	vunique.msk.u32 $0xffff, v8;
	_ =	sdelay $0xd  }
0xc5: {  	_, v9, vm0 =	vpop (xrf1);
	_ =	sdelay $0x3  }
0xc6: {  	v9 =	vcvt.s32.f32 v9;
	_ =	sdelay $0x1  }
0xc7: {  	[tilespmem:v8+s12+$0x0] =	vst.idx.add.f32.msk vm0, v9  }
0xc8: {  	v8 =	vld [tilespmem:$0x1C0];
	_ =	sdelay $0x4  }
0xc9: {  	(xrf1) =	vunique.msk.u32 $0xffff, v8;
	_ =	sdelay $0xd  }
0xca: {  	_, v9, vm0 =	vpop (xrf1)  }
0xcb: {  	p1 =	sne.s32 s4, $0x99C0  }
.Ltmp3:
0xcc: {  	_ = 	snop;
	(pc) =	sbr.rel @p1 .LBB2_4-.Ltmp3, $3  }
0xcd: {  	_ = 	snop  }
0xce: {  	v9 =	vcvt.s32.f32 v9;
	_ =	sdelay $0x1  }
0xcf: {  	s5 =	sadd.s32 $0xA00, s5;
	s4 =	sadd.s32 $0x140, s4;
	[tilespmem:v8+s12+$0x0] =	vst.idx.add.f32.msk vm0, v9  }
0xd0: {  	s4 =	sld [smem:$0x7FB];
	_ =	sdelay $0x2  }
0xd1: {  	[tilespmem:s9], [sflag:$0x4] =	stream.linear.gather [hbm4b:s4+s1], $0x50, $0x38;
	[tilespmem:$0x1E100] =	vst v63  }
0xd2: {  	_ =	swait.ge [sflag:s11], $0x50  }
0xd3: {  	[sflag:s11] =	ssyncset.done $0x0  }
0xd4: {  	[sflag:s11] =	ssyncadd.s32 $0xFFFFFFB0  }
0xd5: {  	v8 =	vld [tilespmem:$0x100];
	_ =	sdelay $0x4  }
0xd6: {  	(xrf1) =	vunique.msk.u32 $0xffff, v8;
	_ =	sdelay $0xd  }
0xd7: {  	_, v9, vm0 =	vpop (xrf1);
	_ =	sdelay $0x3  }
0xd8: {  	v9 =	vcvt.s32.f32 v9;
	_ =	sdelay $0x1  }
0xd9: {  	[tilespmem:v8+s12+$0x0] =	vst.idx.add.f32.msk vm0, v9  }
0xda: {  	v8 =	vld [tilespmem:$0x110];
	_ =	sdelay $0x4  }
0xdb: {  	(xrf1) =	vunique.msk.u32 $0xffff, v8;
	_ =	sdelay $0xd  }
0xdc: {  	_, v9, vm0 =	vpop (xrf1);
	_ =	sdelay $0x3  }
0xdd: {  	v9 =	vcvt.s32.f32 v9;
	_ =	sdelay $0x1  }
0xde: {  	[tilespmem:v8+s12+$0x0] =	vst.idx.add.f32.msk vm0, v9  }
0xdf: {  	v8 =	vld [tilespmem:$0x120];
	_ =	sdelay $0x4  }
0xe0: {  	(xrf1) =	vunique.msk.u32 $0xffff, v8;
	_ =	sdelay $0xd  }
0xe1: {  	_, v9, vm0 =	vpop (xrf1);
	_ =	sdelay $0x3  }
0xe2: {  	v9 =	vcvt.s32.f32 v9;
	_ =	sdelay $0x1  }
0xe3: {  	[tilespmem:v8+s12+$0x0] =	vst.idx.add.f32.msk vm0, v9  }
0xe4: {  	v8 =	vld [tilespmem:$0x130];
	_ =	sdelay $0x4  }
0xe5: {  	(xrf1) =	vunique.msk.u32 $0xffff, v8;
	_ =	sdelay $0xd  }
0xe6: {  	_, v9, vm0 =	vpop (xrf1);
	_ =	sdelay $0x3  }
0xe7: {  	v9 =	vcvt.s32.f32 v9;
	_ =	sdelay $0x1  }
0xe8: {  	[tilespmem:v8+s12+$0x0] =	vst.idx.add.f32.msk vm0, v9  }
0xe9: {  	v8 =	vld [tilespmem:$0x140];
	_ =	sdelay $0x4  }
0xea: {  	(xrf1) =	vunique.msk.u32 $0xffff, v8;
	_ =	sdelay $0xd  }
0xeb: {  	_, v9, vm0 =	vpop (xrf1);
	_ =	sdelay $0x3  }
0xec: {  	v9 =	vcvt.s32.f32 v9;
	_ =	sdelay $0x1  }
0xed: {  	[tilespmem:v8+s12+$0x0] =	vst.idx.add.f32.msk vm0, v9  }
0xee: {  	_ =	swait.ge [sflag:s13], $0x50  }
0xef: {  	[sflag:s13] =	ssyncset.done $0x0  }
0xf0: {  	[sflag:s13] =	ssyncadd.s32 $0xFFFFFFB0  }
0xf1: {  	v8 =	vld [tilespmem:$0x180];
	_ =	sdelay $0x4  }
0xf2: {  	(xrf1) =	vunique.msk.u32 $0xffff, v8;
	_ =	sdelay $0xd  }
0xf3: {  	_, v9, vm0 =	vpop (xrf1);
	_ =	sdelay $0x3  }
0xf4: {  	v9 =	vcvt.s32.f32 v9;
	_ =	sdelay $0x1  }
0xf5: {  	[tilespmem:v8+s12+$0x0] =	vst.idx.add.f32.msk vm0, v9  }
0xf6: {  	v8 =	vld [tilespmem:$0x190];
	_ =	sdelay $0x4  }
0xf7: {  	(xrf1) =	vunique.msk.u32 $0xffff, v8;
	_ =	sdelay $0xd  }
0xf8: {  	_, v9, vm0 =	vpop (xrf1);
	_ =	sdelay $0x3  }
0xf9: {  	v9 =	vcvt.s32.f32 v9;
	_ =	sdelay $0x1  }
0xfa: {  	[tilespmem:v8+s12+$0x0] =	vst.idx.add.f32.msk vm0, v9  }
0xfb: {  	v8 =	vld [tilespmem:$0x1A0];
	_ =	sdelay $0x4  }
0xfc: {  	(xrf1) =	vunique.msk.u32 $0xffff, v8;
	_ =	sdelay $0xd  }
0xfd: {  	_, v9, vm0 =	vpop (xrf1);
	_ =	sdelay $0x3  }
0xfe: {  	v9 =	vcvt.s32.f32 v9;
	_ =	sdelay $0x1  }
0xff: {  	[tilespmem:v8+s12+$0x0] =	vst.idx.add.f32.msk vm0, v9  }
0x100: {  	v8 =	vld [tilespmem:$0x1B0];
	_ =	sdelay $0x4  }
0x101: {  	(xrf1) =	vunique.msk.u32 $0xffff, v8;
	_ =	sdelay $0xd  }
0x102: {  	_, v9, vm0 =	vpop (xrf1);
	_ =	sdelay $0x3  }
0x103: {  	v9 =	vcvt.s32.f32 v9;
	_ =	sdelay $0x1  }
0x104: {  	[tilespmem:v8+s12+$0x0] =	vst.idx.add.f32.msk vm0, v9  }
0x105: {  	v8 =	vld [tilespmem:$0x1C0];
	_ =	sdelay $0x4  }
0x106: {  	(xrf1) =	vunique.msk.u32 $0xffff, v8;
	_ =	sdelay $0xd  }
0x107: {  	_, v9, vm0 =	vpop (xrf1);
	_ =	sdelay $0x3  }
0x108: {  	v9 =	vcvt.s32.f32 v9;
	_ =	sdelay $0x1  }
0x109: {  	s4 =	rddreg [dreg:$0x3];
	[tilespmem:v8+s12+$0x0] =	vst.idx.add.f32.msk vm0, v9  }
0x10a: {  	[spmem:s4] =	stream.indirect.scatter.add.f32 [tilespmem:s12], [sflag:$0xC], $0x80, s21, s14, $0xb8;
	[tilespmem:$0x1E100] =	vst v63  }
0x10b: {  	_ =	swait.ge [sflag:s19], $0x2800  }
0x10c: {  	[sflag:s19] =	ssyncset.done $0x0  }
0x10d: {  	[sflag:s19] =	ssyncadd.s32 $0xFFFFD800  }
0x10e: {  	[bflag:$0x0] =	sbarrier.arrive $0xFFFF  }
0x10f: {  	s5 =	simm.s32 @!p0 $0x1C0C;
	s4 =	sshrl.u32 @!p0 s4, $0x3;
	s6 =	rddreg [dreg:$0x16]  }
0x110: {  	[hbm:s6], [sflag:s5] =	dma.local @!p0 [spmem:s4], $0x500  }
0x111: {  	s4 =	simm.s32 @!p0 $0xC  }
0x112: {  	_ =	swait.ge @!p0 [sflag:s4], $0x500  }
0x113: {  	[sflag:s4] =	ssyncset.done @!p0 $0x0  }
0x114: {  	s5 =	simm.s32 $0x200;
	[sflag:s4] =	ssyncadd.s32 @!p0 $0xFFFFFB00;
	s4 =	simm.s32 $0x0  }
.LBB2_6:
0x115: {  	p1 =	sne.s32 s5, $0x9E00;
	[tilespmem:s4+$0x52F0] =	vst v3  }
0x116: {  	[tilespmem:s4+$0x5280] =	vst v3  }
0x117: {  	[tilespmem:s4+$0x5290] =	vst v3  }
.Ltmp4:
0x118: {  	[tilespmem:s4+$0x52A0] =	vst v3;
	(pc) =	sbr.rel @p1 .LBB2_6-.Ltmp4, $4  }
0x119: {  	[tilespmem:s4+$0x52B0] =	vst v3  }
0x11a: {  	[tilespmem:s4+$0x52C0] =	vst v3  }
0x11b: {  	[tilespmem:s4+$0x52D0] =	vst v3  }
0x11c: {  	[tilespmem:s4+$0x52E0] =	vst v3;
	s4 =	sshra.s32 s5, $0x2;
	s5 =	sadd.s32 $0x200, s5  }
0x11d: {  	[tilespmem:s4+$0x52F0] =	vst v3  }
0x11e: {  	[tilespmem:s4+$0x5280] =	vst v3  }
0x11f: {  	[tilespmem:s4+$0x5290] =	vst v3  }
0x120: {  	[tilespmem:s4+$0x52A0] =	vst v3  }
0x121: {  	[tilespmem:s4+$0x52B0] =	vst v3  }
0x122: {  	[tilespmem:s4+$0x52C0] =	vst v3  }
0x123: {  	[tilespmem:s4+$0x52D0] =	vst v3  }
0x124: {  	[tilespmem:s4+$0x52E0] =	vst v3;
	s8 =	rddreg [dreg:$0x17]  }
0x125: {  	[spmem:s8] =	stream.linear.scatter [tilespmem:s12], [sflag:$0xC], $0x2800, $0x38;
	[tilespmem:$0x1E100] =	vst v63  }
0x126: {  	_ =	swait.ge [sflag:s19], $0x2800  }
0x127: {  	[sflag:s19] =	ssyncset.done $0x0  }
0x128: {  	s11 =	rddreg [dreg:$0x18];
	[sflag:s19] =	ssyncadd.s32 $0xFFFFD800  }
0x129: {  	[spmem:s11] =	stream.linear.scatter [tilespmem:s12], [sflag:$0xC], $0x2800, $0x38;
	[tilespmem:$0x1E100] =	vst v63  }
0x12a: {  	_ =	swait.ge [sflag:s19], $0x2800  }
0x12b: {  	[sflag:s19] =	ssyncset.done $0x0  }
0x12c: {  	s15 =	rddreg [dreg:$0x19];
	[sflag:s19] =	ssyncadd.s32 $0xFFFFD800  }
0x12d: {  	[spmem:s15] =	stream.linear.scatter [tilespmem:s12], [sflag:$0xC], $0x2800, $0x38;
	[tilespmem:$0x1E100] =	vst v63  }
0x12e: {  	_ =	swait.ge [sflag:s19], $0x2800  }
0x12f: {  	[sflag:s19] =	ssyncset.done $0x0  }
0x130: {  	s22 =	rddreg [dreg:$0x1a];
	[sflag:s19] =	ssyncadd.s32 $0xFFFFD800  }
0x131: {  	[spmem:s22] =	stream.linear.scatter [tilespmem:s12], [sflag:$0xC], $0x2800, $0x38;
	[tilespmem:$0x1E100] =	vst v63  }
0x132: {  	_ =	swait.ge [sflag:s19], $0x2800  }
0x133: {  	[sflag:s19] =	ssyncset.done $0x0  }
0x134: {  	s26 =	rddreg [dreg:$0x1b];
	[sflag:s19] =	ssyncadd.s32 $0xFFFFD800  }
0x135: {  	[spmem:s26] =	stream.linear.scatter [tilespmem:s12], [sflag:$0xC], $0x2800, $0x38;
	[tilespmem:$0x1E100] =	vst v63  }
0x136: {  	_ =	swait.ge [sflag:s19], $0x2800  }
0x137: {  	[sflag:s19] =	ssyncset.done $0x0  }
0x138: {  	s5 =	rddreg [dreg:$0x1c];
	[sflag:s19] =	ssyncadd.s32 $0xFFFFD800  }
0x139: {  	[spmem:s5] =	stream.linear.scatter [tilespmem:s12], [sflag:$0xC], $0x2800, $0x38;
	[tilespmem:$0x1E100] =	vst v63  }
0x13a: {  	_ =	swait.ge [sflag:s19], $0x2800  }
0x13b: {  	[sflag:s19] =	ssyncset.done $0x0  }
0x13c: {  	s6 =	rddreg [dreg:$0x1d];
	[sflag:s19] =	ssyncadd.s32 $0xFFFFD800  }
0x13d: {  	[spmem:s6] =	stream.linear.scatter [tilespmem:s12], [sflag:$0xC], $0x2800, $0x38;
	[tilespmem:$0x1E100] =	vst v63  }
0x13e: {  	_ =	swait.ge [sflag:s19], $0x2800  }
0x13f: {  	[sflag:s19] =	ssyncset.done $0x0  }
0x140: {  	s8 =	rddreg [dreg:$0x1e];
	[sflag:s19] =	ssyncadd.s32 $0xFFFFD800  }
0x141: {  	[spmem:s8] =	stream.linear.scatter [tilespmem:s12], [sflag:$0xC], $0x2400, $0x38;
	[tilespmem:$0x1E100] =	vst v63  }
0x142: {  	_ =	swait.ge [sflag:s19], $0x2400  }
0x143: {  	[sflag:s19] =	ssyncset.done $0x0  }
0x144: {  	[sflag:s19] =	ssyncadd.s32 $0xFFFFDC00  }
0x145: {  	[bflag:$0x0] =	sbarrier.arrive $0xFFFF  }
0x146: {  	s5 =	sld [smem:$0x7F4];
	_ =	sdelay $0x1  }
0x147: {  	s4 =	simm.s32 $0x0;
	s11 =	rddreg [dreg:$0x15]  }
0x148: {  	[tilespmem:s4], [sflag:$0x1] =	stream.linear.gather [hbm4b:s5+s4], $0x50, $0x38;
	[tilespmem:$0x1E100] =	vst v63  }
0x149: {  	s15 =	sld [smem:$0x7F5]  }
0x14a: {  	[tilespmem:s28], [sflag:$0x3] =	stream.linear.gather [hbm4b:s11+s4], $0x50, $0x38;
	[tilespmem:$0x1E100] =	vst v63  }
0x14b: {  	s22 =	sld [smem:$0x7F6]  }
0x14c: {  	[tilespmem:s21], [sflag:$0x2] =	stream.linear.gather [hbm4b:s15+s4], $0x50, $0x38;
	[tilespmem:$0x1E100] =	vst v63  }
0x14d: {  	_ = 	snop  }
0x14e: {  	[tilespmem:s9], [sflag:$0x4] =	stream.linear.gather [hbm4b:s22+s4], $0x50, $0x38;
	[tilespmem:$0x1E100] =	vst v63  }
0x14f: {  	_ =	swait.ge [sflag:s7], $0x50  }
0x150: {  	[sflag:s7] =	ssyncset.done $0x0  }
0x151: {  	[sflag:s7] =	ssyncadd.s32 $0xFFFFFFB0  }
0x152: {  	v8 =	vld [tilespmem:$0x0]  }
0x153: {  	v9 =	vld [tilespmem:$0x10]  }
0x154: {  	v10 =	vld [tilespmem:$0x20]  }
0x155: {  	v11 =	vld [tilespmem:$0x30]  }
0x156: {  	v12 =	vld [tilespmem:$0x40]  }
0x157: {  	v8 =	vadd.s32 v0, v8  }
0x158: {  	[tilespmem:$0x0] =	vst v8;
	v8 =	vadd.s32 v0, v9  }
0x159: {  	[tilespmem:$0x10] =	vst v8;
	v8 =	vadd.s32 v0, v10  }
0x15a: {  	[tilespmem:$0x20] =	vst v8;
	v8 =	vadd.s32 v0, v11  }
.Ltmp5:
0x15b: {  	[tilespmem:$0x30] =	vst v8;
	v8 =	vadd.s32 v0, v12;
	(pc) =	sbr.rel .LBB2_8-.Ltmp5, $4  }
0x15c: {  	s26 =	simm.s32 $0x280;
	s28 =	sld [smem:$0x7F7];
	[tilespmem:$0x40] =	vst v8  }
0x15d: {  	[tilespmem:s26], [sflag:$0x6] =	stream.indirect.gather [hbm4b:s23+s14], $0x80, s4, s14, $0xb8;
	[tilespmem:$0x1E100] =	vst v63  }
0x15e: {  	_ = 	snop  }
0x15f: {  	[tilespmem:s12], [sflag:$0x8] =	stream.linear.gather [hbm4b:s28+s4], $0x2800, $0x38;
	[tilespmem:$0x1E100] =	vst v63  }
.LBB2_25:
0x160: {  	p1 =	seq.s32 s5, $0x2  }
0x161: {  	s5 =	simm.s32 @p1 $0x200;
	s6 =	simm.s32 @p1 $0x5  }
0x162: {  	s5 =	simm.s32 @!p1 $0x180;
	s6 =	simm.s32 @!p1 $0x4  }
.LBB2_26:
0x163: {  	s4 =	sadd.s32 $0x1, s4  }
0x164: {  	p1 =	sne.s32 s4, $0x7D  }
.Ltmp6:
0x165: {  	_ = 	snop;
	(pc) =	sbr.rel @!p1 .LBB2_27-.Ltmp6, $4  }
0x166: {  	_ =	swait.ge [sflag:s6], $0x50  }
0x167: {  	[sflag:s6] =	ssyncset.done $0x0  }
0x168: {  	[sflag:s6] =	ssyncadd.s32 $0xFFFFFFB0  }
0x169: {  	[spmem:s17] =	stream.indirect.scatter.add.f32 [tilespmem:s25], [sflag:$0xB], $0x80, s5, s14, $0xb8;
	[tilespmem:$0x1E100] =	vst v63  }
.LBB2_8:
0x16a: {  	p1 =	seq.s32 s4, $0x0  }
0x16b: {  	s5 =	simm.s32 @!p1 $0xB  }
0x16c: {  	_ =	swait.ge @!p1 [sflag:s5], $0x2800  }
0x16d: {  	[sflag:s5] =	ssyncset.done @!p1 $0x0  }
0x16e: {  	[sflag:s5] =	ssyncadd.s32 @!p1 $0xFFFFD800  }
0x16f: {  	_ =	swait.ge [sflag:s10], $0x50  }
0x170: {  	[sflag:s10] =	ssyncset.done $0x0  }
0x171: {  	[sflag:s10] =	ssyncadd.s32 $0xFFFFFFB0  }
0x172: {  	v8 =	vld [tilespmem:$0x80]  }
0x173: {  	v9 =	vld [tilespmem:$0x90]  }
0x174: {  	v10 =	vld [tilespmem:$0xA0]  }
0x175: {  	s22 =	sshll.u32 s4, $0x1;
	v11 =	vld [tilespmem:$0xB0]  }
0x176: {  	s5 =	sor.u32 $0x1, s22;
	v12 =	vld [tilespmem:$0xC0]  }
0x177: {  	s6 =	sshll.u32 s5, $0x4;
	v8 =	vadd.s32 v0, v8  }
0x178: {  	s6 =	sor.u32 s0, s6;
	[tilespmem:$0x80] =	vst v8;
	v8 =	vadd.s32 v0, v9  }
0x179: {  	s6 =	smul.u32 $0x50, s6;
	[tilespmem:$0x90] =	vst v8;
	v8 =	vadd.s32 v0, v10  }
0x17a: {  	p1 =	seq.s32 s4, $0x7C;
	s8 =	rddreg [dreg:$0x1f];
	[tilespmem:$0xA0] =	vst v8;
	v8 =	vadd.s32 v0, v11  }
.Ltmp7:
0x17b: {  	s6 =	sadd.s32 s8, s6;
	[tilespmem:$0xB0] =	vst v8;
	v8 =	vadd.s32 v0, v12;
	(pc) =	sbr.rel @p1 .LBB2_12-.Ltmp7, $4  }
0x17c: {  	s11 =	simm.s32 $0x180;
	s9 =	simm.s32 $0x100;
	s6 =	sshll.u32 s6, $0x4;
	[tilespmem:$0xC0] =	vst v8  }
0x17d: {  	[tilespmem:s25], [sflag:$0x7] =	stream.indirect.gather [hbm4b:s23+s14], $0x80, s21, s14, $0xb8;
	[tilespmem:$0x1E100] =	vst v63  }
0x17e: {  	s28 =	simm.s32 $0x7A80;
	s26 =	sadd.s32 $0x2, s22;
	s6 =	sadd.s32 s24, s6  }
0x17f: {  	[tilespmem:s28], [sflag:$0x9] =	stream.linear.gather [hbm4b:s6+s1], $0x2800, $0x38;
	[tilespmem:$0x1E100] =	vst v63  }
0x180: {  	s15 =	smulhi.u32 $0x55555556, s26;
	_ =	sdelay $0x1  }
0x181: {  	s15 =	smul.u32 $0x3, s15  }
0x182: {  	s6 =	sshll.u32 s26, $0x4  }
0x183: {  	s6 =	sor.u32 s0, s6;
	s15 =	ssub.s32 s26, s15  }
0x184: {  	s6 =	smul.u32 $0x50, s6;
	p2 =	seq.s32 s15, $0x2  }
.Ltmp8:
0x185: {  	_ = 	snop;
	(pc) =	sbr.rel @p2 .LBB2_11-.Ltmp8, $4  }
0x186: {  	s28 =	sadd.s32 s18, s6;
	s6 =	sadd.s32 s20, s6  }
0x187: {  	s28 =	sshrl.u32 s28, $0x3;
	s6 =	sshrl.u32 s6, $0x3  }
0x188: {  	s28 =	sadd.s32 s16, s28;
	s6 =	sadd.s32 s16, s6  }
0x189: {  	[tilespmem:s1], [sflag:$0x1] =	stream.linear.gather [hbm4b:s28+s1], $0x50, $0x38;
	[tilespmem:$0x1E100] =	vst v63  }
.Ltmp9:
0x18a: {  	(pc) =	sbr.rel .LBB2_12-.Ltmp9, $4  }
0x18b: {  	p2 =	seq.s32 s15, $0x1  }
0x18c: {  	[tilespmem:s11], [sflag:$0x4] =	stream.linear.gather @p2 [hbm4b:s6+s1], $0x50, $0x38;
	[tilespmem:$0x1E100] =	vst v63  }
0x18d: {  	_ = 	snop  }
0x18e: {  	[tilespmem:s9], [sflag:$0x3] =	stream.linear.gather @!p2 [hbm4b:s6+s1], $0x50, $0x38;
	[tilespmem:$0x1E100] =	vst v63  }
.LBB2_11:
0x18f: {  	s8 =	simm.s32 $0x200  }
0x190: {  	[tilespmem:s8], [sflag:$0x5] =	stream.linear.gather [hbm4b:s6+s1], $0x50, $0x38;
	[tilespmem:$0x1E100] =	vst v63  }
.LBB2_12:
0x191: {  	_ =	swait.ge [sflag:s29], $0x2800  }
0x192: {  	[sflag:s29] =	ssyncset.done $0x0  }
0x193: {  	[sflag:s29] =	ssyncadd.s32 $0xFFFFD800  }
0x194: {  	_ =	swait.ge [sflag:s30], $0x2800  }
0x195: {  	[sflag:s30] =	ssyncset.done $0x0  }
0x196: {  	s15 =	simm.s32 $0x0;
	[sflag:s30] =	ssyncadd.s32 $0xFFFFD800  }
0x197: {  	v14 =	vld [tilespmem:s15+$0x5280]  }
0x198: {  	v17 =	vld [tilespmem:s15+$0x5290]  }
0x199: {  	v13 =	vld [tilespmem:s15+$0x52A0]  }
0x19a: {  	v12 =	vld [tilespmem:s15+$0x52B0]  }
0x19b: {  	v11 =	vld [tilespmem:s15+$0x52C0]  }
0x19c: {  	v10 =	vld [tilespmem:s15+$0x52D0]  }
0x19d: {  	v9 =	vld [tilespmem:s15+$0x52E0]  }
0x19e: {  	v8 =	vld [tilespmem:s15+$0x52F0]  }
0x19f: {  	s6 =	smul.u32 $0x156, s4;
	v19 =	vld [tilespmem:s15+$0x280]  }
0x1a0: {  	v21 =	vld [tilespmem:s15+$0x290]  }
0x1a1: {  	s6 =	sshrl.u32 s6, $0x9;
	v20 =	vld [tilespmem:s15+$0x2A0]  }
0x1a2: {  	s6 =	sand.u32 $0x7F, s6;
	v18 =	vld [tilespmem:s15+$0x2B0]  }
0x1a3: {  	s6 =	smul.u32 $0x3, s6;
	v16 =	vld [tilespmem:s15+$0x2C0]  }
0x1a4: {  	v15 =	vld [tilespmem:s15+$0x2D0];
	v19 =	vadd.f32 v14, v19  }
0x1a5: {  	s28 =	ssub.s32 s22, s6;
	s6 =	simm.s32 $0x200;
	v17 =	vadd.f32 v17, v21;
	v14 =	vld [tilespmem:s15+$0x2E0]  }
.LBB2_13:
0x1a6: {  	s8 =	sshra.s32 s6, $0x2;
	p2 =	sne.s32 s6, $0x9E00;
	v21 =	vmul.f32 $9.999999770e-03, v19;
	v20 =	vadd.f32 v13, v20;
	v22 =	vld [tilespmem:s15+$0x2F0]  }
0x1a7: {  	v23 =	vld [tilespmem:s8+$0x5280];
	v24 =	vmul.f32 $9.999999770e-03, v17;
	v18 =	vadd.f32 v12, v18  }
0x1a8: {  	v25 =	vld [tilespmem:s8+$0x5290];
	v12 =	vmax.f32 v19, v21;
	v19 =	vmul.f32 $9.999999770e-03, v20;
	v16 =	vadd.f32 v11, v16  }
0x1a9: {  	v13 =	vld [tilespmem:s8+$0x52A0];
	[tilespmem:s15+$0x280] =	vst v12;
	v11 =	vmax.f32 v17, v24;
	v17 =	vmul.f32 $9.999999770e-03, v18;
	v15 =	vadd.f32 v10, v15  }
0x1aa: {  	v12 =	vld [tilespmem:s8+$0x52B0];
	[tilespmem:s15+$0x290] =	vst v11;
	v10 =	vmax.f32 v20, v19;
	v19 =	vmul.f32 $9.999999770e-03, v16;
	v14 =	vadd.f32 v9, v14  }
0x1ab: {  	v11 =	vld [tilespmem:s8+$0x52C0];
	[tilespmem:s15+$0x2A0] =	vst v10;
	v9 =	vmax.f32 v18, v17;
	v17 =	vmul.f32 $9.999999770e-03, v15;
	v18 =	vadd.f32 v8, v22  }
0x1ac: {  	v10 =	vld [tilespmem:s8+$0x52D0];
	[tilespmem:s15+$0x2B0] =	vst v9;
	v8 =	vmax.f32 v16, v19;
	v16 =	vmul.f32 $9.999999770e-03, v14  }
0x1ad: {  	v9 =	vld [tilespmem:s8+$0x52E0];
	[tilespmem:s15+$0x2C0] =	vst v8;
	v15 =	vmax.f32 v15, v17;
	v17 =	vmul.f32 $9.999999770e-03, v18  }
0x1ae: {  	v8 =	vld [tilespmem:s8+$0x52F0];
	[tilespmem:s15+$0x2D0] =	vst v15;
	v14 =	vmax.f32 v14, v16  }
0x1af: {  	v15 =	vld [tilespmem:s8+$0x280];
	[tilespmem:s15+$0x2E0] =	vst v14;
	v14 =	vmax.f32 v18, v17  }
0x1b0: {  	v17 =	vld [tilespmem:s8+$0x290];
	[tilespmem:s15+$0x2F0] =	vst v14;
	s15 =	smov.u32 s8  }
.Ltmp10:
0x1b1: {  	v20 =	vld [tilespmem:s15+$0x2A0];
	(pc) =	sbr.rel @p2 .LBB2_13-.Ltmp10, $4  }
0x1b2: {  	v18 =	vld [tilespmem:s15+$0x2B0]  }
0x1b3: {  	v16 =	vld [tilespmem:s15+$0x2C0]  }
0x1b4: {  	v19 =	vadd.f32 v23, v15;
	v15 =	vld [tilespmem:s15+$0x2D0]  }
0x1b5: {  	s6 =	sadd.s32 $0x200, s6;
	v17 =	vadd.f32 v25, v17;
	v14 =	vld [tilespmem:s15+$0x2E0]  }
0x1b6: {  	v21 =	vmul.f32 $9.999999770e-03, v19;
	v13 =	vadd.f32 v13, v20;
	v55 =	vld [tilespmem:s15+$0x2F0]  }
0x1b7: {  	v22 =	vmul.f32 $9.999999770e-03, v17;
	v12 =	vadd.f32 v12, v18  }
0x1b8: {  	v56 =	vmax.f32 v19, v21;
	v57 =	vmul.f32 $9.999999770e-03, v13;
	v11 =	vadd.f32 v11, v16  }
0x1b9: {  	[tilespmem:s15+$0x280] =	vst v56;
	v58 =	vmax.f32 v17, v22;
	v59 =	vmul.f32 $9.999999770e-03, v12;
	v10 =	vadd.f32 v10, v15  }
0x1ba: {  	s6 =	sand.u32 $0xFF, s28;
	[tilespmem:s15+$0x290] =	vst v58;
	v13 =	vmax.f32 v13, v57;
	v60 =	vmul.f32 $9.999999770e-03, v11;
	v9 =	vadd.f32 v9, v14  }
0x1bb: {  	p2 =	seq.s32 s6, $0x0;
	[tilespmem:s15+$0x2A0] =	vst v13;
	v12 =	vmax.f32 v12, v59;
	v61 =	vmul.f32 $9.999999770e-03, v10;
	v8 =	vadd.f32 v8, v55  }
.Ltmp11:
0x1bc: {  	[tilespmem:s15+$0x2B0] =	vst v12;
	v11 =	vmax.f32 v11, v60;
	v62 =	vmul.f32 $9.999999770e-03, v9;
	(pc) =	sbr.rel @p2 .LBB2_15-.Ltmp11, $4  }
0x1bd: {  	[tilespmem:s15+$0x2C0] =	vst v11;
	v10 =	vmax.f32 v10, v61;
	v63 =	vmul.f32 $9.999999770e-03, v8  }
0x1be: {  	[tilespmem:s15+$0x2D0] =	vst v10;
	v9 =	vmax.f32 v9, v62  }
0x1bf: {  	[tilespmem:s15+$0x2E0] =	vst v9;
	v8 =	vmax.f32 v8, v63  }
0x1c0: {  	s11 =	simm.s32 $0x3;
	[tilespmem:s15+$0x2F0] =	vst v8  }
.Ltmp12:
0x1c1: {  	(pc) =	sbr.rel .LBB2_17-.Ltmp12, $4  }
0x1c2: {  	_ = 	snop  }
0x1c3: {  	p2 =	seq.s32 s6, $0x2  }
0x1c4: {  	s28 =	simm.s32 $0x100;
	s6 =	simm.s32 @p2 $0x200;
	s15 =	simm.s32 @p2 $0x5  }
0x1c5: {  	s9 =	simm.s32 $0x180;
	s6 =	simm.s32 @!p2 $0x180;
	s15 =	simm.s32 @!p2 $0x4  }
.LBB2_15:
0x1c6: {  	s6 =	simm.s32 $0x100  }
0x1c7: {  	s15 =	simm.s32 $0x3;
	s28 =	simm.s32 $0x100;
	s9 =	simm.s32 $0x180  }
.LBB2_17:
0x1c8: {  	_ =	swait.ge [sflag:s15], $0x50  }
0x1c9: {  	[sflag:s15] =	ssyncset.done $0x0  }
.Ltmp13:
0x1ca: {  	s8 =	simm.s32 $0x280;
	[sflag:s15] =	ssyncadd.s32 $0xFFFFFFB0;
	(pc) =	sbr.rel @p1 .LBB2_21-.Ltmp13, $4  }
0x1cb: {  	[spmem:s17] =	stream.indirect.scatter.add.f32 [tilespmem:s8], [sflag:$0xA], $0x80, s6, s14, $0xb8;
	[tilespmem:$0x1E100] =	vst v63  }
0x1cc: {  	_ =	swait.ge [sflag:s31], $0x2800  }
0x1cd: {  	[sflag:s31] =	ssyncset.done $0x0  }
0x1ce: {  	[sflag:s31] =	ssyncadd.s32 $0xFFFFD800  }
0x1cf: {  	_ =	swait.ge [sflag:s7], $0x50  }
0x1d0: {  	[sflag:s7] =	ssyncset.done $0x0  }
0x1d1: {  	[sflag:s7] =	ssyncadd.s32 $0xFFFFFFB0  }
0x1d2: {  	v8 =	vld [tilespmem:$0x0]  }
0x1d3: {  	v9 =	vld [tilespmem:$0x10]  }
0x1d4: {  	v10 =	vld [tilespmem:$0x20]  }
0x1d5: {  	v11 =	vld [tilespmem:$0x30]  }
0x1d6: {  	v12 =	vld [tilespmem:$0x40]  }
0x1d7: {  	v8 =	vadd.s32 v0, v8  }
0x1d8: {  	[tilespmem:$0x0] =	vst v8;
	v8 =	vadd.s32 v0, v9  }
0x1d9: {  	[tilespmem:$0x10] =	vst v8;
	v8 =	vadd.s32 v0, v10  }
0x1da: {  	s6 =	sshll.u32 s26, $0x4;
	[tilespmem:$0x20] =	vst v8;
	v8 =	vadd.s32 v0, v11  }
0x1db: {  	s6 =	sor.u32 s0, s6;
	[tilespmem:$0x30] =	vst v8;
	v8 =	vadd.s32 v0, v12  }
0x1dc: {  	s8 =	simm.s32 $0x280;
	s6 =	smul.u32 $0x50, s6;
	[tilespmem:$0x40] =	vst v8  }
0x1dd: {  	[tilespmem:s8], [sflag:$0x6] =	stream.indirect.gather [hbm4b:s23+s14], $0x80, s1, s14, $0xb8;
	[tilespmem:$0x1E100] =	vst v63  }
0x1de: {  	s15 =	rddreg [dreg:$0x1f];
	s8 =	sadd.s32 $0x3, s22  }
0x1df: {  	s6 =	sadd.s32 s15, s6;
	s22 =	sshll.u32 s8, $0x4  }
0x1e0: {  	s6 =	sshll.u32 s6, $0x4;
	s15 =	sor.u32 s0, s22  }
0x1e1: {  	s6 =	sadd.s32 s24, s6;
	s22 =	smul.u32 $0x50, s15  }
0x1e2: {  	[tilespmem:s12], [sflag:$0x8] =	stream.linear.gather [hbm4b:s6+s1], $0x2800, $0x38;
	[tilespmem:$0x1E100] =	vst v63  }
0x1e3: {  	s26 =	smulhi.u32 $0x55555556, s8;
	s15 =	sadd.s32 s18, s22  }
0x1e4: {  	s15 =	sshrl.u32 s15, $0x3  }
0x1e5: {  	s6 =	smul.u32 $0x3, s26;
	s15 =	sadd.s32 s16, s15  }
0x1e6: {  	[tilespmem:s21], [sflag:$0x2] =	stream.linear.gather [hbm4b:s15+s1], $0x50, $0x38;
	[tilespmem:$0x1E100] =	vst v63  }
0x1e7: {  	s15 =	ssub.s32 s8, s6  }
0x1e8: {  	p1 =	seq.s32 s15, $0x2  }
.Ltmp14:
0x1e9: {  	_ = 	snop;
	(pc) =	sbr.rel @p1 .LBB2_20-.Ltmp14, $4  }
0x1ea: {  	_ = 	snop  }
0x1eb: {  	s26 =	sadd.s32 s20, s22  }
0x1ec: {  	s6 =	sshrl.u32 s26, $0x3  }
0x1ed: {  	s6 =	sadd.s32 s16, s6  }
.Ltmp15:
0x1ee: {  	(pc) =	sbr.rel .LBB2_21-.Ltmp15, $4  }
0x1ef: {  	p1 =	seq.s32 s15, $0x1  }
0x1f0: {  	[tilespmem:s9], [sflag:$0x4] =	stream.linear.gather @p1 [hbm4b:s6+s1], $0x50, $0x38;
	[tilespmem:$0x1E100] =	vst v63  }
0x1f1: {  	_ = 	snop  }
0x1f2: {  	[tilespmem:s28], [sflag:$0x3] =	stream.linear.gather @!p1 [hbm4b:s6+s1], $0x50, $0x38;
	[tilespmem:$0x1E100] =	vst v63  }
.LBB2_20:
0x1f3: {  	s8 =	simm.s32 $0x200  }
0x1f4: {  	[tilespmem:s8], [sflag:$0x5] =	stream.linear.gather [hbm4b:s6+s1], $0x50, $0x38;
	[tilespmem:$0x1E100] =	vst v63  }
.LBB2_21:
0x1f5: {  	_ =	swait.ge [sflag:s2], $0x2800  }
0x1f6: {  	[sflag:s2] =	ssyncset.done $0x0  }
0x1f7: {  	[sflag:s2] =	ssyncadd.s32 $0xFFFFD800  }
0x1f8: {  	_ =	swait.ge [sflag:s3], $0x2800  }
0x1f9: {  	[sflag:s3] =	ssyncset.done $0x0  }
0x1fa: {  	s15 =	simm.s32 $0x0;
	[sflag:s3] =	ssyncadd.s32 $0xFFFFD800  }
0x1fb: {  	v14 =	vld [tilespmem:s15+$0x7A80]  }
0x1fc: {  	v17 =	vld [tilespmem:s15+$0x7A90]  }
0x1fd: {  	v13 =	vld [tilespmem:s15+$0x7AA0]  }
0x1fe: {  	v12 =	vld [tilespmem:s15+$0x7AB0]  }
0x1ff: {  	v11 =	vld [tilespmem:s15+$0x7AC0]  }
0x200: {  	v10 =	vld [tilespmem:s15+$0x7AD0]  }
0x201: {  	v9 =	vld [tilespmem:s15+$0x7AE0]  }
0x202: {  	v8 =	vld [tilespmem:s15+$0x7AF0]  }
0x203: {  	v19 =	vld [tilespmem:s15+$0x2A80]  }
0x204: {  	v21 =	vld [tilespmem:s15+$0x2A90]  }
0x205: {  	s6 =	smulhi.u32 $0x55555556, s5;
	v20 =	vld [tilespmem:s15+$0x2AA0]  }
0x206: {  	v18 =	vld [tilespmem:s15+$0x2AB0]  }
0x207: {  	s6 =	smul.u32 $0x3, s6;
	v16 =	vld [tilespmem:s15+$0x2AC0]  }
0x208: {  	v15 =	vld [tilespmem:s15+$0x2AD0];
	v19 =	vadd.f32 v14, v19  }
0x209: {  	s5 =	ssub.s32 s5, s6;
	s6 =	simm.s32 $0x200;
	v17 =	vadd.f32 v17, v21;
	v14 =	vld [tilespmem:s15+$0x2AE0]  }
.LBB2_22:
0x20a: {  	s8 =	sshra.s32 s6, $0x2;
	p1 =	sne.s32 s6, $0x9E00;
	v21 =	vmul.f32 $9.999999770e-03, v19;
	v20 =	vadd.f32 v13, v20;
	v22 =	vld [tilespmem:s15+$0x2AF0]  }
0x20b: {  	v23 =	vld [tilespmem:s8+$0x7A80];
	v24 =	vmul.f32 $9.999999770e-03, v17;
	v18 =	vadd.f32 v12, v18  }
0x20c: {  	v25 =	vld [tilespmem:s8+$0x7A90];
	v12 =	vmax.f32 v19, v21;
	v19 =	vmul.f32 $9.999999770e-03, v20;
	v16 =	vadd.f32 v11, v16  }
0x20d: {  	v13 =	vld [tilespmem:s8+$0x7AA0];
	[tilespmem:s15+$0x2A80] =	vst v12;
	v11 =	vmax.f32 v17, v24;
	v17 =	vmul.f32 $9.999999770e-03, v18;
	v15 =	vadd.f32 v10, v15  }
0x20e: {  	v12 =	vld [tilespmem:s8+$0x7AB0];
	[tilespmem:s15+$0x2A90] =	vst v11;
	v10 =	vmax.f32 v20, v19;
	v19 =	vmul.f32 $9.999999770e-03, v16;
	v14 =	vadd.f32 v9, v14  }
0x20f: {  	v11 =	vld [tilespmem:s8+$0x7AC0];
	[tilespmem:s15+$0x2AA0] =	vst v10;
	v9 =	vmax.f32 v18, v17;
	v17 =	vmul.f32 $9.999999770e-03, v15;
	v18 =	vadd.f32 v8, v22  }
0x210: {  	v10 =	vld [tilespmem:s8+$0x7AD0];
	[tilespmem:s15+$0x2AB0] =	vst v9;
	v8 =	vmax.f32 v16, v19;
	v16 =	vmul.f32 $9.999999770e-03, v14  }
0x211: {  	v9 =	vld [tilespmem:s8+$0x7AE0];
	[tilespmem:s15+$0x2AC0] =	vst v8;
	v15 =	vmax.f32 v15, v17;
	v17 =	vmul.f32 $9.999999770e-03, v18  }
0x212: {  	v8 =	vld [tilespmem:s8+$0x7AF0];
	[tilespmem:s15+$0x2AD0] =	vst v15;
	v14 =	vmax.f32 v14, v16  }
0x213: {  	v15 =	vld [tilespmem:s8+$0x2A80];
	[tilespmem:s15+$0x2AE0] =	vst v14;
	v14 =	vmax.f32 v18, v17  }
0x214: {  	v17 =	vld [tilespmem:s8+$0x2A90];
	[tilespmem:s15+$0x2AF0] =	vst v14;
	s15 =	smov.u32 s8  }
.Ltmp16:
0x215: {  	v20 =	vld [tilespmem:s15+$0x2AA0];
	(pc) =	sbr.rel @p1 .LBB2_22-.Ltmp16, $4  }
0x216: {  	v18 =	vld [tilespmem:s15+$0x2AB0]  }
0x217: {  	v16 =	vld [tilespmem:s15+$0x2AC0]  }
0x218: {  	v19 =	vadd.f32 v23, v15;
	v15 =	vld [tilespmem:s15+$0x2AD0]  }
0x219: {  	s6 =	sadd.s32 $0x200, s6;
	v17 =	vadd.f32 v25, v17;
	v14 =	vld [tilespmem:s15+$0x2AE0]  }
0x21a: {  	v21 =	vmul.f32 $9.999999770e-03, v19;
	v13 =	vadd.f32 v13, v20;
	v55 =	vld [tilespmem:s15+$0x2AF0]  }
0x21b: {  	v22 =	vmul.f32 $9.999999770e-03, v17;
	v12 =	vadd.f32 v12, v18  }
0x21c: {  	v56 =	vmax.f32 v19, v21;
	v57 =	vmul.f32 $9.999999770e-03, v13;
	v11 =	vadd.f32 v11, v16  }
0x21d: {  	[tilespmem:s15+$0x2A80] =	vst v56;
	v58 =	vmax.f32 v17, v22;
	v59 =	vmul.f32 $9.999999770e-03, v12;
	v10 =	vadd.f32 v10, v15  }
0x21e: {  	[tilespmem:s15+$0x2A90] =	vst v58;
	v13 =	vmax.f32 v13, v57;
	v60 =	vmul.f32 $9.999999770e-03, v11;
	v9 =	vadd.f32 v9, v14  }
0x21f: {  	p1 =	seq.s32 s5, $0x0;
	[tilespmem:s15+$0x2AA0] =	vst v13;
	v12 =	vmax.f32 v12, v59;
	v61 =	vmul.f32 $9.999999770e-03, v10;
	v8 =	vadd.f32 v8, v55  }
.Ltmp17:
0x220: {  	[tilespmem:s15+$0x2AB0] =	vst v12;
	v11 =	vmax.f32 v11, v60;
	v62 =	vmul.f32 $9.999999770e-03, v9;
	(pc) =	sbr.rel @!p1 .LBB2_25-.Ltmp17, $4  }
0x221: {  	[tilespmem:s15+$0x2AC0] =	vst v11;
	v10 =	vmax.f32 v10, v61;
	v63 =	vmul.f32 $9.999999770e-03, v8  }
0x222: {  	[tilespmem:s15+$0x2AD0] =	vst v10;
	v9 =	vmax.f32 v9, v62  }
0x223: {  	[tilespmem:s15+$0x2AE0] =	vst v9;
	v8 =	vmax.f32 v8, v63  }
0x224: {  	[tilespmem:s15+$0x2AF0] =	vst v8  }
.Ltmp18:
0x225: {  	(pc) =	sbr.rel .LBB2_26-.Ltmp18, $2  }
0x226: {  	_ =	sdelay $0x2  }
0x227: {  	s5 =	simm.s32 $0x100;
	s6 =	simm.s32 $0x3  }
.LBB2_27:
0x228: {  	s4 =	simm.s32 $0xB  }
0x229: {  	_ =	swait.ge [sflag:s4], $0x2800  }
0x22a: {  	[sflag:s4] =	ssyncset.done $0x0  }
0x22b: {  	[sflag:s4] =	ssyncadd.s32 $0xFFFFD800  }
0x22c: {  	[bflag:$0x0] =	sbarrier.arrive $0xFFFF  }
0x22d: {  	s6 =	rddreg [dreg:$0x17]  }
0x22e: {  	s5 =	sshll.u32 s0, $0x6;
	s8 =	rddreg [dreg:$0x5];
	s6 =	sshrl.u32 s6, $0x3  }
0x22f: {  	s5 =	sor.u32 $0x1C0C, s5;
	[smem:$0x7EA] =	sst s6  }
0x230: {  	[hbm:s8], [sflag:s5] =	dma.local [spmem:s6], $0x500  }
0x231: {  	_ =	swait.ge [sflag:s19], $0x500  }
0x232: {  	s15 =	rddreg [dreg:$0x18]  }
0x233: {  	[sflag:s19] =	ssyncset.done $0x0;
	s26 =	rddreg [dreg:$0x6];
	s22 =	sshrl.u32 s15, $0x3  }
0x234: {  	[sflag:s19] =	ssyncadd.s32 $0xFFFFFB00;
	[smem:$0x7EB] =	sst s22  }
0x235: {  	[hbm:s26], [sflag:s5] =	dma.local [spmem:s22], $0x500  }
0x236: {  	_ =	swait.ge [sflag:s19], $0x500  }
0x237: {  	s8 =	rddreg [dreg:$0x19]  }
0x238: {  	[sflag:s19] =	ssyncset.done $0x0;
	s22 =	rddreg [dreg:$0x7];
	s15 =	sshrl.u32 s8, $0x3  }
0x239: {  	[sflag:s19] =	ssyncadd.s32 $0xFFFFFB00;
	[smem:$0x7EC] =	sst s15  }
0x23a: {  	[hbm:s22], [sflag:s5] =	dma.local [spmem:s15], $0x500  }
0x23b: {  	_ =	swait.ge [sflag:s19], $0x500  }
0x23c: {  	s26 =	rddreg [dreg:$0x1a]  }
0x23d: {  	[sflag:s19] =	ssyncset.done $0x0;
	s8 =	rddreg [dreg:$0x8];
	s4 =	sshrl.u32 s26, $0x3  }
0x23e: {  	[sflag:s19] =	ssyncadd.s32 $0xFFFFFB00;
	[smem:$0x7ED] =	sst s4  }
0x23f: {  	[hbm:s8], [sflag:s5] =	dma.local [spmem:s4], $0x500  }
0x240: {  	_ =	swait.ge [sflag:s19], $0x500  }
0x241: {  	s15 =	rddreg [dreg:$0x1b]  }
0x242: {  	[sflag:s19] =	ssyncset.done $0x0;
	s26 =	rddreg [dreg:$0x9];
	s22 =	sshrl.u32 s15, $0x3  }
0x243: {  	[sflag:s19] =	ssyncadd.s32 $0xFFFFFB00;
	[smem:$0x7EE] =	sst s22  }
0x244: {  	[hbm:s26], [sflag:s5] =	dma.local [spmem:s22], $0x500  }
0x245: {  	_ =	swait.ge [sflag:s19], $0x500  }
0x246: {  	s8 =	rddreg [dreg:$0x1c]  }
0x247: {  	[sflag:s19] =	ssyncset.done $0x0;
	s22 =	rddreg [dreg:$0xa];
	s15 =	sshrl.u32 s8, $0x3  }
0x248: {  	[sflag:s19] =	ssyncadd.s32 $0xFFFFFB00;
	[smem:$0x7EF] =	sst s15  }
0x249: {  	[hbm:s22], [sflag:s5] =	dma.local [spmem:s15], $0x500  }
0x24a: {  	_ =	swait.ge [sflag:s19], $0x500  }
0x24b: {  	s26 =	rddreg [dreg:$0x1d]  }
0x24c: {  	[sflag:s19] =	ssyncset.done $0x0;
	s8 =	rddreg [dreg:$0xb];
	s4 =	sshrl.u32 s26, $0x3  }
0x24d: {  	[sflag:s19] =	ssyncadd.s32 $0xFFFFFB00;
	[smem:$0x7F0] =	sst s4  }
0x24e: {  	[hbm:s8], [sflag:s5] =	dma.local [spmem:s4], $0x500  }
0x24f: {  	_ =	swait.ge [sflag:s19], $0x500  }
0x250: {  	s15 =	rddreg [dreg:$0x1e]  }
0x251: {  	s26 =	rddreg [dreg:$0xc]  }
0x252: {  	[sflag:s19] =	ssyncset.done $0x0;
	[smem:$0x7F1] =	sst s5;
	s22 =	sshrl.u32 s15, $0x3  }
0x253: {  	[sflag:s19] =	ssyncadd.s32 $0xFFFFFB00;
	[smem:$0x7F2] =	sst s22  }
0x254: {  	[hbm:s26], [sflag:s5] =	dma.local [spmem:s22], $0x480  }
0x255: {  	_ =	swait.ge [sflag:s19], $0x480  }
0x256: {  	[sflag:s19] =	ssyncset.done $0x0  }
0x257: {  	[sflag:s19] =	ssyncadd.s32 $0xFFFFFB80  }
0x258: {  	s4 =	simm.s32 $0x0;
	s5 =	simm.s32 $0x200;
	[bflag:$0x0] =	sbarrier.arrive $0xFFFF  }
.LBB2_28:
0x259: {  	p1 =	sne.s32 s5, $0x9E00;
	[tilespmem:s4+$0x52F0] =	vst v3  }
0x25a: {  	[tilespmem:s4+$0x5280] =	vst v3  }
0x25b: {  	[tilespmem:s4+$0x5290] =	vst v3  }
.Ltmp19:
0x25c: {  	[tilespmem:s4+$0x52A0] =	vst v3;
	(pc) =	sbr.rel @p1 .LBB2_28-.Ltmp19, $4  }
0x25d: {  	[tilespmem:s4+$0x52B0] =	vst v3  }
0x25e: {  	[tilespmem:s4+$0x52C0] =	vst v3  }
0x25f: {  	[tilespmem:s4+$0x52D0] =	vst v3  }
0x260: {  	[tilespmem:s4+$0x52E0] =	vst v3;
	s4 =	sshra.s32 s5, $0x2;
	s5 =	sadd.s32 $0x200, s5  }
0x261: {  	[tilespmem:s4+$0x52F0] =	vst v3  }
0x262: {  	[tilespmem:s4+$0x5280] =	vst v3  }
0x263: {  	[tilespmem:s4+$0x5290] =	vst v3  }
0x264: {  	[tilespmem:s4+$0x52A0] =	vst v3  }
0x265: {  	[tilespmem:s4+$0x52B0] =	vst v3  }
0x266: {  	[tilespmem:s4+$0x52C0] =	vst v3  }
0x267: {  	[tilespmem:s4+$0x52D0] =	vst v3  }
0x268: {  	[tilespmem:s4+$0x52E0] =	vst v3;
	s15 =	rddreg [dreg:$0x17]  }
0x269: {  	[spmem:s15] =	stream.linear.scatter [tilespmem:s12], [sflag:$0xC], $0x2800, $0x38;
	[tilespmem:$0x1E100] =	vst v63  }
0x26a: {  	_ =	swait.ge [sflag:s19], $0x2800  }
0x26b: {  	[sflag:s19] =	ssyncset.done $0x0  }
0x26c: {  	s22 =	rddreg [dreg:$0x18];
	[sflag:s19] =	ssyncadd.s32 $0xFFFFD800  }
0x26d: {  	[spmem:s22] =	stream.linear.scatter [tilespmem:s12], [sflag:$0xC], $0x2800, $0x38;
	[tilespmem:$0x1E100] =	vst v63  }
0x26e: {  	_ =	swait.ge [sflag:s19], $0x2800  }
0x26f: {  	[sflag:s19] =	ssyncset.done $0x0  }
0x270: {  	s26 =	rddreg [dreg:$0x19];
	[sflag:s19] =	ssyncadd.s32 $0xFFFFD800  }
0x271: {  	[spmem:s26] =	stream.linear.scatter [tilespmem:s12], [sflag:$0xC], $0x2800, $0x38;
	[tilespmem:$0x1E100] =	vst v63  }
0x272: {  	_ =	swait.ge [sflag:s19], $0x2800  }
0x273: {  	[sflag:s19] =	ssyncset.done $0x0  }
0x274: {  	s5 =	rddreg [dreg:$0x1a];
	[sflag:s19] =	ssyncadd.s32 $0xFFFFD800  }
0x275: {  	[spmem:s5] =	stream.linear.scatter [tilespmem:s12], [sflag:$0xC], $0x2800, $0x38;
	[tilespmem:$0x1E100] =	vst v63  }
0x276: {  	_ =	swait.ge [sflag:s19], $0x2800  }
0x277: {  	[sflag:s19] =	ssyncset.done $0x0  }
0x278: {  	s6 =	rddreg [dreg:$0x1b];
	[sflag:s19] =	ssyncadd.s32 $0xFFFFD800  }
0x279: {  	[spmem:s6] =	stream.linear.scatter [tilespmem:s12], [sflag:$0xC], $0x2800, $0x38;
	[tilespmem:$0x1E100] =	vst v63  }
0x27a: {  	_ =	swait.ge [sflag:s19], $0x2800  }
0x27b: {  	[sflag:s19] =	ssyncset.done $0x0  }
0x27c: {  	s8 =	rddreg [dreg:$0x1c];
	[sflag:s19] =	ssyncadd.s32 $0xFFFFD800  }
0x27d: {  	[spmem:s8] =	stream.linear.scatter [tilespmem:s12], [sflag:$0xC], $0x2800, $0x38;
	[tilespmem:$0x1E100] =	vst v63  }
0x27e: {  	_ =	swait.ge [sflag:s19], $0x2800  }
0x27f: {  	[sflag:s19] =	ssyncset.done $0x0  }
0x280: {  	s15 =	rddreg [dreg:$0x1d];
	[sflag:s19] =	ssyncadd.s32 $0xFFFFD800  }
0x281: {  	[spmem:s15] =	stream.linear.scatter [tilespmem:s12], [sflag:$0xC], $0x2800, $0x38;
	[tilespmem:$0x1E100] =	vst v63  }
0x282: {  	_ =	swait.ge [sflag:s19], $0x2800  }
0x283: {  	[sflag:s19] =	ssyncset.done $0x0  }
0x284: {  	s22 =	rddreg [dreg:$0x1e];
	[sflag:s19] =	ssyncadd.s32 $0xFFFFD800  }
0x285: {  	[spmem:s22] =	stream.linear.scatter [tilespmem:s12], [sflag:$0xC], $0x2400, $0x38;
	[tilespmem:$0x1E100] =	vst v63  }
0x286: {  	_ =	swait.ge [sflag:s19], $0x2400  }
0x287: {  	[sflag:s19] =	ssyncset.done $0x0  }
0x288: {  	[sflag:s19] =	ssyncadd.s32 $0xFFFFDC00  }
0x289: {  	[bflag:$0x0] =	sbarrier.arrive $0xFFFF  }
0x28a: {  	s26 =	sld [smem:$0x7F4];
	_ =	sdelay $0x1  }
0x28b: {  	s5 =	simm.s32 $0x0;
	s6 =	rddreg [dreg:$0x15]  }
0x28c: {  	[tilespmem:s5], [sflag:$0x1] =	stream.linear.gather [hbm4b:s26+s5], $0x50, $0x38;
	[tilespmem:$0x1E100] =	vst v63  }
0x28d: {  	s8 =	sld [smem:$0x7F5]  }
0x28e: {  	[tilespmem:s28], [sflag:$0x3] =	stream.linear.gather [hbm4b:s6+s5], $0x50, $0x38;
	[tilespmem:$0x1E100] =	vst v63  }
0x28f: {  	s15 =	sld [smem:$0x7F6]  }
0x290: {  	[tilespmem:s21], [sflag:$0x2] =	stream.linear.gather [hbm4b:s8+s5], $0x50, $0x38;
	[tilespmem:$0x1E100] =	vst v63  }
0x291: {  	_ = 	snop  }
0x292: {  	[tilespmem:s9], [sflag:$0x4] =	stream.linear.gather [hbm4b:s15+s5], $0x50, $0x38;
	[tilespmem:$0x1E100] =	vst v63  }
0x293: {  	_ =	swait.ge [sflag:s7], $0x50  }
0x294: {  	[sflag:s7] =	ssyncset.done $0x0  }
0x295: {  	[sflag:s7] =	ssyncadd.s32 $0xFFFFFFB0  }
0x296: {  	v8 =	vld [tilespmem:$0x0]  }
0x297: {  	v9 =	vld [tilespmem:$0x10]  }
0x298: {  	v10 =	vld [tilespmem:$0x20]  }
0x299: {  	v11 =	vld [tilespmem:$0x30]  }
0x29a: {  	v12 =	vld [tilespmem:$0x40]  }
0x29b: {  	v8 =	vadd.s32 v2, v8  }
0x29c: {  	[tilespmem:$0x0] =	vst v8;
	v8 =	vadd.s32 v2, v9  }
0x29d: {  	[tilespmem:$0x10] =	vst v8;
	v8 =	vadd.s32 v2, v10  }
0x29e: {  	[tilespmem:$0x20] =	vst v8;
	v8 =	vadd.s32 v2, v11  }
.Ltmp20:
0x29f: {  	[tilespmem:$0x30] =	vst v8;
	v8 =	vadd.s32 v2, v12;
	(pc) =	sbr.rel .LBB2_30-.Ltmp20, $4  }
0x2a0: {  	s22 =	simm.s32 $0x280;
	s26 =	sld [smem:$0x7F9];
	[tilespmem:$0x40] =	vst v8  }
0x2a1: {  	[tilespmem:s22], [sflag:$0x6] =	stream.indirect.gather [hbm4b:s23+s14], $0x80, s5, s14, $0xb8;
	[tilespmem:$0x1E100] =	vst v63  }
0x2a2: {  	_ = 	snop  }
0x2a3: {  	[tilespmem:s12], [sflag:$0x8] =	stream.linear.gather [hbm4b:s26+s5], $0x2800, $0x38;
	[tilespmem:$0x1E100] =	vst v63  }
.LBB2_47:
0x2a4: {  	p1 =	seq.s32 s22, $0x2  }
0x2a5: {  	s4 =	simm.s32 @p1 $0x200;
	s6 =	simm.s32 @p1 $0x5  }
0x2a6: {  	s4 =	simm.s32 @!p1 $0x180;
	s6 =	simm.s32 @!p1 $0x4  }
.LBB2_48:
0x2a7: {  	s5 =	sadd.s32 $0x1, s5  }
0x2a8: {  	p1 =	sne.s32 s5, $0x7D  }
.Ltmp21:
0x2a9: {  	_ = 	snop;
	(pc) =	sbr.rel @!p1 .LBB2_49-.Ltmp21, $4  }
0x2aa: {  	_ =	swait.ge [sflag:s6], $0x50  }
0x2ab: {  	[sflag:s6] =	ssyncset.done $0x0  }
0x2ac: {  	[sflag:s6] =	ssyncadd.s32 $0xFFFFFFB0  }
0x2ad: {  	[spmem:s17] =	stream.indirect.scatter.add.f32 [tilespmem:s25], [sflag:$0xB], $0x80, s4, s14, $0xb8;
	[tilespmem:$0x1E100] =	vst v63  }
.LBB2_30:
0x2ae: {  	p1 =	seq.s32 s5, $0x0  }
0x2af: {  	s4 =	simm.s32 @!p1 $0xB  }
0x2b0: {  	_ =	swait.ge @!p1 [sflag:s4], $0x2800  }
0x2b1: {  	[sflag:s4] =	ssyncset.done @!p1 $0x0  }
0x2b2: {  	[sflag:s4] =	ssyncadd.s32 @!p1 $0xFFFFD800  }
0x2b3: {  	_ =	swait.ge [sflag:s10], $0x50  }
0x2b4: {  	[sflag:s10] =	ssyncset.done $0x0  }
0x2b5: {  	[sflag:s10] =	ssyncadd.s32 $0xFFFFFFB0  }
0x2b6: {  	v8 =	vld [tilespmem:$0x80]  }
0x2b7: {  	v9 =	vld [tilespmem:$0x90]  }
0x2b8: {  	v10 =	vld [tilespmem:$0xA0]  }
0x2b9: {  	s26 =	sshll.u32 s5, $0x1;
	v11 =	vld [tilespmem:$0xB0]  }
0x2ba: {  	s22 =	sor.u32 $0x1, s26;
	v12 =	vld [tilespmem:$0xC0]  }
0x2bb: {  	s8 =	sshll.u32 s22, $0x4;
	v8 =	vadd.s32 v2, v8  }
0x2bc: {  	s4 =	sor.u32 s0, s8;
	s6 =	sld [smem:$0x7F8];
	[tilespmem:$0x80] =	vst v8;
	v8 =	vadd.s32 v2, v9  }
0x2bd: {  	s4 =	smul.u32 $0x50, s4;
	[tilespmem:$0x90] =	vst v8;
	v8 =	vadd.s32 v2, v10  }
0x2be: {  	[tilespmem:$0xA0] =	vst v8;
	v8 =	vadd.s32 v2, v11  }
0x2bf: {  	p1 =	seq.s32 s5, $0x7C;
	s4 =	sadd.s32 s6, s4;
	[tilespmem:$0xB0] =	vst v8;
	v8 =	vadd.s32 v2, v12  }
.Ltmp22:
0x2c0: {  	s4 =	sshll.u32 s4, $0x4;
	[tilespmem:$0xC0] =	vst v8;
	(pc) =	sbr.rel @p1 .LBB2_34-.Ltmp22, $4  }
0x2c1: {  	[tilespmem:s25], [sflag:$0x7] =	stream.indirect.gather [hbm4b:s23+s14], $0x80, s21, s14, $0xb8;
	[tilespmem:$0x1E100] =	vst v63  }
0x2c2: {  	s15 =	simm.s32 $0x7A80;
	s4 =	sadd.s32 s24, s4  }
0x2c3: {  	[tilespmem:s15], [sflag:$0x9] =	stream.linear.gather [hbm4b:s4+s1], $0x2800, $0x38;
	[tilespmem:$0x1E100] =	vst v63  }
0x2c4: {  	s15 =	sadd.s32 $0x2, s26  }
0x2c5: {  	s6 =	smulhi.u32 $0x55555556, s15;
	_ =	sdelay $0x1  }
0x2c6: {  	s6 =	smul.u32 $0x3, s6  }
0x2c7: {  	s4 =	sshll.u32 s15, $0x4  }
0x2c8: {  	s4 =	sor.u32 s0, s4;
	s6 =	ssub.s32 s15, s6  }
0x2c9: {  	s4 =	smul.u32 $0x50, s4;
	p2 =	seq.s32 s6, $0x2  }
.Ltmp23:
0x2ca: {  	_ = 	snop;
	(pc) =	sbr.rel @p2 .LBB2_33-.Ltmp23, $4  }
0x2cb: {  	s8 =	sadd.s32 s18, s4;
	s4 =	sadd.s32 s20, s4  }
0x2cc: {  	s8 =	sshrl.u32 s8, $0x3;
	s4 =	sshrl.u32 s4, $0x3  }
0x2cd: {  	s8 =	sadd.s32 s16, s8;
	s4 =	sadd.s32 s16, s4  }
0x2ce: {  	[tilespmem:s1], [sflag:$0x1] =	stream.linear.gather [hbm4b:s8+s1], $0x50, $0x38;
	[tilespmem:$0x1E100] =	vst v63  }
.Ltmp24:
0x2cf: {  	(pc) =	sbr.rel .LBB2_34-.Ltmp24, $4  }
0x2d0: {  	p2 =	seq.s32 s6, $0x1  }
0x2d1: {  	[tilespmem:s9], [sflag:$0x4] =	stream.linear.gather @p2 [hbm4b:s4+s1], $0x50, $0x38;
	[tilespmem:$0x1E100] =	vst v63  }
0x2d2: {  	_ = 	snop  }
0x2d3: {  	[tilespmem:s28], [sflag:$0x3] =	stream.linear.gather @!p2 [hbm4b:s4+s1], $0x50, $0x38;
	[tilespmem:$0x1E100] =	vst v63  }
.LBB2_33:
0x2d4: {  	s6 =	simm.s32 $0x200  }
0x2d5: {  	[tilespmem:s6], [sflag:$0x5] =	stream.linear.gather [hbm4b:s4+s1], $0x50, $0x38;
	[tilespmem:$0x1E100] =	vst v63  }
.LBB2_34:
0x2d6: {  	_ =	swait.ge [sflag:s29], $0x2800  }
0x2d7: {  	[sflag:s29] =	ssyncset.done $0x0  }
0x2d8: {  	[sflag:s29] =	ssyncadd.s32 $0xFFFFD800  }
0x2d9: {  	_ =	swait.ge [sflag:s30], $0x2800  }
0x2da: {  	[sflag:s30] =	ssyncset.done $0x0  }
0x2db: {  	s28 =	simm.s32 $0x0;
	[sflag:s30] =	ssyncadd.s32 $0xFFFFD800  }
0x2dc: {  	v14 =	vld [tilespmem:s28+$0x5280]  }
0x2dd: {  	v17 =	vld [tilespmem:s28+$0x5290]  }
0x2de: {  	v13 =	vld [tilespmem:s28+$0x52A0]  }
0x2df: {  	v12 =	vld [tilespmem:s28+$0x52B0]  }
0x2e0: {  	v11 =	vld [tilespmem:s28+$0x52C0]  }
0x2e1: {  	v10 =	vld [tilespmem:s28+$0x52D0]  }
0x2e2: {  	v9 =	vld [tilespmem:s28+$0x52E0]  }
0x2e3: {  	v8 =	vld [tilespmem:s28+$0x52F0]  }
0x2e4: {  	s4 =	smul.u32 $0x156, s5;
	v19 =	vld [tilespmem:s28+$0x280]  }
0x2e5: {  	v21 =	vld [tilespmem:s28+$0x290]  }
0x2e6: {  	s4 =	sshrl.u32 s4, $0x9;
	v20 =	vld [tilespmem:s28+$0x2A0]  }
0x2e7: {  	s4 =	sand.u32 $0x7F, s4;
	v18 =	vld [tilespmem:s28+$0x2B0]  }
0x2e8: {  	s4 =	smul.u32 $0x3, s4;
	v16 =	vld [tilespmem:s28+$0x2C0]  }
0x2e9: {  	v15 =	vld [tilespmem:s28+$0x2D0];
	v19 =	vadd.f32 v14, v19  }
0x2ea: {  	s6 =	simm.s32 $0x200;
	s4 =	ssub.s32 s26, s4;
	v17 =	vadd.f32 v17, v21;
	v14 =	vld [tilespmem:s28+$0x2E0]  }
.LBB2_35:
0x2eb: {  	s8 =	sshra.s32 s6, $0x2;
	p2 =	sne.s32 s6, $0x9E00;
	v21 =	vmul.f32 $9.999999770e-03, v19;
	v20 =	vadd.f32 v13, v20;
	v22 =	vld [tilespmem:s28+$0x2F0]  }
0x2ec: {  	v23 =	vld [tilespmem:s8+$0x5280];
	v24 =	vmul.f32 $9.999999770e-03, v17;
	v18 =	vadd.f32 v12, v18  }
0x2ed: {  	v25 =	vld [tilespmem:s8+$0x5290];
	v12 =	vmax.f32 v19, v21;
	v19 =	vmul.f32 $9.999999770e-03, v20;
	v16 =	vadd.f32 v11, v16  }
0x2ee: {  	v13 =	vld [tilespmem:s8+$0x52A0];
	[tilespmem:s28+$0x280] =	vst v12;
	v11 =	vmax.f32 v17, v24;
	v17 =	vmul.f32 $9.999999770e-03, v18;
	v15 =	vadd.f32 v10, v15  }
0x2ef: {  	v12 =	vld [tilespmem:s8+$0x52B0];
	[tilespmem:s28+$0x290] =	vst v11;
	v10 =	vmax.f32 v20, v19;
	v19 =	vmul.f32 $9.999999770e-03, v16;
	v14 =	vadd.f32 v9, v14  }
0x2f0: {  	v11 =	vld [tilespmem:s8+$0x52C0];
	[tilespmem:s28+$0x2A0] =	vst v10;
	v9 =	vmax.f32 v18, v17;
	v17 =	vmul.f32 $9.999999770e-03, v15;
	v18 =	vadd.f32 v8, v22  }
0x2f1: {  	v10 =	vld [tilespmem:s8+$0x52D0];
	[tilespmem:s28+$0x2B0] =	vst v9;
	v8 =	vmax.f32 v16, v19;
	v16 =	vmul.f32 $9.999999770e-03, v14  }
0x2f2: {  	v9 =	vld [tilespmem:s8+$0x52E0];
	[tilespmem:s28+$0x2C0] =	vst v8;
	v15 =	vmax.f32 v15, v17;
	v17 =	vmul.f32 $9.999999770e-03, v18  }
0x2f3: {  	v8 =	vld [tilespmem:s8+$0x52F0];
	[tilespmem:s28+$0x2D0] =	vst v15;
	v14 =	vmax.f32 v14, v16  }
0x2f4: {  	v15 =	vld [tilespmem:s8+$0x280];
	[tilespmem:s28+$0x2E0] =	vst v14;
	v14 =	vmax.f32 v18, v17  }
0x2f5: {  	v17 =	vld [tilespmem:s8+$0x290];
	[tilespmem:s28+$0x2F0] =	vst v14;
	s28 =	smov.u32 s8  }
.Ltmp25:
0x2f6: {  	v20 =	vld [tilespmem:s28+$0x2A0];
	(pc) =	sbr.rel @p2 .LBB2_35-.Ltmp25, $4  }
0x2f7: {  	v18 =	vld [tilespmem:s28+$0x2B0]  }
0x2f8: {  	v16 =	vld [tilespmem:s28+$0x2C0]  }
0x2f9: {  	v19 =	vadd.f32 v23, v15;
	v15 =	vld [tilespmem:s28+$0x2D0]  }
0x2fa: {  	s6 =	sadd.s32 $0x200, s6;
	v17 =	vadd.f32 v25, v17;
	v14 =	vld [tilespmem:s28+$0x2E0]  }
0x2fb: {  	v21 =	vmul.f32 $9.999999770e-03, v19;
	v13 =	vadd.f32 v13, v20;
	v55 =	vld [tilespmem:s28+$0x2F0]  }
0x2fc: {  	v22 =	vmul.f32 $9.999999770e-03, v17;
	v12 =	vadd.f32 v12, v18  }
0x2fd: {  	v56 =	vmax.f32 v19, v21;
	v57 =	vmul.f32 $9.999999770e-03, v13;
	v11 =	vadd.f32 v11, v16  }
0x2fe: {  	[tilespmem:s28+$0x280] =	vst v56;
	v58 =	vmax.f32 v17, v22;
	v59 =	vmul.f32 $9.999999770e-03, v12;
	v10 =	vadd.f32 v10, v15  }
0x2ff: {  	s4 =	sand.u32 $0xFF, s4;
	[tilespmem:s28+$0x290] =	vst v58;
	v13 =	vmax.f32 v13, v57;
	v60 =	vmul.f32 $9.999999770e-03, v11;
	v9 =	vadd.f32 v9, v14  }
0x300: {  	p2 =	seq.s32 s4, $0x0;
	[tilespmem:s28+$0x2A0] =	vst v13;
	v12 =	vmax.f32 v12, v59;
	v61 =	vmul.f32 $9.999999770e-03, v10;
	v8 =	vadd.f32 v8, v55  }
.Ltmp26:
0x301: {  	[tilespmem:s28+$0x2B0] =	vst v12;
	v11 =	vmax.f32 v11, v60;
	v62 =	vmul.f32 $9.999999770e-03, v9;
	(pc) =	sbr.rel @p2 .LBB2_37-.Ltmp26, $4  }
0x302: {  	[tilespmem:s28+$0x2C0] =	vst v11;
	v10 =	vmax.f32 v10, v61;
	v63 =	vmul.f32 $9.999999770e-03, v8  }
0x303: {  	[tilespmem:s28+$0x2D0] =	vst v10;
	v9 =	vmax.f32 v9, v62  }
0x304: {  	[tilespmem:s28+$0x2E0] =	vst v9;
	v8 =	vmax.f32 v8, v63  }
0x305: {  	[tilespmem:s28+$0x2F0] =	vst v8  }
.Ltmp27:
0x306: {  	(pc) =	sbr.rel .LBB2_39-.Ltmp27, $4  }
0x307: {  	_ = 	snop  }
0x308: {  	p2 =	seq.s32 s4, $0x2  }
0x309: {  	s4 =	simm.s32 @p2 $0x200;
	s6 =	simm.s32 @p2 $0x5  }
0x30a: {  	s28 =	simm.s32 $0x100;
	s4 =	simm.s32 @!p2 $0x180;
	s6 =	simm.s32 @!p2 $0x4  }
.LBB2_37:
0x30b: {  	s4 =	simm.s32 $0x100;
	s6 =	simm.s32 $0x3;
	s28 =	simm.s32 $0x100  }
.LBB2_39:
0x30c: {  	_ =	swait.ge [sflag:s6], $0x50  }
0x30d: {  	[sflag:s6] =	ssyncset.done $0x0  }
.Ltmp28:
0x30e: {  	s8 =	simm.s32 $0x280;
	[sflag:s6] =	ssyncadd.s32 $0xFFFFFFB0;
	(pc) =	sbr.rel @p1 .LBB2_43-.Ltmp28, $4  }
0x30f: {  	[spmem:s17] =	stream.indirect.scatter.add.f32 [tilespmem:s8], [sflag:$0xA], $0x80, s4, s14, $0xb8;
	[tilespmem:$0x1E100] =	vst v63  }
0x310: {  	_ =	swait.ge [sflag:s31], $0x2800  }
0x311: {  	[sflag:s31] =	ssyncset.done $0x0  }
0x312: {  	[sflag:s31] =	ssyncadd.s32 $0xFFFFD800  }
0x313: {  	_ =	swait.ge [sflag:s7], $0x50  }
0x314: {  	[sflag:s7] =	ssyncset.done $0x0  }
0x315: {  	[sflag:s7] =	ssyncadd.s32 $0xFFFFFFB0  }
0x316: {  	v8 =	vld [tilespmem:$0x0]  }
0x317: {  	v9 =	vld [tilespmem:$0x10]  }
0x318: {  	v10 =	vld [tilespmem:$0x20]  }
0x319: {  	v11 =	vld [tilespmem:$0x30]  }
0x31a: {  	v12 =	vld [tilespmem:$0x40]  }
0x31b: {  	s4 =	sshll.u32 s15, $0x4;
	v8 =	vadd.s32 v2, v8  }
0x31c: {  	s4 =	sor.u32 s0, s4;
	s8 =	sld [smem:$0x7F8];
	[tilespmem:$0x0] =	vst v8;
	v8 =	vadd.s32 v2, v9  }
0x31d: {  	s4 =	smul.u32 $0x50, s4;
	[tilespmem:$0x10] =	vst v8;
	v8 =	vadd.s32 v2, v10  }
0x31e: {  	[tilespmem:$0x20] =	vst v8;
	v8 =	vadd.s32 v2, v11  }
0x31f: {  	s4 =	sadd.s32 s8, s4;
	[tilespmem:$0x30] =	vst v8;
	v8 =	vadd.s32 v2, v12  }
0x320: {  	s6 =	simm.s32 $0x280;
	s4 =	sshll.u32 s4, $0x4;
	[tilespmem:$0x40] =	vst v8  }
0x321: {  	[tilespmem:s6], [sflag:$0x6] =	stream.indirect.gather [hbm4b:s23+s14], $0x80, s1, s14, $0xb8;
	[tilespmem:$0x1E100] =	vst v63  }
0x322: {  	s4 =	sadd.s32 s24, s4;
	s6 =	sadd.s32 $0x3, s26  }
0x323: {  	[tilespmem:s12], [sflag:$0x8] =	stream.linear.gather [hbm4b:s4+s1], $0x2800, $0x38;
	[tilespmem:$0x1E100] =	vst v63  }
0x324: {  	s4 =	smulhi.u32 $0x55555556, s6;
	_ =	sdelay $0x1  }
0x325: {  	s15 =	sshll.u32 s6, $0x4;
	s4 =	smul.u32 $0x3, s4  }
0x326: {  	s8 =	sor.u32 s0, s15  }
0x327: {  	s8 =	smul.u32 $0x50, s8;
	s6 =	ssub.s32 s6, s4  }
0x328: {  	p1 =	seq.s32 s6, $0x2  }
.Ltmp29:
0x329: {  	s26 =	sadd.s32 s18, s8;
	(pc) =	sbr.rel @p1 .LBB2_42-.Ltmp29, $4  }
0x32a: {  	s15 =	sshrl.u32 s26, $0x3;
	s26 =	sadd.s32 s20, s8  }
0x32b: {  	s15 =	sadd.s32 s16, s15;
	s4 =	sshrl.u32 s26, $0x3  }
0x32c: {  	[tilespmem:s21], [sflag:$0x2] =	stream.linear.gather [hbm4b:s15+s1], $0x50, $0x38;
	[tilespmem:$0x1E100] =	vst v63  }
0x32d: {  	s4 =	sadd.s32 s16, s4  }
.Ltmp30:
0x32e: {  	(pc) =	sbr.rel .LBB2_43-.Ltmp30, $4  }
0x32f: {  	p1 =	seq.s32 s6, $0x1  }
0x330: {  	[tilespmem:s9], [sflag:$0x4] =	stream.linear.gather @p1 [hbm4b:s4+s1], $0x50, $0x38;
	[tilespmem:$0x1E100] =	vst v63  }
0x331: {  	_ = 	snop  }
0x332: {  	[tilespmem:s28], [sflag:$0x3] =	stream.linear.gather @!p1 [hbm4b:s4+s1], $0x50, $0x38;
	[tilespmem:$0x1E100] =	vst v63  }
.LBB2_42:
0x333: {  	s6 =	simm.s32 $0x200  }
0x334: {  	[tilespmem:s6], [sflag:$0x5] =	stream.linear.gather [hbm4b:s4+s1], $0x50, $0x38;
	[tilespmem:$0x1E100] =	vst v63  }
.LBB2_43:
0x335: {  	_ =	swait.ge [sflag:s2], $0x2800  }
0x336: {  	[sflag:s2] =	ssyncset.done $0x0  }
0x337: {  	[sflag:s2] =	ssyncadd.s32 $0xFFFFD800  }
0x338: {  	_ =	swait.ge [sflag:s3], $0x2800  }
0x339: {  	[sflag:s3] =	ssyncset.done $0x0  }
0x33a: {  	s15 =	simm.s32 $0x0;
	[sflag:s3] =	ssyncadd.s32 $0xFFFFD800  }
0x33b: {  	v14 =	vld [tilespmem:s15+$0x7A80]  }
0x33c: {  	v17 =	vld [tilespmem:s15+$0x7A90]  }
0x33d: {  	v13 =	vld [tilespmem:s15+$0x7AA0]  }
0x33e: {  	v12 =	vld [tilespmem:s15+$0x7AB0]  }
0x33f: {  	v11 =	vld [tilespmem:s15+$0x7AC0]  }
0x340: {  	v10 =	vld [tilespmem:s15+$0x7AD0]  }
0x341: {  	v9 =	vld [tilespmem:s15+$0x7AE0]  }
0x342: {  	v8 =	vld [tilespmem:s15+$0x7AF0]  }
0x343: {  	v19 =	vld [tilespmem:s15+$0x2A80]  }
0x344: {  	v21 =	vld [tilespmem:s15+$0x2A90]  }
0x345: {  	s4 =	smulhi.u32 $0x55555556, s22;
	v20 =	vld [tilespmem:s15+$0x2AA0]  }
0x346: {  	v18 =	vld [tilespmem:s15+$0x2AB0]  }
0x347: {  	s4 =	smul.u32 $0x3, s4;
	v16 =	vld [tilespmem:s15+$0x2AC0]  }
0x348: {  	v15 =	vld [tilespmem:s15+$0x2AD0];
	v19 =	vadd.f32 v14, v19  }
0x349: {  	s22 =	ssub.s32 s22, s4;
	s4 =	simm.s32 $0x200;
	v17 =	vadd.f32 v17, v21;
	v14 =	vld [tilespmem:s15+$0x2AE0]  }
.LBB2_44:
0x34a: {  	s6 =	sshra.s32 s4, $0x2;
	p1 =	sne.s32 s4, $0x9E00;
	v21 =	vmul.f32 $9.999999770e-03, v19;
	v20 =	vadd.f32 v13, v20;
	v22 =	vld [tilespmem:s15+$0x2AF0]  }
0x34b: {  	v23 =	vld [tilespmem:s6+$0x7A80];
	v24 =	vmul.f32 $9.999999770e-03, v17;
	v18 =	vadd.f32 v12, v18  }
0x34c: {  	v25 =	vld [tilespmem:s6+$0x7A90];
	v12 =	vmax.f32 v19, v21;
	v19 =	vmul.f32 $9.999999770e-03, v20;
	v16 =	vadd.f32 v11, v16  }
0x34d: {  	v13 =	vld [tilespmem:s6+$0x7AA0];
	[tilespmem:s15+$0x2A80] =	vst v12;
	v11 =	vmax.f32 v17, v24;
	v17 =	vmul.f32 $9.999999770e-03, v18;
	v15 =	vadd.f32 v10, v15  }
0x34e: {  	v12 =	vld [tilespmem:s6+$0x7AB0];
	[tilespmem:s15+$0x2A90] =	vst v11;
	v10 =	vmax.f32 v20, v19;
	v19 =	vmul.f32 $9.999999770e-03, v16;
	v14 =	vadd.f32 v9, v14  }
0x34f: {  	v11 =	vld [tilespmem:s6+$0x7AC0];
	[tilespmem:s15+$0x2AA0] =	vst v10;
	v9 =	vmax.f32 v18, v17;
	v17 =	vmul.f32 $9.999999770e-03, v15;
	v18 =	vadd.f32 v8, v22  }
0x350: {  	v10 =	vld [tilespmem:s6+$0x7AD0];
	[tilespmem:s15+$0x2AB0] =	vst v9;
	v8 =	vmax.f32 v16, v19;
	v16 =	vmul.f32 $9.999999770e-03, v14  }
0x351: {  	v9 =	vld [tilespmem:s6+$0x7AE0];
	[tilespmem:s15+$0x2AC0] =	vst v8;
	v15 =	vmax.f32 v15, v17;
	v17 =	vmul.f32 $9.999999770e-03, v18  }
0x352: {  	v8 =	vld [tilespmem:s6+$0x7AF0];
	[tilespmem:s15+$0x2AD0] =	vst v15;
	v14 =	vmax.f32 v14, v16  }
0x353: {  	v15 =	vld [tilespmem:s6+$0x2A80];
	[tilespmem:s15+$0x2AE0] =	vst v14;
	v14 =	vmax.f32 v18, v17  }
0x354: {  	v17 =	vld [tilespmem:s6+$0x2A90];
	[tilespmem:s15+$0x2AF0] =	vst v14;
	s15 =	smov.u32 s6  }
.Ltmp31:
0x355: {  	v20 =	vld [tilespmem:s15+$0x2AA0];
	(pc) =	sbr.rel @p1 .LBB2_44-.Ltmp31, $4  }
0x356: {  	v18 =	vld [tilespmem:s15+$0x2AB0]  }
0x357: {  	v16 =	vld [tilespmem:s15+$0x2AC0]  }
0x358: {  	v19 =	vadd.f32 v23, v15;
	v15 =	vld [tilespmem:s15+$0x2AD0]  }
0x359: {  	s4 =	sadd.s32 $0x200, s4;
	v17 =	vadd.f32 v25, v17;
	v14 =	vld [tilespmem:s15+$0x2AE0]  }
0x35a: {  	v21 =	vmul.f32 $9.999999770e-03, v19;
	v13 =	vadd.f32 v13, v20;
	v55 =	vld [tilespmem:s15+$0x2AF0]  }
0x35b: {  	v22 =	vmul.f32 $9.999999770e-03, v17;
	v12 =	vadd.f32 v12, v18  }
0x35c: {  	v56 =	vmax.f32 v19, v21;
	v57 =	vmul.f32 $9.999999770e-03, v13;
	v11 =	vadd.f32 v11, v16  }
0x35d: {  	[tilespmem:s15+$0x2A80] =	vst v56;
	v58 =	vmax.f32 v17, v22;
	v59 =	vmul.f32 $9.999999770e-03, v12;
	v10 =	vadd.f32 v10, v15  }
0x35e: {  	[tilespmem:s15+$0x2A90] =	vst v58;
	v13 =	vmax.f32 v13, v57;
	v60 =	vmul.f32 $9.999999770e-03, v11;
	v9 =	vadd.f32 v9, v14  }
0x35f: {  	p1 =	seq.s32 s22, $0x0;
	[tilespmem:s15+$0x2AA0] =	vst v13;
	v12 =	vmax.f32 v12, v59;
	v61 =	vmul.f32 $9.999999770e-03, v10;
	v8 =	vadd.f32 v8, v55  }
.Ltmp32:
0x360: {  	[tilespmem:s15+$0x2AB0] =	vst v12;
	v11 =	vmax.f32 v11, v60;
	v62 =	vmul.f32 $9.999999770e-03, v9;
	(pc) =	sbr.rel @!p1 .LBB2_47-.Ltmp32, $4  }
0x361: {  	[tilespmem:s15+$0x2AC0] =	vst v11;
	v10 =	vmax.f32 v10, v61;
	v63 =	vmul.f32 $9.999999770e-03, v8  }
0x362: {  	[tilespmem:s15+$0x2AD0] =	vst v10;
	v9 =	vmax.f32 v9, v62  }
0x363: {  	[tilespmem:s15+$0x2AE0] =	vst v9;
	v8 =	vmax.f32 v8, v63  }
0x364: {  	[tilespmem:s15+$0x2AF0] =	vst v8  }
.Ltmp33:
0x365: {  	(pc) =	sbr.rel .LBB2_48-.Ltmp33, $2  }
0x366: {  	_ =	sdelay $0x2  }
0x367: {  	s4 =	simm.s32 $0x100;
	s6 =	simm.s32 $0x3  }
.LBB2_50:
0x368: {  	_ =	sfence.sel $0x180000  }
0x369: {  	[bflag:$0x0] =	sbarrier.arrive $0xFFFF  }
0x36a: {  	_ =	strace $0x90000047  }
0x36b: {  	[bflag:$0x2] =	sbarrier.arrive $0xFFFF  }
0x36c: {  	s0 =	rddreg [dreg:$0x4]  }
0x36d: {  	s0 =	sadd.s32 @!p0 $0x100000, s0  }
0x36e: {  	[sflag:s0] =	ssyncadd.tile.s32 @!p0 $0x1;
	_ =	shalt  }
.Lfunc_end2:
_tile_overlayer_lowered:
.L_overlay_start_2:
0x36f: {  	(tag) =	ssettag $0x2  }
0x370: {  	s0 =	rddreg [dreg:$0x0];
	s2 =	stileid.u32  }
0x371: {  	s1 =	rddreg [dreg:$0x1];
	p0 =	sne.s32 s2, $0x0  }
0x372: {  	s3 =	rddreg [dreg:$0x2];
	[bflag:$0x3] =	sbarrier.arrive $0xFFFF;
	s2 =	simm.s32 @!p0 $0x1C0C  }
0x373: {  	[timem:s3], [sflag:s2] =	dma.local @!p0 [hbm:s0], s1  }
0x374: {  	s0 =	simm.s32 @!p0 $0xC  }
0x375: {  	_ =	swait.ge @!p0 [sflag:s0], s1  }
0x376: {  	s1 =	ssub.s32 @!p0 $0x0, s1;
	[sflag:s0] =	ssyncset.done @!p0 $0x0  }
0x377: {  	[sflag:s0] =	ssyncadd.s32 @!p0 s1  }
0x378: {  	[bflag:$0x3] =	sbarrier.arrive $0xFFFF  }
0x379: {  	_ =	shalt  }

</sc_bundles>
